<compile_context>
chip_gen: v7x
topology: tpu7x:2x2x1
jax: 0.10.2.dev20260603
libtpu: 0.0.44.dev20260713+nightly
codegen_flags: <defaults>
</compile_context>

<pallas_src>
import functools

import jax
import jax.numpy as jnp
from jax import lax
from jax.experimental import pallas as pl
from jax.experimental.pallas import tpu as pltpu
from jax.experimental.pallas import tpu_sc as plsc

_N = 5000
_B = 128
_NPAD = 5120
_NBLK = _NPAD // _B
_THRESH = 0.5
_D16 = 16
_NW = 32
_RPW = _NPAD // _NW
_CH = 2
_CHB = _RPW // _CH


_PHASES = [(2 * p, 2 * p + 2, 256 * p) for p in range(20)]


def _nms_body(bs_ref, keep_ref, mf_ref, rows_ref):
    id16 = (
        lax.broadcasted_iota(jnp.int32, (16, 16), 0)
        == lax.broadcasted_iota(jnp.int32, (16, 16), 1)
    ).astype(jnp.float32)
    rows_ref[...] = lax.dot_general(
        id16, bs_ref[...], (((1,), (1,)), ((), ())),
        preferred_element_type=jnp.float32,
    )
    keep_ref[...] = jnp.ones((1, _NPAD), jnp.float32)
    i_blk = lax.broadcasted_iota(jnp.int32, (_B, 1), 0)
    tri = (lax.broadcasted_iota(jnp.int32, (_B, _B), 1) > i_blk).astype(
        jnp.bfloat16
    )

    for k0, k1, c0 in _PHASES:
        w = _NPAD - c0
        lo_r = [rows_ref[d : d + 1, c0:] for d in range(4)]
        hi_r = [rows_ref[4 + d : 5 + d, c0:] for d in range(4)]
        vol_r = (
            (hi_r[0] - lo_r[0])
            * (hi_r[1] - lo_r[1])
            * (hi_r[2] - lo_r[2])
            * (hi_r[3] - lo_r[3])
        )
        j_iota = lax.broadcasted_iota(jnp.int32, (1, w), 1) + c0

        def block_step(k, carry, c0=c0, w=w, lo_r=lo_r, hi_r=hi_r,
                       vol_r=vol_r, j_iota=j_iota):
            off = pl.multiple_of(k * _B, _B)
            rel = pl.multiple_of(off - c0, _B)
            blk = bs_ref[pl.ds(off, _B), :]
            bi_lo = [blk[:, d : d + 1] for d in range(4)]
            bi_hi = [blk[:, 4 + d : 5 + d] for d in range(4)]
            vol_i = (
                (bi_hi[0] - bi_lo[0])
                * (bi_hi[1] - bi_lo[1])
                * (bi_hi[2] - bi_lo[2])
                * (bi_hi[3] - bi_lo[3])
            )
            inter = None
            for d in range(4):
                dims = jnp.clip(
                    jnp.minimum(bi_hi[d], hi_r[d])
                    - jnp.maximum(bi_lo[d], lo_r[d]),
                    0.0,
                    None,
                )
                inter = dims if inter is None else inter * dims
            iou = inter / (vol_i + vol_r - inter + 1e-6)
            mf_ref[:, :w] = jnp.where(iou > _THRESH, 1.0, 0.0).astype(
                jnp.bfloat16
            )
            d_blk = mf_ref[:, pl.ds(rel, _B)] * tri
            init = keep_ref[:, pl.ds(off, _B)]

            def fix_cond(c):
                return c[1]

            def fix_body(c):
                kb, _ = c
                sup = lax.dot_general(
                    kb.astype(jnp.bfloat16), d_blk, (((1,), (0,)), ((), ())),
                    preferred_element_type=jnp.float32,
                )
                new = init * jnp.where(sup == 0.0, 1.0, 0.0)
                return new, jnp.sum(jnp.abs(new - kb)) > 0.0

            kb, _ = lax.while_loop(fix_cond, fix_body, (init, True))
            sup_all = lax.dot_general(
                kb.astype(jnp.bfloat16), mf_ref[:, :w],
                (((1,), (0,)), ((), ())),
                preferred_element_type=jnp.float32,
            )
            ok = (sup_all == 0.0) | (j_iota < off + _B)
            keep_ref[:, c0:] = keep_ref[:, c0:] * jnp.where(ok, 1.0, 0.0)
            keep_ref[:, pl.ds(off, _B)] = kb
            return carry

        lax.fori_loop(k0, k1, block_step, 0)


@functools.lru_cache(maxsize=1)
def _sc_kernels():
    mesh = plsc.VectorSubcoreMesh(core_axis_name="c", subcore_axis_name="s")
    common = dict(
        mesh=mesh,
        out_type=jax.ShapeDtypeStruct((_NPAD, _D16), jnp.float32),
        scratch_types=[
            pltpu.VMEM((_CH, _CHB), jnp.int32),
            pltpu.VMEM((_RPW, _D16), jnp.float32),
            pltpu.SemaphoreType.DMA,
        ],
        compiler_params=pltpu.CompilerParams(use_tc_tiling_on_sc=False),
    )

    @functools.partial(pl.kernel, **common)
    def _sc_gather(table_hbm, idx_hbm, out_hbm, idx_v, rows_v, sem):
        wid = lax.axis_index("s") * 2 + lax.axis_index("c")
        base = wid * _RPW
        pltpu.sync_copy(idx_hbm.at[pl.ds(wid * _CH, _CH)], idx_v)
        for c in range(_CH):
            pltpu.async_copy(
                table_hbm.at[idx_v.at[c]], rows_v.at[pl.ds(c * _CHB, _CHB)],
                sem,
            ).wait()
        pltpu.sync_copy(rows_v, out_hbm.at[pl.ds(base, _RPW)])

    @functools.partial(pl.kernel, **common)
    def _sc_scatter(rows_hbm, idx_hbm, out_hbm, idx_v, rows_v, sem):
        wid = lax.axis_index("s") * 2 + lax.axis_index("c")
        base = wid * _RPW
        pltpu.sync_copy(idx_hbm.at[pl.ds(wid * _CH, _CH)], idx_v)
        pltpu.sync_copy(rows_hbm.at[pl.ds(base, _RPW)], rows_v)
        for c in range(_CH):
            pltpu.async_copy(
                rows_v.at[pl.ds(c * _CHB, _CHB)], out_hbm.at[idx_v.at[c]],
                sem,
            ).wait()

    return _sc_gather, _sc_scatter


@jax.jit
def kernel(boxes, scores, deltas):
    final = boxes + deltas
    order = jnp.argsort(-scores).astype(jnp.int32)
    table = jnp.zeros((_N + 8, _D16), jnp.float32).at[:_N, :8].set(final)
    idx_pad = jnp.full((_NPAD - _N,), _N, jnp.int32)
    idx2 = jnp.concatenate([order, idx_pad]).reshape(_NW * _CH, _CHB)
    sc_gather, sc_scatter = _sc_kernels()
    bs16 = sc_gather(table, idx2)
    keep = pl.pallas_call(
        _nms_body,
        out_shape=jax.ShapeDtypeStruct((1, _NPAD), jnp.float32),
        scratch_shapes=[
            pltpu.VMEM((_B, _NPAD), jnp.bfloat16),
            pltpu.VMEM((16, _NPAD), jnp.float32),
        ],
    )(bs16)
    masked = bs16 * keep[0][:, None]
    sidx = jnp.concatenate(
        [order, jnp.arange(_N, _NPAD, dtype=jnp.int32)]
    ).reshape(_NW * _CH, _CHB)
    out16 = sc_scatter(masked, sidx)
    return out16[:_N, :8]

# --- scband reference (transcript-rebuilt; emitter-appended) ---
"""Pipeline reference for scband-mask-rcnn4-d-87617332838953 (READ-ONLY COPY).

The authoritative reference and input builder live on the scoring server;
editing this copy changes nothing except your own understanding.
"""

import jax, jax.numpy as jnp
import numpy as np

N = 5000
IOU_THRESH = 0.5


def setup_inputs(seed: int = 0) -> dict:
    key = jax.random.key(seed)
    k1, k2, k3, k4 = jax.random.split(key, 4)
    # build well-formed 4D boxes: lo < hi in every dim
    centers = jax.random.uniform(k1, (N, 4), dtype=jnp.float32) * 100.0
    sizes = jax.random.uniform(k2, (N, 4), dtype=jnp.float32) * 20.0 + 2.0
    boxes = jnp.concatenate([centers - sizes / 2.0, centers + sizes / 2.0], axis=1)
    scores = jax.random.uniform(k3, (N,), dtype=jnp.float32)
    deltas = jax.random.normal(k4, (N, 8), dtype=jnp.float32) * 0.5
    return {"boxes": boxes, "scores": scores, "deltas": deltas}


def _nms_keep(b, thresh):
    # b: [n, 8] boxes sorted by descending score; greedy 4D NMS (faithful to nms_4d)
    lo = b[:, :4]
    hi = b[:, 4:]
    vol = jnp.prod(hi - lo, axis=-1)
    n = b.shape[0]
    ar = jnp.arange(n)

    def body(i, keep):
        bi = b[i]
        i_lo = jnp.maximum(bi[:4][None, :], lo)
        i_hi = jnp.minimum(bi[4:][None, :], hi)
        dims = jnp.clip(i_hi - i_lo, 0.0, None)
        inter = jnp.prod(dims, axis=-1)
        vol_i = jnp.prod(bi[4:] - bi[:4])
        iou = inter / (vol_i + vol - inter + 1e-6)
        sup = (iou > thresh) & keep[i] & (ar > i)
        return keep & jnp.logical_not(sup)

    return jax.lax.fori_loop(0, n, body, jnp.ones((n,), dtype=bool))


def reference(boxes, scores, deltas):
    # apply_4d_deltas: boxes + deltas
    final = boxes + deltas
    # score-descending order (scores.argsort(descending=True))
    order = jnp.argsort(-scores)
    b_sorted = final[order]
    keep_sorted = _nms_keep(b_sorted, IOU_THRESH)
    # scatter keep mask back to original box order
    keep = jnp.zeros((N,), dtype=bool).at[order].set(keep_sorted)
    # kept detections: suppressed rows zeroed (dense stand-in for variable-length keep list)
    return final * keep[:, None].astype(final.dtype)

if __name__ == "__main__":
    import jax
    _d = setup_inputs()
    print(jax.jit(kernel)(*tuple(_d.values())))

</pallas_src>

<mosaic_0001>
#map = affine_map<(d0, d1) -> (0, 0)>
module attributes {stable_mosaic.version = 14 : i64} {
  func.func @_sc_scatter(%arg0: i32, %arg1: i32, %arg2: memref<5120x16xf32, #tpu.memory_space<hbm>>, %arg3: memref<64x80xi32, #tpu.memory_space<hbm>>, %arg4: memref<5120x16xf32, #tpu.memory_space<hbm>>, %arg5: memref<2x80xi32, #tpu.memory_space<vmem>>, %arg6: memref<160x16xf32, #tpu.memory_space<vmem>>, %arg7: memref<!tpu.dma_semaphore, #tpu.memory_space<semaphore_mem>>) attributes {dimension_semantics = [#tpu.dimension_semantics<core_parallel>, #tpu.dimension_semantics<subcore_parallel>], iteration_bounds = array<i64: 2, 16>, scalar_prefetch = 0 : i64, scratch_operands = 3 : i64, tpu.core_type = #tpu.core_type<sc_vector_subcore>, window_params = [{transform_indices = #map}, {transform_indices = #map}, {transform_indices = #map}]} {
    %mul3A = arith.constant 2 : i32
    %mul3A_0 = arith.muli %arg1, %mul3A : i32
    %add3A = arith.addi %mul3A_0, %arg0 : i32
    %mul3A_1 = arith.constant 160 : i32
    %mul3A_2 = arith.muli %add3A, %mul3A_1 : i32
    %mul3A_3 = arith.constant 2 : i32
    %mul3A_4 = arith.muli %add3A, %mul3A_3 : i32
    "tpu.region"() ({
      %run_scoped3A = tpu.sem_alloc : memref<!tpu.dma_semaphore, #tpu.memory_space<semaphore_mem>>
      %dma_start3A_43 = arith.constant 0 : i32
      %dma_start3A_44 = tpu.memref_slice %arg3[%mul3A_4, %dma_start3A_43] : memref<64x80xi32, #tpu.memory_space<hbm>> -> memref<2x80xi32, #tpu.memory_space<hbm>>
      %dma_start3A_45 = arith.constant 0 : i32
      %dma_start3A_46 = tpu.memref_slice %arg3[%mul3A_4, %dma_start3A_45] : memref<64x80xi32, #tpu.memory_space<hbm>> -> memref<2x80xi32, #tpu.memory_space<hbm>>
      tpu.enqueue_dma source(%dma_start3A_46 : memref<2x80xi32, #tpu.memory_space<hbm>>) target(%arg5 : memref<2x80xi32, #tpu.memory_space<vmem>>) target_semaphore(%run_scoped3A : memref<!tpu.dma_semaphore, #tpu.memory_space<semaphore_mem>>)
      %dma_wait3A_47 = arith.constant 0 : i32
      %dma_wait3A_48 = tpu.memref_slice %arg3[%mul3A_4, %dma_wait3A_47] : memref<64x80xi32, #tpu.memory_space<hbm>> -> memref<2x80xi32, #tpu.memory_space<hbm>>
      %dma_wait3A_49 = arith.constant 0 : i32
      %dma_wait3A_50 = tpu.memref_slice %arg3[%mul3A_4, %dma_wait3A_49] : memref<64x80xi32, #tpu.memory_space<hbm>> -> memref<2x80xi32, #tpu.memory_space<hbm>>
      tpu.wait_dma2 semaphore(%run_scoped3A : memref<!tpu.dma_semaphore, #tpu.memory_space<semaphore_mem>>) src(%dma_wait3A_50 : memref<2x80xi32, #tpu.memory_space<hbm>>) dst(%arg5 : memref<2x80xi32, #tpu.memory_space<vmem>>)
      tpu.yield
    }) : () -> ()
    "tpu.region"() ({
      %run_scoped3A = tpu.sem_alloc : memref<!tpu.dma_semaphore, #tpu.memory_space<semaphore_mem>>
      %dma_start3A_43 = arith.constant 0 : i32
      %dma_start3A_44 = tpu.memref_slice %arg2[%mul3A_2, %dma_start3A_43] : memref<5120x16xf32, #tpu.memory_space<hbm>> -> memref<160x16xf32, #tpu.memory_space<hbm>>
      %dma_start3A_45 = arith.constant 0 : i32
      %dma_start3A_46 = tpu.memref_slice %arg2[%mul3A_2, %dma_start3A_45] : memref<5120x16xf32, #tpu.memory_space<hbm>> -> memref<160x16xf32, #tpu.memory_space<hbm>>
      tpu.enqueue_dma source(%dma_start3A_46 : memref<160x16xf32, #tpu.memory_space<hbm>>) target(%arg6 : memref<160x16xf32, #tpu.memory_space<vmem>>) target_semaphore(%run_scoped3A : memref<!tpu.dma_semaphore, #tpu.memory_space<semaphore_mem>>)
      %dma_wait3A_47 = arith.constant 0 : i32
      %dma_wait3A_48 = tpu.memref_slice %arg2[%mul3A_2, %dma_wait3A_47] : memref<5120x16xf32, #tpu.memory_space<hbm>> -> memref<160x16xf32, #tpu.memory_space<hbm>>
      %dma_wait3A_49 = arith.constant 0 : i32
      %dma_wait3A_50 = tpu.memref_slice %arg2[%mul3A_2, %dma_wait3A_49] : memref<5120x16xf32, #tpu.memory_space<hbm>> -> memref<160x16xf32, #tpu.memory_space<hbm>>
      tpu.wait_dma2 semaphore(%run_scoped3A : memref<!tpu.dma_semaphore, #tpu.memory_space<semaphore_mem>>) src(%dma_wait3A_50 : memref<160x16xf32, #tpu.memory_space<hbm>>) dst(%arg6 : memref<160x16xf32, #tpu.memory_space<vmem>>)
      tpu.yield
    }) : () -> ()
    %dma_start3A = arith.constant 0 : i32
    %dma_start3A_5 = arith.constant 0 : i32
    %dma_start3A_6 = arith.constant 0 : i32
    %dma_start3A_7 = tpu.memref_slice %arg6[%dma_start3A_5, %dma_start3A_6] : memref<160x16xf32, #tpu.memory_space<vmem>> -> memref<80x16xf32, #tpu.memory_space<vmem>>
    %dma_start3A_8 = arith.constant 0 : i32
    %dma_start3A_9 = tpu.memref_slice %arg5[%dma_start3A, %dma_start3A_8] : memref<2x80xi32, #tpu.memory_space<vmem>> -> memref<1x80xi32, #tpu.memory_space<vmem>>
    %dma_start3A_10 = tpu.memref_squeeze %dma_start3A_9 : memref<1x80xi32, #tpu.memory_space<vmem>> -> memref<80xi32, #tpu.memory_space<vmem>>
    %dma_start3A_11 = arith.constant 0 : i32
    %dma_start3A_12 = arith.constant 0 : i32
    %dma_start3A_13 = tpu.memref_slice %arg4[%dma_start3A_11, %dma_start3A_12] : memref<5120x16xf32, #tpu.memory_space<hbm>> -> memref<5120x16xf32, #tpu.memory_space<hbm>>
    tpu.enqueue_indirect_dma source(%dma_start3A_7 : memref<80x16xf32, #tpu.memory_space<vmem>>) target(%dma_start3A_13 : memref<5120x16xf32, #tpu.memory_space<hbm>>) offsets(%dma_start3A_10 : memref<80xi32, #tpu.memory_space<vmem>>) semaphore(%arg7 : memref<!tpu.dma_semaphore, #tpu.memory_space<semaphore_mem>>)
    %dma_wait3A = arith.constant 0 : i32
    %dma_wait3A_14 = arith.constant 0 : i32
    %dma_wait3A_15 = arith.constant 0 : i32
    %dma_wait3A_16 = tpu.memref_slice %arg6[%dma_wait3A_14, %dma_wait3A_15] : memref<160x16xf32, #tpu.memory_space<vmem>> -> memref<80x16xf32, #tpu.memory_space<vmem>>
    %dma_wait3A_17 = arith.constant 0 : i32
    %dma_wait3A_18 = tpu.memref_slice %arg5[%dma_wait3A, %dma_wait3A_17] : memref<2x80xi32, #tpu.memory_space<vmem>> -> memref<1x80xi32, #tpu.memory_space<vmem>>
    %dma_wait3A_19 = tpu.memref_squeeze %dma_wait3A_18 : memref<1x80xi32, #tpu.memory_space<vmem>> -> memref<80xi32, #tpu.memory_space<vmem>>
    %dma_wait3A_20 = arith.constant 0 : i32
    %dma_wait3A_21 = arith.constant 0 : i32
    %dma_wait3A_22 = tpu.memref_slice %arg4[%dma_wait3A_20, %dma_wait3A_21] : memref<5120x16xf32, #tpu.memory_space<hbm>> -> memref<5120x16xf32, #tpu.memory_space<hbm>>
    tpu.wait_indirect_dma semaphore(%arg7 : memref<!tpu.dma_semaphore, #tpu.memory_space<semaphore_mem>>) src(%dma_wait3A_16 : memref<80x16xf32, #tpu.memory_space<vmem>>) dst(%dma_wait3A_22 : memref<5120x16xf32, #tpu.memory_space<hbm>>)
    %dma_start3A_23 = arith.constant 1 : i32
    %dma_start3A_24 = arith.constant 80 : i32
    %dma_start3A_25 = arith.constant 0 : i32
    %dma_start3A_26 = tpu.memref_slice %arg6[%dma_start3A_24, %dma_start3A_25] : memref<160x16xf32, #tpu.memory_space<vmem>> -> memref<80x16xf32, #tpu.memory_space<vmem>>
    %dma_start3A_27 = arith.constant 0 : i32
    %dma_start3A_28 = tpu.memref_slice %arg5[%dma_start3A_23, %dma_start3A_27] : memref<2x80xi32, #tpu.memory_space<vmem>> -> memref<1x80xi32, #tpu.memory_space<vmem>>
    %dma_start3A_29 = tpu.memref_squeeze %dma_start3A_28 : memref<1x80xi32, #tpu.memory_space<vmem>> -> memref<80xi32, #tpu.memory_space<vmem>>
    %dma_start3A_30 = arith.constant 0 : i32
    %dma_start3A_31 = arith.constant 0 : i32
    %dma_start3A_32 = tpu.memref_slice %arg4[%dma_start3A_30, %dma_start3A_31] : memref<5120x16xf32, #tpu.memory_space<hbm>> -> memref<5120x16xf32, #tpu.memory_space<hbm>>
    tpu.enqueue_indirect_dma source(%dma_start3A_26 : memref<80x16xf32, #tpu.memory_space<vmem>>) target(%dma_start3A_32 : memref<5120x16xf32, #tpu.memory_space<hbm>>) offsets(%dma_start3A_29 : memref<80xi32, #tpu.memory_space<vmem>>) semaphore(%arg7 : memref<!tpu.dma_semaphore, #tpu.memory_space<semaphore_mem>>)
    %dma_wait3A_33 = arith.constant 1 : i32
    %dma_wait3A_34 = arith.constant 80 : i32
    %dma_wait3A_35 = arith.constant 0 : i32
    %dma_wait3A_36 = tpu.memref_slice %arg6[%dma_wait3A_34, %dma_wait3A_35] : memref<160x16xf32, #tpu.memory_space<vmem>> -> memref<80x16xf32, #tpu.memory_space<vmem>>
    %dma_wait3A_37 = arith.constant 0 : i32
    %dma_wait3A_38 = tpu.memref_slice %arg5[%dma_wait3A_33, %dma_wait3A_37] : memref<2x80xi32, #tpu.memory_space<vmem>> -> memref<1x80xi32, #tpu.memory_space<vmem>>
    %dma_wait3A_39 = tpu.memref_squeeze %dma_wait3A_38 : memref<1x80xi32, #tpu.memory_space<vmem>> -> memref<80xi32, #tpu.memory_space<vmem>>
    %dma_wait3A_40 = arith.constant 0 : i32
    %dma_wait3A_41 = arith.constant 0 : i32
    %dma_wait3A_42 = tpu.memref_slice %arg4[%dma_wait3A_40, %dma_wait3A_41] : memref<5120x16xf32, #tpu.memory_space<hbm>> -> memref<5120x16xf32, #tpu.memory_space<hbm>>
    tpu.wait_indirect_dma semaphore(%arg7 : memref<!tpu.dma_semaphore, #tpu.memory_space<semaphore_mem>>) src(%dma_wait3A_36 : memref<80x16xf32, #tpu.memory_space<vmem>>) dst(%dma_wait3A_42 : memref<5120x16xf32, #tpu.memory_space<hbm>>)
    return
  }
}

#map = affine_map<(d0, d1) -> (0, 0)>
module attributes {stable_mosaic.version = 14 : i64} {
  func.func @_sc_gather(%arg0: i32, %arg1: i32, %arg2: memref<5008x16xf32, #tpu.memory_space<hbm>>, %arg3: memref<64x80xi32, #tpu.memory_space<hbm>>, %arg4: memref<5120x16xf32, #tpu.memory_space<hbm>>, %arg5: memref<2x80xi32, #tpu.memory_space<vmem>>, %arg6: memref<160x16xf32, #tpu.memory_space<vmem>>, %arg7: memref<!tpu.dma_semaphore, #tpu.memory_space<semaphore_mem>>) attributes {dimension_semantics = [#tpu.dimension_semantics<core_parallel>, #tpu.dimension_semantics<subcore_parallel>], iteration_bounds = array<i64: 2, 16>, scalar_prefetch = 0 : i64, scratch_operands = 3 : i64, tpu.core_type = #tpu.core_type<sc_vector_subcore>, window_params = [{transform_indices = #map}, {transform_indices = #map}, {transform_indices = #map}]} {
    %mul3A = arith.constant 2 : i32
    %mul3A_0 = arith.muli %arg1, %mul3A : i32
    %add3A = arith.addi %mul3A_0, %arg0 : i32
    %mul3A_1 = arith.constant 160 : i32
    %mul3A_2 = arith.muli %add3A, %mul3A_1 : i32
    %mul3A_3 = arith.constant 2 : i32
    %mul3A_4 = arith.muli %add3A, %mul3A_3 : i32
    "tpu.region"() ({
      %run_scoped3A = tpu.sem_alloc : memref<!tpu.dma_semaphore, #tpu.memory_space<semaphore_mem>>
      %dma_start3A_43 = arith.constant 0 : i32
      %dma_start3A_44 = tpu.memref_slice %arg3[%mul3A_4, %dma_start3A_43] : memref<64x80xi32, #tpu.memory_space<hbm>> -> memref<2x80xi32, #tpu.memory_space<hbm>>
      %dma_start3A_45 = arith.constant 0 : i32
      %dma_start3A_46 = tpu.memref_slice %arg3[%mul3A_4, %dma_start3A_45] : memref<64x80xi32, #tpu.memory_space<hbm>> -> memref<2x80xi32, #tpu.memory_space<hbm>>
      tpu.enqueue_dma source(%dma_start3A_46 : memref<2x80xi32, #tpu.memory_space<hbm>>) target(%arg5 : memref<2x80xi32, #tpu.memory_space<vmem>>) target_semaphore(%run_scoped3A : memref<!tpu.dma_semaphore, #tpu.memory_space<semaphore_mem>>)
      %dma_wait3A_47 = arith.constant 0 : i32
      %dma_wait3A_48 = tpu.memref_slice %arg3[%mul3A_4, %dma_wait3A_47] : memref<64x80xi32, #tpu.memory_space<hbm>> -> memref<2x80xi32, #tpu.memory_space<hbm>>
      %dma_wait3A_49 = arith.constant 0 : i32
      %dma_wait3A_50 = tpu.memref_slice %arg3[%mul3A_4, %dma_wait3A_49] : memref<64x80xi32, #tpu.memory_space<hbm>> -> memref<2x80xi32, #tpu.memory_space<hbm>>
      tpu.wait_dma2 semaphore(%run_scoped3A : memref<!tpu.dma_semaphore, #tpu.memory_space<semaphore_mem>>) src(%dma_wait3A_50 : memref<2x80xi32, #tpu.memory_space<hbm>>) dst(%arg5 : memref<2x80xi32, #tpu.memory_space<vmem>>)
      tpu.yield
    }) : () -> ()
    %dma_start3A = arith.constant 0 : i32
    %dma_start3A_5 = arith.constant 0 : i32
    %dma_start3A_6 = arith.constant 0 : i32
    %dma_start3A_7 = tpu.memref_slice %arg6[%dma_start3A_5, %dma_start3A_6] : memref<160x16xf32, #tpu.memory_space<vmem>> -> memref<80x16xf32, #tpu.memory_space<vmem>>
    %dma_start3A_8 = arith.constant 0 : i32
    %dma_start3A_9 = tpu.memref_slice %arg5[%dma_start3A, %dma_start3A_8] : memref<2x80xi32, #tpu.memory_space<vmem>> -> memref<1x80xi32, #tpu.memory_space<vmem>>
    %dma_start3A_10 = tpu.memref_squeeze %dma_start3A_9 : memref<1x80xi32, #tpu.memory_space<vmem>> -> memref<80xi32, #tpu.memory_space<vmem>>
    %dma_start3A_11 = arith.constant 0 : i32
    %dma_start3A_12 = arith.constant 0 : i32
    %dma_start3A_13 = tpu.memref_slice %arg2[%dma_start3A_11, %dma_start3A_12] : memref<5008x16xf32, #tpu.memory_space<hbm>> -> memref<5008x16xf32, #tpu.memory_space<hbm>>
    tpu.enqueue_indirect_dma source(%dma_start3A_13 : memref<5008x16xf32, #tpu.memory_space<hbm>>) target(%dma_start3A_7 : memref<80x16xf32, #tpu.memory_space<vmem>>) offsets(%dma_start3A_10 : memref<80xi32, #tpu.memory_space<vmem>>) semaphore(%arg7 : memref<!tpu.dma_semaphore, #tpu.memory_space<semaphore_mem>>)
    %dma_wait3A = arith.constant 0 : i32
    %dma_wait3A_14 = arith.constant 0 : i32
    %dma_wait3A_15 = arith.constant 0 : i32
    %dma_wait3A_16 = tpu.memref_slice %arg6[%dma_wait3A_14, %dma_wait3A_15] : memref<160x16xf32, #tpu.memory_space<vmem>> -> memref<80x16xf32, #tpu.memory_space<vmem>>
    %dma_wait3A_17 = arith.constant 0 : i32
    %dma_wait3A_18 = tpu.memref_slice %arg5[%dma_wait3A, %dma_wait3A_17] : memref<2x80xi32, #tpu.memory_space<vmem>> -> memref<1x80xi32, #tpu.memory_space<vmem>>
    %dma_wait3A_19 = tpu.memref_squeeze %dma_wait3A_18 : memref<1x80xi32, #tpu.memory_space<vmem>> -> memref<80xi32, #tpu.memory_space<vmem>>
    %dma_wait3A_20 = arith.constant 0 : i32
    %dma_wait3A_21 = arith.constant 0 : i32
    %dma_wait3A_22 = tpu.memref_slice %arg2[%dma_wait3A_20, %dma_wait3A_21] : memref<5008x16xf32, #tpu.memory_space<hbm>> -> memref<5008x16xf32, #tpu.memory_space<hbm>>
    tpu.wait_indirect_dma semaphore(%arg7 : memref<!tpu.dma_semaphore, #tpu.memory_space<semaphore_mem>>) src(%dma_wait3A_22 : memref<5008x16xf32, #tpu.memory_space<hbm>>) dst(%dma_wait3A_16 : memref<80x16xf32, #tpu.memory_space<vmem>>)
    %dma_start3A_23 = arith.constant 1 : i32
    %dma_start3A_24 = arith.constant 80 : i32
    %dma_start3A_25 = arith.constant 0 : i32
    %dma_start3A_26 = tpu.memref_slice %arg6[%dma_start3A_24, %dma_start3A_25] : memref<160x16xf32, #tpu.memory_space<vmem>> -> memref<80x16xf32, #tpu.memory_space<vmem>>
    %dma_start3A_27 = arith.constant 0 : i32
    %dma_start3A_28 = tpu.memref_slice %arg5[%dma_start3A_23, %dma_start3A_27] : memref<2x80xi32, #tpu.memory_space<vmem>> -> memref<1x80xi32, #tpu.memory_space<vmem>>
    %dma_start3A_29 = tpu.memref_squeeze %dma_start3A_28 : memref<1x80xi32, #tpu.memory_space<vmem>> -> memref<80xi32, #tpu.memory_space<vmem>>
    %dma_start3A_30 = arith.constant 0 : i32
    %dma_start3A_31 = arith.constant 0 : i32
    %dma_start3A_32 = tpu.memref_slice %arg2[%dma_start3A_30, %dma_start3A_31] : memref<5008x16xf32, #tpu.memory_space<hbm>> -> memref<5008x16xf32, #tpu.memory_space<hbm>>
    tpu.enqueue_indirect_dma source(%dma_start3A_32 : memref<5008x16xf32, #tpu.memory_space<hbm>>) target(%dma_start3A_26 : memref<80x16xf32, #tpu.memory_space<vmem>>) offsets(%dma_start3A_29 : memref<80xi32, #tpu.memory_space<vmem>>) semaphore(%arg7 : memref<!tpu.dma_semaphore, #tpu.memory_space<semaphore_mem>>)
    %dma_wait3A_33 = arith.constant 1 : i32
    %dma_wait3A_34 = arith.constant 80 : i32
    %dma_wait3A_35 = arith.constant 0 : i32
    %dma_wait3A_36 = tpu.memref_slice %arg6[%dma_wait3A_34, %dma_wait3A_35] : memref<160x16xf32, #tpu.memory_space<vmem>> -> memref<80x16xf32, #tpu.memory_space<vmem>>
    %dma_wait3A_37 = arith.constant 0 : i32
    %dma_wait3A_38 = tpu.memref_slice %arg5[%dma_wait3A_33, %dma_wait3A_37] : memref<2x80xi32, #tpu.memory_space<vmem>> -> memref<1x80xi32, #tpu.memory_space<vmem>>
    %dma_wait3A_39 = tpu.memref_squeeze %dma_wait3A_38 : memref<1x80xi32, #tpu.memory_space<vmem>> -> memref<80xi32, #tpu.memory_space<vmem>>
    %dma_wait3A_40 = arith.constant 0 : i32
    %dma_wait3A_41 = arith.constant 0 : i32
    %dma_wait3A_42 = tpu.memref_slice %arg2[%dma_wait3A_40, %dma_wait3A_41] : memref<5008x16xf32, #tpu.memory_space<hbm>> -> memref<5008x16xf32, #tpu.memory_space<hbm>>
    tpu.wait_indirect_dma semaphore(%arg7 : memref<!tpu.dma_semaphore, #tpu.memory_space<semaphore_mem>>) src(%dma_wait3A_42 : memref<5008x16xf32, #tpu.memory_space<hbm>>) dst(%dma_wait3A_36 : memref<80x16xf32, #tpu.memory_space<vmem>>)
    "tpu.region"() ({
      %run_scoped3A = tpu.sem_alloc : memref<!tpu.dma_semaphore, #tpu.memory_space<semaphore_mem>>
      %dma_start3A_43 = arith.constant 0 : i32
      %dma_start3A_44 = tpu.memref_slice %arg4[%mul3A_2, %dma_start3A_43] : memref<5120x16xf32, #tpu.memory_space<hbm>> -> memref<160x16xf32, #tpu.memory_space<hbm>>
      %dma_start3A_45 = arith.constant 0 : i32
      %dma_start3A_46 = tpu.memref_slice %arg4[%mul3A_2, %dma_start3A_45] : memref<5120x16xf32, #tpu.memory_space<hbm>> -> memref<160x16xf32, #tpu.memory_space<hbm>>
      tpu.enqueue_dma source(%arg6 : memref<160x16xf32, #tpu.memory_space<vmem>>) target(%dma_start3A_46 : memref<160x16xf32, #tpu.memory_space<hbm>>) target_semaphore(%run_scoped3A : memref<!tpu.dma_semaphore, #tpu.memory_space<semaphore_mem>>)
      %dma_wait3A_47 = arith.constant 0 : i32
      %dma_wait3A_48 = tpu.memref_slice %arg4[%mul3A_2, %dma_wait3A_47] : memref<5120x16xf32, #tpu.memory_space<hbm>> -> memref<160x16xf32, #tpu.memory_space<hbm>>
      %dma_wait3A_49 = arith.constant 0 : i32
      %dma_wait3A_50 = tpu.memref_slice %arg4[%mul3A_2, %dma_wait3A_49] : memref<5120x16xf32, #tpu.memory_space<hbm>> -> memref<160x16xf32, #tpu.memory_space<hbm>>
      tpu.wait_dma2 semaphore(%run_scoped3A : memref<!tpu.dma_semaphore, #tpu.memory_space<semaphore_mem>>) src(%arg6 : memref<160x16xf32, #tpu.memory_space<vmem>>) dst(%dma_wait3A_50 : memref<160x16xf32, #tpu.memory_space<hbm>>)
      tpu.yield
    }) : () -> ()
    return
  }
}

module attributes {stable_mosaic.version = 14 : i64} {
  func.func @_nms_body(%arg0: memref<5120x16xf32, #tpu.memory_space<vmem>>, %arg1: memref<1x5120xf32, #tpu.memory_space<vmem>>, %arg2: memref<128x5120xbf16, #tpu.memory_space<vmem>>, %arg3: memref<16x5120xf32, #tpu.memory_space<vmem>>) attributes {dimension_semantics = [], scalar_prefetch = 0 : i64, scratch_operands = 2 : i64, tpu.core_type = #tpu.core_type<tc>} {
    %iota3A = tpu.iota {dimensions = array<i32: 0>} : vector<16x16xi32>
    %iota3A_0 = tpu.iota {dimensions = array<i32: 1>} : vector<16x16xi32>
    %eq3A = arith.cmpi eq, %iota3A, %iota3A_0 : vector<16x16xi32>
    %convert_element_type3A = arith.extui %eq3A : vector<16x16xi1> to vector<16x16xi32>
    %convert_element_type3A_1 = arith.sitofp %convert_element_type3A : vector<16x16xi32> to vector<16x16xf32>
    %get3A = arith.constant 0 : index
    %get3A_2 = arith.constant 0 : index
    %get3A_3 = vector.load %arg0[%get3A, %get3A_2] : memref<5120x16xf32, #tpu.memory_space<vmem>>, vector<5120x16xf32>
    %dot_general3A = arith.constant dense<0.000000e+00> : vector<16x5120xf32>
    %dot_general3A_4 = tpu.matmul %convert_element_type3A_1, %get3A_3, %dot_general3A {dimension_numbers = #tpu.dot_dimension_numbers<[1], [1], [0], [0], [0, 0, 1, 0], [], []>, transpose_lhs_hint = false} : vector<16x16xf32>, vector<5120x16xf32>, vector<16x5120xf32> -> vector<16x5120xf32>
    %swap3A = arith.constant 0 : index
    %swap3A_5 = arith.constant 0 : index
    %swap3A_6 = vector.load %arg3[%swap3A, %swap3A_5] : memref<16x5120xf32, #tpu.memory_space<vmem>>, vector<16x5120xf32>
    tpu.vector_store %arg3[%swap3A, %swap3A_5], %dot_general3A_4 {strides = array<i32>} : memref<16x5120xf32, #tpu.memory_space<vmem>>, vector<16x5120xf32>,
    %broadcast_in_dim3A = arith.constant 1.000000e+00 : f32
    %broadcast_in_dim3A_7 = vector.broadcast %broadcast_in_dim3A : f32 to vector<1x5120xf32>
    %swap3A_8 = arith.constant 0 : index
    %swap3A_9 = arith.constant 0 : index
    %swap3A_10 = vector.load %arg1[%swap3A_8, %swap3A_9] : memref<1x5120xf32, #tpu.memory_space<vmem>>, vector<1x5120xf32>
    tpu.vector_store %arg1[%swap3A_8, %swap3A_9], %broadcast_in_dim3A_7 {strides = array<i32>} : memref<1x5120xf32, #tpu.memory_space<vmem>>, vector<1x5120xf32>,
    %iota3A_11 = tpu.iota {dimensions = array<i32: 0>} : vector<128x1xi32>
    %iota3A_12 = tpu.iota {dimensions = array<i32: 1>} : vector<128x128xi32>
    %gt3A = vector.broadcast %iota3A_11 : vector<128x1xi32> to vector<128x128xi32>
    %gt3A_13 = arith.cmpi sgt, %iota3A_12, %gt3A : vector<128x128xi32>
    %convert_element_type3A_14 = arith.extui %gt3A_13 : vector<128x128xi1> to vector<128x128xi32>
    %convert_element_type3A_15 = arith.sitofp %convert_element_type3A_14 : vector<128x128xi32> to vector<128x128xf32>
    %convert_element_type3A_16 = arith.truncf %convert_element_type3A_15 : vector<128x128xf32> to vector<128x128xbf16>
    %get3A_17 = arith.constant 0 : index
    %get3A_18 = arith.constant 0 : index
    %get3A_19 = vector.load %arg3[%get3A_17, %get3A_18] : memref<16x5120xf32, #tpu.memory_space<vmem>>, vector<1x5120xf32>
    %get3A_20 = arith.constant 1 : index
    %get3A_21 = arith.constant 0 : index
    %get3A_22 = vector.load %arg3[%get3A_20, %get3A_21] : memref<16x5120xf32, #tpu.memory_space<vmem>>, vector<1x5120xf32>
    %get3A_23 = arith.constant 2 : index
    %get3A_24 = arith.constant 0 : index
    %get3A_25 = vector.load %arg3[%get3A_23, %get3A_24] : memref<16x5120xf32, #tpu.memory_space<vmem>>, vector<1x5120xf32>
    %get3A_26 = arith.constant 3 : index
    %get3A_27 = arith.constant 0 : index
    %get3A_28 = vector.load %arg3[%get3A_26, %get3A_27] : memref<16x5120xf32, #tpu.memory_space<vmem>>, vector<1x5120xf32>
    %get3A_29 = arith.constant 4 : index
    %get3A_30 = arith.constant 0 : index
    %get3A_31 = vector.load %arg3[%get3A_29, %get3A_30] : memref<16x5120xf32, #tpu.memory_space<vmem>>, vector<1x5120xf32>
    %get3A_32 = arith.constant 5 : index
    %get3A_33 = arith.constant 0 : index
    %get3A_34 = vector.load %arg3[%get3A_32, %get3A_33] : memref<16x5120xf32, #tpu.memory_space<vmem>>, vector<1x5120xf32>
    %get3A_35 = arith.constant 6 : index
    %get3A_36 = arith.constant 0 : index
    %get3A_37 = vector.load %arg3[%get3A_35, %get3A_36] : memref<16x5120xf32, #tpu.memory_space<vmem>>, vector<1x5120xf32>
    %get3A_38 = arith.constant 7 : index
    %get3A_39 = arith.constant 0 : index
    %get3A_40 = vector.load %arg3[%get3A_38, %get3A_39] : memref<16x5120xf32, #tpu.memory_space<vmem>>, vector<1x5120xf32>
    %sub3A = arith.subf %get3A_31, %get3A_19 : vector<1x5120xf32>
    %sub3A_41 = arith.subf %get3A_34, %get3A_22 : vector<1x5120xf32>
    %mul3A = arith.mulf %sub3A, %sub3A_41 : vector<1x5120xf32>
    %sub3A_42 = arith.subf %get3A_37, %get3A_25 : vector<1x5120xf32>
    %mul3A_43 = arith.mulf %mul3A, %sub3A_42 : vector<1x5120xf32>
    %sub3A_44 = arith.subf %get3A_40, %get3A_28 : vector<1x5120xf32>
    %mul3A_45 = arith.mulf %mul3A_43, %sub3A_44 : vector<1x5120xf32>
    %iota3A_46 = tpu.iota {dimensions = array<i32: 1>} : vector<1x5120xi32>
    %add3A = arith.constant 0 : i32
    %add3A_47 = vector.broadcast %add3A : i32 to vector<1x5120xi32>
    %add3A_48 = arith.addi %iota3A_46, %add3A_47 : vector<1x5120xi32>
    %scan3A = arith.constant 0 : i32
    %scan3A_49 = arith.constant 2 : i32
    %scan3A_50 = arith.addi %scan3A, %scan3A_49 : i32
    %scan3A_51 = arith.constant 1 : i32
    scf.for %scan3A_813 = %scan3A to %scan3A_50 step %scan3A_51  : i32 {
      %mul3A_814 = arith.constant 128 : i32
      %mul3A_815 = arith.muli %scan3A_813, %mul3A_814 : i32
      %multiple_of3A = tpu.assume_multiple %mul3A_815, 128 : i32
      %sub3A_816 = arith.constant 0 : i32
      %sub3A_817 = arith.subi %multiple_of3A, %sub3A_816 : i32
      %multiple_of3A_818 = tpu.assume_multiple %sub3A_817, 128 : i32
      %get3A_819 = arith.index_cast %multiple_of3A : i32 to index
      %get3A_820 = arith.constant 0 : index
      %get3A_821 = vector.load %arg0[%get3A_819, %get3A_820] : memref<5120x16xf32, #tpu.memory_space<vmem>>, vector<128x16xf32>
      %slice3A = vector.extract_strided_slice %get3A_821 {offsets = [0, 0], sizes = [128, 1], strides = [1, 1]} : vector<128x16xf32> to vector<128x1xf32>
      %slice3A_822 = vector.extract_strided_slice %get3A_821 {offsets = [0, 1], sizes = [128, 1], strides = [1, 1]} : vector<128x16xf32> to vector<128x1xf32>
      %slice3A_823 = vector.extract_strided_slice %get3A_821 {offsets = [0, 2], sizes = [128, 1], strides = [1, 1]} : vector<128x16xf32> to vector<128x1xf32>
      %slice3A_824 = vector.extract_strided_slice %get3A_821 {offsets = [0, 3], sizes = [128, 1], strides = [1, 1]} : vector<128x16xf32> to vector<128x1xf32>
      %slice3A_825 = vector.extract_strided_slice %get3A_821 {offsets = [0, 4], sizes = [128, 1], strides = [1, 1]} : vector<128x16xf32> to vector<128x1xf32>
      %slice3A_826 = vector.extract_strided_slice %get3A_821 {offsets = [0, 5], sizes = [128, 1], strides = [1, 1]} : vector<128x16xf32> to vector<128x1xf32>
      %slice3A_827 = vector.extract_strided_slice %get3A_821 {offsets = [0, 6], sizes = [128, 1], strides = [1, 1]} : vector<128x16xf32> to vector<128x1xf32>
      %slice3A_828 = vector.extract_strided_slice %get3A_821 {offsets = [0, 7], sizes = [128, 1], strides = [1, 1]} : vector<128x16xf32> to vector<128x1xf32>
      %sub3A_829 = arith.subf %slice3A_825, %slice3A : vector<128x1xf32>
      %sub3A_830 = arith.subf %slice3A_826, %slice3A_822 : vector<128x1xf32>
      %mul3A_831 = arith.mulf %sub3A_829, %sub3A_830 : vector<128x1xf32>
      %sub3A_832 = arith.subf %slice3A_827, %slice3A_823 : vector<128x1xf32>
      %mul3A_833 = arith.mulf %mul3A_831, %sub3A_832 : vector<128x1xf32>
      %sub3A_834 = arith.subf %slice3A_828, %slice3A_824 : vector<128x1xf32>
      %mul3A_835 = arith.mulf %mul3A_833, %sub3A_834 : vector<128x1xf32>
      %min3A = vector.broadcast %slice3A_825 : vector<128x1xf32> to vector<128x5120xf32>
      %min3A_836 = vector.broadcast %get3A_31 : vector<1x5120xf32> to vector<128x5120xf32>
      %min3A_837 = arith.minimumf %min3A, %min3A_836 : vector<128x5120xf32>
      %max3A = vector.broadcast %slice3A : vector<128x1xf32> to vector<128x5120xf32>
      %max3A_838 = vector.broadcast %get3A_19 : vector<1x5120xf32> to vector<128x5120xf32>
      %max3A_839 = arith.maximumf %max3A, %max3A_838 : vector<128x5120xf32>
      %sub3A_840 = arith.subf %min3A_837, %max3A_839 : vector<128x5120xf32>
      %jit3A = arith.constant 0.000000e+00 : f32
      %max3A_841 = vector.broadcast %jit3A : f32 to vector<128x5120xf32>
      %max3A_842 = arith.maximumf %max3A_841, %sub3A_840 : vector<128x5120xf32>
      %min3A_843 = vector.broadcast %slice3A_826 : vector<128x1xf32> to vector<128x5120xf32>
      %min3A_844 = vector.broadcast %get3A_34 : vector<1x5120xf32> to vector<128x5120xf32>
      %min3A_845 = arith.minimumf %min3A_843, %min3A_844 : vector<128x5120xf32>
      %max3A_846 = vector.broadcast %slice3A_822 : vector<128x1xf32> to vector<128x5120xf32>
      %max3A_847 = vector.broadcast %get3A_22 : vector<1x5120xf32> to vector<128x5120xf32>
      %max3A_848 = arith.maximumf %max3A_846, %max3A_847 : vector<128x5120xf32>
      %sub3A_849 = arith.subf %min3A_845, %max3A_848 : vector<128x5120xf32>
      %jit3A_850 = arith.constant 0.000000e+00 : f32
      %max3A_851 = vector.broadcast %jit3A_850 : f32 to vector<128x5120xf32>
      %max3A_852 = arith.maximumf %max3A_851, %sub3A_849 : vector<128x5120xf32>
      %mul3A_853 = arith.mulf %max3A_842, %max3A_852 : vector<128x5120xf32>
      %min3A_854 = vector.broadcast %slice3A_827 : vector<128x1xf32> to vector<128x5120xf32>
      %min3A_855 = vector.broadcast %get3A_37 : vector<1x5120xf32> to vector<128x5120xf32>
      %min3A_856 = arith.minimumf %min3A_854, %min3A_855 : vector<128x5120xf32>
      %max3A_857 = vector.broadcast %slice3A_823 : vector<128x1xf32> to vector<128x5120xf32>
      %max3A_858 = vector.broadcast %get3A_25 : vector<1x5120xf32> to vector<128x5120xf32>
      %max3A_859 = arith.maximumf %max3A_857, %max3A_858 : vector<128x5120xf32>
      %sub3A_860 = arith.subf %min3A_856, %max3A_859 : vector<128x5120xf32>
      %jit3A_861 = arith.constant 0.000000e+00 : f32
      %max3A_862 = vector.broadcast %jit3A_861 : f32 to vector<128x5120xf32>
      %max3A_863 = arith.maximumf %max3A_862, %sub3A_860 : vector<128x5120xf32>
      %mul3A_864 = arith.mulf %mul3A_853, %max3A_863 : vector<128x5120xf32>
      %min3A_865 = vector.broadcast %slice3A_828 : vector<128x1xf32> to vector<128x5120xf32>
      %min3A_866 = vector.broadcast %get3A_40 : vector<1x5120xf32> to vector<128x5120xf32>
      %min3A_867 = arith.minimumf %min3A_865, %min3A_866 : vector<128x5120xf32>
      %max3A_868 = vector.broadcast %slice3A_824 : vector<128x1xf32> to vector<128x5120xf32>
      %max3A_869 = vector.broadcast %get3A_28 : vector<1x5120xf32> to vector<128x5120xf32>
      %max3A_870 = arith.maximumf %max3A_868, %max3A_869 : vector<128x5120xf32>
      %sub3A_871 = arith.subf %min3A_867, %max3A_870 : vector<128x5120xf32>
      %jit3A_872 = arith.constant 0.000000e+00 : f32
      %max3A_873 = vector.broadcast %jit3A_872 : f32 to vector<128x5120xf32>
      %max3A_874 = arith.maximumf %max3A_873, %sub3A_871 : vector<128x5120xf32>
      %mul3A_875 = arith.mulf %mul3A_864, %max3A_874 : vector<128x5120xf32>
      %add3A_876 = vector.broadcast %mul3A_835 : vector<128x1xf32> to vector<128x5120xf32>
      %add3A_877 = vector.broadcast %mul3A_45 : vector<1x5120xf32> to vector<128x5120xf32>
      %add3A_878 = arith.addf %add3A_876, %add3A_877 : vector<128x5120xf32>
      %sub3A_879 = arith.subf %add3A_878, %mul3A_875 : vector<128x5120xf32>
      %add3A_880 = arith.constant 9.99999997E-7 : f32
      %add3A_881 = vector.broadcast %add3A_880 : f32 to vector<128x5120xf32>
      %add3A_882 = arith.addf %sub3A_879, %add3A_881 : vector<128x5120xf32>
      %div3A = arith.divf %mul3A_875, %add3A_882 : vector<128x5120xf32>
      %gt3A_883 = arith.constant 5.000000e-01 : f32
      %gt3A_884 = vector.broadcast %gt3A_883 : f32 to vector<128x5120xf32>
      %gt3A_885 = arith.cmpf ogt, %div3A, %gt3A_884 : vector<128x5120xf32>
      %jit3A_886 = arith.constant 1.000000e+00 : f32
      %jit3A_887 = arith.constant 0.000000e+00 : f32
      %broadcast_in_dim3A_888 = vector.broadcast %jit3A_886 : f32 to vector<128x5120xf32>
      %broadcast_in_dim3A_889 = vector.broadcast %jit3A_887 : f32 to vector<128x5120xf32>
      %select_n3A = arith.select %gt3A_885, %broadcast_in_dim3A_888, %broadcast_in_dim3A_889 : vector<128x5120xi1>, vector<128x5120xf32>
      %convert_element_type3A_890 = arith.truncf %select_n3A : vector<128x5120xf32> to vector<128x5120xbf16>
      %swap3A_891 = arith.constant 0 : index
      %swap3A_892 = arith.constant 0 : index
      %swap3A_893 = vector.load %arg2[%swap3A_891, %swap3A_892] : memref<128x5120xbf16, #tpu.memory_space<vmem>>, vector<128x5120xbf16>
      tpu.vector_store %arg2[%swap3A_891, %swap3A_892], %convert_element_type3A_890 {strides = array<i32>} : memref<128x5120xbf16, #tpu.memory_space<vmem>>, vector<128x5120xbf16>,
      %get3A_894 = arith.constant 0 : index
      %get3A_895 = arith.index_cast %multiple_of3A_818 : i32 to index
      %get3A_896 = vector.load %arg2[%get3A_894, %get3A_895] : memref<128x5120xbf16, #tpu.memory_space<vmem>>, vector<128x128xbf16>
      %mul3A_897 = arith.mulf %get3A_896, %convert_element_type3A_16 : vector<128x128xbf16>
      %get3A_898 = arith.constant 0 : index
      %get3A_899 = arith.index_cast %multiple_of3A : i32 to index
      %get3A_900 = vector.load %arg1[%get3A_898, %get3A_899] : memref<1x5120xf32, #tpu.memory_space<vmem>>, vector<1x128xf32>
      %while3A = arith.constant true
      %while3A_901:2 = scf.while (%while3A_929 = %get3A_900, %while3A_930 = %while3A) : (vector<1x128xf32>, i1) -> (vector<1x128xf32>, i1) {
        scf.condition(%while3A_930) %while3A_929, %while3A_930 : vector<1x128xf32>, i1
      } do {
      ^bb0(%while3A_929: vector<1x128xf32>, %while3A_930: i1):
        %convert_element_type3A_931 = arith.truncf %while3A_929 : vector<1x128xf32> to vector<1x128xbf16>
        %dot_general3A_932 = arith.constant dense<0.000000e+00> : vector<1x128xf32>
        %dot_general3A_933 = tpu.matmul %convert_element_type3A_931, %mul3A_897, %dot_general3A_932 {dimension_numbers = #tpu.dot_dimension_numbers<[1], [0], [0], [1], [0, 0, 1, 1], [], []>, transpose_lhs_hint = false} : vector<1x128xbf16>, vector<128x128xbf16>, vector<1x128xf32> -> vector<1x128xf32>
        %eq3A_934 = arith.constant 0.000000e+00 : f32
        %eq3A_935 = vector.broadcast %eq3A_934 : f32 to vector<1x128xf32>
        %eq3A_936 = arith.cmpf oeq, %dot_general3A_933, %eq3A_935 : vector<1x128xf32>
        %jit3A_937 = arith.constant 1.000000e+00 : f32
        %jit3A_938 = arith.constant 0.000000e+00 : f32
        %broadcast_in_dim3A_939 = vector.broadcast %jit3A_937 : f32 to vector<1x128xf32>
        %broadcast_in_dim3A_940 = vector.broadcast %jit3A_938 : f32 to vector<1x128xf32>
        %select_n3A_941 = arith.select %eq3A_936, %broadcast_in_dim3A_939, %broadcast_in_dim3A_940 : vector<1x128xi1>, vector<1x128xf32>
        %mul3A_942 = arith.mulf %get3A_900, %select_n3A_941 : vector<1x128xf32>
        %sub3A_943 = arith.subf %mul3A_942, %while3A_929 : vector<1x128xf32>
        %abs3A = math.absf %sub3A_943 : vector<1x128xf32>
        %reduce_sum3A = vector.shape_cast %abs3A : vector<1x128xf32> to vector<1x1x128xf32>
        %reduce_sum3A_944 = arith.constant dense<0.000000e+00> : vector<1xf32>
        %reduce_sum3A_945 = vector.multi_reduction <add>, %reduce_sum3A, %reduce_sum3A_944 [1, 2] : vector<1x1x128xf32> to vector<1xf32>
        %reduce_sum3A_946 = vector.shape_cast %reduce_sum3A_945 : vector<1xf32> to vector<1x1x1xf32>
        %reduce_sum3A_947 = vector.extract %reduce_sum3A_946[0, 0, 0] : f32 from vector<1x1x1xf32>
        %gt3A_948 = arith.constant 0.000000e+00 : f32
        %gt3A_949 = arith.cmpf ogt, %reduce_sum3A_947, %gt3A_948 : f32
        scf.yield %mul3A_942, %gt3A_949 : vector<1x128xf32>, i1
      }
      %convert_element_type3A_902 = arith.truncf %while3A_901#0 : vector<1x128xf32> to vector<1x128xbf16>
      %get3A_903 = arith.constant 0 : index
      %get3A_904 = arith.constant 0 : index
      %get3A_905 = vector.load %arg2[%get3A_903, %get3A_904] : memref<128x5120xbf16, #tpu.memory_space<vmem>>, vector<128x5120xbf16>
      %dot_general3A_906 = arith.constant dense<0.000000e+00> : vector<1x5120xf32>
      %dot_general3A_907 = tpu.matmul %convert_element_type3A_902, %get3A_905, %dot_general3A_906 {dimension_numbers = #tpu.dot_dimension_numbers<[1], [0], [0], [1], [0, 0, 1, 1], [], []>, transpose_lhs_hint = false} : vector<1x128xbf16>, vector<128x5120xbf16>, vector<1x5120xf32> -> vector<1x5120xf32>
      %eq3A_908 = arith.constant 0.000000e+00 : f32
      %eq3A_909 = vector.broadcast %eq3A_908 : f32 to vector<1x5120xf32>
      %eq3A_910 = arith.cmpf oeq, %dot_general3A_907, %eq3A_909 : vector<1x5120xf32>
      %add3A_911 = arith.constant 128 : i32
      %add3A_912 = arith.addi %multiple_of3A, %add3A_911 : i32
      %lt3A = vector.broadcast %add3A_912 : i32 to vector<1x5120xi32>
      %lt3A_913 = arith.cmpi slt, %add3A_48, %lt3A : vector<1x5120xi32>
      %or3A = arith.ori %eq3A_910, %lt3A_913 : vector<1x5120xi1>
      %get3A_914 = arith.constant 0 : index
      %get3A_915 = arith.constant 0 : index
      %get3A_916 = vector.load %arg1[%get3A_914, %get3A_915] : memref<1x5120xf32, #tpu.memory_space<vmem>>, vector<1x5120xf32>
      %jit3A_917 = arith.constant 1.000000e+00 : f32
      %jit3A_918 = arith.constant 0.000000e+00 : f32
      %broadcast_in_dim3A_919 = vector.broadcast %jit3A_917 : f32 to vector<1x5120xf32>
      %broadcast_in_dim3A_920 = vector.broadcast %jit3A_918 : f32 to vector<1x5120xf32>
      %select_n3A_921 = arith.select %or3A, %broadcast_in_dim3A_919, %broadcast_in_dim3A_920 : vector<1x5120xi1>, vector<1x5120xf32>
      %mul3A_922 = arith.mulf %get3A_916, %select_n3A_921 : vector<1x5120xf32>
      %swap3A_923 = arith.constant 0 : index
      %swap3A_924 = arith.constant 0 : index
      %swap3A_925 = vector.load %arg1[%swap3A_923, %swap3A_924] : memref<1x5120xf32, #tpu.memory_space<vmem>>, vector<1x5120xf32>
      tpu.vector_store %arg1[%swap3A_923, %swap3A_924], %mul3A_922 {strides = array<i32>} : memref<1x5120xf32, #tpu.memory_space<vmem>>, vector<1x5120xf32>,
      %swap3A_926 = arith.constant 0 : index
      %swap3A_927 = arith.index_cast %multiple_of3A : i32 to index
      %swap3A_928 = vector.load %arg1[%swap3A_926, %swap3A_927] : memref<1x5120xf32, #tpu.memory_space<vmem>>, vector<1x128xf32>
      tpu.vector_store %arg1[%swap3A_926, %swap3A_927], %while3A_901#0 {strides = array<i32>} : memref<1x5120xf32, #tpu.memory_space<vmem>>, vector<1x128xf32>,
    }
    %scan3A_52 = arith.constant 2 : i32
    %get3A_53 = arith.constant 0 : index
    %get3A_54 = arith.constant 256 : index
    %get3A_55 = vector.load %arg3[%get3A_53, %get3A_54] : memref<16x5120xf32, #tpu.memory_space<vmem>>, vector<1x4864xf32>
    %get3A_56 = arith.constant 1 : index
    %get3A_57 = arith.constant 256 : index
    %get3A_58 = vector.load %arg3[%get3A_56, %get3A_57] : memref<16x5120xf32, #tpu.memory_space<vmem>>, vector<1x4864xf32>
    %get3A_59 = arith.constant 2 : index
    %get3A_60 = arith.constant 256 : index
    %get3A_61 = vector.load %arg3[%get3A_59, %get3A_60] : memref<16x5120xf32, #tpu.memory_space<vmem>>, vector<1x4864xf32>
    %get3A_62 = arith.constant 3 : index
    %get3A_63 = arith.constant 256 : index
    %get3A_64 = vector.load %arg3[%get3A_62, %get3A_63] : memref<16x5120xf32, #tpu.memory_space<vmem>>, vector<1x4864xf32>
    %get3A_65 = arith.constant 4 : index
    %get3A_66 = arith.constant 256 : index
    %get3A_67 = vector.load %arg3[%get3A_65, %get3A_66] : memref<16x5120xf32, #tpu.memory_space<vmem>>, vector<1x4864xf32>
    %get3A_68 = arith.constant 5 : index
    %get3A_69 = arith.constant 256 : index
    %get3A_70 = vector.load %arg3[%get3A_68, %get3A_69] : memref<16x5120xf32, #tpu.memory_space<vmem>>, vector<1x4864xf32>
    %get3A_71 = arith.constant 6 : index
    %get3A_72 = arith.constant 256 : index
    %get3A_73 = vector.load %arg3[%get3A_71, %get3A_72] : memref<16x5120xf32, #tpu.memory_space<vmem>>, vector<1x4864xf32>
    %get3A_74 = arith.constant 7 : index
    %get3A_75 = arith.constant 256 : index
    %get3A_76 = vector.load %arg3[%get3A_74, %get3A_75] : memref<16x5120xf32, #tpu.memory_space<vmem>>, vector<1x4864xf32>
    %sub3A_77 = arith.subf %get3A_67, %get3A_55 : vector<1x4864xf32>
    %sub3A_78 = arith.subf %get3A_70, %get3A_58 : vector<1x4864xf32>
    %mul3A_79 = arith.mulf %sub3A_77, %sub3A_78 : vector<1x4864xf32>
    %sub3A_80 = arith.subf %get3A_73, %get3A_61 : vector<1x4864xf32>
    %mul3A_81 = arith.mulf %mul3A_79, %sub3A_80 : vector<1x4864xf32>
    %sub3A_82 = arith.subf %get3A_76, %get3A_64 : vector<1x4864xf32>
    %mul3A_83 = arith.mulf %mul3A_81, %sub3A_82 : vector<1x4864xf32>
    %iota3A_84 = tpu.iota {dimensions = array<i32: 1>} : vector<1x4864xi32>
    %add3A_85 = arith.constant 256 : i32
    %add3A_86 = vector.broadcast %add3A_85 : i32 to vector<1x4864xi32>
    %add3A_87 = arith.addi %iota3A_84, %add3A_86 : vector<1x4864xi32>
    %scan3A_88 = arith.constant 2 : i32
    %scan3A_89 = arith.constant 2 : i32
    %scan3A_90 = arith.addi %scan3A_88, %scan3A_89 : i32
    %scan3A_91 = arith.constant 1 : i32
    scf.for %scan3A_813 = %scan3A_88 to %scan3A_90 step %scan3A_91  : i32 {
      %mul3A_814 = arith.constant 128 : i32
      %mul3A_815 = arith.muli %scan3A_813, %mul3A_814 : i32
      %multiple_of3A = tpu.assume_multiple %mul3A_815, 128 : i32
      %sub3A_816 = arith.constant 256 : i32
      %sub3A_817 = arith.subi %multiple_of3A, %sub3A_816 : i32
      %multiple_of3A_818 = tpu.assume_multiple %sub3A_817, 128 : i32
      %get3A_819 = arith.index_cast %multiple_of3A : i32 to index
      %get3A_820 = arith.constant 0 : index
      %get3A_821 = vector.load %arg0[%get3A_819, %get3A_820] : memref<5120x16xf32, #tpu.memory_space<vmem>>, vector<128x16xf32>
      %slice3A = vector.extract_strided_slice %get3A_821 {offsets = [0, 0], sizes = [128, 1], strides = [1, 1]} : vector<128x16xf32> to vector<128x1xf32>
      %slice3A_822 = vector.extract_strided_slice %get3A_821 {offsets = [0, 1], sizes = [128, 1], strides = [1, 1]} : vector<128x16xf32> to vector<128x1xf32>
      %slice3A_823 = vector.extract_strided_slice %get3A_821 {offsets = [0, 2], sizes = [128, 1], strides = [1, 1]} : vector<128x16xf32> to vector<128x1xf32>
      %slice3A_824 = vector.extract_strided_slice %get3A_821 {offsets = [0, 3], sizes = [128, 1], strides = [1, 1]} : vector<128x16xf32> to vector<128x1xf32>
      %slice3A_825 = vector.extract_strided_slice %get3A_821 {offsets = [0, 4], sizes = [128, 1], strides = [1, 1]} : vector<128x16xf32> to vector<128x1xf32>
      %slice3A_826 = vector.extract_strided_slice %get3A_821 {offsets = [0, 5], sizes = [128, 1], strides = [1, 1]} : vector<128x16xf32> to vector<128x1xf32>
      %slice3A_827 = vector.extract_strided_slice %get3A_821 {offsets = [0, 6], sizes = [128, 1], strides = [1, 1]} : vector<128x16xf32> to vector<128x1xf32>
      %slice3A_828 = vector.extract_strided_slice %get3A_821 {offsets = [0, 7], sizes = [128, 1], strides = [1, 1]} : vector<128x16xf32> to vector<128x1xf32>
      %sub3A_829 = arith.subf %slice3A_825, %slice3A : vector<128x1xf32>
      %sub3A_830 = arith.subf %slice3A_826, %slice3A_822 : vector<128x1xf32>
      %mul3A_831 = arith.mulf %sub3A_829, %sub3A_830 : vector<128x1xf32>
      %sub3A_832 = arith.subf %slice3A_827, %slice3A_823 : vector<128x1xf32>
      %mul3A_833 = arith.mulf %mul3A_831, %sub3A_832 : vector<128x1xf32>
      %sub3A_834 = arith.subf %slice3A_828, %slice3A_824 : vector<128x1xf32>
      %mul3A_835 = arith.mulf %mul3A_833, %sub3A_834 : vector<128x1xf32>
      %min3A = vector.broadcast %slice3A_825 : vector<128x1xf32> to vector<128x4864xf32>
      %min3A_836 = vector.broadcast %get3A_67 : vector<1x4864xf32> to vector<128x4864xf32>
      %min3A_837 = arith.minimumf %min3A, %min3A_836 : vector<128x4864xf32>
      %max3A = vector.broadcast %slice3A : vector<128x1xf32> to vector<128x4864xf32>
      %max3A_838 = vector.broadcast %get3A_55 : vector<1x4864xf32> to vector<128x4864xf32>
      %max3A_839 = arith.maximumf %max3A, %max3A_838 : vector<128x4864xf32>
      %sub3A_840 = arith.subf %min3A_837, %max3A_839 : vector<128x4864xf32>
      %jit3A = arith.constant 0.000000e+00 : f32
      %max3A_841 = vector.broadcast %jit3A : f32 to vector<128x4864xf32>
      %max3A_842 = arith.maximumf %max3A_841, %sub3A_840 : vector<128x4864xf32>
      %min3A_843 = vector.broadcast %slice3A_826 : vector<128x1xf32> to vector<128x4864xf32>
      %min3A_844 = vector.broadcast %get3A_70 : vector<1x4864xf32> to vector<128x4864xf32>
      %min3A_845 = arith.minimumf %min3A_843, %min3A_844 : vector<128x4864xf32>
      %max3A_846 = vector.broadcast %slice3A_822 : vector<128x1xf32> to vector<128x4864xf32>
      %max3A_847 = vector.broadcast %get3A_58 : vector<1x4864xf32> to vector<128x4864xf32>
      %max3A_848 = arith.maximumf %max3A_846, %max3A_847 : vector<128x4864xf32>
      %sub3A_849 = arith.subf %min3A_845, %max3A_848 : vector<128x4864xf32>
      %jit3A_850 = arith.constant 0.000000e+00 : f32
      %max3A_851 = vector.broadcast %jit3A_850 : f32 to vector<128x4864xf32>
      %max3A_852 = arith.maximumf %max3A_851, %sub3A_849 : vector<128x4864xf32>
      %mul3A_853 = arith.mulf %max3A_842, %max3A_852 : vector<128x4864xf32>
      %min3A_854 = vector.broadcast %slice3A_827 : vector<128x1xf32> to vector<128x4864xf32>
      %min3A_855 = vector.broadcast %get3A_73 : vector<1x4864xf32> to vector<128x4864xf32>
      %min3A_856 = arith.minimumf %min3A_854, %min3A_855 : vector<128x4864xf32>
      %max3A_857 = vector.broadcast %slice3A_823 : vector<128x1xf32> to vector<128x4864xf32>
      %max3A_858 = vector.broadcast %get3A_61 : vector<1x4864xf32> to vector<128x4864xf32>
      %max3A_859 = arith.maximumf %max3A_857, %max3A_858 : vector<128x4864xf32>
      %sub3A_860 = arith.subf %min3A_856, %max3A_859 : vector<128x4864xf32>
      %jit3A_861 = arith.constant 0.000000e+00 : f32
      %max3A_862 = vector.broadcast %jit3A_861 : f32 to vector<128x4864xf32>
      %max3A_863 = arith.maximumf %max3A_862, %sub3A_860 : vector<128x4864xf32>
      %mul3A_864 = arith.mulf %mul3A_853, %max3A_863 : vector<128x4864xf32>
      %min3A_865 = vector.broadcast %slice3A_828 : vector<128x1xf32> to vector<128x4864xf32>
      %min3A_866 = vector.broadcast %get3A_76 : vector<1x4864xf32> to vector<128x4864xf32>
      %min3A_867 = arith.minimumf %min3A_865, %min3A_866 : vector<128x4864xf32>
      %max3A_868 = vector.broadcast %slice3A_824 : vector<128x1xf32> to vector<128x4864xf32>
      %max3A_869 = vector.broadcast %get3A_64 : vector<1x4864xf32> to vector<128x4864xf32>
      %max3A_870 = arith.maximumf %max3A_868, %max3A_869 : vector<128x4864xf32>
      %sub3A_871 = arith.subf %min3A_867, %max3A_870 : vector<128x4864xf32>
      %jit3A_872 = arith.constant 0.000000e+00 : f32
      %max3A_873 = vector.broadcast %jit3A_872 : f32 to vector<128x4864xf32>
      %max3A_874 = arith.maximumf %max3A_873, %sub3A_871 : vector<128x4864xf32>
      %mul3A_875 = arith.mulf %mul3A_864, %max3A_874 : vector<128x4864xf32>
      %add3A_876 = vector.broadcast %mul3A_835 : vector<128x1xf32> to vector<128x4864xf32>
      %add3A_877 = vector.broadcast %mul3A_83 : vector<1x4864xf32> to vector<128x4864xf32>
      %add3A_878 = arith.addf %add3A_876, %add3A_877 : vector<128x4864xf32>
      %sub3A_879 = arith.subf %add3A_878, %mul3A_875 : vector<128x4864xf32>
      %add3A_880 = arith.constant 9.99999997E-7 : f32
      %add3A_881 = vector.broadcast %add3A_880 : f32 to vector<128x4864xf32>
      %add3A_882 = arith.addf %sub3A_879, %add3A_881 : vector<128x4864xf32>
      %div3A = arith.divf %mul3A_875, %add3A_882 : vector<128x4864xf32>
      %gt3A_883 = arith.constant 5.000000e-01 : f32
      %gt3A_884 = vector.broadcast %gt3A_883 : f32 to vector<128x4864xf32>
      %gt3A_885 = arith.cmpf ogt, %div3A, %gt3A_884 : vector<128x4864xf32>
      %jit3A_886 = arith.constant 1.000000e+00 : f32
      %jit3A_887 = arith.constant 0.000000e+00 : f32
      %broadcast_in_dim3A_888 = vector.broadcast %jit3A_886 : f32 to vector<128x4864xf32>
      %broadcast_in_dim3A_889 = vector.broadcast %jit3A_887 : f32 to vector<128x4864xf32>
      %select_n3A = arith.select %gt3A_885, %broadcast_in_dim3A_888, %broadcast_in_dim3A_889 : vector<128x4864xi1>, vector<128x4864xf32>
      %convert_element_type3A_890 = arith.truncf %select_n3A : vector<128x4864xf32> to vector<128x4864xbf16>
      %swap3A_891 = arith.constant 0 : index
      %swap3A_892 = arith.constant 0 : index
      %swap3A_893 = vector.load %arg2[%swap3A_891, %swap3A_892] : memref<128x5120xbf16, #tpu.memory_space<vmem>>, vector<128x4864xbf16>
      tpu.vector_store %arg2[%swap3A_891, %swap3A_892], %convert_element_type3A_890 {strides = array<i32>} : memref<128x5120xbf16, #tpu.memory_space<vmem>>, vector<128x4864xbf16>,
      %get3A_894 = arith.constant 0 : index
      %get3A_895 = arith.index_cast %multiple_of3A_818 : i32 to index
      %get3A_896 = vector.load %arg2[%get3A_894, %get3A_895] : memref<128x5120xbf16, #tpu.memory_space<vmem>>, vector<128x128xbf16>
      %mul3A_897 = arith.mulf %get3A_896, %convert_element_type3A_16 : vector<128x128xbf16>
      %get3A_898 = arith.constant 0 : index
      %get3A_899 = arith.index_cast %multiple_of3A : i32 to index
      %get3A_900 = vector.load %arg1[%get3A_898, %get3A_899] : memref<1x5120xf32, #tpu.memory_space<vmem>>, vector<1x128xf32>
      %while3A = arith.constant true
      %while3A_901:2 = scf.while (%while3A_929 = %get3A_900, %while3A_930 = %while3A) : (vector<1x128xf32>, i1) -> (vector<1x128xf32>, i1) {
        scf.condition(%while3A_930) %while3A_929, %while3A_930 : vector<1x128xf32>, i1
      } do {
      ^bb0(%while3A_929: vector<1x128xf32>, %while3A_930: i1):
        %convert_element_type3A_931 = arith.truncf %while3A_929 : vector<1x128xf32> to vector<1x128xbf16>
        %dot_general3A_932 = arith.constant dense<0.000000e+00> : vector<1x128xf32>
        %dot_general3A_933 = tpu.matmul %convert_element_type3A_931, %mul3A_897, %dot_general3A_932 {dimension_numbers = #tpu.dot_dimension_numbers<[1], [0], [0], [1], [0, 0, 1, 1], [], []>, transpose_lhs_hint = false} : vector<1x128xbf16>, vector<128x128xbf16>, vector<1x128xf32> -> vector<1x128xf32>
        %eq3A_934 = arith.constant 0.000000e+00 : f32
        %eq3A_935 = vector.broadcast %eq3A_934 : f32 to vector<1x128xf32>
        %eq3A_936 = arith.cmpf oeq, %dot_general3A_933, %eq3A_935 : vector<1x128xf32>
        %jit3A_937 = arith.constant 1.000000e+00 : f32
        %jit3A_938 = arith.constant 0.000000e+00 : f32
        %broadcast_in_dim3A_939 = vector.broadcast %jit3A_937 : f32 to vector<1x128xf32>
        %broadcast_in_dim3A_940 = vector.broadcast %jit3A_938 : f32 to vector<1x128xf32>
        %select_n3A_941 = arith.select %eq3A_936, %broadcast_in_dim3A_939, %broadcast_in_dim3A_940 : vector<1x128xi1>, vector<1x128xf32>
        %mul3A_942 = arith.mulf %get3A_900, %select_n3A_941 : vector<1x128xf32>
        %sub3A_943 = arith.subf %mul3A_942, %while3A_929 : vector<1x128xf32>
        %abs3A = math.absf %sub3A_943 : vector<1x128xf32>
        %reduce_sum3A = vector.shape_cast %abs3A : vector<1x128xf32> to vector<1x1x128xf32>
        %reduce_sum3A_944 = arith.constant dense<0.000000e+00> : vector<1xf32>
        %reduce_sum3A_945 = vector.multi_reduction <add>, %reduce_sum3A, %reduce_sum3A_944 [1, 2] : vector<1x1x128xf32> to vector<1xf32>
        %reduce_sum3A_946 = vector.shape_cast %reduce_sum3A_945 : vector<1xf32> to vector<1x1x1xf32>
        %reduce_sum3A_947 = vector.extract %reduce_sum3A_946[0, 0, 0] : f32 from vector<1x1x1xf32>
        %gt3A_948 = arith.constant 0.000000e+00 : f32
        %gt3A_949 = arith.cmpf ogt, %reduce_sum3A_947, %gt3A_948 : f32
        scf.yield %mul3A_942, %gt3A_949 : vector<1x128xf32>, i1
      }
      %convert_element_type3A_902 = arith.truncf %while3A_901#0 : vector<1x128xf32> to vector<1x128xbf16>
      %get3A_903 = arith.constant 0 : index
      %get3A_904 = arith.constant 0 : index
      %get3A_905 = vector.load %arg2[%get3A_903, %get3A_904] : memref<128x5120xbf16, #tpu.memory_space<vmem>>, vector<128x4864xbf16>
      %dot_general3A_906 = arith.constant dense<0.000000e+00> : vector<1x4864xf32>
      %dot_general3A_907 = tpu.matmul %convert_element_type3A_902, %get3A_905, %dot_general3A_906 {dimension_numbers = #tpu.dot_dimension_numbers<[1], [0], [0], [1], [0, 0, 1, 1], [], []>, transpose_lhs_hint = false} : vector<1x128xbf16>, vector<128x4864xbf16>, vector<1x4864xf32> -> vector<1x4864xf32>
      %eq3A_908 = arith.constant 0.000000e+00 : f32
      %eq3A_909 = vector.broadcast %eq3A_908 : f32 to vector<1x4864xf32>
      %eq3A_910 = arith.cmpf oeq, %dot_general3A_907, %eq3A_909 : vector<1x4864xf32>
      %add3A_911 = arith.constant 128 : i32
      %add3A_912 = arith.addi %multiple_of3A, %add3A_911 : i32
      %lt3A = vector.broadcast %add3A_912 : i32 to vector<1x4864xi32>
      %lt3A_913 = arith.cmpi slt, %add3A_87, %lt3A : vector<1x4864xi32>
      %or3A = arith.ori %eq3A_910, %lt3A_913 : vector<1x4864xi1>
      %get3A_914 = arith.constant 0 : index
      %get3A_915 = arith.constant 256 : index
      %get3A_916 = vector.load %arg1[%get3A_914, %get3A_915] : memref<1x5120xf32, #tpu.memory_space<vmem>>, vector<1x4864xf32>
      %jit3A_917 = arith.constant 1.000000e+00 : f32
      %jit3A_918 = arith.constant 0.000000e+00 : f32
      %broadcast_in_dim3A_919 = vector.broadcast %jit3A_917 : f32 to vector<1x4864xf32>
      %broadcast_in_dim3A_920 = vector.broadcast %jit3A_918 : f32 to vector<1x4864xf32>
      %select_n3A_921 = arith.select %or3A, %broadcast_in_dim3A_919, %broadcast_in_dim3A_920 : vector<1x4864xi1>, vector<1x4864xf32>
      %mul3A_922 = arith.mulf %get3A_916, %select_n3A_921 : vector<1x4864xf32>
      %swap3A_923 = arith.constant 0 : index
      %swap3A_924 = arith.constant 256 : index
      %swap3A_925 = vector.load %arg1[%swap3A_923, %swap3A_924] : memref<1x5120xf32, #tpu.memory_space<vmem>>, vector<1x4864xf32>
      tpu.vector_store %arg1[%swap3A_923, %swap3A_924], %mul3A_922 {strides = array<i32>} : memref<1x5120xf32, #tpu.memory_space<vmem>>, vector<1x4864xf32>,
      %swap3A_926 = arith.constant 0 : index
      %swap3A_927 = arith.index_cast %multiple_of3A : i32 to index
      %swap3A_928 = vector.load %arg1[%swap3A_926, %swap3A_927] : memref<1x5120xf32, #tpu.memory_space<vmem>>, vector<1x128xf32>
      tpu.vector_store %arg1[%swap3A_926, %swap3A_927], %while3A_901#0 {strides = array<i32>} : memref<1x5120xf32, #tpu.memory_space<vmem>>, vector<1x128xf32>,
    }
    %scan3A_92 = arith.constant 2 : i32
    %get3A_93 = arith.constant 0 : index
    %get3A_94 = arith.constant 512 : index
    %get3A_95 = vector.load %arg3[%get3A_93, %get3A_94] : memref<16x5120xf32, #tpu.memory_space<vmem>>, vector<1x4608xf32>
    %get3A_96 = arith.constant 1 : index
    %get3A_97 = arith.constant 512 : index
    %get3A_98 = vector.load %arg3[%get3A_96, %get3A_97] : memref<16x5120xf32, #tpu.memory_space<vmem>>, vector<1x4608xf32>
    %get3A_99 = arith.constant 2 : index
    %get3A_100 = arith.constant 512 : index
    %get3A_101 = vector.load %arg3[%get3A_99, %get3A_100] : memref<16x5120xf32, #tpu.memory_space<vmem>>, vector<1x4608xf32>
    %get3A_102 = arith.constant 3 : index
    %get3A_103 = arith.constant 512 : index
    %get3A_104 = vector.load %arg3[%get3A_102, %get3A_103] : memref<16x5120xf32, #tpu.memory_space<vmem>>, vector<1x4608xf32>
    %get3A_105 = arith.constant 4 : index
    %get3A_106 = arith.constant 512 : index
    %get3A_107 = vector.load %arg3[%get3A_105, %get3A_106] : memref<16x5120xf32, #tpu.memory_space<vmem>>, vector<1x4608xf32>
    %get3A_108 = arith.constant 5 : index
    %get3A_109 = arith.constant 512 : index
    %get3A_110 = vector.load %arg3[%get3A_108, %get3A_109] : memref<16x5120xf32, #tpu.memory_space<vmem>>, vector<1x4608xf32>
    %get3A_111 = arith.constant 6 : index
    %get3A_112 = arith.constant 512 : index
    %get3A_113 = vector.load %arg3[%get3A_111, %get3A_112] : memref<16x5120xf32, #tpu.memory_space<vmem>>, vector<1x4608xf32>
    %get3A_114 = arith.constant 7 : index
    %get3A_115 = arith.constant 512 : index
    %get3A_116 = vector.load %arg3[%get3A_114, %get3A_115] : memref<16x5120xf32, #tpu.memory_space<vmem>>, vector<1x4608xf32>
    %sub3A_117 = arith.subf %get3A_107, %get3A_95 : vector<1x4608xf32>
    %sub3A_118 = arith.subf %get3A_110, %get3A_98 : vector<1x4608xf32>
    %mul3A_119 = arith.mulf %sub3A_117, %sub3A_118 : vector<1x4608xf32>
    %sub3A_120 = arith.subf %get3A_113, %get3A_101 : vector<1x4608xf32>
    %mul3A_121 = arith.mulf %mul3A_119, %sub3A_120 : vector<1x4608xf32>
    %sub3A_122 = arith.subf %get3A_116, %get3A_104 : vector<1x4608xf32>
    %mul3A_123 = arith.mulf %mul3A_121, %sub3A_122 : vector<1x4608xf32>
    %iota3A_124 = tpu.iota {dimensions = array<i32: 1>} : vector<1x4608xi32>
    %add3A_125 = arith.constant 512 : i32
    %add3A_126 = vector.broadcast %add3A_125 : i32 to vector<1x4608xi32>
    %add3A_127 = arith.addi %iota3A_124, %add3A_126 : vector<1x4608xi32>
    %scan3A_128 = arith.constant 4 : i32
    %scan3A_129 = arith.constant 2 : i32
    %scan3A_130 = arith.addi %scan3A_128, %scan3A_129 : i32
    %scan3A_131 = arith.constant 1 : i32
    scf.for %scan3A_813 = %scan3A_128 to %scan3A_130 step %scan3A_131  : i32 {
      %mul3A_814 = arith.constant 128 : i32
      %mul3A_815 = arith.muli %scan3A_813, %mul3A_814 : i32
      %multiple_of3A = tpu.assume_multiple %mul3A_815, 128 : i32
      %sub3A_816 = arith.constant 512 : i32
      %sub3A_817 = arith.subi %multiple_of3A, %sub3A_816 : i32
      %multiple_of3A_818 = tpu.assume_multiple %sub3A_817, 128 : i32
      %get3A_819 = arith.index_cast %multiple_of3A : i32 to index
      %get3A_820 = arith.constant 0 : index
      %get3A_821 = vector.load %arg0[%get3A_819, %get3A_820] : memref<5120x16xf32, #tpu.memory_space<vmem>>, vector<128x16xf32>
      %slice3A = vector.extract_strided_slice %get3A_821 {offsets = [0, 0], sizes = [128, 1], strides = [1, 1]} : vector<128x16xf32> to vector<128x1xf32>
      %slice3A_822 = vector.extract_strided_slice %get3A_821 {offsets = [0, 1], sizes = [128, 1], strides = [1, 1]} : vector<128x16xf32> to vector<128x1xf32>
      %slice3A_823 = vector.extract_strided_slice %get3A_821 {offsets = [0, 2], sizes = [128, 1], strides = [1, 1]} : vector<128x16xf32> to vector<128x1xf32>
      %slice3A_824 = vector.extract_strided_slice %get3A_821 {offsets = [0, 3], sizes = [128, 1], strides = [1, 1]} : vector<128x16xf32> to vector<128x1xf32>
      %slice3A_825 = vector.extract_strided_slice %get3A_821 {offsets = [0, 4], sizes = [128, 1], strides = [1, 1]} : vector<128x16xf32> to vector<128x1xf32>
      %slice3A_826 = vector.extract_strided_slice %get3A_821 {offsets = [0, 5], sizes = [128, 1], strides = [1, 1]} : vector<128x16xf32> to vector<128x1xf32>
      %slice3A_827 = vector.extract_strided_slice %get3A_821 {offsets = [0, 6], sizes = [128, 1], strides = [1, 1]} : vector<128x16xf32> to vector<128x1xf32>
      %slice3A_828 = vector.extract_strided_slice %get3A_821 {offsets = [0, 7], sizes = [128, 1], strides = [1, 1]} : vector<128x16xf32> to vector<128x1xf32>
      %sub3A_829 = arith.subf %slice3A_825, %slice3A : vector<128x1xf32>
      %sub3A_830 = arith.subf %slice3A_826, %slice3A_822 : vector<128x1xf32>
      %mul3A_831 = arith.mulf %sub3A_829, %sub3A_830 : vector<128x1xf32>
      %sub3A_832 = arith.subf %slice3A_827, %slice3A_823 : vector<128x1xf32>
      %mul3A_833 = arith.mulf %mul3A_831, %sub3A_832 : vector<128x1xf32>
      %sub3A_834 = arith.subf %slice3A_828, %slice3A_824 : vector<128x1xf32>
      %mul3A_835 = arith.mulf %mul3A_833, %sub3A_834 : vector<128x1xf32>
      %min3A = vector.broadcast %slice3A_825 : vector<128x1xf32> to vector<128x4608xf32>
      %min3A_836 = vector.broadcast %get3A_107 : vector<1x4608xf32> to vector<128x4608xf32>
      %min3A_837 = arith.minimumf %min3A, %min3A_836 : vector<128x4608xf32>
      %max3A = vector.broadcast %slice3A : vector<128x1xf32> to vector<128x4608xf32>
      %max3A_838 = vector.broadcast %get3A_95 : vector<1x4608xf32> to vector<128x4608xf32>
      %max3A_839 = arith.maximumf %max3A, %max3A_838 : vector<128x4608xf32>
      %sub3A_840 = arith.subf %min3A_837, %max3A_839 : vector<128x4608xf32>
      %jit3A = arith.constant 0.000000e+00 : f32
      %max3A_841 = vector.broadcast %jit3A : f32 to vector<128x4608xf32>
      %max3A_842 = arith.maximumf %max3A_841, %sub3A_840 : vector<128x4608xf32>
      %min3A_843 = vector.broadcast %slice3A_826 : vector<128x1xf32> to vector<128x4608xf32>
      %min3A_844 = vector.broadcast %get3A_110 : vector<1x4608xf32> to vector<128x4608xf32>
      %min3A_845 = arith.minimumf %min3A_843, %min3A_844 : vector<128x4608xf32>
      %max3A_846 = vector.broadcast %slice3A_822 : vector<128x1xf32> to vector<128x4608xf32>
      %max3A_847 = vector.broadcast %get3A_98 : vector<1x4608xf32> to vector<128x4608xf32>
      %max3A_848 = arith.maximumf %max3A_846, %max3A_847 : vector<128x4608xf32>
      %sub3A_849 = arith.subf %min3A_845, %max3A_848 : vector<128x4608xf32>
      %jit3A_850 = arith.constant 0.000000e+00 : f32
      %max3A_851 = vector.broadcast %jit3A_850 : f32 to vector<128x4608xf32>
      %max3A_852 = arith.maximumf %max3A_851, %sub3A_849 : vector<128x4608xf32>
      %mul3A_853 = arith.mulf %max3A_842, %max3A_852 : vector<128x4608xf32>
      %min3A_854 = vector.broadcast %slice3A_827 : vector<128x1xf32> to vector<128x4608xf32>
      %min3A_855 = vector.broadcast %get3A_113 : vector<1x4608xf32> to vector<128x4608xf32>
      %min3A_856 = arith.minimumf %min3A_854, %min3A_855 : vector<128x4608xf32>
      %max3A_857 = vector.broadcast %slice3A_823 : vector<128x1xf32> to vector<128x4608xf32>
      %max3A_858 = vector.broadcast %get3A_101 : vector<1x4608xf32> to vector<128x4608xf32>
      %max3A_859 = arith.maximumf %max3A_857, %max3A_858 : vector<128x4608xf32>
      %sub3A_860 = arith.subf %min3A_856, %max3A_859 : vector<128x4608xf32>
      %jit3A_861 = arith.constant 0.000000e+00 : f32
      %max3A_862 = vector.broadcast %jit3A_861 : f32 to vector<128x4608xf32>
      %max3A_863 = arith.maximumf %max3A_862, %sub3A_860 : vector<128x4608xf32>
      %mul3A_864 = arith.mulf %mul3A_853, %max3A_863 : vector<128x4608xf32>
      %min3A_865 = vector.broadcast %slice3A_828 : vector<128x1xf32> to vector<128x4608xf32>
      %min3A_866 = vector.broadcast %get3A_116 : vector<1x4608xf32> to vector<128x4608xf32>
      %min3A_867 = arith.minimumf %min3A_865, %min3A_866 : vector<128x4608xf32>
      %max3A_868 = vector.broadcast %slice3A_824 : vector<128x1xf32> to vector<128x4608xf32>
      %max3A_869 = vector.broadcast %get3A_104 : vector<1x4608xf32> to vector<128x4608xf32>
      %max3A_870 = arith.maximumf %max3A_868, %max3A_869 : vector<128x4608xf32>
      %sub3A_871 = arith.subf %min3A_867, %max3A_870 : vector<128x4608xf32>
      %jit3A_872 = arith.constant 0.000000e+00 : f32
      %max3A_873 = vector.broadcast %jit3A_872 : f32 to vector<128x4608xf32>
      %max3A_874 = arith.maximumf %max3A_873, %sub3A_871 : vector<128x4608xf32>
      %mul3A_875 = arith.mulf %mul3A_864, %max3A_874 : vector<128x4608xf32>
      %add3A_876 = vector.broadcast %mul3A_835 : vector<128x1xf32> to vector<128x4608xf32>
      %add3A_877 = vector.broadcast %mul3A_123 : vector<1x4608xf32> to vector<128x4608xf32>
      %add3A_878 = arith.addf %add3A_876, %add3A_877 : vector<128x4608xf32>
      %sub3A_879 = arith.subf %add3A_878, %mul3A_875 : vector<128x4608xf32>
      %add3A_880 = arith.constant 9.99999997E-7 : f32
      %add3A_881 = vector.broadcast %add3A_880 : f32 to vector<128x4608xf32>
      %add3A_882 = arith.addf %sub3A_879, %add3A_881 : vector<128x4608xf32>
      %div3A = arith.divf %mul3A_875, %add3A_882 : vector<128x4608xf32>
      %gt3A_883 = arith.constant 5.000000e-01 : f32
      %gt3A_884 = vector.broadcast %gt3A_883 : f32 to vector<128x4608xf32>
      %gt3A_885 = arith.cmpf ogt, %div3A, %gt3A_884 : vector<128x4608xf32>
      %jit3A_886 = arith.constant 1.000000e+00 : f32
      %jit3A_887 = arith.constant 0.000000e+00 : f32
      %broadcast_in_dim3A_888 = vector.broadcast %jit3A_886 : f32 to vector<128x4608xf32>
      %broadcast_in_dim3A_889 = vector.broadcast %jit3A_887 : f32 to vector<128x4608xf32>
      %select_n3A = arith.select %gt3A_885, %broadcast_in_dim3A_888, %broadcast_in_dim3A_889 : vector<128x4608xi1>, vector<128x4608xf32>
      %convert_element_type3A_890 = arith.truncf %select_n3A : vector<128x4608xf32> to vector<128x4608xbf16>
      %swap3A_891 = arith.constant 0 : index
      %swap3A_892 = arith.constant 0 : index
      %swap3A_893 = vector.load %arg2[%swap3A_891, %swap3A_892] : memref<128x5120xbf16, #tpu.memory_space<vmem>>, vector<128x4608xbf16>
      tpu.vector_store %arg2[%swap3A_891, %swap3A_892], %convert_element_type3A_890 {strides = array<i32>} : memref<128x5120xbf16, #tpu.memory_space<vmem>>, vector<128x4608xbf16>,
      %get3A_894 = arith.constant 0 : index
      %get3A_895 = arith.index_cast %multiple_of3A_818 : i32 to index
      %get3A_896 = vector.load %arg2[%get3A_894, %get3A_895] : memref<128x5120xbf16, #tpu.memory_space<vmem>>, vector<128x128xbf16>
      %mul3A_897 = arith.mulf %get3A_896, %convert_element_type3A_16 : vector<128x128xbf16>
      %get3A_898 = arith.constant 0 : index
      %get3A_899 = arith.index_cast %multiple_of3A : i32 to index
      %get3A_900 = vector.load %arg1[%get3A_898, %get3A_899] : memref<1x5120xf32, #tpu.memory_space<vmem>>, vector<1x128xf32>
      %while3A = arith.constant true
      %while3A_901:2 = scf.while (%while3A_929 = %get3A_900, %while3A_930 = %while3A) : (vector<1x128xf32>, i1) -> (vector<1x128xf32>, i1) {
        scf.condition(%while3A_930) %while3A_929, %while3A_930 : vector<1x128xf32>, i1
      } do {
      ^bb0(%while3A_929: vector<1x128xf32>, %while3A_930: i1):
        %convert_element_type3A_931 = arith.truncf %while3A_929 : vector<1x128xf32> to vector<1x128xbf16>
        %dot_general3A_932 = arith.constant dense<0.000000e+00> : vector<1x128xf32>
        %dot_general3A_933 = tpu.matmul %convert_element_type3A_931, %mul3A_897, %dot_general3A_932 {dimension_numbers = #tpu.dot_dimension_numbers<[1], [0], [0], [1], [0, 0, 1, 1], [], []>, transpose_lhs_hint = false} : vector<1x128xbf16>, vector<128x128xbf16>, vector<1x128xf32> -> vector<1x128xf32>
        %eq3A_934 = arith.constant 0.000000e+00 : f32
        %eq3A_935 = vector.broadcast %eq3A_934 : f32 to vector<1x128xf32>
        %eq3A_936 = arith.cmpf oeq, %dot_general3A_933, %eq3A_935 : vector<1x128xf32>
        %jit3A_937 = arith.constant 1.000000e+00 : f32
        %jit3A_938 = arith.constant 0.000000e+00 : f32
        %broadcast_in_dim3A_939 = vector.broadcast %jit3A_937 : f32 to vector<1x128xf32>
        %broadcast_in_dim3A_940 = vector.broadcast %jit3A_938 : f32 to vector<1x128xf32>
        %select_n3A_941 = arith.select %eq3A_936, %broadcast_in_dim3A_939, %broadcast_in_dim3A_940 : vector<1x128xi1>, vector<1x128xf32>
        %mul3A_942 = arith.mulf %get3A_900, %select_n3A_941 : vector<1x128xf32>
        %sub3A_943 = arith.subf %mul3A_942, %while3A_929 : vector<1x128xf32>
        %abs3A = math.absf %sub3A_943 : vector<1x128xf32>
        %reduce_sum3A = vector.shape_cast %abs3A : vector<1x128xf32> to vector<1x1x128xf32>
        %reduce_sum3A_944 = arith.constant dense<0.000000e+00> : vector<1xf32>
        %reduce_sum3A_945 = vector.multi_reduction <add>, %reduce_sum3A, %reduce_sum3A_944 [1, 2] : vector<1x1x128xf32> to vector<1xf32>
        %reduce_sum3A_946 = vector.shape_cast %reduce_sum3A_945 : vector<1xf32> to vector<1x1x1xf32>
        %reduce_sum3A_947 = vector.extract %reduce_sum3A_946[0, 0, 0] : f32 from vector<1x1x1xf32>
        %gt3A_948 = arith.constant 0.000000e+00 : f32
        %gt3A_949 = arith.cmpf ogt, %reduce_sum3A_947, %gt3A_948 : f32
        scf.yield %mul3A_942, %gt3A_949 : vector<1x128xf32>, i1
      }
      %convert_element_type3A_902 = arith.truncf %while3A_901#0 : vector<1x128xf32> to vector<1x128xbf16>
      %get3A_903 = arith.constant 0 : index
      %get3A_904 = arith.constant 0 : index
      %get3A_905 = vector.load %arg2[%get3A_903, %get3A_904] : memref<128x5120xbf16, #tpu.memory_space<vmem>>, vector<128x4608xbf16>
      %dot_general3A_906 = arith.constant dense<0.000000e+00> : vector<1x4608xf32>
      %dot_general3A_907 = tpu.matmul %convert_element_type3A_902, %get3A_905, %dot_general3A_906 {dimension_numbers = #tpu.dot_dimension_numbers<[1], [0], [0], [1], [0, 0, 1, 1], [], []>, transpose_lhs_hint = false} : vector<1x128xbf16>, vector<128x4608xbf16>, vector<1x4608xf32> -> vector<1x4608xf32>
      %eq3A_908 = arith.constant 0.000000e+00 : f32
      %eq3A_909 = vector.broadcast %eq3A_908 : f32 to vector<1x4608xf32>
      %eq3A_910 = arith.cmpf oeq, %dot_general3A_907, %eq3A_909 : vector<1x4608xf32>
      %add3A_911 = arith.constant 128 : i32
      %add3A_912 = arith.addi %multiple_of3A, %add3A_911 : i32
      %lt3A = vector.broadcast %add3A_912 : i32 to vector<1x4608xi32>
      %lt3A_913 = arith.cmpi slt, %add3A_127, %lt3A : vector<1x4608xi32>
      %or3A = arith.ori %eq3A_910, %lt3A_913 : vector<1x4608xi1>
      %get3A_914 = arith.constant 0 : index
      %get3A_915 = arith.constant 512 : index
      %get3A_916 = vector.load %arg1[%get3A_914, %get3A_915] : memref<1x5120xf32, #tpu.memory_space<vmem>>, vector<1x4608xf32>
      %jit3A_917 = arith.constant 1.000000e+00 : f32
      %jit3A_918 = arith.constant 0.000000e+00 : f32
      %broadcast_in_dim3A_919 = vector.broadcast %jit3A_917 : f32 to vector<1x4608xf32>
      %broadcast_in_dim3A_920 = vector.broadcast %jit3A_918 : f32 to vector<1x4608xf32>
      %select_n3A_921 = arith.select %or3A, %broadcast_in_dim3A_919, %broadcast_in_dim3A_920 : vector<1x4608xi1>, vector<1x4608xf32>
      %mul3A_922 = arith.mulf %get3A_916, %select_n3A_921 : vector<1x4608xf32>
      %swap3A_923 = arith.constant 0 : index
      %swap3A_924 = arith.constant 512 : index
      %swap3A_925 = vector.load %arg1[%swap3A_923, %swap3A_924] : memref<1x5120xf32, #tpu.memory_space<vmem>>, vector<1x4608xf32>
      tpu.vector_store %arg1[%swap3A_923, %swap3A_924], %mul3A_922 {strides = array<i32>} : memref<1x5120xf32, #tpu.memory_space<vmem>>, vector<1x4608xf32>,
      %swap3A_926 = arith.constant 0 : index
      %swap3A_927 = arith.index_cast %multiple_of3A : i32 to index
      %swap3A_928 = vector.load %arg1[%swap3A_926, %swap3A_927] : memref<1x5120xf32, #tpu.memory_space<vmem>>, vector<1x128xf32>
      tpu.vector_store %arg1[%swap3A_926, %swap3A_927], %while3A_901#0 {strides = array<i32>} : memref<1x5120xf32, #tpu.memory_space<vmem>>, vector<1x128xf32>,
    }
    %scan3A_132 = arith.constant 2 : i32
    %get3A_133 = arith.constant 0 : index
    %get3A_134 = arith.constant 768 : index
    %get3A_135 = vector.load %arg3[%get3A_133, %get3A_134] : memref<16x5120xf32, #tpu.memory_space<vmem>>, vector<1x4352xf32>
    %get3A_136 = arith.constant 1 : index
    %get3A_137 = arith.constant 768 : index
    %get3A_138 = vector.load %arg3[%get3A_136, %get3A_137] : memref<16x5120xf32, #tpu.memory_space<vmem>>, vector<1x4352xf32>
    %get3A_139 = arith.constant 2 : index
    %get3A_140 = arith.constant 768 : index
    %get3A_141 = vector.load %arg3[%get3A_139, %get3A_140] : memref<16x5120xf32, #tpu.memory_space<vmem>>, vector<1x4352xf32>
    %get3A_142 = arith.constant 3 : index
    %get3A_143 = arith.constant 768 : index
    %get3A_144 = vector.load %arg3[%get3A_142, %get3A_143] : memref<16x5120xf32, #tpu.memory_space<vmem>>, vector<1x4352xf32>
    %get3A_145 = arith.constant 4 : index
    %get3A_146 = arith.constant 768 : index
    %get3A_147 = vector.load %arg3[%get3A_145, %get3A_146] : memref<16x5120xf32, #tpu.memory_space<vmem>>, vector<1x4352xf32>
    %get3A_148 = arith.constant 5 : index
    %get3A_149 = arith.constant 768 : index
    %get3A_150 = vector.load %arg3[%get3A_148, %get3A_149] : memref<16x5120xf32, #tpu.memory_space<vmem>>, vector<1x4352xf32>
    %get3A_151 = arith.constant 6 : index
    %get3A_152 = arith.constant 768 : index
    %get3A_153 = vector.load %arg3[%get3A_151, %get3A_152] : memref<16x5120xf32, #tpu.memory_space<vmem>>, vector<1x4352xf32>
    %get3A_154 = arith.constant 7 : index
    %get3A_155 = arith.constant 768 : index
    %get3A_156 = vector.load %arg3[%get3A_154, %get3A_155] : memref<16x5120xf32, #tpu.memory_space<vmem>>, vector<1x4352xf32>
    %sub3A_157 = arith.subf %get3A_147, %get3A_135 : vector<1x4352xf32>
    %sub3A_158 = arith.subf %get3A_150, %get3A_138 : vector<1x4352xf32>
    %mul3A_159 = arith.mulf %sub3A_157, %sub3A_158 : vector<1x4352xf32>
    %sub3A_160 = arith.subf %get3A_153, %get3A_141 : vector<1x4352xf32>
    %mul3A_161 = arith.mulf %mul3A_159, %sub3A_160 : vector<1x4352xf32>
    %sub3A_162 = arith.subf %get3A_156, %get3A_144 : vector<1x4352xf32>
    %mul3A_163 = arith.mulf %mul3A_161, %sub3A_162 : vector<1x4352xf32>
    %iota3A_164 = tpu.iota {dimensions = array<i32: 1>} : vector<1x4352xi32>
    %add3A_165 = arith.constant 768 : i32
    %add3A_166 = vector.broadcast %add3A_165 : i32 to vector<1x4352xi32>
    %add3A_167 = arith.addi %iota3A_164, %add3A_166 : vector<1x4352xi32>
    %scan3A_168 = arith.constant 6 : i32
    %scan3A_169 = arith.constant 2 : i32
    %scan3A_170 = arith.addi %scan3A_168, %scan3A_169 : i32
    %scan3A_171 = arith.constant 1 : i32
    scf.for %scan3A_813 = %scan3A_168 to %scan3A_170 step %scan3A_171  : i32 {
      %mul3A_814 = arith.constant 128 : i32
      %mul3A_815 = arith.muli %scan3A_813, %mul3A_814 : i32
      %multiple_of3A = tpu.assume_multiple %mul3A_815, 128 : i32
      %sub3A_816 = arith.constant 768 : i32
      %sub3A_817 = arith.subi %multiple_of3A, %sub3A_816 : i32
      %multiple_of3A_818 = tpu.assume_multiple %sub3A_817, 128 : i32
      %get3A_819 = arith.index_cast %multiple_of3A : i32 to index
      %get3A_820 = arith.constant 0 : index
      %get3A_821 = vector.load %arg0[%get3A_819, %get3A_820] : memref<5120x16xf32, #tpu.memory_space<vmem>>, vector<128x16xf32>
      %slice3A = vector.extract_strided_slice %get3A_821 {offsets = [0, 0], sizes = [128, 1], strides = [1, 1]} : vector<128x16xf32> to vector<128x1xf32>
      %slice3A_822 = vector.extract_strided_slice %get3A_821 {offsets = [0, 1], sizes = [128, 1], strides = [1, 1]} : vector<128x16xf32> to vector<128x1xf32>
      %slice3A_823 = vector.extract_strided_slice %get3A_821 {offsets = [0, 2], sizes = [128, 1], strides = [1, 1]} : vector<128x16xf32> to vector<128x1xf32>
      %slice3A_824 = vector.extract_strided_slice %get3A_821 {offsets = [0, 3], sizes = [128, 1], strides = [1, 1]} : vector<128x16xf32> to vector<128x1xf32>
      %slice3A_825 = vector.extract_strided_slice %get3A_821 {offsets = [0, 4], sizes = [128, 1], strides = [1, 1]} : vector<128x16xf32> to vector<128x1xf32>
      %slice3A_826 = vector.extract_strided_slice %get3A_821 {offsets = [0, 5], sizes = [128, 1], strides = [1, 1]} : vector<128x16xf32> to vector<128x1xf32>
      %slice3A_827 = vector.extract_strided_slice %get3A_821 {offsets = [0, 6], sizes = [128, 1], strides = [1, 1]} : vector<128x16xf32> to vector<128x1xf32>
      %slice3A_828 = vector.extract_strided_slice %get3A_821 {offsets = [0, 7], sizes = [128, 1], strides = [1, 1]} : vector<128x16xf32> to vector<128x1xf32>
      %sub3A_829 = arith.subf %slice3A_825, %slice3A : vector<128x1xf32>
      %sub3A_830 = arith.subf %slice3A_826, %slice3A_822 : vector<128x1xf32>
      %mul3A_831 = arith.mulf %sub3A_829, %sub3A_830 : vector<128x1xf32>
      %sub3A_832 = arith.subf %slice3A_827, %slice3A_823 : vector<128x1xf32>
      %mul3A_833 = arith.mulf %mul3A_831, %sub3A_832 : vector<128x1xf32>
      %sub3A_834 = arith.subf %slice3A_828, %slice3A_824 : vector<128x1xf32>
      %mul3A_835 = arith.mulf %mul3A_833, %sub3A_834 : vector<128x1xf32>
      %min3A = vector.broadcast %slice3A_825 : vector<128x1xf32> to vector<128x4352xf32>
      %min3A_836 = vector.broadcast %get3A_147 : vector<1x4352xf32> to vector<128x4352xf32>
      %min3A_837 = arith.minimumf %min3A, %min3A_836 : vector<128x4352xf32>
      %max3A = vector.broadcast %slice3A : vector<128x1xf32> to vector<128x4352xf32>
      %max3A_838 = vector.broadcast %get3A_135 : vector<1x4352xf32> to vector<128x4352xf32>
      %max3A_839 = arith.maximumf %max3A, %max3A_838 : vector<128x4352xf32>
      %sub3A_840 = arith.subf %min3A_837, %max3A_839 : vector<128x4352xf32>
      %jit3A = arith.constant 0.000000e+00 : f32
      %max3A_841 = vector.broadcast %jit3A : f32 to vector<128x4352xf32>
      %max3A_842 = arith.maximumf %max3A_841, %sub3A_840 : vector<128x4352xf32>
      %min3A_843 = vector.broadcast %slice3A_826 : vector<128x1xf32> to vector<128x4352xf32>
      %min3A_844 = vector.broadcast %get3A_150 : vector<1x4352xf32> to vector<128x4352xf32>
      %min3A_845 = arith.minimumf %min3A_843, %min3A_844 : vector<128x4352xf32>
      %max3A_846 = vector.broadcast %slice3A_822 : vector<128x1xf32> to vector<128x4352xf32>
      %max3A_847 = vector.broadcast %get3A_138 : vector<1x4352xf32> to vector<128x4352xf32>
      %max3A_848 = arith.maximumf %max3A_846, %max3A_847 : vector<128x4352xf32>
      %sub3A_849 = arith.subf %min3A_845, %max3A_848 : vector<128x4352xf32>
      %jit3A_850 = arith.constant 0.000000e+00 : f32
      %max3A_851 = vector.broadcast %jit3A_850 : f32 to vector<128x4352xf32>
      %max3A_852 = arith.maximumf %max3A_851, %sub3A_849 : vector<128x4352xf32>
      %mul3A_853 = arith.mulf %max3A_842, %max3A_852 : vector<128x4352xf32>
      %min3A_854 = vector.broadcast %slice3A_827 : vector<128x1xf32> to vector<128x4352xf32>
      %min3A_855 = vector.broadcast %get3A_153 : vector<1x4352xf32> to vector<128x4352xf32>
      %min3A_856 = arith.minimumf %min3A_854, %min3A_855 : vector<128x4352xf32>
      %max3A_857 = vector.broadcast %slice3A_823 : vector<128x1xf32> to vector<128x4352xf32>
      %max3A_858 = vector.broadcast %get3A_141 : vector<1x4352xf32> to vector<128x4352xf32>
      %max3A_859 = arith.maximumf %max3A_857, %max3A_858 : vector<128x4352xf32>
      %sub3A_860 = arith.subf %min3A_856, %max3A_859 : vector<128x4352xf32>
      %jit3A_861 = arith.constant 0.000000e+00 : f32
      %max3A_862 = vector.broadcast %jit3A_861 : f32 to vector<128x4352xf32>
      %max3A_863 = arith.maximumf %max3A_862, %sub3A_860 : vector<128x4352xf32>
      %mul3A_864 = arith.mulf %mul3A_853, %max3A_863 : vector<128x4352xf32>
      %min3A_865 = vector.broadcast %slice3A_828 : vector<128x1xf32> to vector<128x4352xf32>
      %min3A_866 = vector.broadcast %get3A_156 : vector<1x4352xf32> to vector<128x4352xf32>
      %min3A_867 = arith.minimumf %min3A_865, %min3A_866 : vector<128x4352xf32>
      %max3A_868 = vector.broadcast %slice3A_824 : vector<128x1xf32> to vector<128x4352xf32>
      %max3A_869 = vector.broadcast %get3A_144 : vector<1x4352xf32> to vector<128x4352xf32>
      %max3A_870 = arith.maximumf %max3A_868, %max3A_869 : vector<128x4352xf32>
      %sub3A_871 = arith.subf %min3A_867, %max3A_870 : vector<128x4352xf32>
      %jit3A_872 = arith.constant 0.000000e+00 : f32
      %max3A_873 = vector.broadcast %jit3A_872 : f32 to vector<128x4352xf32>
      %max3A_874 = arith.maximumf %max3A_873, %sub3A_871 : vector<128x4352xf32>
      %mul3A_875 = arith.mulf %mul3A_864, %max3A_874 : vector<128x4352xf32>
      %add3A_876 = vector.broadcast %mul3A_835 : vector<128x1xf32> to vector<128x4352xf32>
      %add3A_877 = vector.broadcast %mul3A_163 : vector<1x4352xf32> to vector<128x4352xf32>
      %add3A_878 = arith.addf %add3A_876, %add3A_877 : vector<128x4352xf32>
      %sub3A_879 = arith.subf %add3A_878, %mul3A_875 : vector<128x4352xf32>
      %add3A_880 = arith.constant 9.99999997E-7 : f32
      %add3A_881 = vector.broadcast %add3A_880 : f32 to vector<128x4352xf32>
      %add3A_882 = arith.addf %sub3A_879, %add3A_881 : vector<128x4352xf32>
      %div3A = arith.divf %mul3A_875, %add3A_882 : vector<128x4352xf32>
      %gt3A_883 = arith.constant 5.000000e-01 : f32
      %gt3A_884 = vector.broadcast %gt3A_883 : f32 to vector<128x4352xf32>
      %gt3A_885 = arith.cmpf ogt, %div3A, %gt3A_884 : vector<128x4352xf32>
      %jit3A_886 = arith.constant 1.000000e+00 : f32
      %jit3A_887 = arith.constant 0.000000e+00 : f32
      %broadcast_in_dim3A_888 = vector.broadcast %jit3A_886 : f32 to vector<128x4352xf32>
      %broadcast_in_dim3A_889 = vector.broadcast %jit3A_887 : f32 to vector<128x4352xf32>
      %select_n3A = arith.select %gt3A_885, %broadcast_in_dim3A_888, %broadcast_in_dim3A_889 : vector<128x4352xi1>, vector<128x4352xf32>
      %convert_element_type3A_890 = arith.truncf %select_n3A : vector<128x4352xf32> to vector<128x4352xbf16>
      %swap3A_891 = arith.constant 0 : index
      %swap3A_892 = arith.constant 0 : index
      %swap3A_893 = vector.load %arg2[%swap3A_891, %swap3A_892] : memref<128x5120xbf16, #tpu.memory_space<vmem>>, vector<128x4352xbf16>
      tpu.vector_store %arg2[%swap3A_891, %swap3A_892], %convert_element_type3A_890 {strides = array<i32>} : memref<128x5120xbf16, #tpu.memory_space<vmem>>, vector<128x4352xbf16>,
      %get3A_894 = arith.constant 0 : index
      %get3A_895 = arith.index_cast %multiple_of3A_818 : i32 to index
      %get3A_896 = vector.load %arg2[%get3A_894, %get3A_895] : memref<128x5120xbf16, #tpu.memory_space<vmem>>, vector<128x128xbf16>
      %mul3A_897 = arith.mulf %get3A_896, %convert_element_type3A_16 : vector<128x128xbf16>
      %get3A_898 = arith.constant 0 : index
      %get3A_899 = arith.index_cast %multiple_of3A : i32 to index
      %get3A_900 = vector.load %arg1[%get3A_898, %get3A_899] : memref<1x5120xf32, #tpu.memory_space<vmem>>, vector<1x128xf32>
      %while3A = arith.constant true
      %while3A_901:2 = scf.while (%while3A_929 = %get3A_900, %while3A_930 = %while3A) : (vector<1x128xf32>, i1) -> (vector<1x128xf32>, i1) {
        scf.condition(%while3A_930) %while3A_929, %while3A_930 : vector<1x128xf32>, i1
      } do {
      ^bb0(%while3A_929: vector<1x128xf32>, %while3A_930: i1):
        %convert_element_type3A_931 = arith.truncf %while3A_929 : vector<1x128xf32> to vector<1x128xbf16>
        %dot_general3A_932 = arith.constant dense<0.000000e+00> : vector<1x128xf32>
        %dot_general3A_933 = tpu.matmul %convert_element_type3A_931, %mul3A_897, %dot_general3A_932 {dimension_numbers = #tpu.dot_dimension_numbers<[1], [0], [0], [1], [0, 0, 1, 1], [], []>, transpose_lhs_hint = false} : vector<1x128xbf16>, vector<128x128xbf16>, vector<1x128xf32> -> vector<1x128xf32>
        %eq3A_934 = arith.constant 0.000000e+00 : f32
        %eq3A_935 = vector.broadcast %eq3A_934 : f32 to vector<1x128xf32>
        %eq3A_936 = arith.cmpf oeq, %dot_general3A_933, %eq3A_935 : vector<1x128xf32>
        %jit3A_937 = arith.constant 1.000000e+00 : f32
        %jit3A_938 = arith.constant 0.000000e+00 : f32
        %broadcast_in_dim3A_939 = vector.broadcast %jit3A_937 : f32 to vector<1x128xf32>
        %broadcast_in_dim3A_940 = vector.broadcast %jit3A_938 : f32 to vector<1x128xf32>
        %select_n3A_941 = arith.select %eq3A_936, %broadcast_in_dim3A_939, %broadcast_in_dim3A_940 : vector<1x128xi1>, vector<1x128xf32>
        %mul3A_942 = arith.mulf %get3A_900, %select_n3A_941 : vector<1x128xf32>
        %sub3A_943 = arith.subf %mul3A_942, %while3A_929 : vector<1x128xf32>
        %abs3A = math.absf %sub3A_943 : vector<1x128xf32>
        %reduce_sum3A = vector.shape_cast %abs3A : vector<1x128xf32> to vector<1x1x128xf32>
        %reduce_sum3A_944 = arith.constant dense<0.000000e+00> : vector<1xf32>
        %reduce_sum3A_945 = vector.multi_reduction <add>, %reduce_sum3A, %reduce_sum3A_944 [1, 2] : vector<1x1x128xf32> to vector<1xf32>
        %reduce_sum3A_946 = vector.shape_cast %reduce_sum3A_945 : vector<1xf32> to vector<1x1x1xf32>
        %reduce_sum3A_947 = vector.extract %reduce_sum3A_946[0, 0, 0] : f32 from vector<1x1x1xf32>
        %gt3A_948 = arith.constant 0.000000e+00 : f32
        %gt3A_949 = arith.cmpf ogt, %reduce_sum3A_947, %gt3A_948 : f32
        scf.yield %mul3A_942, %gt3A_949 : vector<1x128xf32>, i1
      }
      %convert_element_type3A_902 = arith.truncf %while3A_901#0 : vector<1x128xf32> to vector<1x128xbf16>
      %get3A_903 = arith.constant 0 : index
      %get3A_904 = arith.constant 0 : index
      %get3A_905 = vector.load %arg2[%get3A_903, %get3A_904] : memref<128x5120xbf16, #tpu.memory_space<vmem>>, vector<128x4352xbf16>
      %dot_general3A_906 = arith.constant dense<0.000000e+00> : vector<1x4352xf32>
      %dot_general3A_907 = tpu.matmul %convert_element_type3A_902, %get3A_905, %dot_general3A_906 {dimension_numbers = #tpu.dot_dimension_numbers<[1], [0], [0], [1], [0, 0, 1, 1], [], []>, transpose_lhs_hint = false} : vector<1x128xbf16>, vector<128x4352xbf16>, vector<1x4352xf32> -> vector<1x4352xf32>
      %eq3A_908 = arith.constant 0.000000e+00 : f32
      %eq3A_909 = vector.broadcast %eq3A_908 : f32 to vector<1x4352xf32>
      %eq3A_910 = arith.cmpf oeq, %dot_general3A_907, %eq3A_909 : vector<1x4352xf32>
      %add3A_911 = arith.constant 128 : i32
      %add3A_912 = arith.addi %multiple_of3A, %add3A_911 : i32
      %lt3A = vector.broadcast %add3A_912 : i32 to vector<1x4352xi32>
      %lt3A_913 = arith.cmpi slt, %add3A_167, %lt3A : vector<1x4352xi32>
      %or3A = arith.ori %eq3A_910, %lt3A_913 : vector<1x4352xi1>
      %get3A_914 = arith.constant 0 : index
      %get3A_915 = arith.constant 768 : index
      %get3A_916 = vector.load %arg1[%get3A_914, %get3A_915] : memref<1x5120xf32, #tpu.memory_space<vmem>>, vector<1x4352xf32>
      %jit3A_917 = arith.constant 1.000000e+00 : f32
      %jit3A_918 = arith.constant 0.000000e+00 : f32
      %broadcast_in_dim3A_919 = vector.broadcast %jit3A_917 : f32 to vector<1x4352xf32>
      %broadcast_in_dim3A_920 = vector.broadcast %jit3A_918 : f32 to vector<1x4352xf32>
      %select_n3A_921 = arith.select %or3A, %broadcast_in_dim3A_919, %broadcast_in_dim3A_920 : vector<1x4352xi1>, vector<1x4352xf32>
      %mul3A_922 = arith.mulf %get3A_916, %select_n3A_921 : vector<1x4352xf32>
      %swap3A_923 = arith.constant 0 : index
      %swap3A_924 = arith.constant 768 : index
      %swap3A_925 = vector.load %arg1[%swap3A_923, %swap3A_924] : memref<1x5120xf32, #tpu.memory_space<vmem>>, vector<1x4352xf32>
      tpu.vector_store %arg1[%swap3A_923, %swap3A_924], %mul3A_922 {strides = array<i32>} : memref<1x5120xf32, #tpu.memory_space<vmem>>, vector<1x4352xf32>,
      %swap3A_926 = arith.constant 0 : index
      %swap3A_927 = arith.index_cast %multiple_of3A : i32 to index
      %swap3A_928 = vector.load %arg1[%swap3A_926, %swap3A_927] : memref<1x5120xf32, #tpu.memory_space<vmem>>, vector<1x128xf32>
      tpu.vector_store %arg1[%swap3A_926, %swap3A_927], %while3A_901#0 {strides = array<i32>} : memref<1x5120xf32, #tpu.memory_space<vmem>>, vector<1x128xf32>,
    }
    %scan3A_172 = arith.constant 2 : i32
    %get3A_173 = arith.constant 0 : index
    %get3A_174 = arith.constant 1024 : index
    %get3A_175 = vector.load %arg3[%get3A_173, %get3A_174] : memref<16x5120xf32, #tpu.memory_space<vmem>>, vector<1x4096xf32>
    %get3A_176 = arith.constant 1 : index
    %get3A_177 = arith.constant 1024 : index
    %get3A_178 = vector.load %arg3[%get3A_176, %get3A_177] : memref<16x5120xf32, #tpu.memory_space<vmem>>, vector<1x4096xf32>
    %get3A_179 = arith.constant 2 : index
    %get3A_180 = arith.constant 1024 : index
    %get3A_181 = vector.load %arg3[%get3A_179, %get3A_180] : memref<16x5120xf32, #tpu.memory_space<vmem>>, vector<1x4096xf32>
    %get3A_182 = arith.constant 3 : index
    %get3A_183 = arith.constant 1024 : index
    %get3A_184 = vector.load %arg3[%get3A_182, %get3A_183] : memref<16x5120xf32, #tpu.memory_space<vmem>>, vector<1x4096xf32>
    %get3A_185 = arith.constant 4 : index
    %get3A_186 = arith.constant 1024 : index
    %get3A_187 = vector.load %arg3[%get3A_185, %get3A_186] : memref<16x5120xf32, #tpu.memory_space<vmem>>, vector<1x4096xf32>
    %get3A_188 = arith.constant 5 : index
    %get3A_189 = arith.constant 1024 : index
    %get3A_190 = vector.load %arg3[%get3A_188, %get3A_189] : memref<16x5120xf32, #tpu.memory_space<vmem>>, vector<1x4096xf32>
    %get3A_191 = arith.constant 6 : index
    %get3A_192 = arith.constant 1024 : index
    %get3A_193 = vector.load %arg3[%get3A_191, %get3A_192] : memref<16x5120xf32, #tpu.memory_space<vmem>>, vector<1x4096xf32>
    %get3A_194 = arith.constant 7 : index
    %get3A_195 = arith.constant 1024 : index
    %get3A_196 = vector.load %arg3[%get3A_194, %get3A_195] : memref<16x5120xf32, #tpu.memory_space<vmem>>, vector<1x4096xf32>
    %sub3A_197 = arith.subf %get3A_187, %get3A_175 : vector<1x4096xf32>
    %sub3A_198 = arith.subf %get3A_190, %get3A_178 : vector<1x4096xf32>
    %mul3A_199 = arith.mulf %sub3A_197, %sub3A_198 : vector<1x4096xf32>
    %sub3A_200 = arith.subf %get3A_193, %get3A_181 : vector<1x4096xf32>
    %mul3A_201 = arith.mulf %mul3A_199, %sub3A_200 : vector<1x4096xf32>
    %sub3A_202 = arith.subf %get3A_196, %get3A_184 : vector<1x4096xf32>
    %mul3A_203 = arith.mulf %mul3A_201, %sub3A_202 : vector<1x4096xf32>
    %iota3A_204 = tpu.iota {dimensions = array<i32: 1>} : vector<1x4096xi32>
    %add3A_205 = arith.constant 1024 : i32
    %add3A_206 = vector.broadcast %add3A_205 : i32 to vector<1x4096xi32>
    %add3A_207 = arith.addi %iota3A_204, %add3A_206 : vector<1x4096xi32>
    %scan3A_208 = arith.constant 8 : i32
    %scan3A_209 = arith.constant 2 : i32
    %scan3A_210 = arith.addi %scan3A_208, %scan3A_209 : i32
    %scan3A_211 = arith.constant 1 : i32
    scf.for %scan3A_813 = %scan3A_208 to %scan3A_210 step %scan3A_211  : i32 {
      %mul3A_814 = arith.constant 128 : i32
      %mul3A_815 = arith.muli %scan3A_813, %mul3A_814 : i32
      %multiple_of3A = tpu.assume_multiple %mul3A_815, 128 : i32
      %sub3A_816 = arith.constant 1024 : i32
      %sub3A_817 = arith.subi %multiple_of3A, %sub3A_816 : i32
      %multiple_of3A_818 = tpu.assume_multiple %sub3A_817, 128 : i32
      %get3A_819 = arith.index_cast %multiple_of3A : i32 to index
      %get3A_820 = arith.constant 0 : index
      %get3A_821 = vector.load %arg0[%get3A_819, %get3A_820] : memref<5120x16xf32, #tpu.memory_space<vmem>>, vector<128x16xf32>
      %slice3A = vector.extract_strided_slice %get3A_821 {offsets = [0, 0], sizes = [128, 1], strides = [1, 1]} : vector<128x16xf32> to vector<128x1xf32>
      %slice3A_822 = vector.extract_strided_slice %get3A_821 {offsets = [0, 1], sizes = [128, 1], strides = [1, 1]} : vector<128x16xf32> to vector<128x1xf32>
      %slice3A_823 = vector.extract_strided_slice %get3A_821 {offsets = [0, 2], sizes = [128, 1], strides = [1, 1]} : vector<128x16xf32> to vector<128x1xf32>
      %slice3A_824 = vector.extract_strided_slice %get3A_821 {offsets = [0, 3], sizes = [128, 1], strides = [1, 1]} : vector<128x16xf32> to vector<128x1xf32>
      %slice3A_825 = vector.extract_strided_slice %get3A_821 {offsets = [0, 4], sizes = [128, 1], strides = [1, 1]} : vector<128x16xf32> to vector<128x1xf32>
      %slice3A_826 = vector.extract_strided_slice %get3A_821 {offsets = [0, 5], sizes = [128, 1], strides = [1, 1]} : vector<128x16xf32> to vector<128x1xf32>
      %slice3A_827 = vector.extract_strided_slice %get3A_821 {offsets = [0, 6], sizes = [128, 1], strides = [1, 1]} : vector<128x16xf32> to vector<128x1xf32>
      %slice3A_828 = vector.extract_strided_slice %get3A_821 {offsets = [0, 7], sizes = [128, 1], strides = [1, 1]} : vector<128x16xf32> to vector<128x1xf32>
      %sub3A_829 = arith.subf %slice3A_825, %slice3A : vector<128x1xf32>
      %sub3A_830 = arith.subf %slice3A_826, %slice3A_822 : vector<128x1xf32>
      %mul3A_831 = arith.mulf %sub3A_829, %sub3A_830 : vector<128x1xf32>
      %sub3A_832 = arith.subf %slice3A_827, %slice3A_823 : vector<128x1xf32>
      %mul3A_833 = arith.mulf %mul3A_831, %sub3A_832 : vector<128x1xf32>
      %sub3A_834 = arith.subf %slice3A_828, %slice3A_824 : vector<128x1xf32>
      %mul3A_835 = arith.mulf %mul3A_833, %sub3A_834 : vector<128x1xf32>
      %min3A = vector.broadcast %slice3A_825 : vector<128x1xf32> to vector<128x4096xf32>
      %min3A_836 = vector.broadcast %get3A_187 : vector<1x4096xf32> to vector<128x4096xf32>
      %min3A_837 = arith.minimumf %min3A, %min3A_836 : vector<128x4096xf32>
      %max3A = vector.broadcast %slice3A : vector<128x1xf32> to vector<128x4096xf32>
      %max3A_838 = vector.broadcast %get3A_175 : vector<1x4096xf32> to vector<128x4096xf32>
      %max3A_839 = arith.maximumf %max3A, %max3A_838 : vector<128x4096xf32>
      %sub3A_840 = arith.subf %min3A_837, %max3A_839 : vector<128x4096xf32>
      %jit3A = arith.constant 0.000000e+00 : f32
      %max3A_841 = vector.broadcast %jit3A : f32 to vector<128x4096xf32>
      %max3A_842 = arith.maximumf %max3A_841, %sub3A_840 : vector<128x4096xf32>
      %min3A_843 = vector.broadcast %slice3A_826 : vector<128x1xf32> to vector<128x4096xf32>
      %min3A_844 = vector.broadcast %get3A_190 : vector<1x4096xf32> to vector<128x4096xf32>
      %min3A_845 = arith.minimumf %min3A_843, %min3A_844 : vector<128x4096xf32>
      %max3A_846 = vector.broadcast %slice3A_822 : vector<128x1xf32> to vector<128x4096xf32>
      %max3A_847 = vector.broadcast %get3A_178 : vector<1x4096xf32> to vector<128x4096xf32>
      %max3A_848 = arith.maximumf %max3A_846, %max3A_847 : vector<128x4096xf32>
      %sub3A_849 = arith.subf %min3A_845, %max3A_848 : vector<128x4096xf32>
      %jit3A_850 = arith.constant 0.000000e+00 : f32
      %max3A_851 = vector.broadcast %jit3A_850 : f32 to vector<128x4096xf32>
      %max3A_852 = arith.maximumf %max3A_851, %sub3A_849 : vector<128x4096xf32>
      %mul3A_853 = arith.mulf %max3A_842, %max3A_852 : vector<128x4096xf32>
      %min3A_854 = vector.broadcast %slice3A_827 : vector<128x1xf32> to vector<128x4096xf32>
      %min3A_855 = vector.broadcast %get3A_193 : vector<1x4096xf32> to vector<128x4096xf32>
      %min3A_856 = arith.minimumf %min3A_854, %min3A_855 : vector<128x4096xf32>
      %max3A_857 = vector.broadcast %slice3A_823 : vector<128x1xf32> to vector<128x4096xf32>
      %max3A_858 = vector.broadcast %get3A_181 : vector<1x4096xf32> to vector<128x4096xf32>
      %max3A_859 = arith.maximumf %max3A_857, %max3A_858 : vector<128x4096xf32>
      %sub3A_860 = arith.subf %min3A_856, %max3A_859 : vector<128x4096xf32>
      %jit3A_861 = arith.constant 0.000000e+00 : f32
      %max3A_862 = vector.broadcast %jit3A_861 : f32 to vector<128x4096xf32>
      %max3A_863 = arith.maximumf %max3A_862, %sub3A_860 : vector<128x4096xf32>
      %mul3A_864 = arith.mulf %mul3A_853, %max3A_863 : vector<128x4096xf32>
      %min3A_865 = vector.broadcast %slice3A_828 : vector<128x1xf32> to vector<128x4096xf32>
      %min3A_866 = vector.broadcast %get3A_196 : vector<1x4096xf32> to vector<128x4096xf32>
      %min3A_867 = arith.minimumf %min3A_865, %min3A_866 : vector<128x4096xf32>
      %max3A_868 = vector.broadcast %slice3A_824 : vector<128x1xf32> to vector<128x4096xf32>
      %max3A_869 = vector.broadcast %get3A_184 : vector<1x4096xf32> to vector<128x4096xf32>
      %max3A_870 = arith.maximumf %max3A_868, %max3A_869 : vector<128x4096xf32>
      %sub3A_871 = arith.subf %min3A_867, %max3A_870 : vector<128x4096xf32>
      %jit3A_872 = arith.constant 0.000000e+00 : f32
      %max3A_873 = vector.broadcast %jit3A_872 : f32 to vector<128x4096xf32>
      %max3A_874 = arith.maximumf %max3A_873, %sub3A_871 : vector<128x4096xf32>
      %mul3A_875 = arith.mulf %mul3A_864, %max3A_874 : vector<128x4096xf32>
      %add3A_876 = vector.broadcast %mul3A_835 : vector<128x1xf32> to vector<128x4096xf32>
      %add3A_877 = vector.broadcast %mul3A_203 : vector<1x4096xf32> to vector<128x4096xf32>
      %add3A_878 = arith.addf %add3A_876, %add3A_877 : vector<128x4096xf32>
      %sub3A_879 = arith.subf %add3A_878, %mul3A_875 : vector<128x4096xf32>
      %add3A_880 = arith.constant 9.99999997E-7 : f32
      %add3A_881 = vector.broadcast %add3A_880 : f32 to vector<128x4096xf32>
      %add3A_882 = arith.addf %sub3A_879, %add3A_881 : vector<128x4096xf32>
      %div3A = arith.divf %mul3A_875, %add3A_882 : vector<128x4096xf32>
      %gt3A_883 = arith.constant 5.000000e-01 : f32
      %gt3A_884 = vector.broadcast %gt3A_883 : f32 to vector<128x4096xf32>
      %gt3A_885 = arith.cmpf ogt, %div3A, %gt3A_884 : vector<128x4096xf32>
      %jit3A_886 = arith.constant 1.000000e+00 : f32
      %jit3A_887 = arith.constant 0.000000e+00 : f32
      %broadcast_in_dim3A_888 = vector.broadcast %jit3A_886 : f32 to vector<128x4096xf32>
      %broadcast_in_dim3A_889 = vector.broadcast %jit3A_887 : f32 to vector<128x4096xf32>
      %select_n3A = arith.select %gt3A_885, %broadcast_in_dim3A_888, %broadcast_in_dim3A_889 : vector<128x4096xi1>, vector<128x4096xf32>
      %convert_element_type3A_890 = arith.truncf %select_n3A : vector<128x4096xf32> to vector<128x4096xbf16>
      %swap3A_891 = arith.constant 0 : index
      %swap3A_892 = arith.constant 0 : index
      %swap3A_893 = vector.load %arg2[%swap3A_891, %swap3A_892] : memref<128x5120xbf16, #tpu.memory_space<vmem>>, vector<128x4096xbf16>
      tpu.vector_store %arg2[%swap3A_891, %swap3A_892], %convert_element_type3A_890 {strides = array<i32>} : memref<128x5120xbf16, #tpu.memory_space<vmem>>, vector<128x4096xbf16>,
      %get3A_894 = arith.constant 0 : index
      %get3A_895 = arith.index_cast %multiple_of3A_818 : i32 to index
      %get3A_896 = vector.load %arg2[%get3A_894, %get3A_895] : memref<128x5120xbf16, #tpu.memory_space<vmem>>, vector<128x128xbf16>
      %mul3A_897 = arith.mulf %get3A_896, %convert_element_type3A_16 : vector<128x128xbf16>
      %get3A_898 = arith.constant 0 : index
      %get3A_899 = arith.index_cast %multiple_of3A : i32 to index
      %get3A_900 = vector.load %arg1[%get3A_898, %get3A_899] : memref<1x5120xf32, #tpu.memory_space<vmem>>, vector<1x128xf32>
      %while3A = arith.constant true
      %while3A_901:2 = scf.while (%while3A_929 = %get3A_900, %while3A_930 = %while3A) : (vector<1x128xf32>, i1) -> (vector<1x128xf32>, i1) {
        scf.condition(%while3A_930) %while3A_929, %while3A_930 : vector<1x128xf32>, i1
      } do {
      ^bb0(%while3A_929: vector<1x128xf32>, %while3A_930: i1):
        %convert_element_type3A_931 = arith.truncf %while3A_929 : vector<1x128xf32> to vector<1x128xbf16>
        %dot_general3A_932 = arith.constant dense<0.000000e+00> : vector<1x128xf32>
        %dot_general3A_933 = tpu.matmul %convert_element_type3A_931, %mul3A_897, %dot_general3A_932 {dimension_numbers = #tpu.dot_dimension_numbers<[1], [0], [0], [1], [0, 0, 1, 1], [], []>, transpose_lhs_hint = false} : vector<1x128xbf16>, vector<128x128xbf16>, vector<1x128xf32> -> vector<1x128xf32>
        %eq3A_934 = arith.constant 0.000000e+00 : f32
        %eq3A_935 = vector.broadcast %eq3A_934 : f32 to vector<1x128xf32>
        %eq3A_936 = arith.cmpf oeq, %dot_general3A_933, %eq3A_935 : vector<1x128xf32>
        %jit3A_937 = arith.constant 1.000000e+00 : f32
        %jit3A_938 = arith.constant 0.000000e+00 : f32
        %broadcast_in_dim3A_939 = vector.broadcast %jit3A_937 : f32 to vector<1x128xf32>
        %broadcast_in_dim3A_940 = vector.broadcast %jit3A_938 : f32 to vector<1x128xf32>
        %select_n3A_941 = arith.select %eq3A_936, %broadcast_in_dim3A_939, %broadcast_in_dim3A_940 : vector<1x128xi1>, vector<1x128xf32>
        %mul3A_942 = arith.mulf %get3A_900, %select_n3A_941 : vector<1x128xf32>
        %sub3A_943 = arith.subf %mul3A_942, %while3A_929 : vector<1x128xf32>
        %abs3A = math.absf %sub3A_943 : vector<1x128xf32>
        %reduce_sum3A = vector.shape_cast %abs3A : vector<1x128xf32> to vector<1x1x128xf32>
        %reduce_sum3A_944 = arith.constant dense<0.000000e+00> : vector<1xf32>
        %reduce_sum3A_945 = vector.multi_reduction <add>, %reduce_sum3A, %reduce_sum3A_944 [1, 2] : vector<1x1x128xf32> to vector<1xf32>
        %reduce_sum3A_946 = vector.shape_cast %reduce_sum3A_945 : vector<1xf32> to vector<1x1x1xf32>
        %reduce_sum3A_947 = vector.extract %reduce_sum3A_946[0, 0, 0] : f32 from vector<1x1x1xf32>
        %gt3A_948 = arith.constant 0.000000e+00 : f32
        %gt3A_949 = arith.cmpf ogt, %reduce_sum3A_947, %gt3A_948 : f32
        scf.yield %mul3A_942, %gt3A_949 : vector<1x128xf32>, i1
      }
      %convert_element_type3A_902 = arith.truncf %while3A_901#0 : vector<1x128xf32> to vector<1x128xbf16>
      %get3A_903 = arith.constant 0 : index
      %get3A_904 = arith.constant 0 : index
      %get3A_905 = vector.load %arg2[%get3A_903, %get3A_904] : memref<128x5120xbf16, #tpu.memory_space<vmem>>, vector<128x4096xbf16>
      %dot_general3A_906 = arith.constant dense<0.000000e+00> : vector<1x4096xf32>
      %dot_general3A_907 = tpu.matmul %convert_element_type3A_902, %get3A_905, %dot_general3A_906 {dimension_numbers = #tpu.dot_dimension_numbers<[1], [0], [0], [1], [0, 0, 1, 1], [], []>, transpose_lhs_hint = false} : vector<1x128xbf16>, vector<128x4096xbf16>, vector<1x4096xf32> -> vector<1x4096xf32>
      %eq3A_908 = arith.constant 0.000000e+00 : f32
      %eq3A_909 = vector.broadcast %eq3A_908 : f32 to vector<1x4096xf32>
      %eq3A_910 = arith.cmpf oeq, %dot_general3A_907, %eq3A_909 : vector<1x4096xf32>
      %add3A_911 = arith.constant 128 : i32
      %add3A_912 = arith.addi %multiple_of3A, %add3A_911 : i32
      %lt3A = vector.broadcast %add3A_912 : i32 to vector<1x4096xi32>
      %lt3A_913 = arith.cmpi slt, %add3A_207, %lt3A : vector<1x4096xi32>
      %or3A = arith.ori %eq3A_910, %lt3A_913 : vector<1x4096xi1>
      %get3A_914 = arith.constant 0 : index
      %get3A_915 = arith.constant 1024 : index
      %get3A_916 = vector.load %arg1[%get3A_914, %get3A_915] : memref<1x5120xf32, #tpu.memory_space<vmem>>, vector<1x4096xf32>
      %jit3A_917 = arith.constant 1.000000e+00 : f32
      %jit3A_918 = arith.constant 0.000000e+00 : f32
      %broadcast_in_dim3A_919 = vector.broadcast %jit3A_917 : f32 to vector<1x4096xf32>
      %broadcast_in_dim3A_920 = vector.broadcast %jit3A_918 : f32 to vector<1x4096xf32>
      %select_n3A_921 = arith.select %or3A, %broadcast_in_dim3A_919, %broadcast_in_dim3A_920 : vector<1x4096xi1>, vector<1x4096xf32>
      %mul3A_922 = arith.mulf %get3A_916, %select_n3A_921 : vector<1x4096xf32>
      %swap3A_923 = arith.constant 0 : index
      %swap3A_924 = arith.constant 1024 : index
      %swap3A_925 = vector.load %arg1[%swap3A_923, %swap3A_924] : memref<1x5120xf32, #tpu.memory_space<vmem>>, vector<1x4096xf32>
      tpu.vector_store %arg1[%swap3A_923, %swap3A_924], %mul3A_922 {strides = array<i32>} : memref<1x5120xf32, #tpu.memory_space<vmem>>, vector<1x4096xf32>,
      %swap3A_926 = arith.constant 0 : index
      %swap3A_927 = arith.index_cast %multiple_of3A : i32 to index
      %swap3A_928 = vector.load %arg1[%swap3A_926, %swap3A_927] : memref<1x5120xf32, #tpu.memory_space<vmem>>, vector<1x128xf32>
      tpu.vector_store %arg1[%swap3A_926, %swap3A_927], %while3A_901#0 {strides = array<i32>} : memref<1x5120xf32, #tpu.memory_space<vmem>>, vector<1x128xf32>,
    }
    %scan3A_212 = arith.constant 2 : i32
    %get3A_213 = arith.constant 0 : index
    %get3A_214 = arith.constant 1280 : index
    %get3A_215 = vector.load %arg3[%get3A_213, %get3A_214] : memref<16x5120xf32, #tpu.memory_space<vmem>>, vector<1x3840xf32>
    %get3A_216 = arith.constant 1 : index
    %get3A_217 = arith.constant 1280 : index
    %get3A_218 = vector.load %arg3[%get3A_216, %get3A_217] : memref<16x5120xf32, #tpu.memory_space<vmem>>, vector<1x3840xf32>
    %get3A_219 = arith.constant 2 : index
    %get3A_220 = arith.constant 1280 : index
    %get3A_221 = vector.load %arg3[%get3A_219, %get3A_220] : memref<16x5120xf32, #tpu.memory_space<vmem>>, vector<1x3840xf32>
    %get3A_222 = arith.constant 3 : index
    %get3A_223 = arith.constant 1280 : index
    %get3A_224 = vector.load %arg3[%get3A_222, %get3A_223] : memref<16x5120xf32, #tpu.memory_space<vmem>>, vector<1x3840xf32>
    %get3A_225 = arith.constant 4 : index
    %get3A_226 = arith.constant 1280 : index
    %get3A_227 = vector.load %arg3[%get3A_225, %get3A_226] : memref<16x5120xf32, #tpu.memory_space<vmem>>, vector<1x3840xf32>
    %get3A_228 = arith.constant 5 : index
    %get3A_229 = arith.constant 1280 : index
    %get3A_230 = vector.load %arg3[%get3A_228, %get3A_229] : memref<16x5120xf32, #tpu.memory_space<vmem>>, vector<1x3840xf32>
    %get3A_231 = arith.constant 6 : index
    %get3A_232 = arith.constant 1280 : index
    %get3A_233 = vector.load %arg3[%get3A_231, %get3A_232] : memref<16x5120xf32, #tpu.memory_space<vmem>>, vector<1x3840xf32>
    %get3A_234 = arith.constant 7 : index
    %get3A_235 = arith.constant 1280 : index
    %get3A_236 = vector.load %arg3[%get3A_234, %get3A_235] : memref<16x5120xf32, #tpu.memory_space<vmem>>, vector<1x3840xf32>
    %sub3A_237 = arith.subf %get3A_227, %get3A_215 : vector<1x3840xf32>
    %sub3A_238 = arith.subf %get3A_230, %get3A_218 : vector<1x3840xf32>
    %mul3A_239 = arith.mulf %sub3A_237, %sub3A_238 : vector<1x3840xf32>
    %sub3A_240 = arith.subf %get3A_233, %get3A_221 : vector<1x3840xf32>
    %mul3A_241 = arith.mulf %mul3A_239, %sub3A_240 : vector<1x3840xf32>
    %sub3A_242 = arith.subf %get3A_236, %get3A_224 : vector<1x3840xf32>
    %mul3A_243 = arith.mulf %mul3A_241, %sub3A_242 : vector<1x3840xf32>
    %iota3A_244 = tpu.iota {dimensions = array<i32: 1>} : vector<1x3840xi32>
    %add3A_245 = arith.constant 1280 : i32
    %add3A_246 = vector.broadcast %add3A_245 : i32 to vector<1x3840xi32>
    %add3A_247 = arith.addi %iota3A_244, %add3A_246 : vector<1x3840xi32>
    %scan3A_248 = arith.constant 10 : i32
    %scan3A_249 = arith.constant 2 : i32
    %scan3A_250 = arith.addi %scan3A_248, %scan3A_249 : i32
    %scan3A_251 = arith.constant 1 : i32
    scf.for %scan3A_813 = %scan3A_248 to %scan3A_250 step %scan3A_251  : i32 {
      %mul3A_814 = arith.constant 128 : i32
      %mul3A_815 = arith.muli %scan3A_813, %mul3A_814 : i32
      %multiple_of3A = tpu.assume_multiple %mul3A_815, 128 : i32
      %sub3A_816 = arith.constant 1280 : i32
      %sub3A_817 = arith.subi %multiple_of3A, %sub3A_816 : i32
      %multiple_of3A_818 = tpu.assume_multiple %sub3A_817, 128 : i32
      %get3A_819 = arith.index_cast %multiple_of3A : i32 to index
      %get3A_820 = arith.constant 0 : index
      %get3A_821 = vector.load %arg0[%get3A_819, %get3A_820] : memref<5120x16xf32, #tpu.memory_space<vmem>>, vector<128x16xf32>
      %slice3A = vector.extract_strided_slice %get3A_821 {offsets = [0, 0], sizes = [128, 1], strides = [1, 1]} : vector<128x16xf32> to vector<128x1xf32>
      %slice3A_822 = vector.extract_strided_slice %get3A_821 {offsets = [0, 1], sizes = [128, 1], strides = [1, 1]} : vector<128x16xf32> to vector<128x1xf32>
      %slice3A_823 = vector.extract_strided_slice %get3A_821 {offsets = [0, 2], sizes = [128, 1], strides = [1, 1]} : vector<128x16xf32> to vector<128x1xf32>
      %slice3A_824 = vector.extract_strided_slice %get3A_821 {offsets = [0, 3], sizes = [128, 1], strides = [1, 1]} : vector<128x16xf32> to vector<128x1xf32>
      %slice3A_825 = vector.extract_strided_slice %get3A_821 {offsets = [0, 4], sizes = [128, 1], strides = [1, 1]} : vector<128x16xf32> to vector<128x1xf32>
      %slice3A_826 = vector.extract_strided_slice %get3A_821 {offsets = [0, 5], sizes = [128, 1], strides = [1, 1]} : vector<128x16xf32> to vector<128x1xf32>
      %slice3A_827 = vector.extract_strided_slice %get3A_821 {offsets = [0, 6], sizes = [128, 1], strides = [1, 1]} : vector<128x16xf32> to vector<128x1xf32>
      %slice3A_828 = vector.extract_strided_slice %get3A_821 {offsets = [0, 7], sizes = [128, 1], strides = [1, 1]} : vector<128x16xf32> to vector<128x1xf32>
      %sub3A_829 = arith.subf %slice3A_825, %slice3A : vector<128x1xf32>
      %sub3A_830 = arith.subf %slice3A_826, %slice3A_822 : vector<128x1xf32>
      %mul3A_831 = arith.mulf %sub3A_829, %sub3A_830 : vector<128x1xf32>
      %sub3A_832 = arith.subf %slice3A_827, %slice3A_823 : vector<128x1xf32>
      %mul3A_833 = arith.mulf %mul3A_831, %sub3A_832 : vector<128x1xf32>
      %sub3A_834 = arith.subf %slice3A_828, %slice3A_824 : vector<128x1xf32>
      %mul3A_835 = arith.mulf %mul3A_833, %sub3A_834 : vector<128x1xf32>
      %min3A = vector.broadcast %slice3A_825 : vector<128x1xf32> to vector<128x3840xf32>
      %min3A_836 = vector.broadcast %get3A_227 : vector<1x3840xf32> to vector<128x3840xf32>
      %min3A_837 = arith.minimumf %min3A, %min3A_836 : vector<128x3840xf32>
      %max3A = vector.broadcast %slice3A : vector<128x1xf32> to vector<128x3840xf32>
      %max3A_838 = vector.broadcast %get3A_215 : vector<1x3840xf32> to vector<128x3840xf32>
      %max3A_839 = arith.maximumf %max3A, %max3A_838 : vector<128x3840xf32>
      %sub3A_840 = arith.subf %min3A_837, %max3A_839 : vector<128x3840xf32>
      %jit3A = arith.constant 0.000000e+00 : f32
      %max3A_841 = vector.broadcast %jit3A : f32 to vector<128x3840xf32>
      %max3A_842 = arith.maximumf %max3A_841, %sub3A_840 : vector<128x3840xf32>
      %min3A_843 = vector.broadcast %slice3A_826 : vector<128x1xf32> to vector<128x3840xf32>
      %min3A_844 = vector.broadcast %get3A_230 : vector<1x3840xf32> to vector<128x3840xf32>
      %min3A_845 = arith.minimumf %min3A_843, %min3A_844 : vector<128x3840xf32>
      %max3A_846 = vector.broadcast %slice3A_822 : vector<128x1xf32> to vector<128x3840xf32>
      %max3A_847 = vector.broadcast %get3A_218 : vector<1x3840xf32> to vector<128x3840xf32>
      %max3A_848 = arith.maximumf %max3A_846, %max3A_847 : vector<128x3840xf32>
      %sub3A_849 = arith.subf %min3A_845, %max3A_848 : vector<128x3840xf32>
      %jit3A_850 = arith.constant 0.000000e+00 : f32
      %max3A_851 = vector.broadcast %jit3A_850 : f32 to vector<128x3840xf32>
      %max3A_852 = arith.maximumf %max3A_851, %sub3A_849 : vector<128x3840xf32>
      %mul3A_853 = arith.mulf %max3A_842, %max3A_852 : vector<128x3840xf32>
      %min3A_854 = vector.broadcast %slice3A_827 : vector<128x1xf32> to vector<128x3840xf32>
      %min3A_855 = vector.broadcast %get3A_233 : vector<1x3840xf32> to vector<128x3840xf32>
      %min3A_856 = arith.minimumf %min3A_854, %min3A_855 : vector<128x3840xf32>
      %max3A_857 = vector.broadcast %slice3A_823 : vector<128x1xf32> to vector<128x3840xf32>
      %max3A_858 = vector.broadcast %get3A_221 : vector<1x3840xf32> to vector<128x3840xf32>
      %max3A_859 = arith.maximumf %max3A_857, %max3A_858 : vector<128x3840xf32>
      %sub3A_860 = arith.subf %min3A_856, %max3A_859 : vector<128x3840xf32>
      %jit3A_861 = arith.constant 0.000000e+00 : f32
      %max3A_862 = vector.broadcast %jit3A_861 : f32 to vector<128x3840xf32>
      %max3A_863 = arith.maximumf %max3A_862, %sub3A_860 : vector<128x3840xf32>
      %mul3A_864 = arith.mulf %mul3A_853, %max3A_863 : vector<128x3840xf32>
      %min3A_865 = vector.broadcast %slice3A_828 : vector<128x1xf32> to vector<128x3840xf32>
      %min3A_866 = vector.broadcast %get3A_236 : vector<1x3840xf32> to vector<128x3840xf32>
      %min3A_867 = arith.minimumf %min3A_865, %min3A_866 : vector<128x3840xf32>
      %max3A_868 = vector.broadcast %slice3A_824 : vector<128x1xf32> to vector<128x3840xf32>
      %max3A_869 = vector.broadcast %get3A_224 : vector<1x3840xf32> to vector<128x3840xf32>
      %max3A_870 = arith.maximumf %max3A_868, %max3A_869 : vector<128x3840xf32>
      %sub3A_871 = arith.subf %min3A_867, %max3A_870 : vector<128x3840xf32>
      %jit3A_872 = arith.constant 0.000000e+00 : f32
      %max3A_873 = vector.broadcast %jit3A_872 : f32 to vector<128x3840xf32>
      %max3A_874 = arith.maximumf %max3A_873, %sub3A_871 : vector<128x3840xf32>
      %mul3A_875 = arith.mulf %mul3A_864, %max3A_874 : vector<128x3840xf32>
      %add3A_876 = vector.broadcast %mul3A_835 : vector<128x1xf32> to vector<128x3840xf32>
      %add3A_877 = vector.broadcast %mul3A_243 : vector<1x3840xf32> to vector<128x3840xf32>
      %add3A_878 = arith.addf %add3A_876, %add3A_877 : vector<128x3840xf32>
      %sub3A_879 = arith.subf %add3A_878, %mul3A_875 : vector<128x3840xf32>
      %add3A_880 = arith.constant 9.99999997E-7 : f32
      %add3A_881 = vector.broadcast %add3A_880 : f32 to vector<128x3840xf32>
      %add3A_882 = arith.addf %sub3A_879, %add3A_881 : vector<128x3840xf32>
      %div3A = arith.divf %mul3A_875, %add3A_882 : vector<128x3840xf32>
      %gt3A_883 = arith.constant 5.000000e-01 : f32
      %gt3A_884 = vector.broadcast %gt3A_883 : f32 to vector<128x3840xf32>
      %gt3A_885 = arith.cmpf ogt, %div3A, %gt3A_884 : vector<128x3840xf32>
      %jit3A_886 = arith.constant 1.000000e+00 : f32
      %jit3A_887 = arith.constant 0.000000e+00 : f32
      %broadcast_in_dim3A_888 = vector.broadcast %jit3A_886 : f32 to vector<128x3840xf32>
      %broadcast_in_dim3A_889 = vector.broadcast %jit3A_887 : f32 to vector<128x3840xf32>
      %select_n3A = arith.select %gt3A_885, %broadcast_in_dim3A_888, %broadcast_in_dim3A_889 : vector<128x3840xi1>, vector<128x3840xf32>
      %convert_element_type3A_890 = arith.truncf %select_n3A : vector<128x3840xf32> to vector<128x3840xbf16>
      %swap3A_891 = arith.constant 0 : index
      %swap3A_892 = arith.constant 0 : index
      %swap3A_893 = vector.load %arg2[%swap3A_891, %swap3A_892] : memref<128x5120xbf16, #tpu.memory_space<vmem>>, vector<128x3840xbf16>
      tpu.vector_store %arg2[%swap3A_891, %swap3A_892], %convert_element_type3A_890 {strides = array<i32>} : memref<128x5120xbf16, #tpu.memory_space<vmem>>, vector<128x3840xbf16>,
      %get3A_894 = arith.constant 0 : index
      %get3A_895 = arith.index_cast %multiple_of3A_818 : i32 to index
      %get3A_896 = vector.load %arg2[%get3A_894, %get3A_895] : memref<128x5120xbf16, #tpu.memory_space<vmem>>, vector<128x128xbf16>
      %mul3A_897 = arith.mulf %get3A_896, %convert_element_type3A_16 : vector<128x128xbf16>
      %get3A_898 = arith.constant 0 : index
      %get3A_899 = arith.index_cast %multiple_of3A : i32 to index
      %get3A_900 = vector.load %arg1[%get3A_898, %get3A_899] : memref<1x5120xf32, #tpu.memory_space<vmem>>, vector<1x128xf32>
      %while3A = arith.constant true
      %while3A_901:2 = scf.while (%while3A_929 = %get3A_900, %while3A_930 = %while3A) : (vector<1x128xf32>, i1) -> (vector<1x128xf32>, i1) {
        scf.condition(%while3A_930) %while3A_929, %while3A_930 : vector<1x128xf32>, i1
      } do {
      ^bb0(%while3A_929: vector<1x128xf32>, %while3A_930: i1):
        %convert_element_type3A_931 = arith.truncf %while3A_929 : vector<1x128xf32> to vector<1x128xbf16>
        %dot_general3A_932 = arith.constant dense<0.000000e+00> : vector<1x128xf32>
        %dot_general3A_933 = tpu.matmul %convert_element_type3A_931, %mul3A_897, %dot_general3A_932 {dimension_numbers = #tpu.dot_dimension_numbers<[1], [0], [0], [1], [0, 0, 1, 1], [], []>, transpose_lhs_hint = false} : vector<1x128xbf16>, vector<128x128xbf16>, vector<1x128xf32> -> vector<1x128xf32>
        %eq3A_934 = arith.constant 0.000000e+00 : f32
        %eq3A_935 = vector.broadcast %eq3A_934 : f32 to vector<1x128xf32>
        %eq3A_936 = arith.cmpf oeq, %dot_general3A_933, %eq3A_935 : vector<1x128xf32>
        %jit3A_937 = arith.constant 1.000000e+00 : f32
        %jit3A_938 = arith.constant 0.000000e+00 : f32
        %broadcast_in_dim3A_939 = vector.broadcast %jit3A_937 : f32 to vector<1x128xf32>
        %broadcast_in_dim3A_940 = vector.broadcast %jit3A_938 : f32 to vector<1x128xf32>
        %select_n3A_941 = arith.select %eq3A_936, %broadcast_in_dim3A_939, %broadcast_in_dim3A_940 : vector<1x128xi1>, vector<1x128xf32>
        %mul3A_942 = arith.mulf %get3A_900, %select_n3A_941 : vector<1x128xf32>
        %sub3A_943 = arith.subf %mul3A_942, %while3A_929 : vector<1x128xf32>
        %abs3A = math.absf %sub3A_943 : vector<1x128xf32>
        %reduce_sum3A = vector.shape_cast %abs3A : vector<1x128xf32> to vector<1x1x128xf32>
        %reduce_sum3A_944 = arith.constant dense<0.000000e+00> : vector<1xf32>
        %reduce_sum3A_945 = vector.multi_reduction <add>, %reduce_sum3A, %reduce_sum3A_944 [1, 2] : vector<1x1x128xf32> to vector<1xf32>
        %reduce_sum3A_946 = vector.shape_cast %reduce_sum3A_945 : vector<1xf32> to vector<1x1x1xf32>
        %reduce_sum3A_947 = vector.extract %reduce_sum3A_946[0, 0, 0] : f32 from vector<1x1x1xf32>
        %gt3A_948 = arith.constant 0.000000e+00 : f32
        %gt3A_949 = arith.cmpf ogt, %reduce_sum3A_947, %gt3A_948 : f32
        scf.yield %mul3A_942, %gt3A_949 : vector<1x128xf32>, i1
      }
      %convert_element_type3A_902 = arith.truncf %while3A_901#0 : vector<1x128xf32> to vector<1x128xbf16>
      %get3A_903 = arith.constant 0 : index
      %get3A_904 = arith.constant 0 : index
      %get3A_905 = vector.load %arg2[%get3A_903, %get3A_904] : memref<128x5120xbf16, #tpu.memory_space<vmem>>, vector<128x3840xbf16>
      %dot_general3A_906 = arith.constant dense<0.000000e+00> : vector<1x3840xf32>
      %dot_general3A_907 = tpu.matmul %convert_element_type3A_902, %get3A_905, %dot_general3A_906 {dimension_numbers = #tpu.dot_dimension_numbers<[1], [0], [0], [1], [0, 0, 1, 1], [], []>, transpose_lhs_hint = false} : vector<1x128xbf16>, vector<128x3840xbf16>, vector<1x3840xf32> -> vector<1x3840xf32>
      %eq3A_908 = arith.constant 0.000000e+00 : f32
      %eq3A_909 = vector.broadcast %eq3A_908 : f32 to vector<1x3840xf32>
      %eq3A_910 = arith.cmpf oeq, %dot_general3A_907, %eq3A_909 : vector<1x3840xf32>
      %add3A_911 = arith.constant 128 : i32
      %add3A_912 = arith.addi %multiple_of3A, %add3A_911 : i32
      %lt3A = vector.broadcast %add3A_912 : i32 to vector<1x3840xi32>
      %lt3A_913 = arith.cmpi slt, %add3A_247, %lt3A : vector<1x3840xi32>
      %or3A = arith.ori %eq3A_910, %lt3A_913 : vector<1x3840xi1>
      %get3A_914 = arith.constant 0 : index
      %get3A_915 = arith.constant 1280 : index
      %get3A_916 = vector.load %arg1[%get3A_914, %get3A_915] : memref<1x5120xf32, #tpu.memory_space<vmem>>, vector<1x3840xf32>
      %jit3A_917 = arith.constant 1.000000e+00 : f32
      %jit3A_918 = arith.constant 0.000000e+00 : f32
      %broadcast_in_dim3A_919 = vector.broadcast %jit3A_917 : f32 to vector<1x3840xf32>
      %broadcast_in_dim3A_920 = vector.broadcast %jit3A_918 : f32 to vector<1x3840xf32>
      %select_n3A_921 = arith.select %or3A, %broadcast_in_dim3A_919, %broadcast_in_dim3A_920 : vector<1x3840xi1>, vector<1x3840xf32>
      %mul3A_922 = arith.mulf %get3A_916, %select_n3A_921 : vector<1x3840xf32>
      %swap3A_923 = arith.constant 0 : index
      %swap3A_924 = arith.constant 1280 : index
      %swap3A_925 = vector.load %arg1[%swap3A_923, %swap3A_924] : memref<1x5120xf32, #tpu.memory_space<vmem>>, vector<1x3840xf32>
      tpu.vector_store %arg1[%swap3A_923, %swap3A_924], %mul3A_922 {strides = array<i32>} : memref<1x5120xf32, #tpu.memory_space<vmem>>, vector<1x3840xf32>,
      %swap3A_926 = arith.constant 0 : index
      %swap3A_927 = arith.index_cast %multiple_of3A : i32 to index
      %swap3A_928 = vector.load %arg1[%swap3A_926, %swap3A_927] : memref<1x5120xf32, #tpu.memory_space<vmem>>, vector<1x128xf32>
      tpu.vector_store %arg1[%swap3A_926, %swap3A_927], %while3A_901#0 {strides = array<i32>} : memref<1x5120xf32, #tpu.memory_space<vmem>>, vector<1x128xf32>,
    }
    %scan3A_252 = arith.constant 2 : i32
    %get3A_253 = arith.constant 0 : index
    %get3A_254 = arith.constant 1536 : index
    %get3A_255 = vector.load %arg3[%get3A_253, %get3A_254] : memref<16x5120xf32, #tpu.memory_space<vmem>>, vector<1x3584xf32>
    %get3A_256 = arith.constant 1 : index
    %get3A_257 = arith.constant 1536 : index
    %get3A_258 = vector.load %arg3[%get3A_256, %get3A_257] : memref<16x5120xf32, #tpu.memory_space<vmem>>, vector<1x3584xf32>
    %get3A_259 = arith.constant 2 : index
    %get3A_260 = arith.constant 1536 : index
    %get3A_261 = vector.load %arg3[%get3A_259, %get3A_260] : memref<16x5120xf32, #tpu.memory_space<vmem>>, vector<1x3584xf32>
    %get3A_262 = arith.constant 3 : index
    %get3A_263 = arith.constant 1536 : index
    %get3A_264 = vector.load %arg3[%get3A_262, %get3A_263] : memref<16x5120xf32, #tpu.memory_space<vmem>>, vector<1x3584xf32>
    %get3A_265 = arith.constant 4 : index
    %get3A_266 = arith.constant 1536 : index
    %get3A_267 = vector.load %arg3[%get3A_265, %get3A_266] : memref<16x5120xf32, #tpu.memory_space<vmem>>, vector<1x3584xf32>
    %get3A_268 = arith.constant 5 : index
    %get3A_269 = arith.constant 1536 : index
    %get3A_270 = vector.load %arg3[%get3A_268, %get3A_269] : memref<16x5120xf32, #tpu.memory_space<vmem>>, vector<1x3584xf32>
    %get3A_271 = arith.constant 6 : index
    %get3A_272 = arith.constant 1536 : index
    %get3A_273 = vector.load %arg3[%get3A_271, %get3A_272] : memref<16x5120xf32, #tpu.memory_space<vmem>>, vector<1x3584xf32>
    %get3A_274 = arith.constant 7 : index
    %get3A_275 = arith.constant 1536 : index
    %get3A_276 = vector.load %arg3[%get3A_274, %get3A_275] : memref<16x5120xf32, #tpu.memory_space<vmem>>, vector<1x3584xf32>
    %sub3A_277 = arith.subf %get3A_267, %get3A_255 : vector<1x3584xf32>
    %sub3A_278 = arith.subf %get3A_270, %get3A_258 : vector<1x3584xf32>
    %mul3A_279 = arith.mulf %sub3A_277, %sub3A_278 : vector<1x3584xf32>
    %sub3A_280 = arith.subf %get3A_273, %get3A_261 : vector<1x3584xf32>
    %mul3A_281 = arith.mulf %mul3A_279, %sub3A_280 : vector<1x3584xf32>
    %sub3A_282 = arith.subf %get3A_276, %get3A_264 : vector<1x3584xf32>
    %mul3A_283 = arith.mulf %mul3A_281, %sub3A_282 : vector<1x3584xf32>
    %iota3A_284 = tpu.iota {dimensions = array<i32: 1>} : vector<1x3584xi32>
    %add3A_285 = arith.constant 1536 : i32
    %add3A_286 = vector.broadcast %add3A_285 : i32 to vector<1x3584xi32>
    %add3A_287 = arith.addi %iota3A_284, %add3A_286 : vector<1x3584xi32>
    %scan3A_288 = arith.constant 12 : i32
    %scan3A_289 = arith.constant 2 : i32
    %scan3A_290 = arith.addi %scan3A_288, %scan3A_289 : i32
    %scan3A_291 = arith.constant 1 : i32
    scf.for %scan3A_813 = %scan3A_288 to %scan3A_290 step %scan3A_291  : i32 {
      %mul3A_814 = arith.constant 128 : i32
      %mul3A_815 = arith.muli %scan3A_813, %mul3A_814 : i32
      %multiple_of3A = tpu.assume_multiple %mul3A_815, 128 : i32
      %sub3A_816 = arith.constant 1536 : i32
      %sub3A_817 = arith.subi %multiple_of3A, %sub3A_816 : i32
      %multiple_of3A_818 = tpu.assume_multiple %sub3A_817, 128 : i32
      %get3A_819 = arith.index_cast %multiple_of3A : i32 to index
      %get3A_820 = arith.constant 0 : index
      %get3A_821 = vector.load %arg0[%get3A_819, %get3A_820] : memref<5120x16xf32, #tpu.memory_space<vmem>>, vector<128x16xf32>
      %slice3A = vector.extract_strided_slice %get3A_821 {offsets = [0, 0], sizes = [128, 1], strides = [1, 1]} : vector<128x16xf32> to vector<128x1xf32>
      %slice3A_822 = vector.extract_strided_slice %get3A_821 {offsets = [0, 1], sizes = [128, 1], strides = [1, 1]} : vector<128x16xf32> to vector<128x1xf32>
      %slice3A_823 = vector.extract_strided_slice %get3A_821 {offsets = [0, 2], sizes = [128, 1], strides = [1, 1]} : vector<128x16xf32> to vector<128x1xf32>
      %slice3A_824 = vector.extract_strided_slice %get3A_821 {offsets = [0, 3], sizes = [128, 1], strides = [1, 1]} : vector<128x16xf32> to vector<128x1xf32>
      %slice3A_825 = vector.extract_strided_slice %get3A_821 {offsets = [0, 4], sizes = [128, 1], strides = [1, 1]} : vector<128x16xf32> to vector<128x1xf32>
      %slice3A_826 = vector.extract_strided_slice %get3A_821 {offsets = [0, 5], sizes = [128, 1], strides = [1, 1]} : vector<128x16xf32> to vector<128x1xf32>
      %slice3A_827 = vector.extract_strided_slice %get3A_821 {offsets = [0, 6], sizes = [128, 1], strides = [1, 1]} : vector<128x16xf32> to vector<128x1xf32>
      %slice3A_828 = vector.extract_strided_slice %get3A_821 {offsets = [0, 7], sizes = [128, 1], strides = [1, 1]} : vector<128x16xf32> to vector<128x1xf32>
      %sub3A_829 = arith.subf %slice3A_825, %slice3A : vector<128x1xf32>
      %sub3A_830 = arith.subf %slice3A_826, %slice3A_822 : vector<128x1xf32>
      %mul3A_831 = arith.mulf %sub3A_829, %sub3A_830 : vector<128x1xf32>
      %sub3A_832 = arith.subf %slice3A_827, %slice3A_823 : vector<128x1xf32>
      %mul3A_833 = arith.mulf %mul3A_831, %sub3A_832 : vector<128x1xf32>
      %sub3A_834 = arith.subf %slice3A_828, %slice3A_824 : vector<128x1xf32>
      %mul3A_835 = arith.mulf %mul3A_833, %sub3A_834 : vector<128x1xf32>
      %min3A = vector.broadcast %slice3A_825 : vector<128x1xf32> to vector<128x3584xf32>
      %min3A_836 = vector.broadcast %get3A_267 : vector<1x3584xf32> to vector<128x3584xf32>
      %min3A_837 = arith.minimumf %min3A, %min3A_836 : vector<128x3584xf32>
      %max3A = vector.broadcast %slice3A : vector<128x1xf32> to vector<128x3584xf32>
      %max3A_838 = vector.broadcast %get3A_255 : vector<1x3584xf32> to vector<128x3584xf32>
      %max3A_839 = arith.maximumf %max3A, %max3A_838 : vector<128x3584xf32>
      %sub3A_840 = arith.subf %min3A_837, %max3A_839 : vector<128x3584xf32>
      %jit3A = arith.constant 0.000000e+00 : f32
      %max3A_841 = vector.broadcast %jit3A : f32 to vector<128x3584xf32>
      %max3A_842 = arith.maximumf %max3A_841, %sub3A_840 : vector<128x3584xf32>
      %min3A_843 = vector.broadcast %slice3A_826 : vector<128x1xf32> to vector<128x3584xf32>
      %min3A_844 = vector.broadcast %get3A_270 : vector<1x3584xf32> to vector<128x3584xf32>
      %min3A_845 = arith.minimumf %min3A_843, %min3A_844 : vector<128x3584xf32>
      %max3A_846 = vector.broadcast %slice3A_822 : vector<128x1xf32> to vector<128x3584xf32>
      %max3A_847 = vector.broadcast %get3A_258 : vector<1x3584xf32> to vector<128x3584xf32>
      %max3A_848 = arith.maximumf %max3A_846, %max3A_847 : vector<128x3584xf32>
      %sub3A_849 = arith.subf %min3A_845, %max3A_848 : vector<128x3584xf32>
      %jit3A_850 = arith.constant 0.000000e+00 : f32
      %max3A_851 = vector.broadcast %jit3A_850 : f32 to vector<128x3584xf32>
      %max3A_852 = arith.maximumf %max3A_851, %sub3A_849 : vector<128x3584xf32>
      %mul3A_853 = arith.mulf %max3A_842, %max3A_852 : vector<128x3584xf32>
      %min3A_854 = vector.broadcast %slice3A_827 : vector<128x1xf32> to vector<128x3584xf32>
      %min3A_855 = vector.broadcast %get3A_273 : vector<1x3584xf32> to vector<128x3584xf32>
      %min3A_856 = arith.minimumf %min3A_854, %min3A_855 : vector<128x3584xf32>
      %max3A_857 = vector.broadcast %slice3A_823 : vector<128x1xf32> to vector<128x3584xf32>
      %max3A_858 = vector.broadcast %get3A_261 : vector<1x3584xf32> to vector<128x3584xf32>
      %max3A_859 = arith.maximumf %max3A_857, %max3A_858 : vector<128x3584xf32>
      %sub3A_860 = arith.subf %min3A_856, %max3A_859 : vector<128x3584xf32>
      %jit3A_861 = arith.constant 0.000000e+00 : f32
      %max3A_862 = vector.broadcast %jit3A_861 : f32 to vector<128x3584xf32>
      %max3A_863 = arith.maximumf %max3A_862, %sub3A_860 : vector<128x3584xf32>
      %mul3A_864 = arith.mulf %mul3A_853, %max3A_863 : vector<128x3584xf32>
      %min3A_865 = vector.broadcast %slice3A_828 : vector<128x1xf32> to vector<128x3584xf32>
      %min3A_866 = vector.broadcast %get3A_276 : vector<1x3584xf32> to vector<128x3584xf32>
      %min3A_867 = arith.minimumf %min3A_865, %min3A_866 : vector<128x3584xf32>
      %max3A_868 = vector.broadcast %slice3A_824 : vector<128x1xf32> to vector<128x3584xf32>
      %max3A_869 = vector.broadcast %get3A_264 : vector<1x3584xf32> to vector<128x3584xf32>
      %max3A_870 = arith.maximumf %max3A_868, %max3A_869 : vector<128x3584xf32>
      %sub3A_871 = arith.subf %min3A_867, %max3A_870 : vector<128x3584xf32>
      %jit3A_872 = arith.constant 0.000000e+00 : f32
      %max3A_873 = vector.broadcast %jit3A_872 : f32 to vector<128x3584xf32>
      %max3A_874 = arith.maximumf %max3A_873, %sub3A_871 : vector<128x3584xf32>
      %mul3A_875 = arith.mulf %mul3A_864, %max3A_874 : vector<128x3584xf32>
      %add3A_876 = vector.broadcast %mul3A_835 : vector<128x1xf32> to vector<128x3584xf32>
      %add3A_877 = vector.broadcast %mul3A_283 : vector<1x3584xf32> to vector<128x3584xf32>
      %add3A_878 = arith.addf %add3A_876, %add3A_877 : vector<128x3584xf32>
      %sub3A_879 = arith.subf %add3A_878, %mul3A_875 : vector<128x3584xf32>
      %add3A_880 = arith.constant 9.99999997E-7 : f32
      %add3A_881 = vector.broadcast %add3A_880 : f32 to vector<128x3584xf32>
      %add3A_882 = arith.addf %sub3A_879, %add3A_881 : vector<128x3584xf32>
      %div3A = arith.divf %mul3A_875, %add3A_882 : vector<128x3584xf32>
      %gt3A_883 = arith.constant 5.000000e-01 : f32
      %gt3A_884 = vector.broadcast %gt3A_883 : f32 to vector<128x3584xf32>
      %gt3A_885 = arith.cmpf ogt, %div3A, %gt3A_884 : vector<128x3584xf32>
      %jit3A_886 = arith.constant 1.000000e+00 : f32
      %jit3A_887 = arith.constant 0.000000e+00 : f32
      %broadcast_in_dim3A_888 = vector.broadcast %jit3A_886 : f32 to vector<128x3584xf32>
      %broadcast_in_dim3A_889 = vector.broadcast %jit3A_887 : f32 to vector<128x3584xf32>
      %select_n3A = arith.select %gt3A_885, %broadcast_in_dim3A_888, %broadcast_in_dim3A_889 : vector<128x3584xi1>, vector<128x3584xf32>
      %convert_element_type3A_890 = arith.truncf %select_n3A : vector<128x3584xf32> to vector<128x3584xbf16>
      %swap3A_891 = arith.constant 0 : index
      %swap3A_892 = arith.constant 0 : index
      %swap3A_893 = vector.load %arg2[%swap3A_891, %swap3A_892] : memref<128x5120xbf16, #tpu.memory_space<vmem>>, vector<128x3584xbf16>
      tpu.vector_store %arg2[%swap3A_891, %swap3A_892], %convert_element_type3A_890 {strides = array<i32>} : memref<128x5120xbf16, #tpu.memory_space<vmem>>, vector<128x3584xbf16>,
      %get3A_894 = arith.constant 0 : index
      %get3A_895 = arith.index_cast %multiple_of3A_818 : i32 to index
      %get3A_896 = vector.load %arg2[%get3A_894, %get3A_895] : memref<128x5120xbf16, #tpu.memory_space<vmem>>, vector<128x128xbf16>
      %mul3A_897 = arith.mulf %get3A_896, %convert_element_type3A_16 : vector<128x128xbf16>
      %get3A_898 = arith.constant 0 : index
      %get3A_899 = arith.index_cast %multiple_of3A : i32 to index
      %get3A_900 = vector.load %arg1[%get3A_898, %get3A_899] : memref<1x5120xf32, #tpu.memory_space<vmem>>, vector<1x128xf32>
      %while3A = arith.constant true
      %while3A_901:2 = scf.while (%while3A_929 = %get3A_900, %while3A_930 = %while3A) : (vector<1x128xf32>, i1) -> (vector<1x128xf32>, i1) {
        scf.condition(%while3A_930) %while3A_929, %while3A_930 : vector<1x128xf32>, i1
      } do {
      ^bb0(%while3A_929: vector<1x128xf32>, %while3A_930: i1):
        %convert_element_type3A_931 = arith.truncf %while3A_929 : vector<1x128xf32> to vector<1x128xbf16>
        %dot_general3A_932 = arith.constant dense<0.000000e+00> : vector<1x128xf32>
        %dot_general3A_933 = tpu.matmul %convert_element_type3A_931, %mul3A_897, %dot_general3A_932 {dimension_numbers = #tpu.dot_dimension_numbers<[1], [0], [0], [1], [0, 0, 1, 1], [], []>, transpose_lhs_hint = false} : vector<1x128xbf16>, vector<128x128xbf16>, vector<1x128xf32> -> vector<1x128xf32>
        %eq3A_934 = arith.constant 0.000000e+00 : f32
        %eq3A_935 = vector.broadcast %eq3A_934 : f32 to vector<1x128xf32>
        %eq3A_936 = arith.cmpf oeq, %dot_general3A_933, %eq3A_935 : vector<1x128xf32>
        %jit3A_937 = arith.constant 1.000000e+00 : f32
        %jit3A_938 = arith.constant 0.000000e+00 : f32
        %broadcast_in_dim3A_939 = vector.broadcast %jit3A_937 : f32 to vector<1x128xf32>
        %broadcast_in_dim3A_940 = vector.broadcast %jit3A_938 : f32 to vector<1x128xf32>
        %select_n3A_941 = arith.select %eq3A_936, %broadcast_in_dim3A_939, %broadcast_in_dim3A_940 : vector<1x128xi1>, vector<1x128xf32>
        %mul3A_942 = arith.mulf %get3A_900, %select_n3A_941 : vector<1x128xf32>
        %sub3A_943 = arith.subf %mul3A_942, %while3A_929 : vector<1x128xf32>
        %abs3A = math.absf %sub3A_943 : vector<1x128xf32>
        %reduce_sum3A = vector.shape_cast %abs3A : vector<1x128xf32> to vector<1x1x128xf32>
        %reduce_sum3A_944 = arith.constant dense<0.000000e+00> : vector<1xf32>
        %reduce_sum3A_945 = vector.multi_reduction <add>, %reduce_sum3A, %reduce_sum3A_944 [1, 2] : vector<1x1x128xf32> to vector<1xf32>
        %reduce_sum3A_946 = vector.shape_cast %reduce_sum3A_945 : vector<1xf32> to vector<1x1x1xf32>
        %reduce_sum3A_947 = vector.extract %reduce_sum3A_946[0, 0, 0] : f32 from vector<1x1x1xf32>
        %gt3A_948 = arith.constant 0.000000e+00 : f32
        %gt3A_949 = arith.cmpf ogt, %reduce_sum3A_947, %gt3A_948 : f32
        scf.yield %mul3A_942, %gt3A_949 : vector<1x128xf32>, i1
      }
      %convert_element_type3A_902 = arith.truncf %while3A_901#0 : vector<1x128xf32> to vector<1x128xbf16>
      %get3A_903 = arith.constant 0 : index
      %get3A_904 = arith.constant 0 : index
      %get3A_905 = vector.load %arg2[%get3A_903, %get3A_904] : memref<128x5120xbf16, #tpu.memory_space<vmem>>, vector<128x3584xbf16>
      %dot_general3A_906 = arith.constant dense<0.000000e+00> : vector<1x3584xf32>
      %dot_general3A_907 = tpu.matmul %convert_element_type3A_902, %get3A_905, %dot_general3A_906 {dimension_numbers = #tpu.dot_dimension_numbers<[1], [0], [0], [1], [0, 0, 1, 1], [], []>, transpose_lhs_hint = false} : vector<1x128xbf16>, vector<128x3584xbf16>, vector<1x3584xf32> -> vector<1x3584xf32>
      %eq3A_908 = arith.constant 0.000000e+00 : f32
      %eq3A_909 = vector.broadcast %eq3A_908 : f32 to vector<1x3584xf32>
      %eq3A_910 = arith.cmpf oeq, %dot_general3A_907, %eq3A_909 : vector<1x3584xf32>
      %add3A_911 = arith.constant 128 : i32
      %add3A_912 = arith.addi %multiple_of3A, %add3A_911 : i32
      %lt3A = vector.broadcast %add3A_912 : i32 to vector<1x3584xi32>
      %lt3A_913 = arith.cmpi slt, %add3A_287, %lt3A : vector<1x3584xi32>
      %or3A = arith.ori %eq3A_910, %lt3A_913 : vector<1x3584xi1>
      %get3A_914 = arith.constant 0 : index
      %get3A_915 = arith.constant 1536 : index
      %get3A_916 = vector.load %arg1[%get3A_914, %get3A_915] : memref<1x5120xf32, #tpu.memory_space<vmem>>, vector<1x3584xf32>
      %jit3A_917 = arith.constant 1.000000e+00 : f32
      %jit3A_918 = arith.constant 0.000000e+00 : f32
      %broadcast_in_dim3A_919 = vector.broadcast %jit3A_917 : f32 to vector<1x3584xf32>
      %broadcast_in_dim3A_920 = vector.broadcast %jit3A_918 : f32 to vector<1x3584xf32>
      %select_n3A_921 = arith.select %or3A, %broadcast_in_dim3A_919, %broadcast_in_dim3A_920 : vector<1x3584xi1>, vector<1x3584xf32>
      %mul3A_922 = arith.mulf %get3A_916, %select_n3A_921 : vector<1x3584xf32>
      %swap3A_923 = arith.constant 0 : index
      %swap3A_924 = arith.constant 1536 : index
      %swap3A_925 = vector.load %arg1[%swap3A_923, %swap3A_924] : memref<1x5120xf32, #tpu.memory_space<vmem>>, vector<1x3584xf32>
      tpu.vector_store %arg1[%swap3A_923, %swap3A_924], %mul3A_922 {strides = array<i32>} : memref<1x5120xf32, #tpu.memory_space<vmem>>, vector<1x3584xf32>,
      %swap3A_926 = arith.constant 0 : index
      %swap3A_927 = arith.index_cast %multiple_of3A : i32 to index
      %swap3A_928 = vector.load %arg1[%swap3A_926, %swap3A_927] : memref<1x5120xf32, #tpu.memory_space<vmem>>, vector<1x128xf32>
      tpu.vector_store %arg1[%swap3A_926, %swap3A_927], %while3A_901#0 {strides = array<i32>} : memref<1x5120xf32, #tpu.memory_space<vmem>>, vector<1x128xf32>,
    }
    %scan3A_292 = arith.constant 2 : i32
    %get3A_293 = arith.constant 0 : index
    %get3A_294 = arith.constant 1792 : index
    %get3A_295 = vector.load %arg3[%get3A_293, %get3A_294] : memref<16x5120xf32, #tpu.memory_space<vmem>>, vector<1x3328xf32>
    %get3A_296 = arith.constant 1 : index
    %get3A_297 = arith.constant 1792 : index
    %get3A_298 = vector.load %arg3[%get3A_296, %get3A_297] : memref<16x5120xf32, #tpu.memory_space<vmem>>, vector<1x3328xf32>
    %get3A_299 = arith.constant 2 : index
    %get3A_300 = arith.constant 1792 : index
    %get3A_301 = vector.load %arg3[%get3A_299, %get3A_300] : memref<16x5120xf32, #tpu.memory_space<vmem>>, vector<1x3328xf32>
    %get3A_302 = arith.constant 3 : index
    %get3A_303 = arith.constant 1792 : index
    %get3A_304 = vector.load %arg3[%get3A_302, %get3A_303] : memref<16x5120xf32, #tpu.memory_space<vmem>>, vector<1x3328xf32>
    %get3A_305 = arith.constant 4 : index
    %get3A_306 = arith.constant 1792 : index
    %get3A_307 = vector.load %arg3[%get3A_305, %get3A_306] : memref<16x5120xf32, #tpu.memory_space<vmem>>, vector<1x3328xf32>
    %get3A_308 = arith.constant 5 : index
    %get3A_309 = arith.constant 1792 : index
    %get3A_310 = vector.load %arg3[%get3A_308, %get3A_309] : memref<16x5120xf32, #tpu.memory_space<vmem>>, vector<1x3328xf32>
    %get3A_311 = arith.constant 6 : index
    %get3A_312 = arith.constant 1792 : index
    %get3A_313 = vector.load %arg3[%get3A_311, %get3A_312] : memref<16x5120xf32, #tpu.memory_space<vmem>>, vector<1x3328xf32>
    %get3A_314 = arith.constant 7 : index
    %get3A_315 = arith.constant 1792 : index
    %get3A_316 = vector.load %arg3[%get3A_314, %get3A_315] : memref<16x5120xf32, #tpu.memory_space<vmem>>, vector<1x3328xf32>
    %sub3A_317 = arith.subf %get3A_307, %get3A_295 : vector<1x3328xf32>
    %sub3A_318 = arith.subf %get3A_310, %get3A_298 : vector<1x3328xf32>
    %mul3A_319 = arith.mulf %sub3A_317, %sub3A_318 : vector<1x3328xf32>
    %sub3A_320 = arith.subf %get3A_313, %get3A_301 : vector<1x3328xf32>
    %mul3A_321 = arith.mulf %mul3A_319, %sub3A_320 : vector<1x3328xf32>
    %sub3A_322 = arith.subf %get3A_316, %get3A_304 : vector<1x3328xf32>
    %mul3A_323 = arith.mulf %mul3A_321, %sub3A_322 : vector<1x3328xf32>
    %iota3A_324 = tpu.iota {dimensions = array<i32: 1>} : vector<1x3328xi32>
    %add3A_325 = arith.constant 1792 : i32
    %add3A_326 = vector.broadcast %add3A_325 : i32 to vector<1x3328xi32>
    %add3A_327 = arith.addi %iota3A_324, %add3A_326 : vector<1x3328xi32>
    %scan3A_328 = arith.constant 14 : i32
    %scan3A_329 = arith.constant 2 : i32
    %scan3A_330 = arith.addi %scan3A_328, %scan3A_329 : i32
    %scan3A_331 = arith.constant 1 : i32
    scf.for %scan3A_813 = %scan3A_328 to %scan3A_330 step %scan3A_331  : i32 {
      %mul3A_814 = arith.constant 128 : i32
      %mul3A_815 = arith.muli %scan3A_813, %mul3A_814 : i32
      %multiple_of3A = tpu.assume_multiple %mul3A_815, 128 : i32
      %sub3A_816 = arith.constant 1792 : i32
      %sub3A_817 = arith.subi %multiple_of3A, %sub3A_816 : i32
      %multiple_of3A_818 = tpu.assume_multiple %sub3A_817, 128 : i32
      %get3A_819 = arith.index_cast %multiple_of3A : i32 to index
      %get3A_820 = arith.constant 0 : index
      %get3A_821 = vector.load %arg0[%get3A_819, %get3A_820] : memref<5120x16xf32, #tpu.memory_space<vmem>>, vector<128x16xf32>
      %slice3A = vector.extract_strided_slice %get3A_821 {offsets = [0, 0], sizes = [128, 1], strides = [1, 1]} : vector<128x16xf32> to vector<128x1xf32>
      %slice3A_822 = vector.extract_strided_slice %get3A_821 {offsets = [0, 1], sizes = [128, 1], strides = [1, 1]} : vector<128x16xf32> to vector<128x1xf32>
      %slice3A_823 = vector.extract_strided_slice %get3A_821 {offsets = [0, 2], sizes = [128, 1], strides = [1, 1]} : vector<128x16xf32> to vector<128x1xf32>
      %slice3A_824 = vector.extract_strided_slice %get3A_821 {offsets = [0, 3], sizes = [128, 1], strides = [1, 1]} : vector<128x16xf32> to vector<128x1xf32>
      %slice3A_825 = vector.extract_strided_slice %get3A_821 {offsets = [0, 4], sizes = [128, 1], strides = [1, 1]} : vector<128x16xf32> to vector<128x1xf32>
      %slice3A_826 = vector.extract_strided_slice %get3A_821 {offsets = [0, 5], sizes = [128, 1], strides = [1, 1]} : vector<128x16xf32> to vector<128x1xf32>
      %slice3A_827 = vector.extract_strided_slice %get3A_821 {offsets = [0, 6], sizes = [128, 1], strides = [1, 1]} : vector<128x16xf32> to vector<128x1xf32>
      %slice3A_828 = vector.extract_strided_slice %get3A_821 {offsets = [0, 7], sizes = [128, 1], strides = [1, 1]} : vector<128x16xf32> to vector<128x1xf32>
      %sub3A_829 = arith.subf %slice3A_825, %slice3A : vector<128x1xf32>
      %sub3A_830 = arith.subf %slice3A_826, %slice3A_822 : vector<128x1xf32>
      %mul3A_831 = arith.mulf %sub3A_829, %sub3A_830 : vector<128x1xf32>
      %sub3A_832 = arith.subf %slice3A_827, %slice3A_823 : vector<128x1xf32>
      %mul3A_833 = arith.mulf %mul3A_831, %sub3A_832 : vector<128x1xf32>
      %sub3A_834 = arith.subf %slice3A_828, %slice3A_824 : vector<128x1xf32>
      %mul3A_835 = arith.mulf %mul3A_833, %sub3A_834 : vector<128x1xf32>
      %min3A = vector.broadcast %slice3A_825 : vector<128x1xf32> to vector<128x3328xf32>
      %min3A_836 = vector.broadcast %get3A_307 : vector<1x3328xf32> to vector<128x3328xf32>
      %min3A_837 = arith.minimumf %min3A, %min3A_836 : vector<128x3328xf32>
      %max3A = vector.broadcast %slice3A : vector<128x1xf32> to vector<128x3328xf32>
      %max3A_838 = vector.broadcast %get3A_295 : vector<1x3328xf32> to vector<128x3328xf32>
      %max3A_839 = arith.maximumf %max3A, %max3A_838 : vector<128x3328xf32>
      %sub3A_840 = arith.subf %min3A_837, %max3A_839 : vector<128x3328xf32>
      %jit3A = arith.constant 0.000000e+00 : f32
      %max3A_841 = vector.broadcast %jit3A : f32 to vector<128x3328xf32>
      %max3A_842 = arith.maximumf %max3A_841, %sub3A_840 : vector<128x3328xf32>
      %min3A_843 = vector.broadcast %slice3A_826 : vector<128x1xf32> to vector<128x3328xf32>
      %min3A_844 = vector.broadcast %get3A_310 : vector<1x3328xf32> to vector<128x3328xf32>
      %min3A_845 = arith.minimumf %min3A_843, %min3A_844 : vector<128x3328xf32>
      %max3A_846 = vector.broadcast %slice3A_822 : vector<128x1xf32> to vector<128x3328xf32>
      %max3A_847 = vector.broadcast %get3A_298 : vector<1x3328xf32> to vector<128x3328xf32>
      %max3A_848 = arith.maximumf %max3A_846, %max3A_847 : vector<128x3328xf32>
      %sub3A_849 = arith.subf %min3A_845, %max3A_848 : vector<128x3328xf32>
      %jit3A_850 = arith.constant 0.000000e+00 : f32
      %max3A_851 = vector.broadcast %jit3A_850 : f32 to vector<128x3328xf32>
      %max3A_852 = arith.maximumf %max3A_851, %sub3A_849 : vector<128x3328xf32>
      %mul3A_853 = arith.mulf %max3A_842, %max3A_852 : vector<128x3328xf32>
      %min3A_854 = vector.broadcast %slice3A_827 : vector<128x1xf32> to vector<128x3328xf32>
      %min3A_855 = vector.broadcast %get3A_313 : vector<1x3328xf32> to vector<128x3328xf32>
      %min3A_856 = arith.minimumf %min3A_854, %min3A_855 : vector<128x3328xf32>
      %max3A_857 = vector.broadcast %slice3A_823 : vector<128x1xf32> to vector<128x3328xf32>
      %max3A_858 = vector.broadcast %get3A_301 : vector<1x3328xf32> to vector<128x3328xf32>
      %max3A_859 = arith.maximumf %max3A_857, %max3A_858 : vector<128x3328xf32>
      %sub3A_860 = arith.subf %min3A_856, %max3A_859 : vector<128x3328xf32>
      %jit3A_861 = arith.constant 0.000000e+00 : f32
      %max3A_862 = vector.broadcast %jit3A_861 : f32 to vector<128x3328xf32>
      %max3A_863 = arith.maximumf %max3A_862, %sub3A_860 : vector<128x3328xf32>
      %mul3A_864 = arith.mulf %mul3A_853, %max3A_863 : vector<128x3328xf32>
      %min3A_865 = vector.broadcast %slice3A_828 : vector<128x1xf32> to vector<128x3328xf32>
      %min3A_866 = vector.broadcast %get3A_316 : vector<1x3328xf32> to vector<128x3328xf32>
      %min3A_867 = arith.minimumf %min3A_865, %min3A_866 : vector<128x3328xf32>
      %max3A_868 = vector.broadcast %slice3A_824 : vector<128x1xf32> to vector<128x3328xf32>
      %max3A_869 = vector.broadcast %get3A_304 : vector<1x3328xf32> to vector<128x3328xf32>
      %max3A_870 = arith.maximumf %max3A_868, %max3A_869 : vector<128x3328xf32>
      %sub3A_871 = arith.subf %min3A_867, %max3A_870 : vector<128x3328xf32>
      %jit3A_872 = arith.constant 0.000000e+00 : f32
      %max3A_873 = vector.broadcast %jit3A_872 : f32 to vector<128x3328xf32>
      %max3A_874 = arith.maximumf %max3A_873, %sub3A_871 : vector<128x3328xf32>
      %mul3A_875 = arith.mulf %mul3A_864, %max3A_874 : vector<128x3328xf32>
      %add3A_876 = vector.broadcast %mul3A_835 : vector<128x1xf32> to vector<128x3328xf32>
      %add3A_877 = vector.broadcast %mul3A_323 : vector<1x3328xf32> to vector<128x3328xf32>
      %add3A_878 = arith.addf %add3A_876, %add3A_877 : vector<128x3328xf32>
      %sub3A_879 = arith.subf %add3A_878, %mul3A_875 : vector<128x3328xf32>
      %add3A_880 = arith.constant 9.99999997E-7 : f32
      %add3A_881 = vector.broadcast %add3A_880 : f32 to vector<128x3328xf32>
      %add3A_882 = arith.addf %sub3A_879, %add3A_881 : vector<128x3328xf32>
      %div3A = arith.divf %mul3A_875, %add3A_882 : vector<128x3328xf32>
      %gt3A_883 = arith.constant 5.000000e-01 : f32
      %gt3A_884 = vector.broadcast %gt3A_883 : f32 to vector<128x3328xf32>
      %gt3A_885 = arith.cmpf ogt, %div3A, %gt3A_884 : vector<128x3328xf32>
      %jit3A_886 = arith.constant 1.000000e+00 : f32
      %jit3A_887 = arith.constant 0.000000e+00 : f32
      %broadcast_in_dim3A_888 = vector.broadcast %jit3A_886 : f32 to vector<128x3328xf32>
      %broadcast_in_dim3A_889 = vector.broadcast %jit3A_887 : f32 to vector<128x3328xf32>
      %select_n3A = arith.select %gt3A_885, %broadcast_in_dim3A_888, %broadcast_in_dim3A_889 : vector<128x3328xi1>, vector<128x3328xf32>
      %convert_element_type3A_890 = arith.truncf %select_n3A : vector<128x3328xf32> to vector<128x3328xbf16>
      %swap3A_891 = arith.constant 0 : index
      %swap3A_892 = arith.constant 0 : index
      %swap3A_893 = vector.load %arg2[%swap3A_891, %swap3A_892] : memref<128x5120xbf16, #tpu.memory_space<vmem>>, vector<128x3328xbf16>
      tpu.vector_store %arg2[%swap3A_891, %swap3A_892], %convert_element_type3A_890 {strides = array<i32>} : memref<128x5120xbf16, #tpu.memory_space<vmem>>, vector<128x3328xbf16>,
      %get3A_894 = arith.constant 0 : index
      %get3A_895 = arith.index_cast %multiple_of3A_818 : i32 to index
      %get3A_896 = vector.load %arg2[%get3A_894, %get3A_895] : memref<128x5120xbf16, #tpu.memory_space<vmem>>, vector<128x128xbf16>
      %mul3A_897 = arith.mulf %get3A_896, %convert_element_type3A_16 : vector<128x128xbf16>
      %get3A_898 = arith.constant 0 : index
      %get3A_899 = arith.index_cast %multiple_of3A : i32 to index
      %get3A_900 = vector.load %arg1[%get3A_898, %get3A_899] : memref<1x5120xf32, #tpu.memory_space<vmem>>, vector<1x128xf32>
      %while3A = arith.constant true
      %while3A_901:2 = scf.while (%while3A_929 = %get3A_900, %while3A_930 = %while3A) : (vector<1x128xf32>, i1) -> (vector<1x128xf32>, i1) {
        scf.condition(%while3A_930) %while3A_929, %while3A_930 : vector<1x128xf32>, i1
      } do {
      ^bb0(%while3A_929: vector<1x128xf32>, %while3A_930: i1):
        %convert_element_type3A_931 = arith.truncf %while3A_929 : vector<1x128xf32> to vector<1x128xbf16>
        %dot_general3A_932 = arith.constant dense<0.000000e+00> : vector<1x128xf32>
        %dot_general3A_933 = tpu.matmul %convert_element_type3A_931, %mul3A_897, %dot_general3A_932 {dimension_numbers = #tpu.dot_dimension_numbers<[1], [0], [0], [1], [0, 0, 1, 1], [], []>, transpose_lhs_hint = false} : vector<1x128xbf16>, vector<128x128xbf16>, vector<1x128xf32> -> vector<1x128xf32>
        %eq3A_934 = arith.constant 0.000000e+00 : f32
        %eq3A_935 = vector.broadcast %eq3A_934 : f32 to vector<1x128xf32>
        %eq3A_936 = arith.cmpf oeq, %dot_general3A_933, %eq3A_935 : vector<1x128xf32>
        %jit3A_937 = arith.constant 1.000000e+00 : f32
        %jit3A_938 = arith.constant 0.000000e+00 : f32
        %broadcast_in_dim3A_939 = vector.broadcast %jit3A_937 : f32 to vector<1x128xf32>
        %broadcast_in_dim3A_940 = vector.broadcast %jit3A_938 : f32 to vector<1x128xf32>
        %select_n3A_941 = arith.select %eq3A_936, %broadcast_in_dim3A_939, %broadcast_in_dim3A_940 : vector<1x128xi1>, vector<1x128xf32>
        %mul3A_942 = arith.mulf %get3A_900, %select_n3A_941 : vector<1x128xf32>
        %sub3A_943 = arith.subf %mul3A_942, %while3A_929 : vector<1x128xf32>
        %abs3A = math.absf %sub3A_943 : vector<1x128xf32>
        %reduce_sum3A = vector.shape_cast %abs3A : vector<1x128xf32> to vector<1x1x128xf32>
        %reduce_sum3A_944 = arith.constant dense<0.000000e+00> : vector<1xf32>
        %reduce_sum3A_945 = vector.multi_reduction <add>, %reduce_sum3A, %reduce_sum3A_944 [1, 2] : vector<1x1x128xf32> to vector<1xf32>
        %reduce_sum3A_946 = vector.shape_cast %reduce_sum3A_945 : vector<1xf32> to vector<1x1x1xf32>
        %reduce_sum3A_947 = vector.extract %reduce_sum3A_946[0, 0, 0] : f32 from vector<1x1x1xf32>
        %gt3A_948 = arith.constant 0.000000e+00 : f32
        %gt3A_949 = arith.cmpf ogt, %reduce_sum3A_947, %gt3A_948 : f32
        scf.yield %mul3A_942, %gt3A_949 : vector<1x128xf32>, i1
      }
      %convert_element_type3A_902 = arith.truncf %while3A_901#0 : vector<1x128xf32> to vector<1x128xbf16>
      %get3A_903 = arith.constant 0 : index
      %get3A_904 = arith.constant 0 : index
      %get3A_905 = vector.load %arg2[%get3A_903, %get3A_904] : memref<128x5120xbf16, #tpu.memory_space<vmem>>, vector<128x3328xbf16>
      %dot_general3A_906 = arith.constant dense<0.000000e+00> : vector<1x3328xf32>
      %dot_general3A_907 = tpu.matmul %convert_element_type3A_902, %get3A_905, %dot_general3A_906 {dimension_numbers = #tpu.dot_dimension_numbers<[1], [0], [0], [1], [0, 0, 1, 1], [], []>, transpose_lhs_hint = false} : vector<1x128xbf16>, vector<128x3328xbf16>, vector<1x3328xf32> -> vector<1x3328xf32>
      %eq3A_908 = arith.constant 0.000000e+00 : f32
      %eq3A_909 = vector.broadcast %eq3A_908 : f32 to vector<1x3328xf32>
      %eq3A_910 = arith.cmpf oeq, %dot_general3A_907, %eq3A_909 : vector<1x3328xf32>
      %add3A_911 = arith.constant 128 : i32
      %add3A_912 = arith.addi %multiple_of3A, %add3A_911 : i32
      %lt3A = vector.broadcast %add3A_912 : i32 to vector<1x3328xi32>
      %lt3A_913 = arith.cmpi slt, %add3A_327, %lt3A : vector<1x3328xi32>
      %or3A = arith.ori %eq3A_910, %lt3A_913 : vector<1x3328xi1>
      %get3A_914 = arith.constant 0 : index
      %get3A_915 = arith.constant 1792 : index
      %get3A_916 = vector.load %arg1[%get3A_914, %get3A_915] : memref<1x5120xf32, #tpu.memory_space<vmem>>, vector<1x3328xf32>
      %jit3A_917 = arith.constant 1.000000e+00 : f32
      %jit3A_918 = arith.constant 0.000000e+00 : f32
      %broadcast_in_dim3A_919 = vector.broadcast %jit3A_917 : f32 to vector<1x3328xf32>
      %broadcast_in_dim3A_920 = vector.broadcast %jit3A_918 : f32 to vector<1x3328xf32>
      %select_n3A_921 = arith.select %or3A, %broadcast_in_dim3A_919, %broadcast_in_dim3A_920 : vector<1x3328xi1>, vector<1x3328xf32>
      %mul3A_922 = arith.mulf %get3A_916, %select_n3A_921 : vector<1x3328xf32>
      %swap3A_923 = arith.constant 0 : index
      %swap3A_924 = arith.constant 1792 : index
      %swap3A_925 = vector.load %arg1[%swap3A_923, %swap3A_924] : memref<1x5120xf32, #tpu.memory_space<vmem>>, vector<1x3328xf32>
      tpu.vector_store %arg1[%swap3A_923, %swap3A_924], %mul3A_922 {strides = array<i32>} : memref<1x5120xf32, #tpu.memory_space<vmem>>, vector<1x3328xf32>,
      %swap3A_926 = arith.constant 0 : index
      %swap3A_927 = arith.index_cast %multiple_of3A : i32 to index
      %swap3A_928 = vector.load %arg1[%swap3A_926, %swap3A_927] : memref<1x5120xf32, #tpu.memory_space<vmem>>, vector<1x128xf32>
      tpu.vector_store %arg1[%swap3A_926, %swap3A_927], %while3A_901#0 {strides = array<i32>} : memref<1x5120xf32, #tpu.memory_space<vmem>>, vector<1x128xf32>,
    }
    %scan3A_332 = arith.constant 2 : i32
    %get3A_333 = arith.constant 0 : index
    %get3A_334 = arith.constant 2048 : index
    %get3A_335 = vector.load %arg3[%get3A_333, %get3A_334] : memref<16x5120xf32, #tpu.memory_space<vmem>>, vector<1x3072xf32>
    %get3A_336 = arith.constant 1 : index
    %get3A_337 = arith.constant 2048 : index
    %get3A_338 = vector.load %arg3[%get3A_336, %get3A_337] : memref<16x5120xf32, #tpu.memory_space<vmem>>, vector<1x3072xf32>
    %get3A_339 = arith.constant 2 : index
    %get3A_340 = arith.constant 2048 : index
    %get3A_341 = vector.load %arg3[%get3A_339, %get3A_340] : memref<16x5120xf32, #tpu.memory_space<vmem>>, vector<1x3072xf32>
    %get3A_342 = arith.constant 3 : index
    %get3A_343 = arith.constant 2048 : index
    %get3A_344 = vector.load %arg3[%get3A_342, %get3A_343] : memref<16x5120xf32, #tpu.memory_space<vmem>>, vector<1x3072xf32>
    %get3A_345 = arith.constant 4 : index
    %get3A_346 = arith.constant 2048 : index
    %get3A_347 = vector.load %arg3[%get3A_345, %get3A_346] : memref<16x5120xf32, #tpu.memory_space<vmem>>, vector<1x3072xf32>
    %get3A_348 = arith.constant 5 : index
    %get3A_349 = arith.constant 2048 : index
    %get3A_350 = vector.load %arg3[%get3A_348, %get3A_349] : memref<16x5120xf32, #tpu.memory_space<vmem>>, vector<1x3072xf32>
    %get3A_351 = arith.constant 6 : index
    %get3A_352 = arith.constant 2048 : index
    %get3A_353 = vector.load %arg3[%get3A_351, %get3A_352] : memref<16x5120xf32, #tpu.memory_space<vmem>>, vector<1x3072xf32>
    %get3A_354 = arith.constant 7 : index
    %get3A_355 = arith.constant 2048 : index
    %get3A_356 = vector.load %arg3[%get3A_354, %get3A_355] : memref<16x5120xf32, #tpu.memory_space<vmem>>, vector<1x3072xf32>
    %sub3A_357 = arith.subf %get3A_347, %get3A_335 : vector<1x3072xf32>
    %sub3A_358 = arith.subf %get3A_350, %get3A_338 : vector<1x3072xf32>
    %mul3A_359 = arith.mulf %sub3A_357, %sub3A_358 : vector<1x3072xf32>
    %sub3A_360 = arith.subf %get3A_353, %get3A_341 : vector<1x3072xf32>
    %mul3A_361 = arith.mulf %mul3A_359, %sub3A_360 : vector<1x3072xf32>
    %sub3A_362 = arith.subf %get3A_356, %get3A_344 : vector<1x3072xf32>
    %mul3A_363 = arith.mulf %mul3A_361, %sub3A_362 : vector<1x3072xf32>
    %iota3A_364 = tpu.iota {dimensions = array<i32: 1>} : vector<1x3072xi32>
    %add3A_365 = arith.constant 2048 : i32
    %add3A_366 = vector.broadcast %add3A_365 : i32 to vector<1x3072xi32>
    %add3A_367 = arith.addi %iota3A_364, %add3A_366 : vector<1x3072xi32>
    %scan3A_368 = arith.constant 16 : i32
    %scan3A_369 = arith.constant 2 : i32
    %scan3A_370 = arith.addi %scan3A_368, %scan3A_369 : i32
    %scan3A_371 = arith.constant 1 : i32
    scf.for %scan3A_813 = %scan3A_368 to %scan3A_370 step %scan3A_371  : i32 {
      %mul3A_814 = arith.constant 128 : i32
      %mul3A_815 = arith.muli %scan3A_813, %mul3A_814 : i32
      %multiple_of3A = tpu.assume_multiple %mul3A_815, 128 : i32
      %sub3A_816 = arith.constant 2048 : i32
      %sub3A_817 = arith.subi %multiple_of3A, %sub3A_816 : i32
      %multiple_of3A_818 = tpu.assume_multiple %sub3A_817, 128 : i32
      %get3A_819 = arith.index_cast %multiple_of3A : i32 to index
      %get3A_820 = arith.constant 0 : index
      %get3A_821 = vector.load %arg0[%get3A_819, %get3A_820] : memref<5120x16xf32, #tpu.memory_space<vmem>>, vector<128x16xf32>
      %slice3A = vector.extract_strided_slice %get3A_821 {offsets = [0, 0], sizes = [128, 1], strides = [1, 1]} : vector<128x16xf32> to vector<128x1xf32>
      %slice3A_822 = vector.extract_strided_slice %get3A_821 {offsets = [0, 1], sizes = [128, 1], strides = [1, 1]} : vector<128x16xf32> to vector<128x1xf32>
      %slice3A_823 = vector.extract_strided_slice %get3A_821 {offsets = [0, 2], sizes = [128, 1], strides = [1, 1]} : vector<128x16xf32> to vector<128x1xf32>
      %slice3A_824 = vector.extract_strided_slice %get3A_821 {offsets = [0, 3], sizes = [128, 1], strides = [1, 1]} : vector<128x16xf32> to vector<128x1xf32>
      %slice3A_825 = vector.extract_strided_slice %get3A_821 {offsets = [0, 4], sizes = [128, 1], strides = [1, 1]} : vector<128x16xf32> to vector<128x1xf32>
      %slice3A_826 = vector.extract_strided_slice %get3A_821 {offsets = [0, 5], sizes = [128, 1], strides = [1, 1]} : vector<128x16xf32> to vector<128x1xf32>
      %slice3A_827 = vector.extract_strided_slice %get3A_821 {offsets = [0, 6], sizes = [128, 1], strides = [1, 1]} : vector<128x16xf32> to vector<128x1xf32>
      %slice3A_828 = vector.extract_strided_slice %get3A_821 {offsets = [0, 7], sizes = [128, 1], strides = [1, 1]} : vector<128x16xf32> to vector<128x1xf32>
      %sub3A_829 = arith.subf %slice3A_825, %slice3A : vector<128x1xf32>
      %sub3A_830 = arith.subf %slice3A_826, %slice3A_822 : vector<128x1xf32>
      %mul3A_831 = arith.mulf %sub3A_829, %sub3A_830 : vector<128x1xf32>
      %sub3A_832 = arith.subf %slice3A_827, %slice3A_823 : vector<128x1xf32>
      %mul3A_833 = arith.mulf %mul3A_831, %sub3A_832 : vector<128x1xf32>
      %sub3A_834 = arith.subf %slice3A_828, %slice3A_824 : vector<128x1xf32>
      %mul3A_835 = arith.mulf %mul3A_833, %sub3A_834 : vector<128x1xf32>
      %min3A = vector.broadcast %slice3A_825 : vector<128x1xf32> to vector<128x3072xf32>
      %min3A_836 = vector.broadcast %get3A_347 : vector<1x3072xf32> to vector<128x3072xf32>
      %min3A_837 = arith.minimumf %min3A, %min3A_836 : vector<128x3072xf32>
      %max3A = vector.broadcast %slice3A : vector<128x1xf32> to vector<128x3072xf32>
      %max3A_838 = vector.broadcast %get3A_335 : vector<1x3072xf32> to vector<128x3072xf32>
      %max3A_839 = arith.maximumf %max3A, %max3A_838 : vector<128x3072xf32>
      %sub3A_840 = arith.subf %min3A_837, %max3A_839 : vector<128x3072xf32>
      %jit3A = arith.constant 0.000000e+00 : f32
      %max3A_841 = vector.broadcast %jit3A : f32 to vector<128x3072xf32>
      %max3A_842 = arith.maximumf %max3A_841, %sub3A_840 : vector<128x3072xf32>
      %min3A_843 = vector.broadcast %slice3A_826 : vector<128x1xf32> to vector<128x3072xf32>
      %min3A_844 = vector.broadcast %get3A_350 : vector<1x3072xf32> to vector<128x3072xf32>
      %min3A_845 = arith.minimumf %min3A_843, %min3A_844 : vector<128x3072xf32>
      %max3A_846 = vector.broadcast %slice3A_822 : vector<128x1xf32> to vector<128x3072xf32>
      %max3A_847 = vector.broadcast %get3A_338 : vector<1x3072xf32> to vector<128x3072xf32>
      %max3A_848 = arith.maximumf %max3A_846, %max3A_847 : vector<128x3072xf32>
      %sub3A_849 = arith.subf %min3A_845, %max3A_848 : vector<128x3072xf32>
      %jit3A_850 = arith.constant 0.000000e+00 : f32
      %max3A_851 = vector.broadcast %jit3A_850 : f32 to vector<128x3072xf32>
      %max3A_852 = arith.maximumf %max3A_851, %sub3A_849 : vector<128x3072xf32>
      %mul3A_853 = arith.mulf %max3A_842, %max3A_852 : vector<128x3072xf32>
      %min3A_854 = vector.broadcast %slice3A_827 : vector<128x1xf32> to vector<128x3072xf32>
      %min3A_855 = vector.broadcast %get3A_353 : vector<1x3072xf32> to vector<128x3072xf32>
      %min3A_856 = arith.minimumf %min3A_854, %min3A_855 : vector<128x3072xf32>
      %max3A_857 = vector.broadcast %slice3A_823 : vector<128x1xf32> to vector<128x3072xf32>
      %max3A_858 = vector.broadcast %get3A_341 : vector<1x3072xf32> to vector<128x3072xf32>
      %max3A_859 = arith.maximumf %max3A_857, %max3A_858 : vector<128x3072xf32>
      %sub3A_860 = arith.subf %min3A_856, %max3A_859 : vector<128x3072xf32>
      %jit3A_861 = arith.constant 0.000000e+00 : f32
      %max3A_862 = vector.broadcast %jit3A_861 : f32 to vector<128x3072xf32>
      %max3A_863 = arith.maximumf %max3A_862, %sub3A_860 : vector<128x3072xf32>
      %mul3A_864 = arith.mulf %mul3A_853, %max3A_863 : vector<128x3072xf32>
      %min3A_865 = vector.broadcast %slice3A_828 : vector<128x1xf32> to vector<128x3072xf32>
      %min3A_866 = vector.broadcast %get3A_356 : vector<1x3072xf32> to vector<128x3072xf32>
      %min3A_867 = arith.minimumf %min3A_865, %min3A_866 : vector<128x3072xf32>
      %max3A_868 = vector.broadcast %slice3A_824 : vector<128x1xf32> to vector<128x3072xf32>
      %max3A_869 = vector.broadcast %get3A_344 : vector<1x3072xf32> to vector<128x3072xf32>
      %max3A_870 = arith.maximumf %max3A_868, %max3A_869 : vector<128x3072xf32>
      %sub3A_871 = arith.subf %min3A_867, %max3A_870 : vector<128x3072xf32>
      %jit3A_872 = arith.constant 0.000000e+00 : f32
      %max3A_873 = vector.broadcast %jit3A_872 : f32 to vector<128x3072xf32>
      %max3A_874 = arith.maximumf %max3A_873, %sub3A_871 : vector<128x3072xf32>
      %mul3A_875 = arith.mulf %mul3A_864, %max3A_874 : vector<128x3072xf32>
      %add3A_876 = vector.broadcast %mul3A_835 : vector<128x1xf32> to vector<128x3072xf32>
      %add3A_877 = vector.broadcast %mul3A_363 : vector<1x3072xf32> to vector<128x3072xf32>
      %add3A_878 = arith.addf %add3A_876, %add3A_877 : vector<128x3072xf32>
      %sub3A_879 = arith.subf %add3A_878, %mul3A_875 : vector<128x3072xf32>
      %add3A_880 = arith.constant 9.99999997E-7 : f32
      %add3A_881 = vector.broadcast %add3A_880 : f32 to vector<128x3072xf32>
      %add3A_882 = arith.addf %sub3A_879, %add3A_881 : vector<128x3072xf32>
      %div3A = arith.divf %mul3A_875, %add3A_882 : vector<128x3072xf32>
      %gt3A_883 = arith.constant 5.000000e-01 : f32
      %gt3A_884 = vector.broadcast %gt3A_883 : f32 to vector<128x3072xf32>
      %gt3A_885 = arith.cmpf ogt, %div3A, %gt3A_884 : vector<128x3072xf32>
      %jit3A_886 = arith.constant 1.000000e+00 : f32
      %jit3A_887 = arith.constant 0.000000e+00 : f32
      %broadcast_in_dim3A_888 = vector.broadcast %jit3A_886 : f32 to vector<128x3072xf32>
      %broadcast_in_dim3A_889 = vector.broadcast %jit3A_887 : f32 to vector<128x3072xf32>
      %select_n3A = arith.select %gt3A_885, %broadcast_in_dim3A_888, %broadcast_in_dim3A_889 : vector<128x3072xi1>, vector<128x3072xf32>
      %convert_element_type3A_890 = arith.truncf %select_n3A : vector<128x3072xf32> to vector<128x3072xbf16>
      %swap3A_891 = arith.constant 0 : index
      %swap3A_892 = arith.constant 0 : index
      %swap3A_893 = vector.load %arg2[%swap3A_891, %swap3A_892] : memref<128x5120xbf16, #tpu.memory_space<vmem>>, vector<128x3072xbf16>
      tpu.vector_store %arg2[%swap3A_891, %swap3A_892], %convert_element_type3A_890 {strides = array<i32>} : memref<128x5120xbf16, #tpu.memory_space<vmem>>, vector<128x3072xbf16>,
      %get3A_894 = arith.constant 0 : index
      %get3A_895 = arith.index_cast %multiple_of3A_818 : i32 to index
      %get3A_896 = vector.load %arg2[%get3A_894, %get3A_895] : memref<128x5120xbf16, #tpu.memory_space<vmem>>, vector<128x128xbf16>
      %mul3A_897 = arith.mulf %get3A_896, %convert_element_type3A_16 : vector<128x128xbf16>
      %get3A_898 = arith.constant 0 : index
      %get3A_899 = arith.index_cast %multiple_of3A : i32 to index
      %get3A_900 = vector.load %arg1[%get3A_898, %get3A_899] : memref<1x5120xf32, #tpu.memory_space<vmem>>, vector<1x128xf32>
      %while3A = arith.constant true
      %while3A_901:2 = scf.while (%while3A_929 = %get3A_900, %while3A_930 = %while3A) : (vector<1x128xf32>, i1) -> (vector<1x128xf32>, i1) {
        scf.condition(%while3A_930) %while3A_929, %while3A_930 : vector<1x128xf32>, i1
      } do {
      ^bb0(%while3A_929: vector<1x128xf32>, %while3A_930: i1):
        %convert_element_type3A_931 = arith.truncf %while3A_929 : vector<1x128xf32> to vector<1x128xbf16>
        %dot_general3A_932 = arith.constant dense<0.000000e+00> : vector<1x128xf32>
        %dot_general3A_933 = tpu.matmul %convert_element_type3A_931, %mul3A_897, %dot_general3A_932 {dimension_numbers = #tpu.dot_dimension_numbers<[1], [0], [0], [1], [0, 0, 1, 1], [], []>, transpose_lhs_hint = false} : vector<1x128xbf16>, vector<128x128xbf16>, vector<1x128xf32> -> vector<1x128xf32>
        %eq3A_934 = arith.constant 0.000000e+00 : f32
        %eq3A_935 = vector.broadcast %eq3A_934 : f32 to vector<1x128xf32>
        %eq3A_936 = arith.cmpf oeq, %dot_general3A_933, %eq3A_935 : vector<1x128xf32>
        %jit3A_937 = arith.constant 1.000000e+00 : f32
        %jit3A_938 = arith.constant 0.000000e+00 : f32
        %broadcast_in_dim3A_939 = vector.broadcast %jit3A_937 : f32 to vector<1x128xf32>
        %broadcast_in_dim3A_940 = vector.broadcast %jit3A_938 : f32 to vector<1x128xf32>
        %select_n3A_941 = arith.select %eq3A_936, %broadcast_in_dim3A_939, %broadcast_in_dim3A_940 : vector<1x128xi1>, vector<1x128xf32>
        %mul3A_942 = arith.mulf %get3A_900, %select_n3A_941 : vector<1x128xf32>
        %sub3A_943 = arith.subf %mul3A_942, %while3A_929 : vector<1x128xf32>
        %abs3A = math.absf %sub3A_943 : vector<1x128xf32>
        %reduce_sum3A = vector.shape_cast %abs3A : vector<1x128xf32> to vector<1x1x128xf32>
        %reduce_sum3A_944 = arith.constant dense<0.000000e+00> : vector<1xf32>
        %reduce_sum3A_945 = vector.multi_reduction <add>, %reduce_sum3A, %reduce_sum3A_944 [1, 2] : vector<1x1x128xf32> to vector<1xf32>
        %reduce_sum3A_946 = vector.shape_cast %reduce_sum3A_945 : vector<1xf32> to vector<1x1x1xf32>
        %reduce_sum3A_947 = vector.extract %reduce_sum3A_946[0, 0, 0] : f32 from vector<1x1x1xf32>
        %gt3A_948 = arith.constant 0.000000e+00 : f32
        %gt3A_949 = arith.cmpf ogt, %reduce_sum3A_947, %gt3A_948 : f32
        scf.yield %mul3A_942, %gt3A_949 : vector<1x128xf32>, i1
      }
      %convert_element_type3A_902 = arith.truncf %while3A_901#0 : vector<1x128xf32> to vector<1x128xbf16>
      %get3A_903 = arith.constant 0 : index
      %get3A_904 = arith.constant 0 : index
      %get3A_905 = vector.load %arg2[%get3A_903, %get3A_904] : memref<128x5120xbf16, #tpu.memory_space<vmem>>, vector<128x3072xbf16>
      %dot_general3A_906 = arith.constant dense<0.000000e+00> : vector<1x3072xf32>
      %dot_general3A_907 = tpu.matmul %convert_element_type3A_902, %get3A_905, %dot_general3A_906 {dimension_numbers = #tpu.dot_dimension_numbers<[1], [0], [0], [1], [0, 0, 1, 1], [], []>, transpose_lhs_hint = false} : vector<1x128xbf16>, vector<128x3072xbf16>, vector<1x3072xf32> -> vector<1x3072xf32>
      %eq3A_908 = arith.constant 0.000000e+00 : f32
      %eq3A_909 = vector.broadcast %eq3A_908 : f32 to vector<1x3072xf32>
      %eq3A_910 = arith.cmpf oeq, %dot_general3A_907, %eq3A_909 : vector<1x3072xf32>
      %add3A_911 = arith.constant 128 : i32
      %add3A_912 = arith.addi %multiple_of3A, %add3A_911 : i32
      %lt3A = vector.broadcast %add3A_912 : i32 to vector<1x3072xi32>
      %lt3A_913 = arith.cmpi slt, %add3A_367, %lt3A : vector<1x3072xi32>
      %or3A = arith.ori %eq3A_910, %lt3A_913 : vector<1x3072xi1>
      %get3A_914 = arith.constant 0 : index
      %get3A_915 = arith.constant 2048 : index
      %get3A_916 = vector.load %arg1[%get3A_914, %get3A_915] : memref<1x5120xf32, #tpu.memory_space<vmem>>, vector<1x3072xf32>
      %jit3A_917 = arith.constant 1.000000e+00 : f32
      %jit3A_918 = arith.constant 0.000000e+00 : f32
      %broadcast_in_dim3A_919 = vector.broadcast %jit3A_917 : f32 to vector<1x3072xf32>
      %broadcast_in_dim3A_920 = vector.broadcast %jit3A_918 : f32 to vector<1x3072xf32>
      %select_n3A_921 = arith.select %or3A, %broadcast_in_dim3A_919, %broadcast_in_dim3A_920 : vector<1x3072xi1>, vector<1x3072xf32>
      %mul3A_922 = arith.mulf %get3A_916, %select_n3A_921 : vector<1x3072xf32>
      %swap3A_923 = arith.constant 0 : index
      %swap3A_924 = arith.constant 2048 : index
      %swap3A_925 = vector.load %arg1[%swap3A_923, %swap3A_924] : memref<1x5120xf32, #tpu.memory_space<vmem>>, vector<1x3072xf32>
      tpu.vector_store %arg1[%swap3A_923, %swap3A_924], %mul3A_922 {strides = array<i32>} : memref<1x5120xf32, #tpu.memory_space<vmem>>, vector<1x3072xf32>,
      %swap3A_926 = arith.constant 0 : index
      %swap3A_927 = arith.index_cast %multiple_of3A : i32 to index
      %swap3A_928 = vector.load %arg1[%swap3A_926, %swap3A_927] : memref<1x5120xf32, #tpu.memory_space<vmem>>, vector<1x128xf32>
      tpu.vector_store %arg1[%swap3A_926, %swap3A_927], %while3A_901#0 {strides = array<i32>} : memref<1x5120xf32, #tpu.memory_space<vmem>>, vector<1x128xf32>,
    }
    %scan3A_372 = arith.constant 2 : i32
    %get3A_373 = arith.constant 0 : index
    %get3A_374 = arith.constant 2304 : index
    %get3A_375 = vector.load %arg3[%get3A_373, %get3A_374] : memref<16x5120xf32, #tpu.memory_space<vmem>>, vector<1x2816xf32>
    %get3A_376 = arith.constant 1 : index
    %get3A_377 = arith.constant 2304 : index
    %get3A_378 = vector.load %arg3[%get3A_376, %get3A_377] : memref<16x5120xf32, #tpu.memory_space<vmem>>, vector<1x2816xf32>
    %get3A_379 = arith.constant 2 : index
    %get3A_380 = arith.constant 2304 : index
    %get3A_381 = vector.load %arg3[%get3A_379, %get3A_380] : memref<16x5120xf32, #tpu.memory_space<vmem>>, vector<1x2816xf32>
    %get3A_382 = arith.constant 3 : index
    %get3A_383 = arith.constant 2304 : index
    %get3A_384 = vector.load %arg3[%get3A_382, %get3A_383] : memref<16x5120xf32, #tpu.memory_space<vmem>>, vector<1x2816xf32>
    %get3A_385 = arith.constant 4 : index
    %get3A_386 = arith.constant 2304 : index
    %get3A_387 = vector.load %arg3[%get3A_385, %get3A_386] : memref<16x5120xf32, #tpu.memory_space<vmem>>, vector<1x2816xf32>
    %get3A_388 = arith.constant 5 : index
    %get3A_389 = arith.constant 2304 : index
    %get3A_390 = vector.load %arg3[%get3A_388, %get3A_389] : memref<16x5120xf32, #tpu.memory_space<vmem>>, vector<1x2816xf32>
    %get3A_391 = arith.constant 6 : index
    %get3A_392 = arith.constant 2304 : index
    %get3A_393 = vector.load %arg3[%get3A_391, %get3A_392] : memref<16x5120xf32, #tpu.memory_space<vmem>>, vector<1x2816xf32>
    %get3A_394 = arith.constant 7 : index
    %get3A_395 = arith.constant 2304 : index
    %get3A_396 = vector.load %arg3[%get3A_394, %get3A_395] : memref<16x5120xf32, #tpu.memory_space<vmem>>, vector<1x2816xf32>
    %sub3A_397 = arith.subf %get3A_387, %get3A_375 : vector<1x2816xf32>
    %sub3A_398 = arith.subf %get3A_390, %get3A_378 : vector<1x2816xf32>
    %mul3A_399 = arith.mulf %sub3A_397, %sub3A_398 : vector<1x2816xf32>
    %sub3A_400 = arith.subf %get3A_393, %get3A_381 : vector<1x2816xf32>
    %mul3A_401 = arith.mulf %mul3A_399, %sub3A_400 : vector<1x2816xf32>
    %sub3A_402 = arith.subf %get3A_396, %get3A_384 : vector<1x2816xf32>
    %mul3A_403 = arith.mulf %mul3A_401, %sub3A_402 : vector<1x2816xf32>
    %iota3A_404 = tpu.iota {dimensions = array<i32: 1>} : vector<1x2816xi32>
    %add3A_405 = arith.constant 2304 : i32
    %add3A_406 = vector.broadcast %add3A_405 : i32 to vector<1x2816xi32>
    %add3A_407 = arith.addi %iota3A_404, %add3A_406 : vector<1x2816xi32>
    %scan3A_408 = arith.constant 18 : i32
    %scan3A_409 = arith.constant 2 : i32
    %scan3A_410 = arith.addi %scan3A_408, %scan3A_409 : i32
    %scan3A_411 = arith.constant 1 : i32
    scf.for %scan3A_813 = %scan3A_408 to %scan3A_410 step %scan3A_411  : i32 {
      %mul3A_814 = arith.constant 128 : i32
      %mul3A_815 = arith.muli %scan3A_813, %mul3A_814 : i32
      %multiple_of3A = tpu.assume_multiple %mul3A_815, 128 : i32
      %sub3A_816 = arith.constant 2304 : i32
      %sub3A_817 = arith.subi %multiple_of3A, %sub3A_816 : i32
      %multiple_of3A_818 = tpu.assume_multiple %sub3A_817, 128 : i32
      %get3A_819 = arith.index_cast %multiple_of3A : i32 to index
      %get3A_820 = arith.constant 0 : index
      %get3A_821 = vector.load %arg0[%get3A_819, %get3A_820] : memref<5120x16xf32, #tpu.memory_space<vmem>>, vector<128x16xf32>
      %slice3A = vector.extract_strided_slice %get3A_821 {offsets = [0, 0], sizes = [128, 1], strides = [1, 1]} : vector<128x16xf32> to vector<128x1xf32>
      %slice3A_822 = vector.extract_strided_slice %get3A_821 {offsets = [0, 1], sizes = [128, 1], strides = [1, 1]} : vector<128x16xf32> to vector<128x1xf32>
      %slice3A_823 = vector.extract_strided_slice %get3A_821 {offsets = [0, 2], sizes = [128, 1], strides = [1, 1]} : vector<128x16xf32> to vector<128x1xf32>
      %slice3A_824 = vector.extract_strided_slice %get3A_821 {offsets = [0, 3], sizes = [128, 1], strides = [1, 1]} : vector<128x16xf32> to vector<128x1xf32>
      %slice3A_825 = vector.extract_strided_slice %get3A_821 {offsets = [0, 4], sizes = [128, 1], strides = [1, 1]} : vector<128x16xf32> to vector<128x1xf32>
      %slice3A_826 = vector.extract_strided_slice %get3A_821 {offsets = [0, 5], sizes = [128, 1], strides = [1, 1]} : vector<128x16xf32> to vector<128x1xf32>
      %slice3A_827 = vector.extract_strided_slice %get3A_821 {offsets = [0, 6], sizes = [128, 1], strides = [1, 1]} : vector<128x16xf32> to vector<128x1xf32>
      %slice3A_828 = vector.extract_strided_slice %get3A_821 {offsets = [0, 7], sizes = [128, 1], strides = [1, 1]} : vector<128x16xf32> to vector<128x1xf32>
      %sub3A_829 = arith.subf %slice3A_825, %slice3A : vector<128x1xf32>
      %sub3A_830 = arith.subf %slice3A_826, %slice3A_822 : vector<128x1xf32>
      %mul3A_831 = arith.mulf %sub3A_829, %sub3A_830 : vector<128x1xf32>
      %sub3A_832 = arith.subf %slice3A_827, %slice3A_823 : vector<128x1xf32>
      %mul3A_833 = arith.mulf %mul3A_831, %sub3A_832 : vector<128x1xf32>
      %sub3A_834 = arith.subf %slice3A_828, %slice3A_824 : vector<128x1xf32>
      %mul3A_835 = arith.mulf %mul3A_833, %sub3A_834 : vector<128x1xf32>
      %min3A = vector.broadcast %slice3A_825 : vector<128x1xf32> to vector<128x2816xf32>
      %min3A_836 = vector.broadcast %get3A_387 : vector<1x2816xf32> to vector<128x2816xf32>
      %min3A_837 = arith.minimumf %min3A, %min3A_836 : vector<128x2816xf32>
      %max3A = vector.broadcast %slice3A : vector<128x1xf32> to vector<128x2816xf32>
      %max3A_838 = vector.broadcast %get3A_375 : vector<1x2816xf32> to vector<128x2816xf32>
      %max3A_839 = arith.maximumf %max3A, %max3A_838 : vector<128x2816xf32>
      %sub3A_840 = arith.subf %min3A_837, %max3A_839 : vector<128x2816xf32>
      %jit3A = arith.constant 0.000000e+00 : f32
      %max3A_841 = vector.broadcast %jit3A : f32 to vector<128x2816xf32>
      %max3A_842 = arith.maximumf %max3A_841, %sub3A_840 : vector<128x2816xf32>
      %min3A_843 = vector.broadcast %slice3A_826 : vector<128x1xf32> to vector<128x2816xf32>
      %min3A_844 = vector.broadcast %get3A_390 : vector<1x2816xf32> to vector<128x2816xf32>
      %min3A_845 = arith.minimumf %min3A_843, %min3A_844 : vector<128x2816xf32>
      %max3A_846 = vector.broadcast %slice3A_822 : vector<128x1xf32> to vector<128x2816xf32>
      %max3A_847 = vector.broadcast %get3A_378 : vector<1x2816xf32> to vector<128x2816xf32>
      %max3A_848 = arith.maximumf %max3A_846, %max3A_847 : vector<128x2816xf32>
      %sub3A_849 = arith.subf %min3A_845, %max3A_848 : vector<128x2816xf32>
      %jit3A_850 = arith.constant 0.000000e+00 : f32
      %max3A_851 = vector.broadcast %jit3A_850 : f32 to vector<128x2816xf32>
      %max3A_852 = arith.maximumf %max3A_851, %sub3A_849 : vector<128x2816xf32>
      %mul3A_853 = arith.mulf %max3A_842, %max3A_852 : vector<128x2816xf32>
      %min3A_854 = vector.broadcast %slice3A_827 : vector<128x1xf32> to vector<128x2816xf32>
      %min3A_855 = vector.broadcast %get3A_393 : vector<1x2816xf32> to vector<128x2816xf32>
      %min3A_856 = arith.minimumf %min3A_854, %min3A_855 : vector<128x2816xf32>
      %max3A_857 = vector.broadcast %slice3A_823 : vector<128x1xf32> to vector<128x2816xf32>
      %max3A_858 = vector.broadcast %get3A_381 : vector<1x2816xf32> to vector<128x2816xf32>
      %max3A_859 = arith.maximumf %max3A_857, %max3A_858 : vector<128x2816xf32>
      %sub3A_860 = arith.subf %min3A_856, %max3A_859 : vector<128x2816xf32>
      %jit3A_861 = arith.constant 0.000000e+00 : f32
      %max3A_862 = vector.broadcast %jit3A_861 : f32 to vector<128x2816xf32>
      %max3A_863 = arith.maximumf %max3A_862, %sub3A_860 : vector<128x2816xf32>
      %mul3A_864 = arith.mulf %mul3A_853, %max3A_863 : vector<128x2816xf32>
      %min3A_865 = vector.broadcast %slice3A_828 : vector<128x1xf32> to vector<128x2816xf32>
      %min3A_866 = vector.broadcast %get3A_396 : vector<1x2816xf32> to vector<128x2816xf32>
      %min3A_867 = arith.minimumf %min3A_865, %min3A_866 : vector<128x2816xf32>
      %max3A_868 = vector.broadcast %slice3A_824 : vector<128x1xf32> to vector<128x2816xf32>
      %max3A_869 = vector.broadcast %get3A_384 : vector<1x2816xf32> to vector<128x2816xf32>
      %max3A_870 = arith.maximumf %max3A_868, %max3A_869 : vector<128x2816xf32>
      %sub3A_871 = arith.subf %min3A_867, %max3A_870 : vector<128x2816xf32>
      %jit3A_872 = arith.constant 0.000000e+00 : f32
      %max3A_873 = vector.broadcast %jit3A_872 : f32 to vector<128x2816xf32>
      %max3A_874 = arith.maximumf %max3A_873, %sub3A_871 : vector<128x2816xf32>
      %mul3A_875 = arith.mulf %mul3A_864, %max3A_874 : vector<128x2816xf32>
      %add3A_876 = vector.broadcast %mul3A_835 : vector<128x1xf32> to vector<128x2816xf32>
      %add3A_877 = vector.broadcast %mul3A_403 : vector<1x2816xf32> to vector<128x2816xf32>
      %add3A_878 = arith.addf %add3A_876, %add3A_877 : vector<128x2816xf32>
      %sub3A_879 = arith.subf %add3A_878, %mul3A_875 : vector<128x2816xf32>
      %add3A_880 = arith.constant 9.99999997E-7 : f32
      %add3A_881 = vector.broadcast %add3A_880 : f32 to vector<128x2816xf32>
      %add3A_882 = arith.addf %sub3A_879, %add3A_881 : vector<128x2816xf32>
      %div3A = arith.divf %mul3A_875, %add3A_882 : vector<128x2816xf32>
      %gt3A_883 = arith.constant 5.000000e-01 : f32
      %gt3A_884 = vector.broadcast %gt3A_883 : f32 to vector<128x2816xf32>
      %gt3A_885 = arith.cmpf ogt, %div3A, %gt3A_884 : vector<128x2816xf32>
      %jit3A_886 = arith.constant 1.000000e+00 : f32
      %jit3A_887 = arith.constant 0.000000e+00 : f32
      %broadcast_in_dim3A_888 = vector.broadcast %jit3A_886 : f32 to vector<128x2816xf32>
      %broadcast_in_dim3A_889 = vector.broadcast %jit3A_887 : f32 to vector<128x2816xf32>
      %select_n3A = arith.select %gt3A_885, %broadcast_in_dim3A_888, %broadcast_in_dim3A_889 : vector<128x2816xi1>, vector<128x2816xf32>
      %convert_element_type3A_890 = arith.truncf %select_n3A : vector<128x2816xf32> to vector<128x2816xbf16>
      %swap3A_891 = arith.constant 0 : index
      %swap3A_892 = arith.constant 0 : index
      %swap3A_893 = vector.load %arg2[%swap3A_891, %swap3A_892] : memref<128x5120xbf16, #tpu.memory_space<vmem>>, vector<128x2816xbf16>
      tpu.vector_store %arg2[%swap3A_891, %swap3A_892], %convert_element_type3A_890 {strides = array<i32>} : memref<128x5120xbf16, #tpu.memory_space<vmem>>, vector<128x2816xbf16>,
      %get3A_894 = arith.constant 0 : index
      %get3A_895 = arith.index_cast %multiple_of3A_818 : i32 to index
      %get3A_896 = vector.load %arg2[%get3A_894, %get3A_895] : memref<128x5120xbf16, #tpu.memory_space<vmem>>, vector<128x128xbf16>
      %mul3A_897 = arith.mulf %get3A_896, %convert_element_type3A_16 : vector<128x128xbf16>
      %get3A_898 = arith.constant 0 : index
      %get3A_899 = arith.index_cast %multiple_of3A : i32 to index
      %get3A_900 = vector.load %arg1[%get3A_898, %get3A_899] : memref<1x5120xf32, #tpu.memory_space<vmem>>, vector<1x128xf32>
      %while3A = arith.constant true
      %while3A_901:2 = scf.while (%while3A_929 = %get3A_900, %while3A_930 = %while3A) : (vector<1x128xf32>, i1) -> (vector<1x128xf32>, i1) {
        scf.condition(%while3A_930) %while3A_929, %while3A_930 : vector<1x128xf32>, i1
      } do {
      ^bb0(%while3A_929: vector<1x128xf32>, %while3A_930: i1):
        %convert_element_type3A_931 = arith.truncf %while3A_929 : vector<1x128xf32> to vector<1x128xbf16>
        %dot_general3A_932 = arith.constant dense<0.000000e+00> : vector<1x128xf32>
        %dot_general3A_933 = tpu.matmul %convert_element_type3A_931, %mul3A_897, %dot_general3A_932 {dimension_numbers = #tpu.dot_dimension_numbers<[1], [0], [0], [1], [0, 0, 1, 1], [], []>, transpose_lhs_hint = false} : vector<1x128xbf16>, vector<128x128xbf16>, vector<1x128xf32> -> vector<1x128xf32>
        %eq3A_934 = arith.constant 0.000000e+00 : f32
        %eq3A_935 = vector.broadcast %eq3A_934 : f32 to vector<1x128xf32>
        %eq3A_936 = arith.cmpf oeq, %dot_general3A_933, %eq3A_935 : vector<1x128xf32>
        %jit3A_937 = arith.constant 1.000000e+00 : f32
        %jit3A_938 = arith.constant 0.000000e+00 : f32
        %broadcast_in_dim3A_939 = vector.broadcast %jit3A_937 : f32 to vector<1x128xf32>
        %broadcast_in_dim3A_940 = vector.broadcast %jit3A_938 : f32 to vector<1x128xf32>
        %select_n3A_941 = arith.select %eq3A_936, %broadcast_in_dim3A_939, %broadcast_in_dim3A_940 : vector<1x128xi1>, vector<1x128xf32>
        %mul3A_942 = arith.mulf %get3A_900, %select_n3A_941 : vector<1x128xf32>
        %sub3A_943 = arith.subf %mul3A_942, %while3A_929 : vector<1x128xf32>
        %abs3A = math.absf %sub3A_943 : vector<1x128xf32>
        %reduce_sum3A = vector.shape_cast %abs3A : vector<1x128xf32> to vector<1x1x128xf32>
        %reduce_sum3A_944 = arith.constant dense<0.000000e+00> : vector<1xf32>
        %reduce_sum3A_945 = vector.multi_reduction <add>, %reduce_sum3A, %reduce_sum3A_944 [1, 2] : vector<1x1x128xf32> to vector<1xf32>
        %reduce_sum3A_946 = vector.shape_cast %reduce_sum3A_945 : vector<1xf32> to vector<1x1x1xf32>
        %reduce_sum3A_947 = vector.extract %reduce_sum3A_946[0, 0, 0] : f32 from vector<1x1x1xf32>
        %gt3A_948 = arith.constant 0.000000e+00 : f32
        %gt3A_949 = arith.cmpf ogt, %reduce_sum3A_947, %gt3A_948 : f32
        scf.yield %mul3A_942, %gt3A_949 : vector<1x128xf32>, i1
      }
      %convert_element_type3A_902 = arith.truncf %while3A_901#0 : vector<1x128xf32> to vector<1x128xbf16>
      %get3A_903 = arith.constant 0 : index
      %get3A_904 = arith.constant 0 : index
      %get3A_905 = vector.load %arg2[%get3A_903, %get3A_904] : memref<128x5120xbf16, #tpu.memory_space<vmem>>, vector<128x2816xbf16>
      %dot_general3A_906 = arith.constant dense<0.000000e+00> : vector<1x2816xf32>
      %dot_general3A_907 = tpu.matmul %convert_element_type3A_902, %get3A_905, %dot_general3A_906 {dimension_numbers = #tpu.dot_dimension_numbers<[1], [0], [0], [1], [0, 0, 1, 1], [], []>, transpose_lhs_hint = false} : vector<1x128xbf16>, vector<128x2816xbf16>, vector<1x2816xf32> -> vector<1x2816xf32>
      %eq3A_908 = arith.constant 0.000000e+00 : f32
      %eq3A_909 = vector.broadcast %eq3A_908 : f32 to vector<1x2816xf32>
      %eq3A_910 = arith.cmpf oeq, %dot_general3A_907, %eq3A_909 : vector<1x2816xf32>
      %add3A_911 = arith.constant 128 : i32
      %add3A_912 = arith.addi %multiple_of3A, %add3A_911 : i32
      %lt3A = vector.broadcast %add3A_912 : i32 to vector<1x2816xi32>
      %lt3A_913 = arith.cmpi slt, %add3A_407, %lt3A : vector<1x2816xi32>
      %or3A = arith.ori %eq3A_910, %lt3A_913 : vector<1x2816xi1>
      %get3A_914 = arith.constant 0 : index
      %get3A_915 = arith.constant 2304 : index
      %get3A_916 = vector.load %arg1[%get3A_914, %get3A_915] : memref<1x5120xf32, #tpu.memory_space<vmem>>, vector<1x2816xf32>
      %jit3A_917 = arith.constant 1.000000e+00 : f32
      %jit3A_918 = arith.constant 0.000000e+00 : f32
      %broadcast_in_dim3A_919 = vector.broadcast %jit3A_917 : f32 to vector<1x2816xf32>
      %broadcast_in_dim3A_920 = vector.broadcast %jit3A_918 : f32 to vector<1x2816xf32>
      %select_n3A_921 = arith.select %or3A, %broadcast_in_dim3A_919, %broadcast_in_dim3A_920 : vector<1x2816xi1>, vector<1x2816xf32>
      %mul3A_922 = arith.mulf %get3A_916, %select_n3A_921 : vector<1x2816xf32>
      %swap3A_923 = arith.constant 0 : index
      %swap3A_924 = arith.constant 2304 : index
      %swap3A_925 = vector.load %arg1[%swap3A_923, %swap3A_924] : memref<1x5120xf32, #tpu.memory_space<vmem>>, vector<1x2816xf32>
      tpu.vector_store %arg1[%swap3A_923, %swap3A_924], %mul3A_922 {strides = array<i32>} : memref<1x5120xf32, #tpu.memory_space<vmem>>, vector<1x2816xf32>,
      %swap3A_926 = arith.constant 0 : index
      %swap3A_927 = arith.index_cast %multiple_of3A : i32 to index
      %swap3A_928 = vector.load %arg1[%swap3A_926, %swap3A_927] : memref<1x5120xf32, #tpu.memory_space<vmem>>, vector<1x128xf32>
      tpu.vector_store %arg1[%swap3A_926, %swap3A_927], %while3A_901#0 {strides = array<i32>} : memref<1x5120xf32, #tpu.memory_space<vmem>>, vector<1x128xf32>,
    }
    %scan3A_412 = arith.constant 2 : i32
    %get3A_413 = arith.constant 0 : index
    %get3A_414 = arith.constant 2560 : index
    %get3A_415 = vector.load %arg3[%get3A_413, %get3A_414] : memref<16x5120xf32, #tpu.memory_space<vmem>>, vector<1x2560xf32>
    %get3A_416 = arith.constant 1 : index
    %get3A_417 = arith.constant 2560 : index
    %get3A_418 = vector.load %arg3[%get3A_416, %get3A_417] : memref<16x5120xf32, #tpu.memory_space<vmem>>, vector<1x2560xf32>
    %get3A_419 = arith.constant 2 : index
    %get3A_420 = arith.constant 2560 : index
    %get3A_421 = vector.load %arg3[%get3A_419, %get3A_420] : memref<16x5120xf32, #tpu.memory_space<vmem>>, vector<1x2560xf32>
    %get3A_422 = arith.constant 3 : index
    %get3A_423 = arith.constant 2560 : index
    %get3A_424 = vector.load %arg3[%get3A_422, %get3A_423] : memref<16x5120xf32, #tpu.memory_space<vmem>>, vector<1x2560xf32>
    %get3A_425 = arith.constant 4 : index
    %get3A_426 = arith.constant 2560 : index
    %get3A_427 = vector.load %arg3[%get3A_425, %get3A_426] : memref<16x5120xf32, #tpu.memory_space<vmem>>, vector<1x2560xf32>
    %get3A_428 = arith.constant 5 : index
    %get3A_429 = arith.constant 2560 : index
    %get3A_430 = vector.load %arg3[%get3A_428, %get3A_429] : memref<16x5120xf32, #tpu.memory_space<vmem>>, vector<1x2560xf32>
    %get3A_431 = arith.constant 6 : index
    %get3A_432 = arith.constant 2560 : index
    %get3A_433 = vector.load %arg3[%get3A_431, %get3A_432] : memref<16x5120xf32, #tpu.memory_space<vmem>>, vector<1x2560xf32>
    %get3A_434 = arith.constant 7 : index
    %get3A_435 = arith.constant 2560 : index
    %get3A_436 = vector.load %arg3[%get3A_434, %get3A_435] : memref<16x5120xf32, #tpu.memory_space<vmem>>, vector<1x2560xf32>
    %sub3A_437 = arith.subf %get3A_427, %get3A_415 : vector<1x2560xf32>
    %sub3A_438 = arith.subf %get3A_430, %get3A_418 : vector<1x2560xf32>
    %mul3A_439 = arith.mulf %sub3A_437, %sub3A_438 : vector<1x2560xf32>
    %sub3A_440 = arith.subf %get3A_433, %get3A_421 : vector<1x2560xf32>
    %mul3A_441 = arith.mulf %mul3A_439, %sub3A_440 : vector<1x2560xf32>
    %sub3A_442 = arith.subf %get3A_436, %get3A_424 : vector<1x2560xf32>
    %mul3A_443 = arith.mulf %mul3A_441, %sub3A_442 : vector<1x2560xf32>
    %iota3A_444 = tpu.iota {dimensions = array<i32: 1>} : vector<1x2560xi32>
    %add3A_445 = arith.constant 2560 : i32
    %add3A_446 = vector.broadcast %add3A_445 : i32 to vector<1x2560xi32>
    %add3A_447 = arith.addi %iota3A_444, %add3A_446 : vector<1x2560xi32>
    %scan3A_448 = arith.constant 20 : i32
    %scan3A_449 = arith.constant 2 : i32
    %scan3A_450 = arith.addi %scan3A_448, %scan3A_449 : i32
    %scan3A_451 = arith.constant 1 : i32
    scf.for %scan3A_813 = %scan3A_448 to %scan3A_450 step %scan3A_451  : i32 {
      %mul3A_814 = arith.constant 128 : i32
      %mul3A_815 = arith.muli %scan3A_813, %mul3A_814 : i32
      %multiple_of3A = tpu.assume_multiple %mul3A_815, 128 : i32
      %sub3A_816 = arith.constant 2560 : i32
      %sub3A_817 = arith.subi %multiple_of3A, %sub3A_816 : i32
      %multiple_of3A_818 = tpu.assume_multiple %sub3A_817, 128 : i32
      %get3A_819 = arith.index_cast %multiple_of3A : i32 to index
      %get3A_820 = arith.constant 0 : index
      %get3A_821 = vector.load %arg0[%get3A_819, %get3A_820] : memref<5120x16xf32, #tpu.memory_space<vmem>>, vector<128x16xf32>
      %slice3A = vector.extract_strided_slice %get3A_821 {offsets = [0, 0], sizes = [128, 1], strides = [1, 1]} : vector<128x16xf32> to vector<128x1xf32>
      %slice3A_822 = vector.extract_strided_slice %get3A_821 {offsets = [0, 1], sizes = [128, 1], strides = [1, 1]} : vector<128x16xf32> to vector<128x1xf32>
      %slice3A_823 = vector.extract_strided_slice %get3A_821 {offsets = [0, 2], sizes = [128, 1], strides = [1, 1]} : vector<128x16xf32> to vector<128x1xf32>
      %slice3A_824 = vector.extract_strided_slice %get3A_821 {offsets = [0, 3], sizes = [128, 1], strides = [1, 1]} : vector<128x16xf32> to vector<128x1xf32>
      %slice3A_825 = vector.extract_strided_slice %get3A_821 {offsets = [0, 4], sizes = [128, 1], strides = [1, 1]} : vector<128x16xf32> to vector<128x1xf32>
      %slice3A_826 = vector.extract_strided_slice %get3A_821 {offsets = [0, 5], sizes = [128, 1], strides = [1, 1]} : vector<128x16xf32> to vector<128x1xf32>
      %slice3A_827 = vector.extract_strided_slice %get3A_821 {offsets = [0, 6], sizes = [128, 1], strides = [1, 1]} : vector<128x16xf32> to vector<128x1xf32>
      %slice3A_828 = vector.extract_strided_slice %get3A_821 {offsets = [0, 7], sizes = [128, 1], strides = [1, 1]} : vector<128x16xf32> to vector<128x1xf32>
      %sub3A_829 = arith.subf %slice3A_825, %slice3A : vector<128x1xf32>
      %sub3A_830 = arith.subf %slice3A_826, %slice3A_822 : vector<128x1xf32>
      %mul3A_831 = arith.mulf %sub3A_829, %sub3A_830 : vector<128x1xf32>
      %sub3A_832 = arith.subf %slice3A_827, %slice3A_823 : vector<128x1xf32>
      %mul3A_833 = arith.mulf %mul3A_831, %sub3A_832 : vector<128x1xf32>
      %sub3A_834 = arith.subf %slice3A_828, %slice3A_824 : vector<128x1xf32>
      %mul3A_835 = arith.mulf %mul3A_833, %sub3A_834 : vector<128x1xf32>
      %min3A = vector.broadcast %slice3A_825 : vector<128x1xf32> to vector<128x2560xf32>
      %min3A_836 = vector.broadcast %get3A_427 : vector<1x2560xf32> to vector<128x2560xf32>
      %min3A_837 = arith.minimumf %min3A, %min3A_836 : vector<128x2560xf32>
      %max3A = vector.broadcast %slice3A : vector<128x1xf32> to vector<128x2560xf32>
      %max3A_838 = vector.broadcast %get3A_415 : vector<1x2560xf32> to vector<128x2560xf32>
      %max3A_839 = arith.maximumf %max3A, %max3A_838 : vector<128x2560xf32>
      %sub3A_840 = arith.subf %min3A_837, %max3A_839 : vector<128x2560xf32>
      %jit3A = arith.constant 0.000000e+00 : f32
      %max3A_841 = vector.broadcast %jit3A : f32 to vector<128x2560xf32>
      %max3A_842 = arith.maximumf %max3A_841, %sub3A_840 : vector<128x2560xf32>
      %min3A_843 = vector.broadcast %slice3A_826 : vector<128x1xf32> to vector<128x2560xf32>
      %min3A_844 = vector.broadcast %get3A_430 : vector<1x2560xf32> to vector<128x2560xf32>
      %min3A_845 = arith.minimumf %min3A_843, %min3A_844 : vector<128x2560xf32>
      %max3A_846 = vector.broadcast %slice3A_822 : vector<128x1xf32> to vector<128x2560xf32>
      %max3A_847 = vector.broadcast %get3A_418 : vector<1x2560xf32> to vector<128x2560xf32>
      %max3A_848 = arith.maximumf %max3A_846, %max3A_847 : vector<128x2560xf32>
      %sub3A_849 = arith.subf %min3A_845, %max3A_848 : vector<128x2560xf32>
      %jit3A_850 = arith.constant 0.000000e+00 : f32
      %max3A_851 = vector.broadcast %jit3A_850 : f32 to vector<128x2560xf32>
      %max3A_852 = arith.maximumf %max3A_851, %sub3A_849 : vector<128x2560xf32>
      %mul3A_853 = arith.mulf %max3A_842, %max3A_852 : vector<128x2560xf32>
      %min3A_854 = vector.broadcast %slice3A_827 : vector<128x1xf32> to vector<128x2560xf32>
      %min3A_855 = vector.broadcast %get3A_433 : vector<1x2560xf32> to vector<128x2560xf32>
      %min3A_856 = arith.minimumf %min3A_854, %min3A_855 : vector<128x2560xf32>
      %max3A_857 = vector.broadcast %slice3A_823 : vector<128x1xf32> to vector<128x2560xf32>
      %max3A_858 = vector.broadcast %get3A_421 : vector<1x2560xf32> to vector<128x2560xf32>
      %max3A_859 = arith.maximumf %max3A_857, %max3A_858 : vector<128x2560xf32>
      %sub3A_860 = arith.subf %min3A_856, %max3A_859 : vector<128x2560xf32>
      %jit3A_861 = arith.constant 0.000000e+00 : f32
      %max3A_862 = vector.broadcast %jit3A_861 : f32 to vector<128x2560xf32>
      %max3A_863 = arith.maximumf %max3A_862, %sub3A_860 : vector<128x2560xf32>
      %mul3A_864 = arith.mulf %mul3A_853, %max3A_863 : vector<128x2560xf32>
      %min3A_865 = vector.broadcast %slice3A_828 : vector<128x1xf32> to vector<128x2560xf32>
      %min3A_866 = vector.broadcast %get3A_436 : vector<1x2560xf32> to vector<128x2560xf32>
      %min3A_867 = arith.minimumf %min3A_865, %min3A_866 : vector<128x2560xf32>
      %max3A_868 = vector.broadcast %slice3A_824 : vector<128x1xf32> to vector<128x2560xf32>
      %max3A_869 = vector.broadcast %get3A_424 : vector<1x2560xf32> to vector<128x2560xf32>
      %max3A_870 = arith.maximumf %max3A_868, %max3A_869 : vector<128x2560xf32>
      %sub3A_871 = arith.subf %min3A_867, %max3A_870 : vector<128x2560xf32>
      %jit3A_872 = arith.constant 0.000000e+00 : f32
      %max3A_873 = vector.broadcast %jit3A_872 : f32 to vector<128x2560xf32>
      %max3A_874 = arith.maximumf %max3A_873, %sub3A_871 : vector<128x2560xf32>
      %mul3A_875 = arith.mulf %mul3A_864, %max3A_874 : vector<128x2560xf32>
      %add3A_876 = vector.broadcast %mul3A_835 : vector<128x1xf32> to vector<128x2560xf32>
      %add3A_877 = vector.broadcast %mul3A_443 : vector<1x2560xf32> to vector<128x2560xf32>
      %add3A_878 = arith.addf %add3A_876, %add3A_877 : vector<128x2560xf32>
      %sub3A_879 = arith.subf %add3A_878, %mul3A_875 : vector<128x2560xf32>
      %add3A_880 = arith.constant 9.99999997E-7 : f32
      %add3A_881 = vector.broadcast %add3A_880 : f32 to vector<128x2560xf32>
      %add3A_882 = arith.addf %sub3A_879, %add3A_881 : vector<128x2560xf32>
      %div3A = arith.divf %mul3A_875, %add3A_882 : vector<128x2560xf32>
      %gt3A_883 = arith.constant 5.000000e-01 : f32
      %gt3A_884 = vector.broadcast %gt3A_883 : f32 to vector<128x2560xf32>
      %gt3A_885 = arith.cmpf ogt, %div3A, %gt3A_884 : vector<128x2560xf32>
      %jit3A_886 = arith.constant 1.000000e+00 : f32
      %jit3A_887 = arith.constant 0.000000e+00 : f32
      %broadcast_in_dim3A_888 = vector.broadcast %jit3A_886 : f32 to vector<128x2560xf32>
      %broadcast_in_dim3A_889 = vector.broadcast %jit3A_887 : f32 to vector<128x2560xf32>
      %select_n3A = arith.select %gt3A_885, %broadcast_in_dim3A_888, %broadcast_in_dim3A_889 : vector<128x2560xi1>, vector<128x2560xf32>
      %convert_element_type3A_890 = arith.truncf %select_n3A : vector<128x2560xf32> to vector<128x2560xbf16>
      %swap3A_891 = arith.constant 0 : index
      %swap3A_892 = arith.constant 0 : index
      %swap3A_893 = vector.load %arg2[%swap3A_891, %swap3A_892] : memref<128x5120xbf16, #tpu.memory_space<vmem>>, vector<128x2560xbf16>
      tpu.vector_store %arg2[%swap3A_891, %swap3A_892], %convert_element_type3A_890 {strides = array<i32>} : memref<128x5120xbf16, #tpu.memory_space<vmem>>, vector<128x2560xbf16>,
      %get3A_894 = arith.constant 0 : index
      %get3A_895 = arith.index_cast %multiple_of3A_818 : i32 to index
      %get3A_896 = vector.load %arg2[%get3A_894, %get3A_895] : memref<128x5120xbf16, #tpu.memory_space<vmem>>, vector<128x128xbf16>
      %mul3A_897 = arith.mulf %get3A_896, %convert_element_type3A_16 : vector<128x128xbf16>
      %get3A_898 = arith.constant 0 : index
      %get3A_899 = arith.index_cast %multiple_of3A : i32 to index
      %get3A_900 = vector.load %arg1[%get3A_898, %get3A_899] : memref<1x5120xf32, #tpu.memory_space<vmem>>, vector<1x128xf32>
      %while3A = arith.constant true
      %while3A_901:2 = scf.while (%while3A_929 = %get3A_900, %while3A_930 = %while3A) : (vector<1x128xf32>, i1) -> (vector<1x128xf32>, i1) {
        scf.condition(%while3A_930) %while3A_929, %while3A_930 : vector<1x128xf32>, i1
      } do {
      ^bb0(%while3A_929: vector<1x128xf32>, %while3A_930: i1):
        %convert_element_type3A_931 = arith.truncf %while3A_929 : vector<1x128xf32> to vector<1x128xbf16>
        %dot_general3A_932 = arith.constant dense<0.000000e+00> : vector<1x128xf32>
        %dot_general3A_933 = tpu.matmul %convert_element_type3A_931, %mul3A_897, %dot_general3A_932 {dimension_numbers = #tpu.dot_dimension_numbers<[1], [0], [0], [1], [0, 0, 1, 1], [], []>, transpose_lhs_hint = false} : vector<1x128xbf16>, vector<128x128xbf16>, vector<1x128xf32> -> vector<1x128xf32>
        %eq3A_934 = arith.constant 0.000000e+00 : f32
        %eq3A_935 = vector.broadcast %eq3A_934 : f32 to vector<1x128xf32>
        %eq3A_936 = arith.cmpf oeq, %dot_general3A_933, %eq3A_935 : vector<1x128xf32>
        %jit3A_937 = arith.constant 1.000000e+00 : f32
        %jit3A_938 = arith.constant 0.000000e+00 : f32
        %broadcast_in_dim3A_939 = vector.broadcast %jit3A_937 : f32 to vector<1x128xf32>
        %broadcast_in_dim3A_940 = vector.broadcast %jit3A_938 : f32 to vector<1x128xf32>
        %select_n3A_941 = arith.select %eq3A_936, %broadcast_in_dim3A_939, %broadcast_in_dim3A_940 : vector<1x128xi1>, vector<1x128xf32>
        %mul3A_942 = arith.mulf %get3A_900, %select_n3A_941 : vector<1x128xf32>
        %sub3A_943 = arith.subf %mul3A_942, %while3A_929 : vector<1x128xf32>
        %abs3A = math.absf %sub3A_943 : vector<1x128xf32>
        %reduce_sum3A = vector.shape_cast %abs3A : vector<1x128xf32> to vector<1x1x128xf32>
        %reduce_sum3A_944 = arith.constant dense<0.000000e+00> : vector<1xf32>
        %reduce_sum3A_945 = vector.multi_reduction <add>, %reduce_sum3A, %reduce_sum3A_944 [1, 2] : vector<1x1x128xf32> to vector<1xf32>
        %reduce_sum3A_946 = vector.shape_cast %reduce_sum3A_945 : vector<1xf32> to vector<1x1x1xf32>
        %reduce_sum3A_947 = vector.extract %reduce_sum3A_946[0, 0, 0] : f32 from vector<1x1x1xf32>
        %gt3A_948 = arith.constant 0.000000e+00 : f32
        %gt3A_949 = arith.cmpf ogt, %reduce_sum3A_947, %gt3A_948 : f32
        scf.yield %mul3A_942, %gt3A_949 : vector<1x128xf32>, i1
      }
      %convert_element_type3A_902 = arith.truncf %while3A_901#0 : vector<1x128xf32> to vector<1x128xbf16>
      %get3A_903 = arith.constant 0 : index
      %get3A_904 = arith.constant 0 : index
      %get3A_905 = vector.load %arg2[%get3A_903, %get3A_904] : memref<128x5120xbf16, #tpu.memory_space<vmem>>, vector<128x2560xbf16>
      %dot_general3A_906 = arith.constant dense<0.000000e+00> : vector<1x2560xf32>
      %dot_general3A_907 = tpu.matmul %convert_element_type3A_902, %get3A_905, %dot_general3A_906 {dimension_numbers = #tpu.dot_dimension_numbers<[1], [0], [0], [1], [0, 0, 1, 1], [], []>, transpose_lhs_hint = false} : vector<1x128xbf16>, vector<128x2560xbf16>, vector<1x2560xf32> -> vector<1x2560xf32>
      %eq3A_908 = arith.constant 0.000000e+00 : f32
      %eq3A_909 = vector.broadcast %eq3A_908 : f32 to vector<1x2560xf32>
      %eq3A_910 = arith.cmpf oeq, %dot_general3A_907, %eq3A_909 : vector<1x2560xf32>
      %add3A_911 = arith.constant 128 : i32
      %add3A_912 = arith.addi %multiple_of3A, %add3A_911 : i32
      %lt3A = vector.broadcast %add3A_912 : i32 to vector<1x2560xi32>
      %lt3A_913 = arith.cmpi slt, %add3A_447, %lt3A : vector<1x2560xi32>
      %or3A = arith.ori %eq3A_910, %lt3A_913 : vector<1x2560xi1>
      %get3A_914 = arith.constant 0 : index
      %get3A_915 = arith.constant 2560 : index
      %get3A_916 = vector.load %arg1[%get3A_914, %get3A_915] : memref<1x5120xf32, #tpu.memory_space<vmem>>, vector<1x2560xf32>
      %jit3A_917 = arith.constant 1.000000e+00 : f32
      %jit3A_918 = arith.constant 0.000000e+00 : f32
      %broadcast_in_dim3A_919 = vector.broadcast %jit3A_917 : f32 to vector<1x2560xf32>
      %broadcast_in_dim3A_920 = vector.broadcast %jit3A_918 : f32 to vector<1x2560xf32>
      %select_n3A_921 = arith.select %or3A, %broadcast_in_dim3A_919, %broadcast_in_dim3A_920 : vector<1x2560xi1>, vector<1x2560xf32>
      %mul3A_922 = arith.mulf %get3A_916, %select_n3A_921 : vector<1x2560xf32>
      %swap3A_923 = arith.constant 0 : index
      %swap3A_924 = arith.constant 2560 : index
      %swap3A_925 = vector.load %arg1[%swap3A_923, %swap3A_924] : memref<1x5120xf32, #tpu.memory_space<vmem>>, vector<1x2560xf32>
      tpu.vector_store %arg1[%swap3A_923, %swap3A_924], %mul3A_922 {strides = array<i32>} : memref<1x5120xf32, #tpu.memory_space<vmem>>, vector<1x2560xf32>,
      %swap3A_926 = arith.constant 0 : index
      %swap3A_927 = arith.index_cast %multiple_of3A : i32 to index
      %swap3A_928 = vector.load %arg1[%swap3A_926, %swap3A_927] : memref<1x5120xf32, #tpu.memory_space<vmem>>, vector<1x128xf32>
      tpu.vector_store %arg1[%swap3A_926, %swap3A_927], %while3A_901#0 {strides = array<i32>} : memref<1x5120xf32, #tpu.memory_space<vmem>>, vector<1x128xf32>,
    }
    %scan3A_452 = arith.constant 2 : i32
    %get3A_453 = arith.constant 0 : index
    %get3A_454 = arith.constant 2816 : index
    %get3A_455 = vector.load %arg3[%get3A_453, %get3A_454] : memref<16x5120xf32, #tpu.memory_space<vmem>>, vector<1x2304xf32>
    %get3A_456 = arith.constant 1 : index
    %get3A_457 = arith.constant 2816 : index
    %get3A_458 = vector.load %arg3[%get3A_456, %get3A_457] : memref<16x5120xf32, #tpu.memory_space<vmem>>, vector<1x2304xf32>
    %get3A_459 = arith.constant 2 : index
    %get3A_460 = arith.constant 2816 : index
    %get3A_461 = vector.load %arg3[%get3A_459, %get3A_460] : memref<16x5120xf32, #tpu.memory_space<vmem>>, vector<1x2304xf32>
    %get3A_462 = arith.constant 3 : index
    %get3A_463 = arith.constant 2816 : index
    %get3A_464 = vector.load %arg3[%get3A_462, %get3A_463] : memref<16x5120xf32, #tpu.memory_space<vmem>>, vector<1x2304xf32>
    %get3A_465 = arith.constant 4 : index
    %get3A_466 = arith.constant 2816 : index
    %get3A_467 = vector.load %arg3[%get3A_465, %get3A_466] : memref<16x5120xf32, #tpu.memory_space<vmem>>, vector<1x2304xf32>
    %get3A_468 = arith.constant 5 : index
    %get3A_469 = arith.constant 2816 : index
    %get3A_470 = vector.load %arg3[%get3A_468, %get3A_469] : memref<16x5120xf32, #tpu.memory_space<vmem>>, vector<1x2304xf32>
    %get3A_471 = arith.constant 6 : index
    %get3A_472 = arith.constant 2816 : index
    %get3A_473 = vector.load %arg3[%get3A_471, %get3A_472] : memref<16x5120xf32, #tpu.memory_space<vmem>>, vector<1x2304xf32>
    %get3A_474 = arith.constant 7 : index
    %get3A_475 = arith.constant 2816 : index
    %get3A_476 = vector.load %arg3[%get3A_474, %get3A_475] : memref<16x5120xf32, #tpu.memory_space<vmem>>, vector<1x2304xf32>
    %sub3A_477 = arith.subf %get3A_467, %get3A_455 : vector<1x2304xf32>
    %sub3A_478 = arith.subf %get3A_470, %get3A_458 : vector<1x2304xf32>
    %mul3A_479 = arith.mulf %sub3A_477, %sub3A_478 : vector<1x2304xf32>
    %sub3A_480 = arith.subf %get3A_473, %get3A_461 : vector<1x2304xf32>
    %mul3A_481 = arith.mulf %mul3A_479, %sub3A_480 : vector<1x2304xf32>
    %sub3A_482 = arith.subf %get3A_476, %get3A_464 : vector<1x2304xf32>
    %mul3A_483 = arith.mulf %mul3A_481, %sub3A_482 : vector<1x2304xf32>
    %iota3A_484 = tpu.iota {dimensions = array<i32: 1>} : vector<1x2304xi32>
    %add3A_485 = arith.constant 2816 : i32
    %add3A_486 = vector.broadcast %add3A_485 : i32 to vector<1x2304xi32>
    %add3A_487 = arith.addi %iota3A_484, %add3A_486 : vector<1x2304xi32>
    %scan3A_488 = arith.constant 22 : i32
    %scan3A_489 = arith.constant 2 : i32
    %scan3A_490 = arith.addi %scan3A_488, %scan3A_489 : i32
    %scan3A_491 = arith.constant 1 : i32
    scf.for %scan3A_813 = %scan3A_488 to %scan3A_490 step %scan3A_491  : i32 {
      %mul3A_814 = arith.constant 128 : i32
      %mul3A_815 = arith.muli %scan3A_813, %mul3A_814 : i32
      %multiple_of3A = tpu.assume_multiple %mul3A_815, 128 : i32
      %sub3A_816 = arith.constant 2816 : i32
      %sub3A_817 = arith.subi %multiple_of3A, %sub3A_816 : i32
      %multiple_of3A_818 = tpu.assume_multiple %sub3A_817, 128 : i32
      %get3A_819 = arith.index_cast %multiple_of3A : i32 to index
      %get3A_820 = arith.constant 0 : index
      %get3A_821 = vector.load %arg0[%get3A_819, %get3A_820] : memref<5120x16xf32, #tpu.memory_space<vmem>>, vector<128x16xf32>
      %slice3A = vector.extract_strided_slice %get3A_821 {offsets = [0, 0], sizes = [128, 1], strides = [1, 1]} : vector<128x16xf32> to vector<128x1xf32>
      %slice3A_822 = vector.extract_strided_slice %get3A_821 {offsets = [0, 1], sizes = [128, 1], strides = [1, 1]} : vector<128x16xf32> to vector<128x1xf32>
      %slice3A_823 = vector.extract_strided_slice %get3A_821 {offsets = [0, 2], sizes = [128, 1], strides = [1, 1]} : vector<128x16xf32> to vector<128x1xf32>
      %slice3A_824 = vector.extract_strided_slice %get3A_821 {offsets = [0, 3], sizes = [128, 1], strides = [1, 1]} : vector<128x16xf32> to vector<128x1xf32>
      %slice3A_825 = vector.extract_strided_slice %get3A_821 {offsets = [0, 4], sizes = [128, 1], strides = [1, 1]} : vector<128x16xf32> to vector<128x1xf32>
      %slice3A_826 = vector.extract_strided_slice %get3A_821 {offsets = [0, 5], sizes = [128, 1], strides = [1, 1]} : vector<128x16xf32> to vector<128x1xf32>
      %slice3A_827 = vector.extract_strided_slice %get3A_821 {offsets = [0, 6], sizes = [128, 1], strides = [1, 1]} : vector<128x16xf32> to vector<128x1xf32>
      %slice3A_828 = vector.extract_strided_slice %get3A_821 {offsets = [0, 7], sizes = [128, 1], strides = [1, 1]} : vector<128x16xf32> to vector<128x1xf32>
      %sub3A_829 = arith.subf %slice3A_825, %slice3A : vector<128x1xf32>
      %sub3A_830 = arith.subf %slice3A_826, %slice3A_822 : vector<128x1xf32>
      %mul3A_831 = arith.mulf %sub3A_829, %sub3A_830 : vector<128x1xf32>
      %sub3A_832 = arith.subf %slice3A_827, %slice3A_823 : vector<128x1xf32>
      %mul3A_833 = arith.mulf %mul3A_831, %sub3A_832 : vector<128x1xf32>
      %sub3A_834 = arith.subf %slice3A_828, %slice3A_824 : vector<128x1xf32>
      %mul3A_835 = arith.mulf %mul3A_833, %sub3A_834 : vector<128x1xf32>
      %min3A = vector.broadcast %slice3A_825 : vector<128x1xf32> to vector<128x2304xf32>
      %min3A_836 = vector.broadcast %get3A_467 : vector<1x2304xf32> to vector<128x2304xf32>
      %min3A_837 = arith.minimumf %min3A, %min3A_836 : vector<128x2304xf32>
      %max3A = vector.broadcast %slice3A : vector<128x1xf32> to vector<128x2304xf32>
      %max3A_838 = vector.broadcast %get3A_455 : vector<1x2304xf32> to vector<128x2304xf32>
      %max3A_839 = arith.maximumf %max3A, %max3A_838 : vector<128x2304xf32>
      %sub3A_840 = arith.subf %min3A_837, %max3A_839 : vector<128x2304xf32>
      %jit3A = arith.constant 0.000000e+00 : f32
      %max3A_841 = vector.broadcast %jit3A : f32 to vector<128x2304xf32>
      %max3A_842 = arith.maximumf %max3A_841, %sub3A_840 : vector<128x2304xf32>
      %min3A_843 = vector.broadcast %slice3A_826 : vector<128x1xf32> to vector<128x2304xf32>
      %min3A_844 = vector.broadcast %get3A_470 : vector<1x2304xf32> to vector<128x2304xf32>
      %min3A_845 = arith.minimumf %min3A_843, %min3A_844 : vector<128x2304xf32>
      %max3A_846 = vector.broadcast %slice3A_822 : vector<128x1xf32> to vector<128x2304xf32>
      %max3A_847 = vector.broadcast %get3A_458 : vector<1x2304xf32> to vector<128x2304xf32>
      %max3A_848 = arith.maximumf %max3A_846, %max3A_847 : vector<128x2304xf32>
      %sub3A_849 = arith.subf %min3A_845, %max3A_848 : vector<128x2304xf32>
      %jit3A_850 = arith.constant 0.000000e+00 : f32
      %max3A_851 = vector.broadcast %jit3A_850 : f32 to vector<128x2304xf32>
      %max3A_852 = arith.maximumf %max3A_851, %sub3A_849 : vector<128x2304xf32>
      %mul3A_853 = arith.mulf %max3A_842, %max3A_852 : vector<128x2304xf32>
      %min3A_854 = vector.broadcast %slice3A_827 : vector<128x1xf32> to vector<128x2304xf32>
      %min3A_855 = vector.broadcast %get3A_473 : vector<1x2304xf32> to vector<128x2304xf32>
      %min3A_856 = arith.minimumf %min3A_854, %min3A_855 : vector<128x2304xf32>
      %max3A_857 = vector.broadcast %slice3A_823 : vector<128x1xf32> to vector<128x2304xf32>
      %max3A_858 = vector.broadcast %get3A_461 : vector<1x2304xf32> to vector<128x2304xf32>
      %max3A_859 = arith.maximumf %max3A_857, %max3A_858 : vector<128x2304xf32>
      %sub3A_860 = arith.subf %min3A_856, %max3A_859 : vector<128x2304xf32>
      %jit3A_861 = arith.constant 0.000000e+00 : f32
      %max3A_862 = vector.broadcast %jit3A_861 : f32 to vector<128x2304xf32>
      %max3A_863 = arith.maximumf %max3A_862, %sub3A_860 : vector<128x2304xf32>
      %mul3A_864 = arith.mulf %mul3A_853, %max3A_863 : vector<128x2304xf32>
      %min3A_865 = vector.broadcast %slice3A_828 : vector<128x1xf32> to vector<128x2304xf32>
      %min3A_866 = vector.broadcast %get3A_476 : vector<1x2304xf32> to vector<128x2304xf32>
      %min3A_867 = arith.minimumf %min3A_865, %min3A_866 : vector<128x2304xf32>
      %max3A_868 = vector.broadcast %slice3A_824 : vector<128x1xf32> to vector<128x2304xf32>
      %max3A_869 = vector.broadcast %get3A_464 : vector<1x2304xf32> to vector<128x2304xf32>
      %max3A_870 = arith.maximumf %max3A_868, %max3A_869 : vector<128x2304xf32>
      %sub3A_871 = arith.subf %min3A_867, %max3A_870 : vector<128x2304xf32>
      %jit3A_872 = arith.constant 0.000000e+00 : f32
      %max3A_873 = vector.broadcast %jit3A_872 : f32 to vector<128x2304xf32>
      %max3A_874 = arith.maximumf %max3A_873, %sub3A_871 : vector<128x2304xf32>
      %mul3A_875 = arith.mulf %mul3A_864, %max3A_874 : vector<128x2304xf32>
      %add3A_876 = vector.broadcast %mul3A_835 : vector<128x1xf32> to vector<128x2304xf32>
      %add3A_877 = vector.broadcast %mul3A_483 : vector<1x2304xf32> to vector<128x2304xf32>
      %add3A_878 = arith.addf %add3A_876, %add3A_877 : vector<128x2304xf32>
      %sub3A_879 = arith.subf %add3A_878, %mul3A_875 : vector<128x2304xf32>
      %add3A_880 = arith.constant 9.99999997E-7 : f32
      %add3A_881 = vector.broadcast %add3A_880 : f32 to vector<128x2304xf32>
      %add3A_882 = arith.addf %sub3A_879, %add3A_881 : vector<128x2304xf32>
      %div3A = arith.divf %mul3A_875, %add3A_882 : vector<128x2304xf32>
      %gt3A_883 = arith.constant 5.000000e-01 : f32
      %gt3A_884 = vector.broadcast %gt3A_883 : f32 to vector<128x2304xf32>
      %gt3A_885 = arith.cmpf ogt, %div3A, %gt3A_884 : vector<128x2304xf32>
      %jit3A_886 = arith.constant 1.000000e+00 : f32
      %jit3A_887 = arith.constant 0.000000e+00 : f32
      %broadcast_in_dim3A_888 = vector.broadcast %jit3A_886 : f32 to vector<128x2304xf32>
      %broadcast_in_dim3A_889 = vector.broadcast %jit3A_887 : f32 to vector<128x2304xf32>
      %select_n3A = arith.select %gt3A_885, %broadcast_in_dim3A_888, %broadcast_in_dim3A_889 : vector<128x2304xi1>, vector<128x2304xf32>
      %convert_element_type3A_890 = arith.truncf %select_n3A : vector<128x2304xf32> to vector<128x2304xbf16>
      %swap3A_891 = arith.constant 0 : index
      %swap3A_892 = arith.constant 0 : index
      %swap3A_893 = vector.load %arg2[%swap3A_891, %swap3A_892] : memref<128x5120xbf16, #tpu.memory_space<vmem>>, vector<128x2304xbf16>
      tpu.vector_store %arg2[%swap3A_891, %swap3A_892], %convert_element_type3A_890 {strides = array<i32>} : memref<128x5120xbf16, #tpu.memory_space<vmem>>, vector<128x2304xbf16>,
      %get3A_894 = arith.constant 0 : index
      %get3A_895 = arith.index_cast %multiple_of3A_818 : i32 to index
      %get3A_896 = vector.load %arg2[%get3A_894, %get3A_895] : memref<128x5120xbf16, #tpu.memory_space<vmem>>, vector<128x128xbf16>
      %mul3A_897 = arith.mulf %get3A_896, %convert_element_type3A_16 : vector<128x128xbf16>
      %get3A_898 = arith.constant 0 : index
      %get3A_899 = arith.index_cast %multiple_of3A : i32 to index
      %get3A_900 = vector.load %arg1[%get3A_898, %get3A_899] : memref<1x5120xf32, #tpu.memory_space<vmem>>, vector<1x128xf32>
      %while3A = arith.constant true
      %while3A_901:2 = scf.while (%while3A_929 = %get3A_900, %while3A_930 = %while3A) : (vector<1x128xf32>, i1) -> (vector<1x128xf32>, i1) {
        scf.condition(%while3A_930) %while3A_929, %while3A_930 : vector<1x128xf32>, i1
      } do {
      ^bb0(%while3A_929: vector<1x128xf32>, %while3A_930: i1):
        %convert_element_type3A_931 = arith.truncf %while3A_929 : vector<1x128xf32> to vector<1x128xbf16>
        %dot_general3A_932 = arith.constant dense<0.000000e+00> : vector<1x128xf32>
        %dot_general3A_933 = tpu.matmul %convert_element_type3A_931, %mul3A_897, %dot_general3A_932 {dimension_numbers = #tpu.dot_dimension_numbers<[1], [0], [0], [1], [0, 0, 1, 1], [], []>, transpose_lhs_hint = false} : vector<1x128xbf16>, vector<128x128xbf16>, vector<1x128xf32> -> vector<1x128xf32>
        %eq3A_934 = arith.constant 0.000000e+00 : f32
        %eq3A_935 = vector.broadcast %eq3A_934 : f32 to vector<1x128xf32>
        %eq3A_936 = arith.cmpf oeq, %dot_general3A_933, %eq3A_935 : vector<1x128xf32>
        %jit3A_937 = arith.constant 1.000000e+00 : f32
        %jit3A_938 = arith.constant 0.000000e+00 : f32
        %broadcast_in_dim3A_939 = vector.broadcast %jit3A_937 : f32 to vector<1x128xf32>
        %broadcast_in_dim3A_940 = vector.broadcast %jit3A_938 : f32 to vector<1x128xf32>
        %select_n3A_941 = arith.select %eq3A_936, %broadcast_in_dim3A_939, %broadcast_in_dim3A_940 : vector<1x128xi1>, vector<1x128xf32>
        %mul3A_942 = arith.mulf %get3A_900, %select_n3A_941 : vector<1x128xf32>
        %sub3A_943 = arith.subf %mul3A_942, %while3A_929 : vector<1x128xf32>
        %abs3A = math.absf %sub3A_943 : vector<1x128xf32>
        %reduce_sum3A = vector.shape_cast %abs3A : vector<1x128xf32> to vector<1x1x128xf32>
        %reduce_sum3A_944 = arith.constant dense<0.000000e+00> : vector<1xf32>
        %reduce_sum3A_945 = vector.multi_reduction <add>, %reduce_sum3A, %reduce_sum3A_944 [1, 2] : vector<1x1x128xf32> to vector<1xf32>
        %reduce_sum3A_946 = vector.shape_cast %reduce_sum3A_945 : vector<1xf32> to vector<1x1x1xf32>
        %reduce_sum3A_947 = vector.extract %reduce_sum3A_946[0, 0, 0] : f32 from vector<1x1x1xf32>
        %gt3A_948 = arith.constant 0.000000e+00 : f32
        %gt3A_949 = arith.cmpf ogt, %reduce_sum3A_947, %gt3A_948 : f32
        scf.yield %mul3A_942, %gt3A_949 : vector<1x128xf32>, i1
      }
      %convert_element_type3A_902 = arith.truncf %while3A_901#0 : vector<1x128xf32> to vector<1x128xbf16>
      %get3A_903 = arith.constant 0 : index
      %get3A_904 = arith.constant 0 : index
      %get3A_905 = vector.load %arg2[%get3A_903, %get3A_904] : memref<128x5120xbf16, #tpu.memory_space<vmem>>, vector<128x2304xbf16>
      %dot_general3A_906 = arith.constant dense<0.000000e+00> : vector<1x2304xf32>
      %dot_general3A_907 = tpu.matmul %convert_element_type3A_902, %get3A_905, %dot_general3A_906 {dimension_numbers = #tpu.dot_dimension_numbers<[1], [0], [0], [1], [0, 0, 1, 1], [], []>, transpose_lhs_hint = false} : vector<1x128xbf16>, vector<128x2304xbf16>, vector<1x2304xf32> -> vector<1x2304xf32>
      %eq3A_908 = arith.constant 0.000000e+00 : f32
      %eq3A_909 = vector.broadcast %eq3A_908 : f32 to vector<1x2304xf32>
      %eq3A_910 = arith.cmpf oeq, %dot_general3A_907, %eq3A_909 : vector<1x2304xf32>
      %add3A_911 = arith.constant 128 : i32
      %add3A_912 = arith.addi %multiple_of3A, %add3A_911 : i32
      %lt3A = vector.broadcast %add3A_912 : i32 to vector<1x2304xi32>
      %lt3A_913 = arith.cmpi slt, %add3A_487, %lt3A : vector<1x2304xi32>
      %or3A = arith.ori %eq3A_910, %lt3A_913 : vector<1x2304xi1>
      %get3A_914 = arith.constant 0 : index
      %get3A_915 = arith.constant 2816 : index
      %get3A_916 = vector.load %arg1[%get3A_914, %get3A_915] : memref<1x5120xf32, #tpu.memory_space<vmem>>, vector<1x2304xf32>
      %jit3A_917 = arith.constant 1.000000e+00 : f32
      %jit3A_918 = arith.constant 0.000000e+00 : f32
      %broadcast_in_dim3A_919 = vector.broadcast %jit3A_917 : f32 to vector<1x2304xf32>
      %broadcast_in_dim3A_920 = vector.broadcast %jit3A_918 : f32 to vector<1x2304xf32>
      %select_n3A_921 = arith.select %or3A, %broadcast_in_dim3A_919, %broadcast_in_dim3A_920 : vector<1x2304xi1>, vector<1x2304xf32>
      %mul3A_922 = arith.mulf %get3A_916, %select_n3A_921 : vector<1x2304xf32>
      %swap3A_923 = arith.constant 0 : index
      %swap3A_924 = arith.constant 2816 : index
      %swap3A_925 = vector.load %arg1[%swap3A_923, %swap3A_924] : memref<1x5120xf32, #tpu.memory_space<vmem>>, vector<1x2304xf32>
      tpu.vector_store %arg1[%swap3A_923, %swap3A_924], %mul3A_922 {strides = array<i32>} : memref<1x5120xf32, #tpu.memory_space<vmem>>, vector<1x2304xf32>,
      %swap3A_926 = arith.constant 0 : index
      %swap3A_927 = arith.index_cast %multiple_of3A : i32 to index
      %swap3A_928 = vector.load %arg1[%swap3A_926, %swap3A_927] : memref<1x5120xf32, #tpu.memory_space<vmem>>, vector<1x128xf32>
      tpu.vector_store %arg1[%swap3A_926, %swap3A_927], %while3A_901#0 {strides = array<i32>} : memref<1x5120xf32, #tpu.memory_space<vmem>>, vector<1x128xf32>,
    }
    %scan3A_492 = arith.constant 2 : i32
    %get3A_493 = arith.constant 0 : index
    %get3A_494 = arith.constant 3072 : index
    %get3A_495 = vector.load %arg3[%get3A_493, %get3A_494] : memref<16x5120xf32, #tpu.memory_space<vmem>>, vector<1x2048xf32>
    %get3A_496 = arith.constant 1 : index
    %get3A_497 = arith.constant 3072 : index
    %get3A_498 = vector.load %arg3[%get3A_496, %get3A_497] : memref<16x5120xf32, #tpu.memory_space<vmem>>, vector<1x2048xf32>
    %get3A_499 = arith.constant 2 : index
    %get3A_500 = arith.constant 3072 : index
    %get3A_501 = vector.load %arg3[%get3A_499, %get3A_500] : memref<16x5120xf32, #tpu.memory_space<vmem>>, vector<1x2048xf32>
    %get3A_502 = arith.constant 3 : index
    %get3A_503 = arith.constant 3072 : index
    %get3A_504 = vector.load %arg3[%get3A_502, %get3A_503] : memref<16x5120xf32, #tpu.memory_space<vmem>>, vector<1x2048xf32>
    %get3A_505 = arith.constant 4 : index
    %get3A_506 = arith.constant 3072 : index
    %get3A_507 = vector.load %arg3[%get3A_505, %get3A_506] : memref<16x5120xf32, #tpu.memory_space<vmem>>, vector<1x2048xf32>
    %get3A_508 = arith.constant 5 : index
    %get3A_509 = arith.constant 3072 : index
    %get3A_510 = vector.load %arg3[%get3A_508, %get3A_509] : memref<16x5120xf32, #tpu.memory_space<vmem>>, vector<1x2048xf32>
    %get3A_511 = arith.constant 6 : index
    %get3A_512 = arith.constant 3072 : index
    %get3A_513 = vector.load %arg3[%get3A_511, %get3A_512] : memref<16x5120xf32, #tpu.memory_space<vmem>>, vector<1x2048xf32>
    %get3A_514 = arith.constant 7 : index
    %get3A_515 = arith.constant 3072 : index
    %get3A_516 = vector.load %arg3[%get3A_514, %get3A_515] : memref<16x5120xf32, #tpu.memory_space<vmem>>, vector<1x2048xf32>
    %sub3A_517 = arith.subf %get3A_507, %get3A_495 : vector<1x2048xf32>
    %sub3A_518 = arith.subf %get3A_510, %get3A_498 : vector<1x2048xf32>
    %mul3A_519 = arith.mulf %sub3A_517, %sub3A_518 : vector<1x2048xf32>
    %sub3A_520 = arith.subf %get3A_513, %get3A_501 : vector<1x2048xf32>
    %mul3A_521 = arith.mulf %mul3A_519, %sub3A_520 : vector<1x2048xf32>
    %sub3A_522 = arith.subf %get3A_516, %get3A_504 : vector<1x2048xf32>
    %mul3A_523 = arith.mulf %mul3A_521, %sub3A_522 : vector<1x2048xf32>
    %iota3A_524 = tpu.iota {dimensions = array<i32: 1>} : vector<1x2048xi32>
    %add3A_525 = arith.constant 3072 : i32
    %add3A_526 = vector.broadcast %add3A_525 : i32 to vector<1x2048xi32>
    %add3A_527 = arith.addi %iota3A_524, %add3A_526 : vector<1x2048xi32>
    %scan3A_528 = arith.constant 24 : i32
    %scan3A_529 = arith.constant 2 : i32
    %scan3A_530 = arith.addi %scan3A_528, %scan3A_529 : i32
    %scan3A_531 = arith.constant 1 : i32
    scf.for %scan3A_813 = %scan3A_528 to %scan3A_530 step %scan3A_531  : i32 {
      %mul3A_814 = arith.constant 128 : i32
      %mul3A_815 = arith.muli %scan3A_813, %mul3A_814 : i32
      %multiple_of3A = tpu.assume_multiple %mul3A_815, 128 : i32
      %sub3A_816 = arith.constant 3072 : i32
      %sub3A_817 = arith.subi %multiple_of3A, %sub3A_816 : i32
      %multiple_of3A_818 = tpu.assume_multiple %sub3A_817, 128 : i32
      %get3A_819 = arith.index_cast %multiple_of3A : i32 to index
      %get3A_820 = arith.constant 0 : index
      %get3A_821 = vector.load %arg0[%get3A_819, %get3A_820] : memref<5120x16xf32, #tpu.memory_space<vmem>>, vector<128x16xf32>
      %slice3A = vector.extract_strided_slice %get3A_821 {offsets = [0, 0], sizes = [128, 1], strides = [1, 1]} : vector<128x16xf32> to vector<128x1xf32>
      %slice3A_822 = vector.extract_strided_slice %get3A_821 {offsets = [0, 1], sizes = [128, 1], strides = [1, 1]} : vector<128x16xf32> to vector<128x1xf32>
      %slice3A_823 = vector.extract_strided_slice %get3A_821 {offsets = [0, 2], sizes = [128, 1], strides = [1, 1]} : vector<128x16xf32> to vector<128x1xf32>
      %slice3A_824 = vector.extract_strided_slice %get3A_821 {offsets = [0, 3], sizes = [128, 1], strides = [1, 1]} : vector<128x16xf32> to vector<128x1xf32>
      %slice3A_825 = vector.extract_strided_slice %get3A_821 {offsets = [0, 4], sizes = [128, 1], strides = [1, 1]} : vector<128x16xf32> to vector<128x1xf32>
      %slice3A_826 = vector.extract_strided_slice %get3A_821 {offsets = [0, 5], sizes = [128, 1], strides = [1, 1]} : vector<128x16xf32> to vector<128x1xf32>
      %slice3A_827 = vector.extract_strided_slice %get3A_821 {offsets = [0, 6], sizes = [128, 1], strides = [1, 1]} : vector<128x16xf32> to vector<128x1xf32>
      %slice3A_828 = vector.extract_strided_slice %get3A_821 {offsets = [0, 7], sizes = [128, 1], strides = [1, 1]} : vector<128x16xf32> to vector<128x1xf32>
      %sub3A_829 = arith.subf %slice3A_825, %slice3A : vector<128x1xf32>
      %sub3A_830 = arith.subf %slice3A_826, %slice3A_822 : vector<128x1xf32>
      %mul3A_831 = arith.mulf %sub3A_829, %sub3A_830 : vector<128x1xf32>
      %sub3A_832 = arith.subf %slice3A_827, %slice3A_823 : vector<128x1xf32>
      %mul3A_833 = arith.mulf %mul3A_831, %sub3A_832 : vector<128x1xf32>
      %sub3A_834 = arith.subf %slice3A_828, %slice3A_824 : vector<128x1xf32>
      %mul3A_835 = arith.mulf %mul3A_833, %sub3A_834 : vector<128x1xf32>
      %min3A = vector.broadcast %slice3A_825 : vector<128x1xf32> to vector<128x2048xf32>
      %min3A_836 = vector.broadcast %get3A_507 : vector<1x2048xf32> to vector<128x2048xf32>
      %min3A_837 = arith.minimumf %min3A, %min3A_836 : vector<128x2048xf32>
      %max3A = vector.broadcast %slice3A : vector<128x1xf32> to vector<128x2048xf32>
      %max3A_838 = vector.broadcast %get3A_495 : vector<1x2048xf32> to vector<128x2048xf32>
      %max3A_839 = arith.maximumf %max3A, %max3A_838 : vector<128x2048xf32>
      %sub3A_840 = arith.subf %min3A_837, %max3A_839 : vector<128x2048xf32>
      %jit3A = arith.constant 0.000000e+00 : f32
      %max3A_841 = vector.broadcast %jit3A : f32 to vector<128x2048xf32>
      %max3A_842 = arith.maximumf %max3A_841, %sub3A_840 : vector<128x2048xf32>
      %min3A_843 = vector.broadcast %slice3A_826 : vector<128x1xf32> to vector<128x2048xf32>
      %min3A_844 = vector.broadcast %get3A_510 : vector<1x2048xf32> to vector<128x2048xf32>
      %min3A_845 = arith.minimumf %min3A_843, %min3A_844 : vector<128x2048xf32>
      %max3A_846 = vector.broadcast %slice3A_822 : vector<128x1xf32> to vector<128x2048xf32>
      %max3A_847 = vector.broadcast %get3A_498 : vector<1x2048xf32> to vector<128x2048xf32>
      %max3A_848 = arith.maximumf %max3A_846, %max3A_847 : vector<128x2048xf32>
      %sub3A_849 = arith.subf %min3A_845, %max3A_848 : vector<128x2048xf32>
      %jit3A_850 = arith.constant 0.000000e+00 : f32
      %max3A_851 = vector.broadcast %jit3A_850 : f32 to vector<128x2048xf32>
      %max3A_852 = arith.maximumf %max3A_851, %sub3A_849 : vector<128x2048xf32>
      %mul3A_853 = arith.mulf %max3A_842, %max3A_852 : vector<128x2048xf32>
      %min3A_854 = vector.broadcast %slice3A_827 : vector<128x1xf32> to vector<128x2048xf32>
      %min3A_855 = vector.broadcast %get3A_513 : vector<1x2048xf32> to vector<128x2048xf32>
      %min3A_856 = arith.minimumf %min3A_854, %min3A_855 : vector<128x2048xf32>
      %max3A_857 = vector.broadcast %slice3A_823 : vector<128x1xf32> to vector<128x2048xf32>
      %max3A_858 = vector.broadcast %get3A_501 : vector<1x2048xf32> to vector<128x2048xf32>
      %max3A_859 = arith.maximumf %max3A_857, %max3A_858 : vector<128x2048xf32>
      %sub3A_860 = arith.subf %min3A_856, %max3A_859 : vector<128x2048xf32>
      %jit3A_861 = arith.constant 0.000000e+00 : f32
      %max3A_862 = vector.broadcast %jit3A_861 : f32 to vector<128x2048xf32>
      %max3A_863 = arith.maximumf %max3A_862, %sub3A_860 : vector<128x2048xf32>
      %mul3A_864 = arith.mulf %mul3A_853, %max3A_863 : vector<128x2048xf32>
      %min3A_865 = vector.broadcast %slice3A_828 : vector<128x1xf32> to vector<128x2048xf32>
      %min3A_866 = vector.broadcast %get3A_516 : vector<1x2048xf32> to vector<128x2048xf32>
      %min3A_867 = arith.minimumf %min3A_865, %min3A_866 : vector<128x2048xf32>
      %max3A_868 = vector.broadcast %slice3A_824 : vector<128x1xf32> to vector<128x2048xf32>
      %max3A_869 = vector.broadcast %get3A_504 : vector<1x2048xf32> to vector<128x2048xf32>
      %max3A_870 = arith.maximumf %max3A_868, %max3A_869 : vector<128x2048xf32>
      %sub3A_871 = arith.subf %min3A_867, %max3A_870 : vector<128x2048xf32>
      %jit3A_872 = arith.constant 0.000000e+00 : f32
      %max3A_873 = vector.broadcast %jit3A_872 : f32 to vector<128x2048xf32>
      %max3A_874 = arith.maximumf %max3A_873, %sub3A_871 : vector<128x2048xf32>
      %mul3A_875 = arith.mulf %mul3A_864, %max3A_874 : vector<128x2048xf32>
      %add3A_876 = vector.broadcast %mul3A_835 : vector<128x1xf32> to vector<128x2048xf32>
      %add3A_877 = vector.broadcast %mul3A_523 : vector<1x2048xf32> to vector<128x2048xf32>
      %add3A_878 = arith.addf %add3A_876, %add3A_877 : vector<128x2048xf32>
      %sub3A_879 = arith.subf %add3A_878, %mul3A_875 : vector<128x2048xf32>
      %add3A_880 = arith.constant 9.99999997E-7 : f32
      %add3A_881 = vector.broadcast %add3A_880 : f32 to vector<128x2048xf32>
      %add3A_882 = arith.addf %sub3A_879, %add3A_881 : vector<128x2048xf32>
      %div3A = arith.divf %mul3A_875, %add3A_882 : vector<128x2048xf32>
      %gt3A_883 = arith.constant 5.000000e-01 : f32
      %gt3A_884 = vector.broadcast %gt3A_883 : f32 to vector<128x2048xf32>
      %gt3A_885 = arith.cmpf ogt, %div3A, %gt3A_884 : vector<128x2048xf32>
      %jit3A_886 = arith.constant 1.000000e+00 : f32
      %jit3A_887 = arith.constant 0.000000e+00 : f32
      %broadcast_in_dim3A_888 = vector.broadcast %jit3A_886 : f32 to vector<128x2048xf32>
      %broadcast_in_dim3A_889 = vector.broadcast %jit3A_887 : f32 to vector<128x2048xf32>
      %select_n3A = arith.select %gt3A_885, %broadcast_in_dim3A_888, %broadcast_in_dim3A_889 : vector<128x2048xi1>, vector<128x2048xf32>
      %convert_element_type3A_890 = arith.truncf %select_n3A : vector<128x2048xf32> to vector<128x2048xbf16>
      %swap3A_891 = arith.constant 0 : index
      %swap3A_892 = arith.constant 0 : index
      %swap3A_893 = vector.load %arg2[%swap3A_891, %swap3A_892] : memref<128x5120xbf16, #tpu.memory_space<vmem>>, vector<128x2048xbf16>
      tpu.vector_store %arg2[%swap3A_891, %swap3A_892], %convert_element_type3A_890 {strides = array<i32>} : memref<128x5120xbf16, #tpu.memory_space<vmem>>, vector<128x2048xbf16>,
      %get3A_894 = arith.constant 0 : index
      %get3A_895 = arith.index_cast %multiple_of3A_818 : i32 to index
      %get3A_896 = vector.load %arg2[%get3A_894, %get3A_895] : memref<128x5120xbf16, #tpu.memory_space<vmem>>, vector<128x128xbf16>
      %mul3A_897 = arith.mulf %get3A_896, %convert_element_type3A_16 : vector<128x128xbf16>
      %get3A_898 = arith.constant 0 : index
      %get3A_899 = arith.index_cast %multiple_of3A : i32 to index
      %get3A_900 = vector.load %arg1[%get3A_898, %get3A_899] : memref<1x5120xf32, #tpu.memory_space<vmem>>, vector<1x128xf32>
      %while3A = arith.constant true
      %while3A_901:2 = scf.while (%while3A_929 = %get3A_900, %while3A_930 = %while3A) : (vector<1x128xf32>, i1) -> (vector<1x128xf32>, i1) {
        scf.condition(%while3A_930) %while3A_929, %while3A_930 : vector<1x128xf32>, i1
      } do {
      ^bb0(%while3A_929: vector<1x128xf32>, %while3A_930: i1):
        %convert_element_type3A_931 = arith.truncf %while3A_929 : vector<1x128xf32> to vector<1x128xbf16>
        %dot_general3A_932 = arith.constant dense<0.000000e+00> : vector<1x128xf32>
        %dot_general3A_933 = tpu.matmul %convert_element_type3A_931, %mul3A_897, %dot_general3A_932 {dimension_numbers = #tpu.dot_dimension_numbers<[1], [0], [0], [1], [0, 0, 1, 1], [], []>, transpose_lhs_hint = false} : vector<1x128xbf16>, vector<128x128xbf16>, vector<1x128xf32> -> vector<1x128xf32>
        %eq3A_934 = arith.constant 0.000000e+00 : f32
        %eq3A_935 = vector.broadcast %eq3A_934 : f32 to vector<1x128xf32>
        %eq3A_936 = arith.cmpf oeq, %dot_general3A_933, %eq3A_935 : vector<1x128xf32>
        %jit3A_937 = arith.constant 1.000000e+00 : f32
        %jit3A_938 = arith.constant 0.000000e+00 : f32
        %broadcast_in_dim3A_939 = vector.broadcast %jit3A_937 : f32 to vector<1x128xf32>
        %broadcast_in_dim3A_940 = vector.broadcast %jit3A_938 : f32 to vector<1x128xf32>
        %select_n3A_941 = arith.select %eq3A_936, %broadcast_in_dim3A_939, %broadcast_in_dim3A_940 : vector<1x128xi1>, vector<1x128xf32>
        %mul3A_942 = arith.mulf %get3A_900, %select_n3A_941 : vector<1x128xf32>
        %sub3A_943 = arith.subf %mul3A_942, %while3A_929 : vector<1x128xf32>
        %abs3A = math.absf %sub3A_943 : vector<1x128xf32>
        %reduce_sum3A = vector.shape_cast %abs3A : vector<1x128xf32> to vector<1x1x128xf32>
        %reduce_sum3A_944 = arith.constant dense<0.000000e+00> : vector<1xf32>
        %reduce_sum3A_945 = vector.multi_reduction <add>, %reduce_sum3A, %reduce_sum3A_944 [1, 2] : vector<1x1x128xf32> to vector<1xf32>
        %reduce_sum3A_946 = vector.shape_cast %reduce_sum3A_945 : vector<1xf32> to vector<1x1x1xf32>
        %reduce_sum3A_947 = vector.extract %reduce_sum3A_946[0, 0, 0] : f32 from vector<1x1x1xf32>
        %gt3A_948 = arith.constant 0.000000e+00 : f32
        %gt3A_949 = arith.cmpf ogt, %reduce_sum3A_947, %gt3A_948 : f32
        scf.yield %mul3A_942, %gt3A_949 : vector<1x128xf32>, i1
      }
      %convert_element_type3A_902 = arith.truncf %while3A_901#0 : vector<1x128xf32> to vector<1x128xbf16>
      %get3A_903 = arith.constant 0 : index
      %get3A_904 = arith.constant 0 : index
      %get3A_905 = vector.load %arg2[%get3A_903, %get3A_904] : memref<128x5120xbf16, #tpu.memory_space<vmem>>, vector<128x2048xbf16>
      %dot_general3A_906 = arith.constant dense<0.000000e+00> : vector<1x2048xf32>
      %dot_general3A_907 = tpu.matmul %convert_element_type3A_902, %get3A_905, %dot_general3A_906 {dimension_numbers = #tpu.dot_dimension_numbers<[1], [0], [0], [1], [0, 0, 1, 1], [], []>, transpose_lhs_hint = false} : vector<1x128xbf16>, vector<128x2048xbf16>, vector<1x2048xf32> -> vector<1x2048xf32>
      %eq3A_908 = arith.constant 0.000000e+00 : f32
      %eq3A_909 = vector.broadcast %eq3A_908 : f32 to vector<1x2048xf32>
      %eq3A_910 = arith.cmpf oeq, %dot_general3A_907, %eq3A_909 : vector<1x2048xf32>
      %add3A_911 = arith.constant 128 : i32
      %add3A_912 = arith.addi %multiple_of3A, %add3A_911 : i32
      %lt3A = vector.broadcast %add3A_912 : i32 to vector<1x2048xi32>
      %lt3A_913 = arith.cmpi slt, %add3A_527, %lt3A : vector<1x2048xi32>
      %or3A = arith.ori %eq3A_910, %lt3A_913 : vector<1x2048xi1>
      %get3A_914 = arith.constant 0 : index
      %get3A_915 = arith.constant 3072 : index
      %get3A_916 = vector.load %arg1[%get3A_914, %get3A_915] : memref<1x5120xf32, #tpu.memory_space<vmem>>, vector<1x2048xf32>
      %jit3A_917 = arith.constant 1.000000e+00 : f32
      %jit3A_918 = arith.constant 0.000000e+00 : f32
      %broadcast_in_dim3A_919 = vector.broadcast %jit3A_917 : f32 to vector<1x2048xf32>
      %broadcast_in_dim3A_920 = vector.broadcast %jit3A_918 : f32 to vector<1x2048xf32>
      %select_n3A_921 = arith.select %or3A, %broadcast_in_dim3A_919, %broadcast_in_dim3A_920 : vector<1x2048xi1>, vector<1x2048xf32>
      %mul3A_922 = arith.mulf %get3A_916, %select_n3A_921 : vector<1x2048xf32>
      %swap3A_923 = arith.constant 0 : index
      %swap3A_924 = arith.constant 3072 : index
      %swap3A_925 = vector.load %arg1[%swap3A_923, %swap3A_924] : memref<1x5120xf32, #tpu.memory_space<vmem>>, vector<1x2048xf32>
      tpu.vector_store %arg1[%swap3A_923, %swap3A_924], %mul3A_922 {strides = array<i32>} : memref<1x5120xf32, #tpu.memory_space<vmem>>, vector<1x2048xf32>,
      %swap3A_926 = arith.constant 0 : index
      %swap3A_927 = arith.index_cast %multiple_of3A : i32 to index
      %swap3A_928 = vector.load %arg1[%swap3A_926, %swap3A_927] : memref<1x5120xf32, #tpu.memory_space<vmem>>, vector<1x128xf32>
      tpu.vector_store %arg1[%swap3A_926, %swap3A_927], %while3A_901#0 {strides = array<i32>} : memref<1x5120xf32, #tpu.memory_space<vmem>>, vector<1x128xf32>,
    }
    %scan3A_532 = arith.constant 2 : i32
    %get3A_533 = arith.constant 0 : index
    %get3A_534 = arith.constant 3328 : index
    %get3A_535 = vector.load %arg3[%get3A_533, %get3A_534] : memref<16x5120xf32, #tpu.memory_space<vmem>>, vector<1x1792xf32>
    %get3A_536 = arith.constant 1 : index
    %get3A_537 = arith.constant 3328 : index
    %get3A_538 = vector.load %arg3[%get3A_536, %get3A_537] : memref<16x5120xf32, #tpu.memory_space<vmem>>, vector<1x1792xf32>
    %get3A_539 = arith.constant 2 : index
    %get3A_540 = arith.constant 3328 : index
    %get3A_541 = vector.load %arg3[%get3A_539, %get3A_540] : memref<16x5120xf32, #tpu.memory_space<vmem>>, vector<1x1792xf32>
    %get3A_542 = arith.constant 3 : index
    %get3A_543 = arith.constant 3328 : index
    %get3A_544 = vector.load %arg3[%get3A_542, %get3A_543] : memref<16x5120xf32, #tpu.memory_space<vmem>>, vector<1x1792xf32>
    %get3A_545 = arith.constant 4 : index
    %get3A_546 = arith.constant 3328 : index
    %get3A_547 = vector.load %arg3[%get3A_545, %get3A_546] : memref<16x5120xf32, #tpu.memory_space<vmem>>, vector<1x1792xf32>
    %get3A_548 = arith.constant 5 : index
    %get3A_549 = arith.constant 3328 : index
    %get3A_550 = vector.load %arg3[%get3A_548, %get3A_549] : memref<16x5120xf32, #tpu.memory_space<vmem>>, vector<1x1792xf32>
    %get3A_551 = arith.constant 6 : index
    %get3A_552 = arith.constant 3328 : index
    %get3A_553 = vector.load %arg3[%get3A_551, %get3A_552] : memref<16x5120xf32, #tpu.memory_space<vmem>>, vector<1x1792xf32>
    %get3A_554 = arith.constant 7 : index
    %get3A_555 = arith.constant 3328 : index
    %get3A_556 = vector.load %arg3[%get3A_554, %get3A_555] : memref<16x5120xf32, #tpu.memory_space<vmem>>, vector<1x1792xf32>
    %sub3A_557 = arith.subf %get3A_547, %get3A_535 : vector<1x1792xf32>
    %sub3A_558 = arith.subf %get3A_550, %get3A_538 : vector<1x1792xf32>
    %mul3A_559 = arith.mulf %sub3A_557, %sub3A_558 : vector<1x1792xf32>
    %sub3A_560 = arith.subf %get3A_553, %get3A_541 : vector<1x1792xf32>
    %mul3A_561 = arith.mulf %mul3A_559, %sub3A_560 : vector<1x1792xf32>
    %sub3A_562 = arith.subf %get3A_556, %get3A_544 : vector<1x1792xf32>
    %mul3A_563 = arith.mulf %mul3A_561, %sub3A_562 : vector<1x1792xf32>
    %iota3A_564 = tpu.iota {dimensions = array<i32: 1>} : vector<1x1792xi32>
    %add3A_565 = arith.constant 3328 : i32
    %add3A_566 = vector.broadcast %add3A_565 : i32 to vector<1x1792xi32>
    %add3A_567 = arith.addi %iota3A_564, %add3A_566 : vector<1x1792xi32>
    %scan3A_568 = arith.constant 26 : i32
    %scan3A_569 = arith.constant 2 : i32
    %scan3A_570 = arith.addi %scan3A_568, %scan3A_569 : i32
    %scan3A_571 = arith.constant 1 : i32
    scf.for %scan3A_813 = %scan3A_568 to %scan3A_570 step %scan3A_571  : i32 {
      %mul3A_814 = arith.constant 128 : i32
      %mul3A_815 = arith.muli %scan3A_813, %mul3A_814 : i32
      %multiple_of3A = tpu.assume_multiple %mul3A_815, 128 : i32
      %sub3A_816 = arith.constant 3328 : i32
      %sub3A_817 = arith.subi %multiple_of3A, %sub3A_816 : i32
      %multiple_of3A_818 = tpu.assume_multiple %sub3A_817, 128 : i32
      %get3A_819 = arith.index_cast %multiple_of3A : i32 to index
      %get3A_820 = arith.constant 0 : index
      %get3A_821 = vector.load %arg0[%get3A_819, %get3A_820] : memref<5120x16xf32, #tpu.memory_space<vmem>>, vector<128x16xf32>
      %slice3A = vector.extract_strided_slice %get3A_821 {offsets = [0, 0], sizes = [128, 1], strides = [1, 1]} : vector<128x16xf32> to vector<128x1xf32>
      %slice3A_822 = vector.extract_strided_slice %get3A_821 {offsets = [0, 1], sizes = [128, 1], strides = [1, 1]} : vector<128x16xf32> to vector<128x1xf32>
      %slice3A_823 = vector.extract_strided_slice %get3A_821 {offsets = [0, 2], sizes = [128, 1], strides = [1, 1]} : vector<128x16xf32> to vector<128x1xf32>
      %slice3A_824 = vector.extract_strided_slice %get3A_821 {offsets = [0, 3], sizes = [128, 1], strides = [1, 1]} : vector<128x16xf32> to vector<128x1xf32>
      %slice3A_825 = vector.extract_strided_slice %get3A_821 {offsets = [0, 4], sizes = [128, 1], strides = [1, 1]} : vector<128x16xf32> to vector<128x1xf32>
      %slice3A_826 = vector.extract_strided_slice %get3A_821 {offsets = [0, 5], sizes = [128, 1], strides = [1, 1]} : vector<128x16xf32> to vector<128x1xf32>
      %slice3A_827 = vector.extract_strided_slice %get3A_821 {offsets = [0, 6], sizes = [128, 1], strides = [1, 1]} : vector<128x16xf32> to vector<128x1xf32>
      %slice3A_828 = vector.extract_strided_slice %get3A_821 {offsets = [0, 7], sizes = [128, 1], strides = [1, 1]} : vector<128x16xf32> to vector<128x1xf32>
      %sub3A_829 = arith.subf %slice3A_825, %slice3A : vector<128x1xf32>
      %sub3A_830 = arith.subf %slice3A_826, %slice3A_822 : vector<128x1xf32>
      %mul3A_831 = arith.mulf %sub3A_829, %sub3A_830 : vector<128x1xf32>
      %sub3A_832 = arith.subf %slice3A_827, %slice3A_823 : vector<128x1xf32>
      %mul3A_833 = arith.mulf %mul3A_831, %sub3A_832 : vector<128x1xf32>
      %sub3A_834 = arith.subf %slice3A_828, %slice3A_824 : vector<128x1xf32>
      %mul3A_835 = arith.mulf %mul3A_833, %sub3A_834 : vector<128x1xf32>
      %min3A = vector.broadcast %slice3A_825 : vector<128x1xf32> to vector<128x1792xf32>
      %min3A_836 = vector.broadcast %get3A_547 : vector<1x1792xf32> to vector<128x1792xf32>
      %min3A_837 = arith.minimumf %min3A, %min3A_836 : vector<128x1792xf32>
      %max3A = vector.broadcast %slice3A : vector<128x1xf32> to vector<128x1792xf32>
      %max3A_838 = vector.broadcast %get3A_535 : vector<1x1792xf32> to vector<128x1792xf32>
      %max3A_839 = arith.maximumf %max3A, %max3A_838 : vector<128x1792xf32>
      %sub3A_840 = arith.subf %min3A_837, %max3A_839 : vector<128x1792xf32>
      %jit3A = arith.constant 0.000000e+00 : f32
      %max3A_841 = vector.broadcast %jit3A : f32 to vector<128x1792xf32>
      %max3A_842 = arith.maximumf %max3A_841, %sub3A_840 : vector<128x1792xf32>
      %min3A_843 = vector.broadcast %slice3A_826 : vector<128x1xf32> to vector<128x1792xf32>
      %min3A_844 = vector.broadcast %get3A_550 : vector<1x1792xf32> to vector<128x1792xf32>
      %min3A_845 = arith.minimumf %min3A_843, %min3A_844 : vector<128x1792xf32>
      %max3A_846 = vector.broadcast %slice3A_822 : vector<128x1xf32> to vector<128x1792xf32>
      %max3A_847 = vector.broadcast %get3A_538 : vector<1x1792xf32> to vector<128x1792xf32>
      %max3A_848 = arith.maximumf %max3A_846, %max3A_847 : vector<128x1792xf32>
      %sub3A_849 = arith.subf %min3A_845, %max3A_848 : vector<128x1792xf32>
      %jit3A_850 = arith.constant 0.000000e+00 : f32
      %max3A_851 = vector.broadcast %jit3A_850 : f32 to vector<128x1792xf32>
      %max3A_852 = arith.maximumf %max3A_851, %sub3A_849 : vector<128x1792xf32>
      %mul3A_853 = arith.mulf %max3A_842, %max3A_852 : vector<128x1792xf32>
      %min3A_854 = vector.broadcast %slice3A_827 : vector<128x1xf32> to vector<128x1792xf32>
      %min3A_855 = vector.broadcast %get3A_553 : vector<1x1792xf32> to vector<128x1792xf32>
      %min3A_856 = arith.minimumf %min3A_854, %min3A_855 : vector<128x1792xf32>
      %max3A_857 = vector.broadcast %slice3A_823 : vector<128x1xf32> to vector<128x1792xf32>
      %max3A_858 = vector.broadcast %get3A_541 : vector<1x1792xf32> to vector<128x1792xf32>
      %max3A_859 = arith.maximumf %max3A_857, %max3A_858 : vector<128x1792xf32>
      %sub3A_860 = arith.subf %min3A_856, %max3A_859 : vector<128x1792xf32>
      %jit3A_861 = arith.constant 0.000000e+00 : f32
      %max3A_862 = vector.broadcast %jit3A_861 : f32 to vector<128x1792xf32>
      %max3A_863 = arith.maximumf %max3A_862, %sub3A_860 : vector<128x1792xf32>
      %mul3A_864 = arith.mulf %mul3A_853, %max3A_863 : vector<128x1792xf32>
      %min3A_865 = vector.broadcast %slice3A_828 : vector<128x1xf32> to vector<128x1792xf32>
      %min3A_866 = vector.broadcast %get3A_556 : vector<1x1792xf32> to vector<128x1792xf32>
      %min3A_867 = arith.minimumf %min3A_865, %min3A_866 : vector<128x1792xf32>
      %max3A_868 = vector.broadcast %slice3A_824 : vector<128x1xf32> to vector<128x1792xf32>
      %max3A_869 = vector.broadcast %get3A_544 : vector<1x1792xf32> to vector<128x1792xf32>
      %max3A_870 = arith.maximumf %max3A_868, %max3A_869 : vector<128x1792xf32>
      %sub3A_871 = arith.subf %min3A_867, %max3A_870 : vector<128x1792xf32>
      %jit3A_872 = arith.constant 0.000000e+00 : f32
      %max3A_873 = vector.broadcast %jit3A_872 : f32 to vector<128x1792xf32>
      %max3A_874 = arith.maximumf %max3A_873, %sub3A_871 : vector<128x1792xf32>
      %mul3A_875 = arith.mulf %mul3A_864, %max3A_874 : vector<128x1792xf32>
      %add3A_876 = vector.broadcast %mul3A_835 : vector<128x1xf32> to vector<128x1792xf32>
      %add3A_877 = vector.broadcast %mul3A_563 : vector<1x1792xf32> to vector<128x1792xf32>
      %add3A_878 = arith.addf %add3A_876, %add3A_877 : vector<128x1792xf32>
      %sub3A_879 = arith.subf %add3A_878, %mul3A_875 : vector<128x1792xf32>
      %add3A_880 = arith.constant 9.99999997E-7 : f32
      %add3A_881 = vector.broadcast %add3A_880 : f32 to vector<128x1792xf32>
      %add3A_882 = arith.addf %sub3A_879, %add3A_881 : vector<128x1792xf32>
      %div3A = arith.divf %mul3A_875, %add3A_882 : vector<128x1792xf32>
      %gt3A_883 = arith.constant 5.000000e-01 : f32
      %gt3A_884 = vector.broadcast %gt3A_883 : f32 to vector<128x1792xf32>
      %gt3A_885 = arith.cmpf ogt, %div3A, %gt3A_884 : vector<128x1792xf32>
      %jit3A_886 = arith.constant 1.000000e+00 : f32
      %jit3A_887 = arith.constant 0.000000e+00 : f32
      %broadcast_in_dim3A_888 = vector.broadcast %jit3A_886 : f32 to vector<128x1792xf32>
      %broadcast_in_dim3A_889 = vector.broadcast %jit3A_887 : f32 to vector<128x1792xf32>
      %select_n3A = arith.select %gt3A_885, %broadcast_in_dim3A_888, %broadcast_in_dim3A_889 : vector<128x1792xi1>, vector<128x1792xf32>
      %convert_element_type3A_890 = arith.truncf %select_n3A : vector<128x1792xf32> to vector<128x1792xbf16>
      %swap3A_891 = arith.constant 0 : index
      %swap3A_892 = arith.constant 0 : index
      %swap3A_893 = vector.load %arg2[%swap3A_891, %swap3A_892] : memref<128x5120xbf16, #tpu.memory_space<vmem>>, vector<128x1792xbf16>
      tpu.vector_store %arg2[%swap3A_891, %swap3A_892], %convert_element_type3A_890 {strides = array<i32>} : memref<128x5120xbf16, #tpu.memory_space<vmem>>, vector<128x1792xbf16>,
      %get3A_894 = arith.constant 0 : index
      %get3A_895 = arith.index_cast %multiple_of3A_818 : i32 to index
      %get3A_896 = vector.load %arg2[%get3A_894, %get3A_895] : memref<128x5120xbf16, #tpu.memory_space<vmem>>, vector<128x128xbf16>
      %mul3A_897 = arith.mulf %get3A_896, %convert_element_type3A_16 : vector<128x128xbf16>
      %get3A_898 = arith.constant 0 : index
      %get3A_899 = arith.index_cast %multiple_of3A : i32 to index
      %get3A_900 = vector.load %arg1[%get3A_898, %get3A_899] : memref<1x5120xf32, #tpu.memory_space<vmem>>, vector<1x128xf32>
      %while3A = arith.constant true
      %while3A_901:2 = scf.while (%while3A_929 = %get3A_900, %while3A_930 = %while3A) : (vector<1x128xf32>, i1) -> (vector<1x128xf32>, i1) {
        scf.condition(%while3A_930) %while3A_929, %while3A_930 : vector<1x128xf32>, i1
      } do {
      ^bb0(%while3A_929: vector<1x128xf32>, %while3A_930: i1):
        %convert_element_type3A_931 = arith.truncf %while3A_929 : vector<1x128xf32> to vector<1x128xbf16>
        %dot_general3A_932 = arith.constant dense<0.000000e+00> : vector<1x128xf32>
        %dot_general3A_933 = tpu.matmul %convert_element_type3A_931, %mul3A_897, %dot_general3A_932 {dimension_numbers = #tpu.dot_dimension_numbers<[1], [0], [0], [1], [0, 0, 1, 1], [], []>, transpose_lhs_hint = false} : vector<1x128xbf16>, vector<128x128xbf16>, vector<1x128xf32> -> vector<1x128xf32>
        %eq3A_934 = arith.constant 0.000000e+00 : f32
        %eq3A_935 = vector.broadcast %eq3A_934 : f32 to vector<1x128xf32>
        %eq3A_936 = arith.cmpf oeq, %dot_general3A_933, %eq3A_935 : vector<1x128xf32>
        %jit3A_937 = arith.constant 1.000000e+00 : f32
        %jit3A_938 = arith.constant 0.000000e+00 : f32
        %broadcast_in_dim3A_939 = vector.broadcast %jit3A_937 : f32 to vector<1x128xf32>
        %broadcast_in_dim3A_940 = vector.broadcast %jit3A_938 : f32 to vector<1x128xf32>
        %select_n3A_941 = arith.select %eq3A_936, %broadcast_in_dim3A_939, %broadcast_in_dim3A_940 : vector<1x128xi1>, vector<1x128xf32>
        %mul3A_942 = arith.mulf %get3A_900, %select_n3A_941 : vector<1x128xf32>
        %sub3A_943 = arith.subf %mul3A_942, %while3A_929 : vector<1x128xf32>
        %abs3A = math.absf %sub3A_943 : vector<1x128xf32>
        %reduce_sum3A = vector.shape_cast %abs3A : vector<1x128xf32> to vector<1x1x128xf32>
        %reduce_sum3A_944 = arith.constant dense<0.000000e+00> : vector<1xf32>
        %reduce_sum3A_945 = vector.multi_reduction <add>, %reduce_sum3A, %reduce_sum3A_944 [1, 2] : vector<1x1x128xf32> to vector<1xf32>
        %reduce_sum3A_946 = vector.shape_cast %reduce_sum3A_945 : vector<1xf32> to vector<1x1x1xf32>
        %reduce_sum3A_947 = vector.extract %reduce_sum3A_946[0, 0, 0] : f32 from vector<1x1x1xf32>
        %gt3A_948 = arith.constant 0.000000e+00 : f32
        %gt3A_949 = arith.cmpf ogt, %reduce_sum3A_947, %gt3A_948 : f32
        scf.yield %mul3A_942, %gt3A_949 : vector<1x128xf32>, i1
      }
      %convert_element_type3A_902 = arith.truncf %while3A_901#0 : vector<1x128xf32> to vector<1x128xbf16>
      %get3A_903 = arith.constant 0 : index
      %get3A_904 = arith.constant 0 : index
      %get3A_905 = vector.load %arg2[%get3A_903, %get3A_904] : memref<128x5120xbf16, #tpu.memory_space<vmem>>, vector<128x1792xbf16>
      %dot_general3A_906 = arith.constant dense<0.000000e+00> : vector<1x1792xf32>
      %dot_general3A_907 = tpu.matmul %convert_element_type3A_902, %get3A_905, %dot_general3A_906 {dimension_numbers = #tpu.dot_dimension_numbers<[1], [0], [0], [1], [0, 0, 1, 1], [], []>, transpose_lhs_hint = false} : vector<1x128xbf16>, vector<128x1792xbf16>, vector<1x1792xf32> -> vector<1x1792xf32>
      %eq3A_908 = arith.constant 0.000000e+00 : f32
      %eq3A_909 = vector.broadcast %eq3A_908 : f32 to vector<1x1792xf32>
      %eq3A_910 = arith.cmpf oeq, %dot_general3A_907, %eq3A_909 : vector<1x1792xf32>
      %add3A_911 = arith.constant 128 : i32
      %add3A_912 = arith.addi %multiple_of3A, %add3A_911 : i32
      %lt3A = vector.broadcast %add3A_912 : i32 to vector<1x1792xi32>
      %lt3A_913 = arith.cmpi slt, %add3A_567, %lt3A : vector<1x1792xi32>
      %or3A = arith.ori %eq3A_910, %lt3A_913 : vector<1x1792xi1>
      %get3A_914 = arith.constant 0 : index
      %get3A_915 = arith.constant 3328 : index
      %get3A_916 = vector.load %arg1[%get3A_914, %get3A_915] : memref<1x5120xf32, #tpu.memory_space<vmem>>, vector<1x1792xf32>
      %jit3A_917 = arith.constant 1.000000e+00 : f32
      %jit3A_918 = arith.constant 0.000000e+00 : f32
      %broadcast_in_dim3A_919 = vector.broadcast %jit3A_917 : f32 to vector<1x1792xf32>
      %broadcast_in_dim3A_920 = vector.broadcast %jit3A_918 : f32 to vector<1x1792xf32>
      %select_n3A_921 = arith.select %or3A, %broadcast_in_dim3A_919, %broadcast_in_dim3A_920 : vector<1x1792xi1>, vector<1x1792xf32>
      %mul3A_922 = arith.mulf %get3A_916, %select_n3A_921 : vector<1x1792xf32>
      %swap3A_923 = arith.constant 0 : index
      %swap3A_924 = arith.constant 3328 : index
      %swap3A_925 = vector.load %arg1[%swap3A_923, %swap3A_924] : memref<1x5120xf32, #tpu.memory_space<vmem>>, vector<1x1792xf32>
      tpu.vector_store %arg1[%swap3A_923, %swap3A_924], %mul3A_922 {strides = array<i32>} : memref<1x5120xf32, #tpu.memory_space<vmem>>, vector<1x1792xf32>,
      %swap3A_926 = arith.constant 0 : index
      %swap3A_927 = arith.index_cast %multiple_of3A : i32 to index
      %swap3A_928 = vector.load %arg1[%swap3A_926, %swap3A_927] : memref<1x5120xf32, #tpu.memory_space<vmem>>, vector<1x128xf32>
      tpu.vector_store %arg1[%swap3A_926, %swap3A_927], %while3A_901#0 {strides = array<i32>} : memref<1x5120xf32, #tpu.memory_space<vmem>>, vector<1x128xf32>,
    }
    %scan3A_572 = arith.constant 2 : i32
    %get3A_573 = arith.constant 0 : index
    %get3A_574 = arith.constant 3584 : index
    %get3A_575 = vector.load %arg3[%get3A_573, %get3A_574] : memref<16x5120xf32, #tpu.memory_space<vmem>>, vector<1x1536xf32>
    %get3A_576 = arith.constant 1 : index
    %get3A_577 = arith.constant 3584 : index
    %get3A_578 = vector.load %arg3[%get3A_576, %get3A_577] : memref<16x5120xf32, #tpu.memory_space<vmem>>, vector<1x1536xf32>
    %get3A_579 = arith.constant 2 : index
    %get3A_580 = arith.constant 3584 : index
    %get3A_581 = vector.load %arg3[%get3A_579, %get3A_580] : memref<16x5120xf32, #tpu.memory_space<vmem>>, vector<1x1536xf32>
    %get3A_582 = arith.constant 3 : index
    %get3A_583 = arith.constant 3584 : index
    %get3A_584 = vector.load %arg3[%get3A_582, %get3A_583] : memref<16x5120xf32, #tpu.memory_space<vmem>>, vector<1x1536xf32>
    %get3A_585 = arith.constant 4 : index
    %get3A_586 = arith.constant 3584 : index
    %get3A_587 = vector.load %arg3[%get3A_585, %get3A_586] : memref<16x5120xf32, #tpu.memory_space<vmem>>, vector<1x1536xf32>
    %get3A_588 = arith.constant 5 : index
    %get3A_589 = arith.constant 3584 : index
    %get3A_590 = vector.load %arg3[%get3A_588, %get3A_589] : memref<16x5120xf32, #tpu.memory_space<vmem>>, vector<1x1536xf32>
    %get3A_591 = arith.constant 6 : index
    %get3A_592 = arith.constant 3584 : index
    %get3A_593 = vector.load %arg3[%get3A_591, %get3A_592] : memref<16x5120xf32, #tpu.memory_space<vmem>>, vector<1x1536xf32>
    %get3A_594 = arith.constant 7 : index
    %get3A_595 = arith.constant 3584 : index
    %get3A_596 = vector.load %arg3[%get3A_594, %get3A_595] : memref<16x5120xf32, #tpu.memory_space<vmem>>, vector<1x1536xf32>
    %sub3A_597 = arith.subf %get3A_587, %get3A_575 : vector<1x1536xf32>
    %sub3A_598 = arith.subf %get3A_590, %get3A_578 : vector<1x1536xf32>
    %mul3A_599 = arith.mulf %sub3A_597, %sub3A_598 : vector<1x1536xf32>
    %sub3A_600 = arith.subf %get3A_593, %get3A_581 : vector<1x1536xf32>
    %mul3A_601 = arith.mulf %mul3A_599, %sub3A_600 : vector<1x1536xf32>
    %sub3A_602 = arith.subf %get3A_596, %get3A_584 : vector<1x1536xf32>
    %mul3A_603 = arith.mulf %mul3A_601, %sub3A_602 : vector<1x1536xf32>
    %iota3A_604 = tpu.iota {dimensions = array<i32: 1>} : vector<1x1536xi32>
    %add3A_605 = arith.constant 3584 : i32
    %add3A_606 = vector.broadcast %add3A_605 : i32 to vector<1x1536xi32>
    %add3A_607 = arith.addi %iota3A_604, %add3A_606 : vector<1x1536xi32>
    %scan3A_608 = arith.constant 28 : i32
    %scan3A_609 = arith.constant 2 : i32
    %scan3A_610 = arith.addi %scan3A_608, %scan3A_609 : i32
    %scan3A_611 = arith.constant 1 : i32
    scf.for %scan3A_813 = %scan3A_608 to %scan3A_610 step %scan3A_611  : i32 {
      %mul3A_814 = arith.constant 128 : i32
      %mul3A_815 = arith.muli %scan3A_813, %mul3A_814 : i32
      %multiple_of3A = tpu.assume_multiple %mul3A_815, 128 : i32
      %sub3A_816 = arith.constant 3584 : i32
      %sub3A_817 = arith.subi %multiple_of3A, %sub3A_816 : i32
      %multiple_of3A_818 = tpu.assume_multiple %sub3A_817, 128 : i32
      %get3A_819 = arith.index_cast %multiple_of3A : i32 to index
      %get3A_820 = arith.constant 0 : index
      %get3A_821 = vector.load %arg0[%get3A_819, %get3A_820] : memref<5120x16xf32, #tpu.memory_space<vmem>>, vector<128x16xf32>
      %slice3A = vector.extract_strided_slice %get3A_821 {offsets = [0, 0], sizes = [128, 1], strides = [1, 1]} : vector<128x16xf32> to vector<128x1xf32>
      %slice3A_822 = vector.extract_strided_slice %get3A_821 {offsets = [0, 1], sizes = [128, 1], strides = [1, 1]} : vector<128x16xf32> to vector<128x1xf32>
      %slice3A_823 = vector.extract_strided_slice %get3A_821 {offsets = [0, 2], sizes = [128, 1], strides = [1, 1]} : vector<128x16xf32> to vector<128x1xf32>
      %slice3A_824 = vector.extract_strided_slice %get3A_821 {offsets = [0, 3], sizes = [128, 1], strides = [1, 1]} : vector<128x16xf32> to vector<128x1xf32>
      %slice3A_825 = vector.extract_strided_slice %get3A_821 {offsets = [0, 4], sizes = [128, 1], strides = [1, 1]} : vector<128x16xf32> to vector<128x1xf32>
      %slice3A_826 = vector.extract_strided_slice %get3A_821 {offsets = [0, 5], sizes = [128, 1], strides = [1, 1]} : vector<128x16xf32> to vector<128x1xf32>
      %slice3A_827 = vector.extract_strided_slice %get3A_821 {offsets = [0, 6], sizes = [128, 1], strides = [1, 1]} : vector<128x16xf32> to vector<128x1xf32>
      %slice3A_828 = vector.extract_strided_slice %get3A_821 {offsets = [0, 7], sizes = [128, 1], strides = [1, 1]} : vector<128x16xf32> to vector<128x1xf32>
      %sub3A_829 = arith.subf %slice3A_825, %slice3A : vector<128x1xf32>
      %sub3A_830 = arith.subf %slice3A_826, %slice3A_822 : vector<128x1xf32>
      %mul3A_831 = arith.mulf %sub3A_829, %sub3A_830 : vector<128x1xf32>
      %sub3A_832 = arith.subf %slice3A_827, %slice3A_823 : vector<128x1xf32>
      %mul3A_833 = arith.mulf %mul3A_831, %sub3A_832 : vector<128x1xf32>
      %sub3A_834 = arith.subf %slice3A_828, %slice3A_824 : vector<128x1xf32>
      %mul3A_835 = arith.mulf %mul3A_833, %sub3A_834 : vector<128x1xf32>
      %min3A = vector.broadcast %slice3A_825 : vector<128x1xf32> to vector<128x1536xf32>
      %min3A_836 = vector.broadcast %get3A_587 : vector<1x1536xf32> to vector<128x1536xf32>
      %min3A_837 = arith.minimumf %min3A, %min3A_836 : vector<128x1536xf32>
      %max3A = vector.broadcast %slice3A : vector<128x1xf32> to vector<128x1536xf32>
      %max3A_838 = vector.broadcast %get3A_575 : vector<1x1536xf32> to vector<128x1536xf32>
      %max3A_839 = arith.maximumf %max3A, %max3A_838 : vector<128x1536xf32>
      %sub3A_840 = arith.subf %min3A_837, %max3A_839 : vector<128x1536xf32>
      %jit3A = arith.constant 0.000000e+00 : f32
      %max3A_841 = vector.broadcast %jit3A : f32 to vector<128x1536xf32>
      %max3A_842 = arith.maximumf %max3A_841, %sub3A_840 : vector<128x1536xf32>
      %min3A_843 = vector.broadcast %slice3A_826 : vector<128x1xf32> to vector<128x1536xf32>
      %min3A_844 = vector.broadcast %get3A_590 : vector<1x1536xf32> to vector<128x1536xf32>
      %min3A_845 = arith.minimumf %min3A_843, %min3A_844 : vector<128x1536xf32>
      %max3A_846 = vector.broadcast %slice3A_822 : vector<128x1xf32> to vector<128x1536xf32>
      %max3A_847 = vector.broadcast %get3A_578 : vector<1x1536xf32> to vector<128x1536xf32>
      %max3A_848 = arith.maximumf %max3A_846, %max3A_847 : vector<128x1536xf32>
      %sub3A_849 = arith.subf %min3A_845, %max3A_848 : vector<128x1536xf32>
      %jit3A_850 = arith.constant 0.000000e+00 : f32
      %max3A_851 = vector.broadcast %jit3A_850 : f32 to vector<128x1536xf32>
      %max3A_852 = arith.maximumf %max3A_851, %sub3A_849 : vector<128x1536xf32>
      %mul3A_853 = arith.mulf %max3A_842, %max3A_852 : vector<128x1536xf32>
      %min3A_854 = vector.broadcast %slice3A_827 : vector<128x1xf32> to vector<128x1536xf32>
      %min3A_855 = vector.broadcast %get3A_593 : vector<1x1536xf32> to vector<128x1536xf32>
      %min3A_856 = arith.minimumf %min3A_854, %min3A_855 : vector<128x1536xf32>
      %max3A_857 = vector.broadcast %slice3A_823 : vector<128x1xf32> to vector<128x1536xf32>
      %max3A_858 = vector.broadcast %get3A_581 : vector<1x1536xf32> to vector<128x1536xf32>
      %max3A_859 = arith.maximumf %max3A_857, %max3A_858 : vector<128x1536xf32>
      %sub3A_860 = arith.subf %min3A_856, %max3A_859 : vector<128x1536xf32>
      %jit3A_861 = arith.constant 0.000000e+00 : f32
      %max3A_862 = vector.broadcast %jit3A_861 : f32 to vector<128x1536xf32>
      %max3A_863 = arith.maximumf %max3A_862, %sub3A_860 : vector<128x1536xf32>
      %mul3A_864 = arith.mulf %mul3A_853, %max3A_863 : vector<128x1536xf32>
      %min3A_865 = vector.broadcast %slice3A_828 : vector<128x1xf32> to vector<128x1536xf32>
      %min3A_866 = vector.broadcast %get3A_596 : vector<1x1536xf32> to vector<128x1536xf32>
      %min3A_867 = arith.minimumf %min3A_865, %min3A_866 : vector<128x1536xf32>
      %max3A_868 = vector.broadcast %slice3A_824 : vector<128x1xf32> to vector<128x1536xf32>
      %max3A_869 = vector.broadcast %get3A_584 : vector<1x1536xf32> to vector<128x1536xf32>
      %max3A_870 = arith.maximumf %max3A_868, %max3A_869 : vector<128x1536xf32>
      %sub3A_871 = arith.subf %min3A_867, %max3A_870 : vector<128x1536xf32>
      %jit3A_872 = arith.constant 0.000000e+00 : f32
      %max3A_873 = vector.broadcast %jit3A_872 : f32 to vector<128x1536xf32>
      %max3A_874 = arith.maximumf %max3A_873, %sub3A_871 : vector<128x1536xf32>
      %mul3A_875 = arith.mulf %mul3A_864, %max3A_874 : vector<128x1536xf32>
      %add3A_876 = vector.broadcast %mul3A_835 : vector<128x1xf32> to vector<128x1536xf32>
      %add3A_877 = vector.broadcast %mul3A_603 : vector<1x1536xf32> to vector<128x1536xf32>
      %add3A_878 = arith.addf %add3A_876, %add3A_877 : vector<128x1536xf32>
      %sub3A_879 = arith.subf %add3A_878, %mul3A_875 : vector<128x1536xf32>
      %add3A_880 = arith.constant 9.99999997E-7 : f32
      %add3A_881 = vector.broadcast %add3A_880 : f32 to vector<128x1536xf32>
      %add3A_882 = arith.addf %sub3A_879, %add3A_881 : vector<128x1536xf32>
      %div3A = arith.divf %mul3A_875, %add3A_882 : vector<128x1536xf32>
      %gt3A_883 = arith.constant 5.000000e-01 : f32
      %gt3A_884 = vector.broadcast %gt3A_883 : f32 to vector<128x1536xf32>
      %gt3A_885 = arith.cmpf ogt, %div3A, %gt3A_884 : vector<128x1536xf32>
      %jit3A_886 = arith.constant 1.000000e+00 : f32
      %jit3A_887 = arith.constant 0.000000e+00 : f32
      %broadcast_in_dim3A_888 = vector.broadcast %jit3A_886 : f32 to vector<128x1536xf32>
      %broadcast_in_dim3A_889 = vector.broadcast %jit3A_887 : f32 to vector<128x1536xf32>
      %select_n3A = arith.select %gt3A_885, %broadcast_in_dim3A_888, %broadcast_in_dim3A_889 : vector<128x1536xi1>, vector<128x1536xf32>
      %convert_element_type3A_890 = arith.truncf %select_n3A : vector<128x1536xf32> to vector<128x1536xbf16>
      %swap3A_891 = arith.constant 0 : index
      %swap3A_892 = arith.constant 0 : index
      %swap3A_893 = vector.load %arg2[%swap3A_891, %swap3A_892] : memref<128x5120xbf16, #tpu.memory_space<vmem>>, vector<128x1536xbf16>
      tpu.vector_store %arg2[%swap3A_891, %swap3A_892], %convert_element_type3A_890 {strides = array<i32>} : memref<128x5120xbf16, #tpu.memory_space<vmem>>, vector<128x1536xbf16>,
      %get3A_894 = arith.constant 0 : index
      %get3A_895 = arith.index_cast %multiple_of3A_818 : i32 to index
      %get3A_896 = vector.load %arg2[%get3A_894, %get3A_895] : memref<128x5120xbf16, #tpu.memory_space<vmem>>, vector<128x128xbf16>
      %mul3A_897 = arith.mulf %get3A_896, %convert_element_type3A_16 : vector<128x128xbf16>
      %get3A_898 = arith.constant 0 : index
      %get3A_899 = arith.index_cast %multiple_of3A : i32 to index
      %get3A_900 = vector.load %arg1[%get3A_898, %get3A_899] : memref<1x5120xf32, #tpu.memory_space<vmem>>, vector<1x128xf32>
      %while3A = arith.constant true
      %while3A_901:2 = scf.while (%while3A_929 = %get3A_900, %while3A_930 = %while3A) : (vector<1x128xf32>, i1) -> (vector<1x128xf32>, i1) {
        scf.condition(%while3A_930) %while3A_929, %while3A_930 : vector<1x128xf32>, i1
      } do {
      ^bb0(%while3A_929: vector<1x128xf32>, %while3A_930: i1):
        %convert_element_type3A_931 = arith.truncf %while3A_929 : vector<1x128xf32> to vector<1x128xbf16>
        %dot_general3A_932 = arith.constant dense<0.000000e+00> : vector<1x128xf32>
        %dot_general3A_933 = tpu.matmul %convert_element_type3A_931, %mul3A_897, %dot_general3A_932 {dimension_numbers = #tpu.dot_dimension_numbers<[1], [0], [0], [1], [0, 0, 1, 1], [], []>, transpose_lhs_hint = false} : vector<1x128xbf16>, vector<128x128xbf16>, vector<1x128xf32> -> vector<1x128xf32>
        %eq3A_934 = arith.constant 0.000000e+00 : f32
        %eq3A_935 = vector.broadcast %eq3A_934 : f32 to vector<1x128xf32>
        %eq3A_936 = arith.cmpf oeq, %dot_general3A_933, %eq3A_935 : vector<1x128xf32>
        %jit3A_937 = arith.constant 1.000000e+00 : f32
        %jit3A_938 = arith.constant 0.000000e+00 : f32
        %broadcast_in_dim3A_939 = vector.broadcast %jit3A_937 : f32 to vector<1x128xf32>
        %broadcast_in_dim3A_940 = vector.broadcast %jit3A_938 : f32 to vector<1x128xf32>
        %select_n3A_941 = arith.select %eq3A_936, %broadcast_in_dim3A_939, %broadcast_in_dim3A_940 : vector<1x128xi1>, vector<1x128xf32>
        %mul3A_942 = arith.mulf %get3A_900, %select_n3A_941 : vector<1x128xf32>
        %sub3A_943 = arith.subf %mul3A_942, %while3A_929 : vector<1x128xf32>
        %abs3A = math.absf %sub3A_943 : vector<1x128xf32>
        %reduce_sum3A = vector.shape_cast %abs3A : vector<1x128xf32> to vector<1x1x128xf32>
        %reduce_sum3A_944 = arith.constant dense<0.000000e+00> : vector<1xf32>
        %reduce_sum3A_945 = vector.multi_reduction <add>, %reduce_sum3A, %reduce_sum3A_944 [1, 2] : vector<1x1x128xf32> to vector<1xf32>
        %reduce_sum3A_946 = vector.shape_cast %reduce_sum3A_945 : vector<1xf32> to vector<1x1x1xf32>
        %reduce_sum3A_947 = vector.extract %reduce_sum3A_946[0, 0, 0] : f32 from vector<1x1x1xf32>
        %gt3A_948 = arith.constant 0.000000e+00 : f32
        %gt3A_949 = arith.cmpf ogt, %reduce_sum3A_947, %gt3A_948 : f32
        scf.yield %mul3A_942, %gt3A_949 : vector<1x128xf32>, i1
      }
      %convert_element_type3A_902 = arith.truncf %while3A_901#0 : vector<1x128xf32> to vector<1x128xbf16>
      %get3A_903 = arith.constant 0 : index
      %get3A_904 = arith.constant 0 : index
      %get3A_905 = vector.load %arg2[%get3A_903, %get3A_904] : memref<128x5120xbf16, #tpu.memory_space<vmem>>, vector<128x1536xbf16>
      %dot_general3A_906 = arith.constant dense<0.000000e+00> : vector<1x1536xf32>
      %dot_general3A_907 = tpu.matmul %convert_element_type3A_902, %get3A_905, %dot_general3A_906 {dimension_numbers = #tpu.dot_dimension_numbers<[1], [0], [0], [1], [0, 0, 1, 1], [], []>, transpose_lhs_hint = false} : vector<1x128xbf16>, vector<128x1536xbf16>, vector<1x1536xf32> -> vector<1x1536xf32>
      %eq3A_908 = arith.constant 0.000000e+00 : f32
      %eq3A_909 = vector.broadcast %eq3A_908 : f32 to vector<1x1536xf32>
      %eq3A_910 = arith.cmpf oeq, %dot_general3A_907, %eq3A_909 : vector<1x1536xf32>
      %add3A_911 = arith.constant 128 : i32
      %add3A_912 = arith.addi %multiple_of3A, %add3A_911 : i32
      %lt3A = vector.broadcast %add3A_912 : i32 to vector<1x1536xi32>
      %lt3A_913 = arith.cmpi slt, %add3A_607, %lt3A : vector<1x1536xi32>
      %or3A = arith.ori %eq3A_910, %lt3A_913 : vector<1x1536xi1>
      %get3A_914 = arith.constant 0 : index
      %get3A_915 = arith.constant 3584 : index
      %get3A_916 = vector.load %arg1[%get3A_914, %get3A_915] : memref<1x5120xf32, #tpu.memory_space<vmem>>, vector<1x1536xf32>
      %jit3A_917 = arith.constant 1.000000e+00 : f32
      %jit3A_918 = arith.constant 0.000000e+00 : f32
      %broadcast_in_dim3A_919 = vector.broadcast %jit3A_917 : f32 to vector<1x1536xf32>
      %broadcast_in_dim3A_920 = vector.broadcast %jit3A_918 : f32 to vector<1x1536xf32>
      %select_n3A_921 = arith.select %or3A, %broadcast_in_dim3A_919, %broadcast_in_dim3A_920 : vector<1x1536xi1>, vector<1x1536xf32>
      %mul3A_922 = arith.mulf %get3A_916, %select_n3A_921 : vector<1x1536xf32>
      %swap3A_923 = arith.constant 0 : index
      %swap3A_924 = arith.constant 3584 : index
      %swap3A_925 = vector.load %arg1[%swap3A_923, %swap3A_924] : memref<1x5120xf32, #tpu.memory_space<vmem>>, vector<1x1536xf32>
      tpu.vector_store %arg1[%swap3A_923, %swap3A_924], %mul3A_922 {strides = array<i32>} : memref<1x5120xf32, #tpu.memory_space<vmem>>, vector<1x1536xf32>,
      %swap3A_926 = arith.constant 0 : index
      %swap3A_927 = arith.index_cast %multiple_of3A : i32 to index
      %swap3A_928 = vector.load %arg1[%swap3A_926, %swap3A_927] : memref<1x5120xf32, #tpu.memory_space<vmem>>, vector<1x128xf32>
      tpu.vector_store %arg1[%swap3A_926, %swap3A_927], %while3A_901#0 {strides = array<i32>} : memref<1x5120xf32, #tpu.memory_space<vmem>>, vector<1x128xf32>,
    }
    %scan3A_612 = arith.constant 2 : i32
    %get3A_613 = arith.constant 0 : index
    %get3A_614 = arith.constant 3840 : index
    %get3A_615 = vector.load %arg3[%get3A_613, %get3A_614] : memref<16x5120xf32, #tpu.memory_space<vmem>>, vector<1x1280xf32>
    %get3A_616 = arith.constant 1 : index
    %get3A_617 = arith.constant 3840 : index
    %get3A_618 = vector.load %arg3[%get3A_616, %get3A_617] : memref<16x5120xf32, #tpu.memory_space<vmem>>, vector<1x1280xf32>
    %get3A_619 = arith.constant 2 : index
    %get3A_620 = arith.constant 3840 : index
    %get3A_621 = vector.load %arg3[%get3A_619, %get3A_620] : memref<16x5120xf32, #tpu.memory_space<vmem>>, vector<1x1280xf32>
    %get3A_622 = arith.constant 3 : index
    %get3A_623 = arith.constant 3840 : index
    %get3A_624 = vector.load %arg3[%get3A_622, %get3A_623] : memref<16x5120xf32, #tpu.memory_space<vmem>>, vector<1x1280xf32>
    %get3A_625 = arith.constant 4 : index
    %get3A_626 = arith.constant 3840 : index
    %get3A_627 = vector.load %arg3[%get3A_625, %get3A_626] : memref<16x5120xf32, #tpu.memory_space<vmem>>, vector<1x1280xf32>
    %get3A_628 = arith.constant 5 : index
    %get3A_629 = arith.constant 3840 : index
    %get3A_630 = vector.load %arg3[%get3A_628, %get3A_629] : memref<16x5120xf32, #tpu.memory_space<vmem>>, vector<1x1280xf32>
    %get3A_631 = arith.constant 6 : index
    %get3A_632 = arith.constant 3840 : index
    %get3A_633 = vector.load %arg3[%get3A_631, %get3A_632] : memref<16x5120xf32, #tpu.memory_space<vmem>>, vector<1x1280xf32>
    %get3A_634 = arith.constant 7 : index
    %get3A_635 = arith.constant 3840 : index
    %get3A_636 = vector.load %arg3[%get3A_634, %get3A_635] : memref<16x5120xf32, #tpu.memory_space<vmem>>, vector<1x1280xf32>
    %sub3A_637 = arith.subf %get3A_627, %get3A_615 : vector<1x1280xf32>
    %sub3A_638 = arith.subf %get3A_630, %get3A_618 : vector<1x1280xf32>
    %mul3A_639 = arith.mulf %sub3A_637, %sub3A_638 : vector<1x1280xf32>
    %sub3A_640 = arith.subf %get3A_633, %get3A_621 : vector<1x1280xf32>
    %mul3A_641 = arith.mulf %mul3A_639, %sub3A_640 : vector<1x1280xf32>
    %sub3A_642 = arith.subf %get3A_636, %get3A_624 : vector<1x1280xf32>
    %mul3A_643 = arith.mulf %mul3A_641, %sub3A_642 : vector<1x1280xf32>
    %iota3A_644 = tpu.iota {dimensions = array<i32: 1>} : vector<1x1280xi32>
    %add3A_645 = arith.constant 3840 : i32
    %add3A_646 = vector.broadcast %add3A_645 : i32 to vector<1x1280xi32>
    %add3A_647 = arith.addi %iota3A_644, %add3A_646 : vector<1x1280xi32>
    %scan3A_648 = arith.constant 30 : i32
    %scan3A_649 = arith.constant 2 : i32
    %scan3A_650 = arith.addi %scan3A_648, %scan3A_649 : i32
    %scan3A_651 = arith.constant 1 : i32
    scf.for %scan3A_813 = %scan3A_648 to %scan3A_650 step %scan3A_651  : i32 {
      %mul3A_814 = arith.constant 128 : i32
      %mul3A_815 = arith.muli %scan3A_813, %mul3A_814 : i32
      %multiple_of3A = tpu.assume_multiple %mul3A_815, 128 : i32
      %sub3A_816 = arith.constant 3840 : i32
      %sub3A_817 = arith.subi %multiple_of3A, %sub3A_816 : i32
      %multiple_of3A_818 = tpu.assume_multiple %sub3A_817, 128 : i32
      %get3A_819 = arith.index_cast %multiple_of3A : i32 to index
      %get3A_820 = arith.constant 0 : index
      %get3A_821 = vector.load %arg0[%get3A_819, %get3A_820] : memref<5120x16xf32, #tpu.memory_space<vmem>>, vector<128x16xf32>
      %slice3A = vector.extract_strided_slice %get3A_821 {offsets = [0, 0], sizes = [128, 1], strides = [1, 1]} : vector<128x16xf32> to vector<128x1xf32>
      %slice3A_822 = vector.extract_strided_slice %get3A_821 {offsets = [0, 1], sizes = [128, 1], strides = [1, 1]} : vector<128x16xf32> to vector<128x1xf32>
      %slice3A_823 = vector.extract_strided_slice %get3A_821 {offsets = [0, 2], sizes = [128, 1], strides = [1, 1]} : vector<128x16xf32> to vector<128x1xf32>
      %slice3A_824 = vector.extract_strided_slice %get3A_821 {offsets = [0, 3], sizes = [128, 1], strides = [1, 1]} : vector<128x16xf32> to vector<128x1xf32>
      %slice3A_825 = vector.extract_strided_slice %get3A_821 {offsets = [0, 4], sizes = [128, 1], strides = [1, 1]} : vector<128x16xf32> to vector<128x1xf32>
      %slice3A_826 = vector.extract_strided_slice %get3A_821 {offsets = [0, 5], sizes = [128, 1], strides = [1, 1]} : vector<128x16xf32> to vector<128x1xf32>
      %slice3A_827 = vector.extract_strided_slice %get3A_821 {offsets = [0, 6], sizes = [128, 1], strides = [1, 1]} : vector<128x16xf32> to vector<128x1xf32>
      %slice3A_828 = vector.extract_strided_slice %get3A_821 {offsets = [0, 7], sizes = [128, 1], strides = [1, 1]} : vector<128x16xf32> to vector<128x1xf32>
      %sub3A_829 = arith.subf %slice3A_825, %slice3A : vector<128x1xf32>
      %sub3A_830 = arith.subf %slice3A_826, %slice3A_822 : vector<128x1xf32>
      %mul3A_831 = arith.mulf %sub3A_829, %sub3A_830 : vector<128x1xf32>
      %sub3A_832 = arith.subf %slice3A_827, %slice3A_823 : vector<128x1xf32>
      %mul3A_833 = arith.mulf %mul3A_831, %sub3A_832 : vector<128x1xf32>
      %sub3A_834 = arith.subf %slice3A_828, %slice3A_824 : vector<128x1xf32>
      %mul3A_835 = arith.mulf %mul3A_833, %sub3A_834 : vector<128x1xf32>
      %min3A = vector.broadcast %slice3A_825 : vector<128x1xf32> to vector<128x1280xf32>
      %min3A_836 = vector.broadcast %get3A_627 : vector<1x1280xf32> to vector<128x1280xf32>
      %min3A_837 = arith.minimumf %min3A, %min3A_836 : vector<128x1280xf32>
      %max3A = vector.broadcast %slice3A : vector<128x1xf32> to vector<128x1280xf32>
      %max3A_838 = vector.broadcast %get3A_615 : vector<1x1280xf32> to vector<128x1280xf32>
      %max3A_839 = arith.maximumf %max3A, %max3A_838 : vector<128x1280xf32>
      %sub3A_840 = arith.subf %min3A_837, %max3A_839 : vector<128x1280xf32>
      %jit3A = arith.constant 0.000000e+00 : f32
      %max3A_841 = vector.broadcast %jit3A : f32 to vector<128x1280xf32>
      %max3A_842 = arith.maximumf %max3A_841, %sub3A_840 : vector<128x1280xf32>
      %min3A_843 = vector.broadcast %slice3A_826 : vector<128x1xf32> to vector<128x1280xf32>
      %min3A_844 = vector.broadcast %get3A_630 : vector<1x1280xf32> to vector<128x1280xf32>
      %min3A_845 = arith.minimumf %min3A_843, %min3A_844 : vector<128x1280xf32>
      %max3A_846 = vector.broadcast %slice3A_822 : vector<128x1xf32> to vector<128x1280xf32>
      %max3A_847 = vector.broadcast %get3A_618 : vector<1x1280xf32> to vector<128x1280xf32>
      %max3A_848 = arith.maximumf %max3A_846, %max3A_847 : vector<128x1280xf32>
      %sub3A_849 = arith.subf %min3A_845, %max3A_848 : vector<128x1280xf32>
      %jit3A_850 = arith.constant 0.000000e+00 : f32
      %max3A_851 = vector.broadcast %jit3A_850 : f32 to vector<128x1280xf32>
      %max3A_852 = arith.maximumf %max3A_851, %sub3A_849 : vector<128x1280xf32>
      %mul3A_853 = arith.mulf %max3A_842, %max3A_852 : vector<128x1280xf32>
      %min3A_854 = vector.broadcast %slice3A_827 : vector<128x1xf32> to vector<128x1280xf32>
      %min3A_855 = vector.broadcast %get3A_633 : vector<1x1280xf32> to vector<128x1280xf32>
      %min3A_856 = arith.minimumf %min3A_854, %min3A_855 : vector<128x1280xf32>
      %max3A_857 = vector.broadcast %slice3A_823 : vector<128x1xf32> to vector<128x1280xf32>
      %max3A_858 = vector.broadcast %get3A_621 : vector<1x1280xf32> to vector<128x1280xf32>
      %max3A_859 = arith.maximumf %max3A_857, %max3A_858 : vector<128x1280xf32>
      %sub3A_860 = arith.subf %min3A_856, %max3A_859 : vector<128x1280xf32>
      %jit3A_861 = arith.constant 0.000000e+00 : f32
      %max3A_862 = vector.broadcast %jit3A_861 : f32 to vector<128x1280xf32>
      %max3A_863 = arith.maximumf %max3A_862, %sub3A_860 : vector<128x1280xf32>
      %mul3A_864 = arith.mulf %mul3A_853, %max3A_863 : vector<128x1280xf32>
      %min3A_865 = vector.broadcast %slice3A_828 : vector<128x1xf32> to vector<128x1280xf32>
      %min3A_866 = vector.broadcast %get3A_636 : vector<1x1280xf32> to vector<128x1280xf32>
      %min3A_867 = arith.minimumf %min3A_865, %min3A_866 : vector<128x1280xf32>
      %max3A_868 = vector.broadcast %slice3A_824 : vector<128x1xf32> to vector<128x1280xf32>
      %max3A_869 = vector.broadcast %get3A_624 : vector<1x1280xf32> to vector<128x1280xf32>
      %max3A_870 = arith.maximumf %max3A_868, %max3A_869 : vector<128x1280xf32>
      %sub3A_871 = arith.subf %min3A_867, %max3A_870 : vector<128x1280xf32>
      %jit3A_872 = arith.constant 0.000000e+00 : f32
      %max3A_873 = vector.broadcast %jit3A_872 : f32 to vector<128x1280xf32>
      %max3A_874 = arith.maximumf %max3A_873, %sub3A_871 : vector<128x1280xf32>
      %mul3A_875 = arith.mulf %mul3A_864, %max3A_874 : vector<128x1280xf32>
      %add3A_876 = vector.broadcast %mul3A_835 : vector<128x1xf32> to vector<128x1280xf32>
      %add3A_877 = vector.broadcast %mul3A_643 : vector<1x1280xf32> to vector<128x1280xf32>
      %add3A_878 = arith.addf %add3A_876, %add3A_877 : vector<128x1280xf32>
      %sub3A_879 = arith.subf %add3A_878, %mul3A_875 : vector<128x1280xf32>
      %add3A_880 = arith.constant 9.99999997E-7 : f32
      %add3A_881 = vector.broadcast %add3A_880 : f32 to vector<128x1280xf32>
      %add3A_882 = arith.addf %sub3A_879, %add3A_881 : vector<128x1280xf32>
      %div3A = arith.divf %mul3A_875, %add3A_882 : vector<128x1280xf32>
      %gt3A_883 = arith.constant 5.000000e-01 : f32
      %gt3A_884 = vector.broadcast %gt3A_883 : f32 to vector<128x1280xf32>
      %gt3A_885 = arith.cmpf ogt, %div3A, %gt3A_884 : vector<128x1280xf32>
      %jit3A_886 = arith.constant 1.000000e+00 : f32
      %jit3A_887 = arith.constant 0.000000e+00 : f32
      %broadcast_in_dim3A_888 = vector.broadcast %jit3A_886 : f32 to vector<128x1280xf32>
      %broadcast_in_dim3A_889 = vector.broadcast %jit3A_887 : f32 to vector<128x1280xf32>
      %select_n3A = arith.select %gt3A_885, %broadcast_in_dim3A_888, %broadcast_in_dim3A_889 : vector<128x1280xi1>, vector<128x1280xf32>
      %convert_element_type3A_890 = arith.truncf %select_n3A : vector<128x1280xf32> to vector<128x1280xbf16>
      %swap3A_891 = arith.constant 0 : index
      %swap3A_892 = arith.constant 0 : index
      %swap3A_893 = vector.load %arg2[%swap3A_891, %swap3A_892] : memref<128x5120xbf16, #tpu.memory_space<vmem>>, vector<128x1280xbf16>
      tpu.vector_store %arg2[%swap3A_891, %swap3A_892], %convert_element_type3A_890 {strides = array<i32>} : memref<128x5120xbf16, #tpu.memory_space<vmem>>, vector<128x1280xbf16>,
      %get3A_894 = arith.constant 0 : index
      %get3A_895 = arith.index_cast %multiple_of3A_818 : i32 to index
      %get3A_896 = vector.load %arg2[%get3A_894, %get3A_895] : memref<128x5120xbf16, #tpu.memory_space<vmem>>, vector<128x128xbf16>
      %mul3A_897 = arith.mulf %get3A_896, %convert_element_type3A_16 : vector<128x128xbf16>
      %get3A_898 = arith.constant 0 : index
      %get3A_899 = arith.index_cast %multiple_of3A : i32 to index
      %get3A_900 = vector.load %arg1[%get3A_898, %get3A_899] : memref<1x5120xf32, #tpu.memory_space<vmem>>, vector<1x128xf32>
      %while3A = arith.constant true
      %while3A_901:2 = scf.while (%while3A_929 = %get3A_900, %while3A_930 = %while3A) : (vector<1x128xf32>, i1) -> (vector<1x128xf32>, i1) {
        scf.condition(%while3A_930) %while3A_929, %while3A_930 : vector<1x128xf32>, i1
      } do {
      ^bb0(%while3A_929: vector<1x128xf32>, %while3A_930: i1):
        %convert_element_type3A_931 = arith.truncf %while3A_929 : vector<1x128xf32> to vector<1x128xbf16>
        %dot_general3A_932 = arith.constant dense<0.000000e+00> : vector<1x128xf32>
        %dot_general3A_933 = tpu.matmul %convert_element_type3A_931, %mul3A_897, %dot_general3A_932 {dimension_numbers = #tpu.dot_dimension_numbers<[1], [0], [0], [1], [0, 0, 1, 1], [], []>, transpose_lhs_hint = false} : vector<1x128xbf16>, vector<128x128xbf16>, vector<1x128xf32> -> vector<1x128xf32>
        %eq3A_934 = arith.constant 0.000000e+00 : f32
        %eq3A_935 = vector.broadcast %eq3A_934 : f32 to vector<1x128xf32>
        %eq3A_936 = arith.cmpf oeq, %dot_general3A_933, %eq3A_935 : vector<1x128xf32>
        %jit3A_937 = arith.constant 1.000000e+00 : f32
        %jit3A_938 = arith.constant 0.000000e+00 : f32
        %broadcast_in_dim3A_939 = vector.broadcast %jit3A_937 : f32 to vector<1x128xf32>
        %broadcast_in_dim3A_940 = vector.broadcast %jit3A_938 : f32 to vector<1x128xf32>
        %select_n3A_941 = arith.select %eq3A_936, %broadcast_in_dim3A_939, %broadcast_in_dim3A_940 : vector<1x128xi1>, vector<1x128xf32>
        %mul3A_942 = arith.mulf %get3A_900, %select_n3A_941 : vector<1x128xf32>
        %sub3A_943 = arith.subf %mul3A_942, %while3A_929 : vector<1x128xf32>
        %abs3A = math.absf %sub3A_943 : vector<1x128xf32>
        %reduce_sum3A = vector.shape_cast %abs3A : vector<1x128xf32> to vector<1x1x128xf32>
        %reduce_sum3A_944 = arith.constant dense<0.000000e+00> : vector<1xf32>
        %reduce_sum3A_945 = vector.multi_reduction <add>, %reduce_sum3A, %reduce_sum3A_944 [1, 2] : vector<1x1x128xf32> to vector<1xf32>
        %reduce_sum3A_946 = vector.shape_cast %reduce_sum3A_945 : vector<1xf32> to vector<1x1x1xf32>
        %reduce_sum3A_947 = vector.extract %reduce_sum3A_946[0, 0, 0] : f32 from vector<1x1x1xf32>
        %gt3A_948 = arith.constant 0.000000e+00 : f32
        %gt3A_949 = arith.cmpf ogt, %reduce_sum3A_947, %gt3A_948 : f32
        scf.yield %mul3A_942, %gt3A_949 : vector<1x128xf32>, i1
      }
      %convert_element_type3A_902 = arith.truncf %while3A_901#0 : vector<1x128xf32> to vector<1x128xbf16>
      %get3A_903 = arith.constant 0 : index
      %get3A_904 = arith.constant 0 : index
      %get3A_905 = vector.load %arg2[%get3A_903, %get3A_904] : memref<128x5120xbf16, #tpu.memory_space<vmem>>, vector<128x1280xbf16>
      %dot_general3A_906 = arith.constant dense<0.000000e+00> : vector<1x1280xf32>
      %dot_general3A_907 = tpu.matmul %convert_element_type3A_902, %get3A_905, %dot_general3A_906 {dimension_numbers = #tpu.dot_dimension_numbers<[1], [0], [0], [1], [0, 0, 1, 1], [], []>, transpose_lhs_hint = false} : vector<1x128xbf16>, vector<128x1280xbf16>, vector<1x1280xf32> -> vector<1x1280xf32>
      %eq3A_908 = arith.constant 0.000000e+00 : f32
      %eq3A_909 = vector.broadcast %eq3A_908 : f32 to vector<1x1280xf32>
      %eq3A_910 = arith.cmpf oeq, %dot_general3A_907, %eq3A_909 : vector<1x1280xf32>
      %add3A_911 = arith.constant 128 : i32
      %add3A_912 = arith.addi %multiple_of3A, %add3A_911 : i32
      %lt3A = vector.broadcast %add3A_912 : i32 to vector<1x1280xi32>
      %lt3A_913 = arith.cmpi slt, %add3A_647, %lt3A : vector<1x1280xi32>
      %or3A = arith.ori %eq3A_910, %lt3A_913 : vector<1x1280xi1>
      %get3A_914 = arith.constant 0 : index
      %get3A_915 = arith.constant 3840 : index
      %get3A_916 = vector.load %arg1[%get3A_914, %get3A_915] : memref<1x5120xf32, #tpu.memory_space<vmem>>, vector<1x1280xf32>
      %jit3A_917 = arith.constant 1.000000e+00 : f32
      %jit3A_918 = arith.constant 0.000000e+00 : f32
      %broadcast_in_dim3A_919 = vector.broadcast %jit3A_917 : f32 to vector<1x1280xf32>
      %broadcast_in_dim3A_920 = vector.broadcast %jit3A_918 : f32 to vector<1x1280xf32>
      %select_n3A_921 = arith.select %or3A, %broadcast_in_dim3A_919, %broadcast_in_dim3A_920 : vector<1x1280xi1>, vector<1x1280xf32>
      %mul3A_922 = arith.mulf %get3A_916, %select_n3A_921 : vector<1x1280xf32>
      %swap3A_923 = arith.constant 0 : index
      %swap3A_924 = arith.constant 3840 : index
      %swap3A_925 = vector.load %arg1[%swap3A_923, %swap3A_924] : memref<1x5120xf32, #tpu.memory_space<vmem>>, vector<1x1280xf32>
      tpu.vector_store %arg1[%swap3A_923, %swap3A_924], %mul3A_922 {strides = array<i32>} : memref<1x5120xf32, #tpu.memory_space<vmem>>, vector<1x1280xf32>,
      %swap3A_926 = arith.constant 0 : index
      %swap3A_927 = arith.index_cast %multiple_of3A : i32 to index
      %swap3A_928 = vector.load %arg1[%swap3A_926, %swap3A_927] : memref<1x5120xf32, #tpu.memory_space<vmem>>, vector<1x128xf32>
      tpu.vector_store %arg1[%swap3A_926, %swap3A_927], %while3A_901#0 {strides = array<i32>} : memref<1x5120xf32, #tpu.memory_space<vmem>>, vector<1x128xf32>,
    }
    %scan3A_652 = arith.constant 2 : i32
    %get3A_653 = arith.constant 0 : index
    %get3A_654 = arith.constant 4096 : index
    %get3A_655 = vector.load %arg3[%get3A_653, %get3A_654] : memref<16x5120xf32, #tpu.memory_space<vmem>>, vector<1x1024xf32>
    %get3A_656 = arith.constant 1 : index
    %get3A_657 = arith.constant 4096 : index
    %get3A_658 = vector.load %arg3[%get3A_656, %get3A_657] : memref<16x5120xf32, #tpu.memory_space<vmem>>, vector<1x1024xf32>
    %get3A_659 = arith.constant 2 : index
    %get3A_660 = arith.constant 4096 : index
    %get3A_661 = vector.load %arg3[%get3A_659, %get3A_660] : memref<16x5120xf32, #tpu.memory_space<vmem>>, vector<1x1024xf32>
    %get3A_662 = arith.constant 3 : index
    %get3A_663 = arith.constant 4096 : index
    %get3A_664 = vector.load %arg3[%get3A_662, %get3A_663] : memref<16x5120xf32, #tpu.memory_space<vmem>>, vector<1x1024xf32>
    %get3A_665 = arith.constant 4 : index
    %get3A_666 = arith.constant 4096 : index
    %get3A_667 = vector.load %arg3[%get3A_665, %get3A_666] : memref<16x5120xf32, #tpu.memory_space<vmem>>, vector<1x1024xf32>
    %get3A_668 = arith.constant 5 : index
    %get3A_669 = arith.constant 4096 : index
    %get3A_670 = vector.load %arg3[%get3A_668, %get3A_669] : memref<16x5120xf32, #tpu.memory_space<vmem>>, vector<1x1024xf32>
    %get3A_671 = arith.constant 6 : index
    %get3A_672 = arith.constant 4096 : index
    %get3A_673 = vector.load %arg3[%get3A_671, %get3A_672] : memref<16x5120xf32, #tpu.memory_space<vmem>>, vector<1x1024xf32>
    %get3A_674 = arith.constant 7 : index
    %get3A_675 = arith.constant 4096 : index
    %get3A_676 = vector.load %arg3[%get3A_674, %get3A_675] : memref<16x5120xf32, #tpu.memory_space<vmem>>, vector<1x1024xf32>
    %sub3A_677 = arith.subf %get3A_667, %get3A_655 : vector<1x1024xf32>
    %sub3A_678 = arith.subf %get3A_670, %get3A_658 : vector<1x1024xf32>
    %mul3A_679 = arith.mulf %sub3A_677, %sub3A_678 : vector<1x1024xf32>
    %sub3A_680 = arith.subf %get3A_673, %get3A_661 : vector<1x1024xf32>
    %mul3A_681 = arith.mulf %mul3A_679, %sub3A_680 : vector<1x1024xf32>
    %sub3A_682 = arith.subf %get3A_676, %get3A_664 : vector<1x1024xf32>
    %mul3A_683 = arith.mulf %mul3A_681, %sub3A_682 : vector<1x1024xf32>
    %iota3A_684 = tpu.iota {dimensions = array<i32: 1>} : vector<1x1024xi32>
    %add3A_685 = arith.constant 4096 : i32
    %add3A_686 = vector.broadcast %add3A_685 : i32 to vector<1x1024xi32>
    %add3A_687 = arith.addi %iota3A_684, %add3A_686 : vector<1x1024xi32>
    %scan3A_688 = arith.constant 32 : i32
    %scan3A_689 = arith.constant 2 : i32
    %scan3A_690 = arith.addi %scan3A_688, %scan3A_689 : i32
    %scan3A_691 = arith.constant 1 : i32
    scf.for %scan3A_813 = %scan3A_688 to %scan3A_690 step %scan3A_691  : i32 {
      %mul3A_814 = arith.constant 128 : i32
      %mul3A_815 = arith.muli %scan3A_813, %mul3A_814 : i32
      %multiple_of3A = tpu.assume_multiple %mul3A_815, 128 : i32
      %sub3A_816 = arith.constant 4096 : i32
      %sub3A_817 = arith.subi %multiple_of3A, %sub3A_816 : i32
      %multiple_of3A_818 = tpu.assume_multiple %sub3A_817, 128 : i32
      %get3A_819 = arith.index_cast %multiple_of3A : i32 to index
      %get3A_820 = arith.constant 0 : index
      %get3A_821 = vector.load %arg0[%get3A_819, %get3A_820] : memref<5120x16xf32, #tpu.memory_space<vmem>>, vector<128x16xf32>
      %slice3A = vector.extract_strided_slice %get3A_821 {offsets = [0, 0], sizes = [128, 1], strides = [1, 1]} : vector<128x16xf32> to vector<128x1xf32>
      %slice3A_822 = vector.extract_strided_slice %get3A_821 {offsets = [0, 1], sizes = [128, 1], strides = [1, 1]} : vector<128x16xf32> to vector<128x1xf32>
      %slice3A_823 = vector.extract_strided_slice %get3A_821 {offsets = [0, 2], sizes = [128, 1], strides = [1, 1]} : vector<128x16xf32> to vector<128x1xf32>
      %slice3A_824 = vector.extract_strided_slice %get3A_821 {offsets = [0, 3], sizes = [128, 1], strides = [1, 1]} : vector<128x16xf32> to vector<128x1xf32>
      %slice3A_825 = vector.extract_strided_slice %get3A_821 {offsets = [0, 4], sizes = [128, 1], strides = [1, 1]} : vector<128x16xf32> to vector<128x1xf32>
      %slice3A_826 = vector.extract_strided_slice %get3A_821 {offsets = [0, 5], sizes = [128, 1], strides = [1, 1]} : vector<128x16xf32> to vector<128x1xf32>
      %slice3A_827 = vector.extract_strided_slice %get3A_821 {offsets = [0, 6], sizes = [128, 1], strides = [1, 1]} : vector<128x16xf32> to vector<128x1xf32>
      %slice3A_828 = vector.extract_strided_slice %get3A_821 {offsets = [0, 7], sizes = [128, 1], strides = [1, 1]} : vector<128x16xf32> to vector<128x1xf32>
      %sub3A_829 = arith.subf %slice3A_825, %slice3A : vector<128x1xf32>
      %sub3A_830 = arith.subf %slice3A_826, %slice3A_822 : vector<128x1xf32>
      %mul3A_831 = arith.mulf %sub3A_829, %sub3A_830 : vector<128x1xf32>
      %sub3A_832 = arith.subf %slice3A_827, %slice3A_823 : vector<128x1xf32>
      %mul3A_833 = arith.mulf %mul3A_831, %sub3A_832 : vector<128x1xf32>
      %sub3A_834 = arith.subf %slice3A_828, %slice3A_824 : vector<128x1xf32>
      %mul3A_835 = arith.mulf %mul3A_833, %sub3A_834 : vector<128x1xf32>
      %min3A = vector.broadcast %slice3A_825 : vector<128x1xf32> to vector<128x1024xf32>
      %min3A_836 = vector.broadcast %get3A_667 : vector<1x1024xf32> to vector<128x1024xf32>
      %min3A_837 = arith.minimumf %min3A, %min3A_836 : vector<128x1024xf32>
      %max3A = vector.broadcast %slice3A : vector<128x1xf32> to vector<128x1024xf32>
      %max3A_838 = vector.broadcast %get3A_655 : vector<1x1024xf32> to vector<128x1024xf32>
      %max3A_839 = arith.maximumf %max3A, %max3A_838 : vector<128x1024xf32>
      %sub3A_840 = arith.subf %min3A_837, %max3A_839 : vector<128x1024xf32>
      %jit3A = arith.constant 0.000000e+00 : f32
      %max3A_841 = vector.broadcast %jit3A : f32 to vector<128x1024xf32>
      %max3A_842 = arith.maximumf %max3A_841, %sub3A_840 : vector<128x1024xf32>
      %min3A_843 = vector.broadcast %slice3A_826 : vector<128x1xf32> to vector<128x1024xf32>
      %min3A_844 = vector.broadcast %get3A_670 : vector<1x1024xf32> to vector<128x1024xf32>
      %min3A_845 = arith.minimumf %min3A_843, %min3A_844 : vector<128x1024xf32>
      %max3A_846 = vector.broadcast %slice3A_822 : vector<128x1xf32> to vector<128x1024xf32>
      %max3A_847 = vector.broadcast %get3A_658 : vector<1x1024xf32> to vector<128x1024xf32>
      %max3A_848 = arith.maximumf %max3A_846, %max3A_847 : vector<128x1024xf32>
      %sub3A_849 = arith.subf %min3A_845, %max3A_848 : vector<128x1024xf32>
      %jit3A_850 = arith.constant 0.000000e+00 : f32
      %max3A_851 = vector.broadcast %jit3A_850 : f32 to vector<128x1024xf32>
      %max3A_852 = arith.maximumf %max3A_851, %sub3A_849 : vector<128x1024xf32>
      %mul3A_853 = arith.mulf %max3A_842, %max3A_852 : vector<128x1024xf32>
      %min3A_854 = vector.broadcast %slice3A_827 : vector<128x1xf32> to vector<128x1024xf32>
      %min3A_855 = vector.broadcast %get3A_673 : vector<1x1024xf32> to vector<128x1024xf32>
      %min3A_856 = arith.minimumf %min3A_854, %min3A_855 : vector<128x1024xf32>
      %max3A_857 = vector.broadcast %slice3A_823 : vector<128x1xf32> to vector<128x1024xf32>
      %max3A_858 = vector.broadcast %get3A_661 : vector<1x1024xf32> to vector<128x1024xf32>
      %max3A_859 = arith.maximumf %max3A_857, %max3A_858 : vector<128x1024xf32>
      %sub3A_860 = arith.subf %min3A_856, %max3A_859 : vector<128x1024xf32>
      %jit3A_861 = arith.constant 0.000000e+00 : f32
      %max3A_862 = vector.broadcast %jit3A_861 : f32 to vector<128x1024xf32>
      %max3A_863 = arith.maximumf %max3A_862, %sub3A_860 : vector<128x1024xf32>
      %mul3A_864 = arith.mulf %mul3A_853, %max3A_863 : vector<128x1024xf32>
      %min3A_865 = vector.broadcast %slice3A_828 : vector<128x1xf32> to vector<128x1024xf32>
      %min3A_866 = vector.broadcast %get3A_676 : vector<1x1024xf32> to vector<128x1024xf32>
      %min3A_867 = arith.minimumf %min3A_865, %min3A_866 : vector<128x1024xf32>
      %max3A_868 = vector.broadcast %slice3A_824 : vector<128x1xf32> to vector<128x1024xf32>
      %max3A_869 = vector.broadcast %get3A_664 : vector<1x1024xf32> to vector<128x1024xf32>
      %max3A_870 = arith.maximumf %max3A_868, %max3A_869 : vector<128x1024xf32>
      %sub3A_871 = arith.subf %min3A_867, %max3A_870 : vector<128x1024xf32>
      %jit3A_872 = arith.constant 0.000000e+00 : f32
      %max3A_873 = vector.broadcast %jit3A_872 : f32 to vector<128x1024xf32>
      %max3A_874 = arith.maximumf %max3A_873, %sub3A_871 : vector<128x1024xf32>
      %mul3A_875 = arith.mulf %mul3A_864, %max3A_874 : vector<128x1024xf32>
      %add3A_876 = vector.broadcast %mul3A_835 : vector<128x1xf32> to vector<128x1024xf32>
      %add3A_877 = vector.broadcast %mul3A_683 : vector<1x1024xf32> to vector<128x1024xf32>
      %add3A_878 = arith.addf %add3A_876, %add3A_877 : vector<128x1024xf32>
      %sub3A_879 = arith.subf %add3A_878, %mul3A_875 : vector<128x1024xf32>
      %add3A_880 = arith.constant 9.99999997E-7 : f32
      %add3A_881 = vector.broadcast %add3A_880 : f32 to vector<128x1024xf32>
      %add3A_882 = arith.addf %sub3A_879, %add3A_881 : vector<128x1024xf32>
      %div3A = arith.divf %mul3A_875, %add3A_882 : vector<128x1024xf32>
      %gt3A_883 = arith.constant 5.000000e-01 : f32
      %gt3A_884 = vector.broadcast %gt3A_883 : f32 to vector<128x1024xf32>
      %gt3A_885 = arith.cmpf ogt, %div3A, %gt3A_884 : vector<128x1024xf32>
      %jit3A_886 = arith.constant 1.000000e+00 : f32
      %jit3A_887 = arith.constant 0.000000e+00 : f32
      %broadcast_in_dim3A_888 = vector.broadcast %jit3A_886 : f32 to vector<128x1024xf32>
      %broadcast_in_dim3A_889 = vector.broadcast %jit3A_887 : f32 to vector<128x1024xf32>
      %select_n3A = arith.select %gt3A_885, %broadcast_in_dim3A_888, %broadcast_in_dim3A_889 : vector<128x1024xi1>, vector<128x1024xf32>
      %convert_element_type3A_890 = arith.truncf %select_n3A : vector<128x1024xf32> to vector<128x1024xbf16>
      %swap3A_891 = arith.constant 0 : index
      %swap3A_892 = arith.constant 0 : index
      %swap3A_893 = vector.load %arg2[%swap3A_891, %swap3A_892] : memref<128x5120xbf16, #tpu.memory_space<vmem>>, vector<128x1024xbf16>
      tpu.vector_store %arg2[%swap3A_891, %swap3A_892], %convert_element_type3A_890 {strides = array<i32>} : memref<128x5120xbf16, #tpu.memory_space<vmem>>, vector<128x1024xbf16>,
      %get3A_894 = arith.constant 0 : index
      %get3A_895 = arith.index_cast %multiple_of3A_818 : i32 to index
      %get3A_896 = vector.load %arg2[%get3A_894, %get3A_895] : memref<128x5120xbf16, #tpu.memory_space<vmem>>, vector<128x128xbf16>
      %mul3A_897 = arith.mulf %get3A_896, %convert_element_type3A_16 : vector<128x128xbf16>
      %get3A_898 = arith.constant 0 : index
      %get3A_899 = arith.index_cast %multiple_of3A : i32 to index
      %get3A_900 = vector.load %arg1[%get3A_898, %get3A_899] : memref<1x5120xf32, #tpu.memory_space<vmem>>, vector<1x128xf32>
      %while3A = arith.constant true
      %while3A_901:2 = scf.while (%while3A_929 = %get3A_900, %while3A_930 = %while3A) : (vector<1x128xf32>, i1) -> (vector<1x128xf32>, i1) {
        scf.condition(%while3A_930) %while3A_929, %while3A_930 : vector<1x128xf32>, i1
      } do {
      ^bb0(%while3A_929: vector<1x128xf32>, %while3A_930: i1):
        %convert_element_type3A_931 = arith.truncf %while3A_929 : vector<1x128xf32> to vector<1x128xbf16>
        %dot_general3A_932 = arith.constant dense<0.000000e+00> : vector<1x128xf32>
        %dot_general3A_933 = tpu.matmul %convert_element_type3A_931, %mul3A_897, %dot_general3A_932 {dimension_numbers = #tpu.dot_dimension_numbers<[1], [0], [0], [1], [0, 0, 1, 1], [], []>, transpose_lhs_hint = false} : vector<1x128xbf16>, vector<128x128xbf16>, vector<1x128xf32> -> vector<1x128xf32>
        %eq3A_934 = arith.constant 0.000000e+00 : f32
        %eq3A_935 = vector.broadcast %eq3A_934 : f32 to vector<1x128xf32>
        %eq3A_936 = arith.cmpf oeq, %dot_general3A_933, %eq3A_935 : vector<1x128xf32>
        %jit3A_937 = arith.constant 1.000000e+00 : f32
        %jit3A_938 = arith.constant 0.000000e+00 : f32
        %broadcast_in_dim3A_939 = vector.broadcast %jit3A_937 : f32 to vector<1x128xf32>
        %broadcast_in_dim3A_940 = vector.broadcast %jit3A_938 : f32 to vector<1x128xf32>
        %select_n3A_941 = arith.select %eq3A_936, %broadcast_in_dim3A_939, %broadcast_in_dim3A_940 : vector<1x128xi1>, vector<1x128xf32>
        %mul3A_942 = arith.mulf %get3A_900, %select_n3A_941 : vector<1x128xf32>
        %sub3A_943 = arith.subf %mul3A_942, %while3A_929 : vector<1x128xf32>
        %abs3A = math.absf %sub3A_943 : vector<1x128xf32>
        %reduce_sum3A = vector.shape_cast %abs3A : vector<1x128xf32> to vector<1x1x128xf32>
        %reduce_sum3A_944 = arith.constant dense<0.000000e+00> : vector<1xf32>
        %reduce_sum3A_945 = vector.multi_reduction <add>, %reduce_sum3A, %reduce_sum3A_944 [1, 2] : vector<1x1x128xf32> to vector<1xf32>
        %reduce_sum3A_946 = vector.shape_cast %reduce_sum3A_945 : vector<1xf32> to vector<1x1x1xf32>
        %reduce_sum3A_947 = vector.extract %reduce_sum3A_946[0, 0, 0] : f32 from vector<1x1x1xf32>
        %gt3A_948 = arith.constant 0.000000e+00 : f32
        %gt3A_949 = arith.cmpf ogt, %reduce_sum3A_947, %gt3A_948 : f32
        scf.yield %mul3A_942, %gt3A_949 : vector<1x128xf32>, i1
      }
      %convert_element_type3A_902 = arith.truncf %while3A_901#0 : vector<1x128xf32> to vector<1x128xbf16>
      %get3A_903 = arith.constant 0 : index
      %get3A_904 = arith.constant 0 : index
      %get3A_905 = vector.load %arg2[%get3A_903, %get3A_904] : memref<128x5120xbf16, #tpu.memory_space<vmem>>, vector<128x1024xbf16>
      %dot_general3A_906 = arith.constant dense<0.000000e+00> : vector<1x1024xf32>
      %dot_general3A_907 = tpu.matmul %convert_element_type3A_902, %get3A_905, %dot_general3A_906 {dimension_numbers = #tpu.dot_dimension_numbers<[1], [0], [0], [1], [0, 0, 1, 1], [], []>, transpose_lhs_hint = false} : vector<1x128xbf16>, vector<128x1024xbf16>, vector<1x1024xf32> -> vector<1x1024xf32>
      %eq3A_908 = arith.constant 0.000000e+00 : f32
      %eq3A_909 = vector.broadcast %eq3A_908 : f32 to vector<1x1024xf32>
      %eq3A_910 = arith.cmpf oeq, %dot_general3A_907, %eq3A_909 : vector<1x1024xf32>
      %add3A_911 = arith.constant 128 : i32
      %add3A_912 = arith.addi %multiple_of3A, %add3A_911 : i32
      %lt3A = vector.broadcast %add3A_912 : i32 to vector<1x1024xi32>
      %lt3A_913 = arith.cmpi slt, %add3A_687, %lt3A : vector<1x1024xi32>
      %or3A = arith.ori %eq3A_910, %lt3A_913 : vector<1x1024xi1>
      %get3A_914 = arith.constant 0 : index
      %get3A_915 = arith.constant 4096 : index
      %get3A_916 = vector.load %arg1[%get3A_914, %get3A_915] : memref<1x5120xf32, #tpu.memory_space<vmem>>, vector<1x1024xf32>
      %jit3A_917 = arith.constant 1.000000e+00 : f32
      %jit3A_918 = arith.constant 0.000000e+00 : f32
      %broadcast_in_dim3A_919 = vector.broadcast %jit3A_917 : f32 to vector<1x1024xf32>
      %broadcast_in_dim3A_920 = vector.broadcast %jit3A_918 : f32 to vector<1x1024xf32>
      %select_n3A_921 = arith.select %or3A, %broadcast_in_dim3A_919, %broadcast_in_dim3A_920 : vector<1x1024xi1>, vector<1x1024xf32>
      %mul3A_922 = arith.mulf %get3A_916, %select_n3A_921 : vector<1x1024xf32>
      %swap3A_923 = arith.constant 0 : index
      %swap3A_924 = arith.constant 4096 : index
      %swap3A_925 = vector.load %arg1[%swap3A_923, %swap3A_924] : memref<1x5120xf32, #tpu.memory_space<vmem>>, vector<1x1024xf32>
      tpu.vector_store %arg1[%swap3A_923, %swap3A_924], %mul3A_922 {strides = array<i32>} : memref<1x5120xf32, #tpu.memory_space<vmem>>, vector<1x1024xf32>,
      %swap3A_926 = arith.constant 0 : index
      %swap3A_927 = arith.index_cast %multiple_of3A : i32 to index
      %swap3A_928 = vector.load %arg1[%swap3A_926, %swap3A_927] : memref<1x5120xf32, #tpu.memory_space<vmem>>, vector<1x128xf32>
      tpu.vector_store %arg1[%swap3A_926, %swap3A_927], %while3A_901#0 {strides = array<i32>} : memref<1x5120xf32, #tpu.memory_space<vmem>>, vector<1x128xf32>,
    }
    %scan3A_692 = arith.constant 2 : i32
    %get3A_693 = arith.constant 0 : index
    %get3A_694 = arith.constant 4352 : index
    %get3A_695 = vector.load %arg3[%get3A_693, %get3A_694] : memref<16x5120xf32, #tpu.memory_space<vmem>>, vector<1x768xf32>
    %get3A_696 = arith.constant 1 : index
    %get3A_697 = arith.constant 4352 : index
    %get3A_698 = vector.load %arg3[%get3A_696, %get3A_697] : memref<16x5120xf32, #tpu.memory_space<vmem>>, vector<1x768xf32>
    %get3A_699 = arith.constant 2 : index
    %get3A_700 = arith.constant 4352 : index
    %get3A_701 = vector.load %arg3[%get3A_699, %get3A_700] : memref<16x5120xf32, #tpu.memory_space<vmem>>, vector<1x768xf32>
    %get3A_702 = arith.constant 3 : index
    %get3A_703 = arith.constant 4352 : index
    %get3A_704 = vector.load %arg3[%get3A_702, %get3A_703] : memref<16x5120xf32, #tpu.memory_space<vmem>>, vector<1x768xf32>
    %get3A_705 = arith.constant 4 : index
    %get3A_706 = arith.constant 4352 : index
    %get3A_707 = vector.load %arg3[%get3A_705, %get3A_706] : memref<16x5120xf32, #tpu.memory_space<vmem>>, vector<1x768xf32>
    %get3A_708 = arith.constant 5 : index
    %get3A_709 = arith.constant 4352 : index
    %get3A_710 = vector.load %arg3[%get3A_708, %get3A_709] : memref<16x5120xf32, #tpu.memory_space<vmem>>, vector<1x768xf32>
    %get3A_711 = arith.constant 6 : index
    %get3A_712 = arith.constant 4352 : index
    %get3A_713 = vector.load %arg3[%get3A_711, %get3A_712] : memref<16x5120xf32, #tpu.memory_space<vmem>>, vector<1x768xf32>
    %get3A_714 = arith.constant 7 : index
    %get3A_715 = arith.constant 4352 : index
    %get3A_716 = vector.load %arg3[%get3A_714, %get3A_715] : memref<16x5120xf32, #tpu.memory_space<vmem>>, vector<1x768xf32>
    %sub3A_717 = arith.subf %get3A_707, %get3A_695 : vector<1x768xf32>
    %sub3A_718 = arith.subf %get3A_710, %get3A_698 : vector<1x768xf32>
    %mul3A_719 = arith.mulf %sub3A_717, %sub3A_718 : vector<1x768xf32>
    %sub3A_720 = arith.subf %get3A_713, %get3A_701 : vector<1x768xf32>
    %mul3A_721 = arith.mulf %mul3A_719, %sub3A_720 : vector<1x768xf32>
    %sub3A_722 = arith.subf %get3A_716, %get3A_704 : vector<1x768xf32>
    %mul3A_723 = arith.mulf %mul3A_721, %sub3A_722 : vector<1x768xf32>
    %iota3A_724 = tpu.iota {dimensions = array<i32: 1>} : vector<1x768xi32>
    %add3A_725 = arith.constant 4352 : i32
    %add3A_726 = vector.broadcast %add3A_725 : i32 to vector<1x768xi32>
    %add3A_727 = arith.addi %iota3A_724, %add3A_726 : vector<1x768xi32>
    %scan3A_728 = arith.constant 34 : i32
    %scan3A_729 = arith.constant 2 : i32
    %scan3A_730 = arith.addi %scan3A_728, %scan3A_729 : i32
    %scan3A_731 = arith.constant 1 : i32
    scf.for %scan3A_813 = %scan3A_728 to %scan3A_730 step %scan3A_731  : i32 {
      %mul3A_814 = arith.constant 128 : i32
      %mul3A_815 = arith.muli %scan3A_813, %mul3A_814 : i32
      %multiple_of3A = tpu.assume_multiple %mul3A_815, 128 : i32
      %sub3A_816 = arith.constant 4352 : i32
      %sub3A_817 = arith.subi %multiple_of3A, %sub3A_816 : i32
      %multiple_of3A_818 = tpu.assume_multiple %sub3A_817, 128 : i32
      %get3A_819 = arith.index_cast %multiple_of3A : i32 to index
      %get3A_820 = arith.constant 0 : index
      %get3A_821 = vector.load %arg0[%get3A_819, %get3A_820] : memref<5120x16xf32, #tpu.memory_space<vmem>>, vector<128x16xf32>
      %slice3A = vector.extract_strided_slice %get3A_821 {offsets = [0, 0], sizes = [128, 1], strides = [1, 1]} : vector<128x16xf32> to vector<128x1xf32>
      %slice3A_822 = vector.extract_strided_slice %get3A_821 {offsets = [0, 1], sizes = [128, 1], strides = [1, 1]} : vector<128x16xf32> to vector<128x1xf32>
      %slice3A_823 = vector.extract_strided_slice %get3A_821 {offsets = [0, 2], sizes = [128, 1], strides = [1, 1]} : vector<128x16xf32> to vector<128x1xf32>
      %slice3A_824 = vector.extract_strided_slice %get3A_821 {offsets = [0, 3], sizes = [128, 1], strides = [1, 1]} : vector<128x16xf32> to vector<128x1xf32>
      %slice3A_825 = vector.extract_strided_slice %get3A_821 {offsets = [0, 4], sizes = [128, 1], strides = [1, 1]} : vector<128x16xf32> to vector<128x1xf32>
      %slice3A_826 = vector.extract_strided_slice %get3A_821 {offsets = [0, 5], sizes = [128, 1], strides = [1, 1]} : vector<128x16xf32> to vector<128x1xf32>
      %slice3A_827 = vector.extract_strided_slice %get3A_821 {offsets = [0, 6], sizes = [128, 1], strides = [1, 1]} : vector<128x16xf32> to vector<128x1xf32>
      %slice3A_828 = vector.extract_strided_slice %get3A_821 {offsets = [0, 7], sizes = [128, 1], strides = [1, 1]} : vector<128x16xf32> to vector<128x1xf32>
      %sub3A_829 = arith.subf %slice3A_825, %slice3A : vector<128x1xf32>
      %sub3A_830 = arith.subf %slice3A_826, %slice3A_822 : vector<128x1xf32>
      %mul3A_831 = arith.mulf %sub3A_829, %sub3A_830 : vector<128x1xf32>
      %sub3A_832 = arith.subf %slice3A_827, %slice3A_823 : vector<128x1xf32>
      %mul3A_833 = arith.mulf %mul3A_831, %sub3A_832 : vector<128x1xf32>
      %sub3A_834 = arith.subf %slice3A_828, %slice3A_824 : vector<128x1xf32>
      %mul3A_835 = arith.mulf %mul3A_833, %sub3A_834 : vector<128x1xf32>
      %min3A = vector.broadcast %slice3A_825 : vector<128x1xf32> to vector<128x768xf32>
      %min3A_836 = vector.broadcast %get3A_707 : vector<1x768xf32> to vector<128x768xf32>
      %min3A_837 = arith.minimumf %min3A, %min3A_836 : vector<128x768xf32>
      %max3A = vector.broadcast %slice3A : vector<128x1xf32> to vector<128x768xf32>
      %max3A_838 = vector.broadcast %get3A_695 : vector<1x768xf32> to vector<128x768xf32>
      %max3A_839 = arith.maximumf %max3A, %max3A_838 : vector<128x768xf32>
      %sub3A_840 = arith.subf %min3A_837, %max3A_839 : vector<128x768xf32>
      %jit3A = arith.constant 0.000000e+00 : f32
      %max3A_841 = vector.broadcast %jit3A : f32 to vector<128x768xf32>
      %max3A_842 = arith.maximumf %max3A_841, %sub3A_840 : vector<128x768xf32>
      %min3A_843 = vector.broadcast %slice3A_826 : vector<128x1xf32> to vector<128x768xf32>
      %min3A_844 = vector.broadcast %get3A_710 : vector<1x768xf32> to vector<128x768xf32>
      %min3A_845 = arith.minimumf %min3A_843, %min3A_844 : vector<128x768xf32>
      %max3A_846 = vector.broadcast %slice3A_822 : vector<128x1xf32> to vector<128x768xf32>
      %max3A_847 = vector.broadcast %get3A_698 : vector<1x768xf32> to vector<128x768xf32>
      %max3A_848 = arith.maximumf %max3A_846, %max3A_847 : vector<128x768xf32>
      %sub3A_849 = arith.subf %min3A_845, %max3A_848 : vector<128x768xf32>
      %jit3A_850 = arith.constant 0.000000e+00 : f32
      %max3A_851 = vector.broadcast %jit3A_850 : f32 to vector<128x768xf32>
      %max3A_852 = arith.maximumf %max3A_851, %sub3A_849 : vector<128x768xf32>
      %mul3A_853 = arith.mulf %max3A_842, %max3A_852 : vector<128x768xf32>
      %min3A_854 = vector.broadcast %slice3A_827 : vector<128x1xf32> to vector<128x768xf32>
      %min3A_855 = vector.broadcast %get3A_713 : vector<1x768xf32> to vector<128x768xf32>
      %min3A_856 = arith.minimumf %min3A_854, %min3A_855 : vector<128x768xf32>
      %max3A_857 = vector.broadcast %slice3A_823 : vector<128x1xf32> to vector<128x768xf32>
      %max3A_858 = vector.broadcast %get3A_701 : vector<1x768xf32> to vector<128x768xf32>
      %max3A_859 = arith.maximumf %max3A_857, %max3A_858 : vector<128x768xf32>
      %sub3A_860 = arith.subf %min3A_856, %max3A_859 : vector<128x768xf32>
      %jit3A_861 = arith.constant 0.000000e+00 : f32
      %max3A_862 = vector.broadcast %jit3A_861 : f32 to vector<128x768xf32>
      %max3A_863 = arith.maximumf %max3A_862, %sub3A_860 : vector<128x768xf32>
      %mul3A_864 = arith.mulf %mul3A_853, %max3A_863 : vector<128x768xf32>
      %min3A_865 = vector.broadcast %slice3A_828 : vector<128x1xf32> to vector<128x768xf32>
      %min3A_866 = vector.broadcast %get3A_716 : vector<1x768xf32> to vector<128x768xf32>
      %min3A_867 = arith.minimumf %min3A_865, %min3A_866 : vector<128x768xf32>
      %max3A_868 = vector.broadcast %slice3A_824 : vector<128x1xf32> to vector<128x768xf32>
      %max3A_869 = vector.broadcast %get3A_704 : vector<1x768xf32> to vector<128x768xf32>
      %max3A_870 = arith.maximumf %max3A_868, %max3A_869 : vector<128x768xf32>
      %sub3A_871 = arith.subf %min3A_867, %max3A_870 : vector<128x768xf32>
      %jit3A_872 = arith.constant 0.000000e+00 : f32
      %max3A_873 = vector.broadcast %jit3A_872 : f32 to vector<128x768xf32>
      %max3A_874 = arith.maximumf %max3A_873, %sub3A_871 : vector<128x768xf32>
      %mul3A_875 = arith.mulf %mul3A_864, %max3A_874 : vector<128x768xf32>
      %add3A_876 = vector.broadcast %mul3A_835 : vector<128x1xf32> to vector<128x768xf32>
      %add3A_877 = vector.broadcast %mul3A_723 : vector<1x768xf32> to vector<128x768xf32>
      %add3A_878 = arith.addf %add3A_876, %add3A_877 : vector<128x768xf32>
      %sub3A_879 = arith.subf %add3A_878, %mul3A_875 : vector<128x768xf32>
      %add3A_880 = arith.constant 9.99999997E-7 : f32
      %add3A_881 = vector.broadcast %add3A_880 : f32 to vector<128x768xf32>
      %add3A_882 = arith.addf %sub3A_879, %add3A_881 : vector<128x768xf32>
      %div3A = arith.divf %mul3A_875, %add3A_882 : vector<128x768xf32>
      %gt3A_883 = arith.constant 5.000000e-01 : f32
      %gt3A_884 = vector.broadcast %gt3A_883 : f32 to vector<128x768xf32>
      %gt3A_885 = arith.cmpf ogt, %div3A, %gt3A_884 : vector<128x768xf32>
      %jit3A_886 = arith.constant 1.000000e+00 : f32
      %jit3A_887 = arith.constant 0.000000e+00 : f32
      %broadcast_in_dim3A_888 = vector.broadcast %jit3A_886 : f32 to vector<128x768xf32>
      %broadcast_in_dim3A_889 = vector.broadcast %jit3A_887 : f32 to vector<128x768xf32>
      %select_n3A = arith.select %gt3A_885, %broadcast_in_dim3A_888, %broadcast_in_dim3A_889 : vector<128x768xi1>, vector<128x768xf32>
      %convert_element_type3A_890 = arith.truncf %select_n3A : vector<128x768xf32> to vector<128x768xbf16>
      %swap3A_891 = arith.constant 0 : index
      %swap3A_892 = arith.constant 0 : index
      %swap3A_893 = vector.load %arg2[%swap3A_891, %swap3A_892] : memref<128x5120xbf16, #tpu.memory_space<vmem>>, vector<128x768xbf16>
      tpu.vector_store %arg2[%swap3A_891, %swap3A_892], %convert_element_type3A_890 {strides = array<i32>} : memref<128x5120xbf16, #tpu.memory_space<vmem>>, vector<128x768xbf16>,
      %get3A_894 = arith.constant 0 : index
      %get3A_895 = arith.index_cast %multiple_of3A_818 : i32 to index
      %get3A_896 = vector.load %arg2[%get3A_894, %get3A_895] : memref<128x5120xbf16, #tpu.memory_space<vmem>>, vector<128x128xbf16>
      %mul3A_897 = arith.mulf %get3A_896, %convert_element_type3A_16 : vector<128x128xbf16>
      %get3A_898 = arith.constant 0 : index
      %get3A_899 = arith.index_cast %multiple_of3A : i32 to index
      %get3A_900 = vector.load %arg1[%get3A_898, %get3A_899] : memref<1x5120xf32, #tpu.memory_space<vmem>>, vector<1x128xf32>
      %while3A = arith.constant true
      %while3A_901:2 = scf.while (%while3A_929 = %get3A_900, %while3A_930 = %while3A) : (vector<1x128xf32>, i1) -> (vector<1x128xf32>, i1) {
        scf.condition(%while3A_930) %while3A_929, %while3A_930 : vector<1x128xf32>, i1
      } do {
      ^bb0(%while3A_929: vector<1x128xf32>, %while3A_930: i1):
        %convert_element_type3A_931 = arith.truncf %while3A_929 : vector<1x128xf32> to vector<1x128xbf16>
        %dot_general3A_932 = arith.constant dense<0.000000e+00> : vector<1x128xf32>
        %dot_general3A_933 = tpu.matmul %convert_element_type3A_931, %mul3A_897, %dot_general3A_932 {dimension_numbers = #tpu.dot_dimension_numbers<[1], [0], [0], [1], [0, 0, 1, 1], [], []>, transpose_lhs_hint = false} : vector<1x128xbf16>, vector<128x128xbf16>, vector<1x128xf32> -> vector<1x128xf32>
        %eq3A_934 = arith.constant 0.000000e+00 : f32
        %eq3A_935 = vector.broadcast %eq3A_934 : f32 to vector<1x128xf32>
        %eq3A_936 = arith.cmpf oeq, %dot_general3A_933, %eq3A_935 : vector<1x128xf32>
        %jit3A_937 = arith.constant 1.000000e+00 : f32
        %jit3A_938 = arith.constant 0.000000e+00 : f32
        %broadcast_in_dim3A_939 = vector.broadcast %jit3A_937 : f32 to vector<1x128xf32>
        %broadcast_in_dim3A_940 = vector.broadcast %jit3A_938 : f32 to vector<1x128xf32>
        %select_n3A_941 = arith.select %eq3A_936, %broadcast_in_dim3A_939, %broadcast_in_dim3A_940 : vector<1x128xi1>, vector<1x128xf32>
        %mul3A_942 = arith.mulf %get3A_900, %select_n3A_941 : vector<1x128xf32>
        %sub3A_943 = arith.subf %mul3A_942, %while3A_929 : vector<1x128xf32>
        %abs3A = math.absf %sub3A_943 : vector<1x128xf32>
        %reduce_sum3A = vector.shape_cast %abs3A : vector<1x128xf32> to vector<1x1x128xf32>
        %reduce_sum3A_944 = arith.constant dense<0.000000e+00> : vector<1xf32>
        %reduce_sum3A_945 = vector.multi_reduction <add>, %reduce_sum3A, %reduce_sum3A_944 [1, 2] : vector<1x1x128xf32> to vector<1xf32>
        %reduce_sum3A_946 = vector.shape_cast %reduce_sum3A_945 : vector<1xf32> to vector<1x1x1xf32>
        %reduce_sum3A_947 = vector.extract %reduce_sum3A_946[0, 0, 0] : f32 from vector<1x1x1xf32>
        %gt3A_948 = arith.constant 0.000000e+00 : f32
        %gt3A_949 = arith.cmpf ogt, %reduce_sum3A_947, %gt3A_948 : f32
        scf.yield %mul3A_942, %gt3A_949 : vector<1x128xf32>, i1
      }
      %convert_element_type3A_902 = arith.truncf %while3A_901#0 : vector<1x128xf32> to vector<1x128xbf16>
      %get3A_903 = arith.constant 0 : index
      %get3A_904 = arith.constant 0 : index
      %get3A_905 = vector.load %arg2[%get3A_903, %get3A_904] : memref<128x5120xbf16, #tpu.memory_space<vmem>>, vector<128x768xbf16>
      %dot_general3A_906 = arith.constant dense<0.000000e+00> : vector<1x768xf32>
      %dot_general3A_907 = tpu.matmul %convert_element_type3A_902, %get3A_905, %dot_general3A_906 {dimension_numbers = #tpu.dot_dimension_numbers<[1], [0], [0], [1], [0, 0, 1, 1], [], []>, transpose_lhs_hint = false} : vector<1x128xbf16>, vector<128x768xbf16>, vector<1x768xf32> -> vector<1x768xf32>
      %eq3A_908 = arith.constant 0.000000e+00 : f32
      %eq3A_909 = vector.broadcast %eq3A_908 : f32 to vector<1x768xf32>
      %eq3A_910 = arith.cmpf oeq, %dot_general3A_907, %eq3A_909 : vector<1x768xf32>
      %add3A_911 = arith.constant 128 : i32
      %add3A_912 = arith.addi %multiple_of3A, %add3A_911 : i32
      %lt3A = vector.broadcast %add3A_912 : i32 to vector<1x768xi32>
      %lt3A_913 = arith.cmpi slt, %add3A_727, %lt3A : vector<1x768xi32>
      %or3A = arith.ori %eq3A_910, %lt3A_913 : vector<1x768xi1>
      %get3A_914 = arith.constant 0 : index
      %get3A_915 = arith.constant 4352 : index
      %get3A_916 = vector.load %arg1[%get3A_914, %get3A_915] : memref<1x5120xf32, #tpu.memory_space<vmem>>, vector<1x768xf32>
      %jit3A_917 = arith.constant 1.000000e+00 : f32
      %jit3A_918 = arith.constant 0.000000e+00 : f32
      %broadcast_in_dim3A_919 = vector.broadcast %jit3A_917 : f32 to vector<1x768xf32>
      %broadcast_in_dim3A_920 = vector.broadcast %jit3A_918 : f32 to vector<1x768xf32>
      %select_n3A_921 = arith.select %or3A, %broadcast_in_dim3A_919, %broadcast_in_dim3A_920 : vector<1x768xi1>, vector<1x768xf32>
      %mul3A_922 = arith.mulf %get3A_916, %select_n3A_921 : vector<1x768xf32>
      %swap3A_923 = arith.constant 0 : index
      %swap3A_924 = arith.constant 4352 : index
      %swap3A_925 = vector.load %arg1[%swap3A_923, %swap3A_924] : memref<1x5120xf32, #tpu.memory_space<vmem>>, vector<1x768xf32>
      tpu.vector_store %arg1[%swap3A_923, %swap3A_924], %mul3A_922 {strides = array<i32>} : memref<1x5120xf32, #tpu.memory_space<vmem>>, vector<1x768xf32>,
      %swap3A_926 = arith.constant 0 : index
      %swap3A_927 = arith.index_cast %multiple_of3A : i32 to index
      %swap3A_928 = vector.load %arg1[%swap3A_926, %swap3A_927] : memref<1x5120xf32, #tpu.memory_space<vmem>>, vector<1x128xf32>
      tpu.vector_store %arg1[%swap3A_926, %swap3A_927], %while3A_901#0 {strides = array<i32>} : memref<1x5120xf32, #tpu.memory_space<vmem>>, vector<1x128xf32>,
    }
    %scan3A_732 = arith.constant 2 : i32
    %get3A_733 = arith.constant 0 : index
    %get3A_734 = arith.constant 4608 : index
    %get3A_735 = vector.load %arg3[%get3A_733, %get3A_734] : memref<16x5120xf32, #tpu.memory_space<vmem>>, vector<1x512xf32>
    %get3A_736 = arith.constant 1 : index
    %get3A_737 = arith.constant 4608 : index
    %get3A_738 = vector.load %arg3[%get3A_736, %get3A_737] : memref<16x5120xf32, #tpu.memory_space<vmem>>, vector<1x512xf32>
    %get3A_739 = arith.constant 2 : index
    %get3A_740 = arith.constant 4608 : index
    %get3A_741 = vector.load %arg3[%get3A_739, %get3A_740] : memref<16x5120xf32, #tpu.memory_space<vmem>>, vector<1x512xf32>
    %get3A_742 = arith.constant 3 : index
    %get3A_743 = arith.constant 4608 : index
    %get3A_744 = vector.load %arg3[%get3A_742, %get3A_743] : memref<16x5120xf32, #tpu.memory_space<vmem>>, vector<1x512xf32>
    %get3A_745 = arith.constant 4 : index
    %get3A_746 = arith.constant 4608 : index
    %get3A_747 = vector.load %arg3[%get3A_745, %get3A_746] : memref<16x5120xf32, #tpu.memory_space<vmem>>, vector<1x512xf32>
    %get3A_748 = arith.constant 5 : index
    %get3A_749 = arith.constant 4608 : index
    %get3A_750 = vector.load %arg3[%get3A_748, %get3A_749] : memref<16x5120xf32, #tpu.memory_space<vmem>>, vector<1x512xf32>
    %get3A_751 = arith.constant 6 : index
    %get3A_752 = arith.constant 4608 : index
    %get3A_753 = vector.load %arg3[%get3A_751, %get3A_752] : memref<16x5120xf32, #tpu.memory_space<vmem>>, vector<1x512xf32>
    %get3A_754 = arith.constant 7 : index
    %get3A_755 = arith.constant 4608 : index
    %get3A_756 = vector.load %arg3[%get3A_754, %get3A_755] : memref<16x5120xf32, #tpu.memory_space<vmem>>, vector<1x512xf32>
    %sub3A_757 = arith.subf %get3A_747, %get3A_735 : vector<1x512xf32>
    %sub3A_758 = arith.subf %get3A_750, %get3A_738 : vector<1x512xf32>
    %mul3A_759 = arith.mulf %sub3A_757, %sub3A_758 : vector<1x512xf32>
    %sub3A_760 = arith.subf %get3A_753, %get3A_741 : vector<1x512xf32>
    %mul3A_761 = arith.mulf %mul3A_759, %sub3A_760 : vector<1x512xf32>
    %sub3A_762 = arith.subf %get3A_756, %get3A_744 : vector<1x512xf32>
    %mul3A_763 = arith.mulf %mul3A_761, %sub3A_762 : vector<1x512xf32>
    %iota3A_764 = tpu.iota {dimensions = array<i32: 1>} : vector<1x512xi32>
    %add3A_765 = arith.constant 4608 : i32
    %add3A_766 = vector.broadcast %add3A_765 : i32 to vector<1x512xi32>
    %add3A_767 = arith.addi %iota3A_764, %add3A_766 : vector<1x512xi32>
    %scan3A_768 = arith.constant 36 : i32
    %scan3A_769 = arith.constant 2 : i32
    %scan3A_770 = arith.addi %scan3A_768, %scan3A_769 : i32
    %scan3A_771 = arith.constant 1 : i32
    scf.for %scan3A_813 = %scan3A_768 to %scan3A_770 step %scan3A_771  : i32 {
      %mul3A_814 = arith.constant 128 : i32
      %mul3A_815 = arith.muli %scan3A_813, %mul3A_814 : i32
      %multiple_of3A = tpu.assume_multiple %mul3A_815, 128 : i32
      %sub3A_816 = arith.constant 4608 : i32
      %sub3A_817 = arith.subi %multiple_of3A, %sub3A_816 : i32
      %multiple_of3A_818 = tpu.assume_multiple %sub3A_817, 128 : i32
      %get3A_819 = arith.index_cast %multiple_of3A : i32 to index
      %get3A_820 = arith.constant 0 : index
      %get3A_821 = vector.load %arg0[%get3A_819, %get3A_820] : memref<5120x16xf32, #tpu.memory_space<vmem>>, vector<128x16xf32>
      %slice3A = vector.extract_strided_slice %get3A_821 {offsets = [0, 0], sizes = [128, 1], strides = [1, 1]} : vector<128x16xf32> to vector<128x1xf32>
      %slice3A_822 = vector.extract_strided_slice %get3A_821 {offsets = [0, 1], sizes = [128, 1], strides = [1, 1]} : vector<128x16xf32> to vector<128x1xf32>
      %slice3A_823 = vector.extract_strided_slice %get3A_821 {offsets = [0, 2], sizes = [128, 1], strides = [1, 1]} : vector<128x16xf32> to vector<128x1xf32>
      %slice3A_824 = vector.extract_strided_slice %get3A_821 {offsets = [0, 3], sizes = [128, 1], strides = [1, 1]} : vector<128x16xf32> to vector<128x1xf32>
      %slice3A_825 = vector.extract_strided_slice %get3A_821 {offsets = [0, 4], sizes = [128, 1], strides = [1, 1]} : vector<128x16xf32> to vector<128x1xf32>
      %slice3A_826 = vector.extract_strided_slice %get3A_821 {offsets = [0, 5], sizes = [128, 1], strides = [1, 1]} : vector<128x16xf32> to vector<128x1xf32>
      %slice3A_827 = vector.extract_strided_slice %get3A_821 {offsets = [0, 6], sizes = [128, 1], strides = [1, 1]} : vector<128x16xf32> to vector<128x1xf32>
      %slice3A_828 = vector.extract_strided_slice %get3A_821 {offsets = [0, 7], sizes = [128, 1], strides = [1, 1]} : vector<128x16xf32> to vector<128x1xf32>
      %sub3A_829 = arith.subf %slice3A_825, %slice3A : vector<128x1xf32>
      %sub3A_830 = arith.subf %slice3A_826, %slice3A_822 : vector<128x1xf32>
      %mul3A_831 = arith.mulf %sub3A_829, %sub3A_830 : vector<128x1xf32>
      %sub3A_832 = arith.subf %slice3A_827, %slice3A_823 : vector<128x1xf32>
      %mul3A_833 = arith.mulf %mul3A_831, %sub3A_832 : vector<128x1xf32>
      %sub3A_834 = arith.subf %slice3A_828, %slice3A_824 : vector<128x1xf32>
      %mul3A_835 = arith.mulf %mul3A_833, %sub3A_834 : vector<128x1xf32>
      %min3A = vector.broadcast %slice3A_825 : vector<128x1xf32> to vector<128x512xf32>
      %min3A_836 = vector.broadcast %get3A_747 : vector<1x512xf32> to vector<128x512xf32>
      %min3A_837 = arith.minimumf %min3A, %min3A_836 : vector<128x512xf32>
      %max3A = vector.broadcast %slice3A : vector<128x1xf32> to vector<128x512xf32>
      %max3A_838 = vector.broadcast %get3A_735 : vector<1x512xf32> to vector<128x512xf32>
      %max3A_839 = arith.maximumf %max3A, %max3A_838 : vector<128x512xf32>
      %sub3A_840 = arith.subf %min3A_837, %max3A_839 : vector<128x512xf32>
      %jit3A = arith.constant 0.000000e+00 : f32
      %max3A_841 = vector.broadcast %jit3A : f32 to vector<128x512xf32>
      %max3A_842 = arith.maximumf %max3A_841, %sub3A_840 : vector<128x512xf32>
      %min3A_843 = vector.broadcast %slice3A_826 : vector<128x1xf32> to vector<128x512xf32>
      %min3A_844 = vector.broadcast %get3A_750 : vector<1x512xf32> to vector<128x512xf32>
      %min3A_845 = arith.minimumf %min3A_843, %min3A_844 : vector<128x512xf32>
      %max3A_846 = vector.broadcast %slice3A_822 : vector<128x1xf32> to vector<128x512xf32>
      %max3A_847 = vector.broadcast %get3A_738 : vector<1x512xf32> to vector<128x512xf32>
      %max3A_848 = arith.maximumf %max3A_846, %max3A_847 : vector<128x512xf32>
      %sub3A_849 = arith.subf %min3A_845, %max3A_848 : vector<128x512xf32>
      %jit3A_850 = arith.constant 0.000000e+00 : f32
      %max3A_851 = vector.broadcast %jit3A_850 : f32 to vector<128x512xf32>
      %max3A_852 = arith.maximumf %max3A_851, %sub3A_849 : vector<128x512xf32>
      %mul3A_853 = arith.mulf %max3A_842, %max3A_852 : vector<128x512xf32>
      %min3A_854 = vector.broadcast %slice3A_827 : vector<128x1xf32> to vector<128x512xf32>
      %min3A_855 = vector.broadcast %get3A_753 : vector<1x512xf32> to vector<128x512xf32>
      %min3A_856 = arith.minimumf %min3A_854, %min3A_855 : vector<128x512xf32>
      %max3A_857 = vector.broadcast %slice3A_823 : vector<128x1xf32> to vector<128x512xf32>
      %max3A_858 = vector.broadcast %get3A_741 : vector<1x512xf32> to vector<128x512xf32>
      %max3A_859 = arith.maximumf %max3A_857, %max3A_858 : vector<128x512xf32>
      %sub3A_860 = arith.subf %min3A_856, %max3A_859 : vector<128x512xf32>
      %jit3A_861 = arith.constant 0.000000e+00 : f32
      %max3A_862 = vector.broadcast %jit3A_861 : f32 to vector<128x512xf32>
      %max3A_863 = arith.maximumf %max3A_862, %sub3A_860 : vector<128x512xf32>
      %mul3A_864 = arith.mulf %mul3A_853, %max3A_863 : vector<128x512xf32>
      %min3A_865 = vector.broadcast %slice3A_828 : vector<128x1xf32> to vector<128x512xf32>
      %min3A_866 = vector.broadcast %get3A_756 : vector<1x512xf32> to vector<128x512xf32>
      %min3A_867 = arith.minimumf %min3A_865, %min3A_866 : vector<128x512xf32>
      %max3A_868 = vector.broadcast %slice3A_824 : vector<128x1xf32> to vector<128x512xf32>
      %max3A_869 = vector.broadcast %get3A_744 : vector<1x512xf32> to vector<128x512xf32>
      %max3A_870 = arith.maximumf %max3A_868, %max3A_869 : vector<128x512xf32>
      %sub3A_871 = arith.subf %min3A_867, %max3A_870 : vector<128x512xf32>
      %jit3A_872 = arith.constant 0.000000e+00 : f32
      %max3A_873 = vector.broadcast %jit3A_872 : f32 to vector<128x512xf32>
      %max3A_874 = arith.maximumf %max3A_873, %sub3A_871 : vector<128x512xf32>
      %mul3A_875 = arith.mulf %mul3A_864, %max3A_874 : vector<128x512xf32>
      %add3A_876 = vector.broadcast %mul3A_835 : vector<128x1xf32> to vector<128x512xf32>
      %add3A_877 = vector.broadcast %mul3A_763 : vector<1x512xf32> to vector<128x512xf32>
      %add3A_878 = arith.addf %add3A_876, %add3A_877 : vector<128x512xf32>
      %sub3A_879 = arith.subf %add3A_878, %mul3A_875 : vector<128x512xf32>
      %add3A_880 = arith.constant 9.99999997E-7 : f32
      %add3A_881 = vector.broadcast %add3A_880 : f32 to vector<128x512xf32>
      %add3A_882 = arith.addf %sub3A_879, %add3A_881 : vector<128x512xf32>
      %div3A = arith.divf %mul3A_875, %add3A_882 : vector<128x512xf32>
      %gt3A_883 = arith.constant 5.000000e-01 : f32
      %gt3A_884 = vector.broadcast %gt3A_883 : f32 to vector<128x512xf32>
      %gt3A_885 = arith.cmpf ogt, %div3A, %gt3A_884 : vector<128x512xf32>
      %jit3A_886 = arith.constant 1.000000e+00 : f32
      %jit3A_887 = arith.constant 0.000000e+00 : f32
      %broadcast_in_dim3A_888 = vector.broadcast %jit3A_886 : f32 to vector<128x512xf32>
      %broadcast_in_dim3A_889 = vector.broadcast %jit3A_887 : f32 to vector<128x512xf32>
      %select_n3A = arith.select %gt3A_885, %broadcast_in_dim3A_888, %broadcast_in_dim3A_889 : vector<128x512xi1>, vector<128x512xf32>
      %convert_element_type3A_890 = arith.truncf %select_n3A : vector<128x512xf32> to vector<128x512xbf16>
      %swap3A_891 = arith.constant 0 : index
      %swap3A_892 = arith.constant 0 : index
      %swap3A_893 = vector.load %arg2[%swap3A_891, %swap3A_892] : memref<128x5120xbf16, #tpu.memory_space<vmem>>, vector<128x512xbf16>
      tpu.vector_store %arg2[%swap3A_891, %swap3A_892], %convert_element_type3A_890 {strides = array<i32>} : memref<128x5120xbf16, #tpu.memory_space<vmem>>, vector<128x512xbf16>,
      %get3A_894 = arith.constant 0 : index
      %get3A_895 = arith.index_cast %multiple_of3A_818 : i32 to index
      %get3A_896 = vector.load %arg2[%get3A_894, %get3A_895] : memref<128x5120xbf16, #tpu.memory_space<vmem>>, vector<128x128xbf16>
      %mul3A_897 = arith.mulf %get3A_896, %convert_element_type3A_16 : vector<128x128xbf16>
      %get3A_898 = arith.constant 0 : index
      %get3A_899 = arith.index_cast %multiple_of3A : i32 to index
      %get3A_900 = vector.load %arg1[%get3A_898, %get3A_899] : memref<1x5120xf32, #tpu.memory_space<vmem>>, vector<1x128xf32>
      %while3A = arith.constant true
      %while3A_901:2 = scf.while (%while3A_929 = %get3A_900, %while3A_930 = %while3A) : (vector<1x128xf32>, i1) -> (vector<1x128xf32>, i1) {
        scf.condition(%while3A_930) %while3A_929, %while3A_930 : vector<1x128xf32>, i1
      } do {
      ^bb0(%while3A_929: vector<1x128xf32>, %while3A_930: i1):
        %convert_element_type3A_931 = arith.truncf %while3A_929 : vector<1x128xf32> to vector<1x128xbf16>
        %dot_general3A_932 = arith.constant dense<0.000000e+00> : vector<1x128xf32>
        %dot_general3A_933 = tpu.matmul %convert_element_type3A_931, %mul3A_897, %dot_general3A_932 {dimension_numbers = #tpu.dot_dimension_numbers<[1], [0], [0], [1], [0, 0, 1, 1], [], []>, transpose_lhs_hint = false} : vector<1x128xbf16>, vector<128x128xbf16>, vector<1x128xf32> -> vector<1x128xf32>
        %eq3A_934 = arith.constant 0.000000e+00 : f32
        %eq3A_935 = vector.broadcast %eq3A_934 : f32 to vector<1x128xf32>
        %eq3A_936 = arith.cmpf oeq, %dot_general3A_933, %eq3A_935 : vector<1x128xf32>
        %jit3A_937 = arith.constant 1.000000e+00 : f32
        %jit3A_938 = arith.constant 0.000000e+00 : f32
        %broadcast_in_dim3A_939 = vector.broadcast %jit3A_937 : f32 to vector<1x128xf32>
        %broadcast_in_dim3A_940 = vector.broadcast %jit3A_938 : f32 to vector<1x128xf32>
        %select_n3A_941 = arith.select %eq3A_936, %broadcast_in_dim3A_939, %broadcast_in_dim3A_940 : vector<1x128xi1>, vector<1x128xf32>
        %mul3A_942 = arith.mulf %get3A_900, %select_n3A_941 : vector<1x128xf32>
        %sub3A_943 = arith.subf %mul3A_942, %while3A_929 : vector<1x128xf32>
        %abs3A = math.absf %sub3A_943 : vector<1x128xf32>
        %reduce_sum3A = vector.shape_cast %abs3A : vector<1x128xf32> to vector<1x1x128xf32>
        %reduce_sum3A_944 = arith.constant dense<0.000000e+00> : vector<1xf32>
        %reduce_sum3A_945 = vector.multi_reduction <add>, %reduce_sum3A, %reduce_sum3A_944 [1, 2] : vector<1x1x128xf32> to vector<1xf32>
        %reduce_sum3A_946 = vector.shape_cast %reduce_sum3A_945 : vector<1xf32> to vector<1x1x1xf32>
        %reduce_sum3A_947 = vector.extract %reduce_sum3A_946[0, 0, 0] : f32 from vector<1x1x1xf32>
        %gt3A_948 = arith.constant 0.000000e+00 : f32
        %gt3A_949 = arith.cmpf ogt, %reduce_sum3A_947, %gt3A_948 : f32
        scf.yield %mul3A_942, %gt3A_949 : vector<1x128xf32>, i1
      }
      %convert_element_type3A_902 = arith.truncf %while3A_901#0 : vector<1x128xf32> to vector<1x128xbf16>
      %get3A_903 = arith.constant 0 : index
      %get3A_904 = arith.constant 0 : index
      %get3A_905 = vector.load %arg2[%get3A_903, %get3A_904] : memref<128x5120xbf16, #tpu.memory_space<vmem>>, vector<128x512xbf16>
      %dot_general3A_906 = arith.constant dense<0.000000e+00> : vector<1x512xf32>
      %dot_general3A_907 = tpu.matmul %convert_element_type3A_902, %get3A_905, %dot_general3A_906 {dimension_numbers = #tpu.dot_dimension_numbers<[1], [0], [0], [1], [0, 0, 1, 1], [], []>, transpose_lhs_hint = false} : vector<1x128xbf16>, vector<128x512xbf16>, vector<1x512xf32> -> vector<1x512xf32>
      %eq3A_908 = arith.constant 0.000000e+00 : f32
      %eq3A_909 = vector.broadcast %eq3A_908 : f32 to vector<1x512xf32>
      %eq3A_910 = arith.cmpf oeq, %dot_general3A_907, %eq3A_909 : vector<1x512xf32>
      %add3A_911 = arith.constant 128 : i32
      %add3A_912 = arith.addi %multiple_of3A, %add3A_911 : i32
      %lt3A = vector.broadcast %add3A_912 : i32 to vector<1x512xi32>
      %lt3A_913 = arith.cmpi slt, %add3A_767, %lt3A : vector<1x512xi32>
      %or3A = arith.ori %eq3A_910, %lt3A_913 : vector<1x512xi1>
      %get3A_914 = arith.constant 0 : index
      %get3A_915 = arith.constant 4608 : index
      %get3A_916 = vector.load %arg1[%get3A_914, %get3A_915] : memref<1x5120xf32, #tpu.memory_space<vmem>>, vector<1x512xf32>
      %jit3A_917 = arith.constant 1.000000e+00 : f32
      %jit3A_918 = arith.constant 0.000000e+00 : f32
      %broadcast_in_dim3A_919 = vector.broadcast %jit3A_917 : f32 to vector<1x512xf32>
      %broadcast_in_dim3A_920 = vector.broadcast %jit3A_918 : f32 to vector<1x512xf32>
      %select_n3A_921 = arith.select %or3A, %broadcast_in_dim3A_919, %broadcast_in_dim3A_920 : vector<1x512xi1>, vector<1x512xf32>
      %mul3A_922 = arith.mulf %get3A_916, %select_n3A_921 : vector<1x512xf32>
      %swap3A_923 = arith.constant 0 : index
      %swap3A_924 = arith.constant 4608 : index
      %swap3A_925 = vector.load %arg1[%swap3A_923, %swap3A_924] : memref<1x5120xf32, #tpu.memory_space<vmem>>, vector<1x512xf32>
      tpu.vector_store %arg1[%swap3A_923, %swap3A_924], %mul3A_922 {strides = array<i32>} : memref<1x5120xf32, #tpu.memory_space<vmem>>, vector<1x512xf32>,
      %swap3A_926 = arith.constant 0 : index
      %swap3A_927 = arith.index_cast %multiple_of3A : i32 to index
      %swap3A_928 = vector.load %arg1[%swap3A_926, %swap3A_927] : memref<1x5120xf32, #tpu.memory_space<vmem>>, vector<1x128xf32>
      tpu.vector_store %arg1[%swap3A_926, %swap3A_927], %while3A_901#0 {strides = array<i32>} : memref<1x5120xf32, #tpu.memory_space<vmem>>, vector<1x128xf32>,
    }
    %scan3A_772 = arith.constant 2 : i32
    %get3A_773 = arith.constant 0 : index
    %get3A_774 = arith.constant 4864 : index
    %get3A_775 = vector.load %arg3[%get3A_773, %get3A_774] : memref<16x5120xf32, #tpu.memory_space<vmem>>, vector<1x256xf32>
    %get3A_776 = arith.constant 1 : index
    %get3A_777 = arith.constant 4864 : index
    %get3A_778 = vector.load %arg3[%get3A_776, %get3A_777] : memref<16x5120xf32, #tpu.memory_space<vmem>>, vector<1x256xf32>
    %get3A_779 = arith.constant 2 : index
    %get3A_780 = arith.constant 4864 : index
    %get3A_781 = vector.load %arg3[%get3A_779, %get3A_780] : memref<16x5120xf32, #tpu.memory_space<vmem>>, vector<1x256xf32>
    %get3A_782 = arith.constant 3 : index
    %get3A_783 = arith.constant 4864 : index
    %get3A_784 = vector.load %arg3[%get3A_782, %get3A_783] : memref<16x5120xf32, #tpu.memory_space<vmem>>, vector<1x256xf32>
    %get3A_785 = arith.constant 4 : index
    %get3A_786 = arith.constant 4864 : index
    %get3A_787 = vector.load %arg3[%get3A_785, %get3A_786] : memref<16x5120xf32, #tpu.memory_space<vmem>>, vector<1x256xf32>
    %get3A_788 = arith.constant 5 : index
    %get3A_789 = arith.constant 4864 : index
    %get3A_790 = vector.load %arg3[%get3A_788, %get3A_789] : memref<16x5120xf32, #tpu.memory_space<vmem>>, vector<1x256xf32>
    %get3A_791 = arith.constant 6 : index
    %get3A_792 = arith.constant 4864 : index
    %get3A_793 = vector.load %arg3[%get3A_791, %get3A_792] : memref<16x5120xf32, #tpu.memory_space<vmem>>, vector<1x256xf32>
    %get3A_794 = arith.constant 7 : index
    %get3A_795 = arith.constant 4864 : index
    %get3A_796 = vector.load %arg3[%get3A_794, %get3A_795] : memref<16x5120xf32, #tpu.memory_space<vmem>>, vector<1x256xf32>
    %sub3A_797 = arith.subf %get3A_787, %get3A_775 : vector<1x256xf32>
    %sub3A_798 = arith.subf %get3A_790, %get3A_778 : vector<1x256xf32>
    %mul3A_799 = arith.mulf %sub3A_797, %sub3A_798 : vector<1x256xf32>
    %sub3A_800 = arith.subf %get3A_793, %get3A_781 : vector<1x256xf32>
    %mul3A_801 = arith.mulf %mul3A_799, %sub3A_800 : vector<1x256xf32>
    %sub3A_802 = arith.subf %get3A_796, %get3A_784 : vector<1x256xf32>
    %mul3A_803 = arith.mulf %mul3A_801, %sub3A_802 : vector<1x256xf32>
    %iota3A_804 = tpu.iota {dimensions = array<i32: 1>} : vector<1x256xi32>
    %add3A_805 = arith.constant 4864 : i32
    %add3A_806 = vector.broadcast %add3A_805 : i32 to vector<1x256xi32>
    %add3A_807 = arith.addi %iota3A_804, %add3A_806 : vector<1x256xi32>
    %scan3A_808 = arith.constant 38 : i32
    %scan3A_809 = arith.constant 2 : i32
    %scan3A_810 = arith.addi %scan3A_808, %scan3A_809 : i32
    %scan3A_811 = arith.constant 1 : i32
    scf.for %scan3A_813 = %scan3A_808 to %scan3A_810 step %scan3A_811  : i32 {
      %mul3A_814 = arith.constant 128 : i32
      %mul3A_815 = arith.muli %scan3A_813, %mul3A_814 : i32
      %multiple_of3A = tpu.assume_multiple %mul3A_815, 128 : i32
      %sub3A_816 = arith.constant 4864 : i32
      %sub3A_817 = arith.subi %multiple_of3A, %sub3A_816 : i32
      %multiple_of3A_818 = tpu.assume_multiple %sub3A_817, 128 : i32
      %get3A_819 = arith.index_cast %multiple_of3A : i32 to index
      %get3A_820 = arith.constant 0 : index
      %get3A_821 = vector.load %arg0[%get3A_819, %get3A_820] : memref<5120x16xf32, #tpu.memory_space<vmem>>, vector<128x16xf32>
      %slice3A = vector.extract_strided_slice %get3A_821 {offsets = [0, 0], sizes = [128, 1], strides = [1, 1]} : vector<128x16xf32> to vector<128x1xf32>
      %slice3A_822 = vector.extract_strided_slice %get3A_821 {offsets = [0, 1], sizes = [128, 1], strides = [1, 1]} : vector<128x16xf32> to vector<128x1xf32>
      %slice3A_823 = vector.extract_strided_slice %get3A_821 {offsets = [0, 2], sizes = [128, 1], strides = [1, 1]} : vector<128x16xf32> to vector<128x1xf32>
      %slice3A_824 = vector.extract_strided_slice %get3A_821 {offsets = [0, 3], sizes = [128, 1], strides = [1, 1]} : vector<128x16xf32> to vector<128x1xf32>
      %slice3A_825 = vector.extract_strided_slice %get3A_821 {offsets = [0, 4], sizes = [128, 1], strides = [1, 1]} : vector<128x16xf32> to vector<128x1xf32>
      %slice3A_826 = vector.extract_strided_slice %get3A_821 {offsets = [0, 5], sizes = [128, 1], strides = [1, 1]} : vector<128x16xf32> to vector<128x1xf32>
      %slice3A_827 = vector.extract_strided_slice %get3A_821 {offsets = [0, 6], sizes = [128, 1], strides = [1, 1]} : vector<128x16xf32> to vector<128x1xf32>
      %slice3A_828 = vector.extract_strided_slice %get3A_821 {offsets = [0, 7], sizes = [128, 1], strides = [1, 1]} : vector<128x16xf32> to vector<128x1xf32>
      %sub3A_829 = arith.subf %slice3A_825, %slice3A : vector<128x1xf32>
      %sub3A_830 = arith.subf %slice3A_826, %slice3A_822 : vector<128x1xf32>
      %mul3A_831 = arith.mulf %sub3A_829, %sub3A_830 : vector<128x1xf32>
      %sub3A_832 = arith.subf %slice3A_827, %slice3A_823 : vector<128x1xf32>
      %mul3A_833 = arith.mulf %mul3A_831, %sub3A_832 : vector<128x1xf32>
      %sub3A_834 = arith.subf %slice3A_828, %slice3A_824 : vector<128x1xf32>
      %mul3A_835 = arith.mulf %mul3A_833, %sub3A_834 : vector<128x1xf32>
      %min3A = vector.broadcast %slice3A_825 : vector<128x1xf32> to vector<128x256xf32>
      %min3A_836 = vector.broadcast %get3A_787 : vector<1x256xf32> to vector<128x256xf32>
      %min3A_837 = arith.minimumf %min3A, %min3A_836 : vector<128x256xf32>
      %max3A = vector.broadcast %slice3A : vector<128x1xf32> to vector<128x256xf32>
      %max3A_838 = vector.broadcast %get3A_775 : vector<1x256xf32> to vector<128x256xf32>
      %max3A_839 = arith.maximumf %max3A, %max3A_838 : vector<128x256xf32>
      %sub3A_840 = arith.subf %min3A_837, %max3A_839 : vector<128x256xf32>
      %jit3A = arith.constant 0.000000e+00 : f32
      %max3A_841 = vector.broadcast %jit3A : f32 to vector<128x256xf32>
      %max3A_842 = arith.maximumf %max3A_841, %sub3A_840 : vector<128x256xf32>
      %min3A_843 = vector.broadcast %slice3A_826 : vector<128x1xf32> to vector<128x256xf32>
      %min3A_844 = vector.broadcast %get3A_790 : vector<1x256xf32> to vector<128x256xf32>
      %min3A_845 = arith.minimumf %min3A_843, %min3A_844 : vector<128x256xf32>
      %max3A_846 = vector.broadcast %slice3A_822 : vector<128x1xf32> to vector<128x256xf32>
      %max3A_847 = vector.broadcast %get3A_778 : vector<1x256xf32> to vector<128x256xf32>
      %max3A_848 = arith.maximumf %max3A_846, %max3A_847 : vector<128x256xf32>
      %sub3A_849 = arith.subf %min3A_845, %max3A_848 : vector<128x256xf32>
      %jit3A_850 = arith.constant 0.000000e+00 : f32
      %max3A_851 = vector.broadcast %jit3A_850 : f32 to vector<128x256xf32>
      %max3A_852 = arith.maximumf %max3A_851, %sub3A_849 : vector<128x256xf32>
      %mul3A_853 = arith.mulf %max3A_842, %max3A_852 : vector<128x256xf32>
      %min3A_854 = vector.broadcast %slice3A_827 : vector<128x1xf32> to vector<128x256xf32>
      %min3A_855 = vector.broadcast %get3A_793 : vector<1x256xf32> to vector<128x256xf32>
      %min3A_856 = arith.minimumf %min3A_854, %min3A_855 : vector<128x256xf32>
      %max3A_857 = vector.broadcast %slice3A_823 : vector<128x1xf32> to vector<128x256xf32>
      %max3A_858 = vector.broadcast %get3A_781 : vector<1x256xf32> to vector<128x256xf32>
      %max3A_859 = arith.maximumf %max3A_857, %max3A_858 : vector<128x256xf32>
      %sub3A_860 = arith.subf %min3A_856, %max3A_859 : vector<128x256xf32>
      %jit3A_861 = arith.constant 0.000000e+00 : f32
      %max3A_862 = vector.broadcast %jit3A_861 : f32 to vector<128x256xf32>
      %max3A_863 = arith.maximumf %max3A_862, %sub3A_860 : vector<128x256xf32>
      %mul3A_864 = arith.mulf %mul3A_853, %max3A_863 : vector<128x256xf32>
      %min3A_865 = vector.broadcast %slice3A_828 : vector<128x1xf32> to vector<128x256xf32>
      %min3A_866 = vector.broadcast %get3A_796 : vector<1x256xf32> to vector<128x256xf32>
      %min3A_867 = arith.minimumf %min3A_865, %min3A_866 : vector<128x256xf32>
      %max3A_868 = vector.broadcast %slice3A_824 : vector<128x1xf32> to vector<128x256xf32>
      %max3A_869 = vector.broadcast %get3A_784 : vector<1x256xf32> to vector<128x256xf32>
      %max3A_870 = arith.maximumf %max3A_868, %max3A_869 : vector<128x256xf32>
      %sub3A_871 = arith.subf %min3A_867, %max3A_870 : vector<128x256xf32>
      %jit3A_872 = arith.constant 0.000000e+00 : f32
      %max3A_873 = vector.broadcast %jit3A_872 : f32 to vector<128x256xf32>
      %max3A_874 = arith.maximumf %max3A_873, %sub3A_871 : vector<128x256xf32>
      %mul3A_875 = arith.mulf %mul3A_864, %max3A_874 : vector<128x256xf32>
      %add3A_876 = vector.broadcast %mul3A_835 : vector<128x1xf32> to vector<128x256xf32>
      %add3A_877 = vector.broadcast %mul3A_803 : vector<1x256xf32> to vector<128x256xf32>
      %add3A_878 = arith.addf %add3A_876, %add3A_877 : vector<128x256xf32>
      %sub3A_879 = arith.subf %add3A_878, %mul3A_875 : vector<128x256xf32>
      %add3A_880 = arith.constant 9.99999997E-7 : f32
      %add3A_881 = vector.broadcast %add3A_880 : f32 to vector<128x256xf32>
      %add3A_882 = arith.addf %sub3A_879, %add3A_881 : vector<128x256xf32>
      %div3A = arith.divf %mul3A_875, %add3A_882 : vector<128x256xf32>
      %gt3A_883 = arith.constant 5.000000e-01 : f32
      %gt3A_884 = vector.broadcast %gt3A_883 : f32 to vector<128x256xf32>
      %gt3A_885 = arith.cmpf ogt, %div3A, %gt3A_884 : vector<128x256xf32>
      %jit3A_886 = arith.constant 1.000000e+00 : f32
      %jit3A_887 = arith.constant 0.000000e+00 : f32
      %broadcast_in_dim3A_888 = vector.broadcast %jit3A_886 : f32 to vector<128x256xf32>
      %broadcast_in_dim3A_889 = vector.broadcast %jit3A_887 : f32 to vector<128x256xf32>
      %select_n3A = arith.select %gt3A_885, %broadcast_in_dim3A_888, %broadcast_in_dim3A_889 : vector<128x256xi1>, vector<128x256xf32>
      %convert_element_type3A_890 = arith.truncf %select_n3A : vector<128x256xf32> to vector<128x256xbf16>
      %swap3A_891 = arith.constant 0 : index
      %swap3A_892 = arith.constant 0 : index
      %swap3A_893 = vector.load %arg2[%swap3A_891, %swap3A_892] : memref<128x5120xbf16, #tpu.memory_space<vmem>>, vector<128x256xbf16>
      tpu.vector_store %arg2[%swap3A_891, %swap3A_892], %convert_element_type3A_890 {strides = array<i32>} : memref<128x5120xbf16, #tpu.memory_space<vmem>>, vector<128x256xbf16>,
      %get3A_894 = arith.constant 0 : index
      %get3A_895 = arith.index_cast %multiple_of3A_818 : i32 to index
      %get3A_896 = vector.load %arg2[%get3A_894, %get3A_895] : memref<128x5120xbf16, #tpu.memory_space<vmem>>, vector<128x128xbf16>
      %mul3A_897 = arith.mulf %get3A_896, %convert_element_type3A_16 : vector<128x128xbf16>
      %get3A_898 = arith.constant 0 : index
      %get3A_899 = arith.index_cast %multiple_of3A : i32 to index
      %get3A_900 = vector.load %arg1[%get3A_898, %get3A_899] : memref<1x5120xf32, #tpu.memory_space<vmem>>, vector<1x128xf32>
      %while3A = arith.constant true
      %while3A_901:2 = scf.while (%while3A_929 = %get3A_900, %while3A_930 = %while3A) : (vector<1x128xf32>, i1) -> (vector<1x128xf32>, i1) {
        scf.condition(%while3A_930) %while3A_929, %while3A_930 : vector<1x128xf32>, i1
      } do {
      ^bb0(%while3A_929: vector<1x128xf32>, %while3A_930: i1):
        %convert_element_type3A_931 = arith.truncf %while3A_929 : vector<1x128xf32> to vector<1x128xbf16>
        %dot_general3A_932 = arith.constant dense<0.000000e+00> : vector<1x128xf32>
        %dot_general3A_933 = tpu.matmul %convert_element_type3A_931, %mul3A_897, %dot_general3A_932 {dimension_numbers = #tpu.dot_dimension_numbers<[1], [0], [0], [1], [0, 0, 1, 1], [], []>, transpose_lhs_hint = false} : vector<1x128xbf16>, vector<128x128xbf16>, vector<1x128xf32> -> vector<1x128xf32>
        %eq3A_934 = arith.constant 0.000000e+00 : f32
        %eq3A_935 = vector.broadcast %eq3A_934 : f32 to vector<1x128xf32>
        %eq3A_936 = arith.cmpf oeq, %dot_general3A_933, %eq3A_935 : vector<1x128xf32>
        %jit3A_937 = arith.constant 1.000000e+00 : f32
        %jit3A_938 = arith.constant 0.000000e+00 : f32
        %broadcast_in_dim3A_939 = vector.broadcast %jit3A_937 : f32 to vector<1x128xf32>
        %broadcast_in_dim3A_940 = vector.broadcast %jit3A_938 : f32 to vector<1x128xf32>
        %select_n3A_941 = arith.select %eq3A_936, %broadcast_in_dim3A_939, %broadcast_in_dim3A_940 : vector<1x128xi1>, vector<1x128xf32>
        %mul3A_942 = arith.mulf %get3A_900, %select_n3A_941 : vector<1x128xf32>
        %sub3A_943 = arith.subf %mul3A_942, %while3A_929 : vector<1x128xf32>
        %abs3A = math.absf %sub3A_943 : vector<1x128xf32>
        %reduce_sum3A = vector.shape_cast %abs3A : vector<1x128xf32> to vector<1x1x128xf32>
        %reduce_sum3A_944 = arith.constant dense<0.000000e+00> : vector<1xf32>
        %reduce_sum3A_945 = vector.multi_reduction <add>, %reduce_sum3A, %reduce_sum3A_944 [1, 2] : vector<1x1x128xf32> to vector<1xf32>
        %reduce_sum3A_946 = vector.shape_cast %reduce_sum3A_945 : vector<1xf32> to vector<1x1x1xf32>
        %reduce_sum3A_947 = vector.extract %reduce_sum3A_946[0, 0, 0] : f32 from vector<1x1x1xf32>
        %gt3A_948 = arith.constant 0.000000e+00 : f32
        %gt3A_949 = arith.cmpf ogt, %reduce_sum3A_947, %gt3A_948 : f32
        scf.yield %mul3A_942, %gt3A_949 : vector<1x128xf32>, i1
      }
      %convert_element_type3A_902 = arith.truncf %while3A_901#0 : vector<1x128xf32> to vector<1x128xbf16>
      %get3A_903 = arith.constant 0 : index
      %get3A_904 = arith.constant 0 : index
      %get3A_905 = vector.load %arg2[%get3A_903, %get3A_904] : memref<128x5120xbf16, #tpu.memory_space<vmem>>, vector<128x256xbf16>
      %dot_general3A_906 = arith.constant dense<0.000000e+00> : vector<1x256xf32>
      %dot_general3A_907 = tpu.matmul %convert_element_type3A_902, %get3A_905, %dot_general3A_906 {dimension_numbers = #tpu.dot_dimension_numbers<[1], [0], [0], [1], [0, 0, 1, 1], [], []>, transpose_lhs_hint = false} : vector<1x128xbf16>, vector<128x256xbf16>, vector<1x256xf32> -> vector<1x256xf32>
      %eq3A_908 = arith.constant 0.000000e+00 : f32
      %eq3A_909 = vector.broadcast %eq3A_908 : f32 to vector<1x256xf32>
      %eq3A_910 = arith.cmpf oeq, %dot_general3A_907, %eq3A_909 : vector<1x256xf32>
      %add3A_911 = arith.constant 128 : i32
      %add3A_912 = arith.addi %multiple_of3A, %add3A_911 : i32
      %lt3A = vector.broadcast %add3A_912 : i32 to vector<1x256xi32>
      %lt3A_913 = arith.cmpi slt, %add3A_807, %lt3A : vector<1x256xi32>
      %or3A = arith.ori %eq3A_910, %lt3A_913 : vector<1x256xi1>
      %get3A_914 = arith.constant 0 : index
      %get3A_915 = arith.constant 4864 : index
      %get3A_916 = vector.load %arg1[%get3A_914, %get3A_915] : memref<1x5120xf32, #tpu.memory_space<vmem>>, vector<1x256xf32>
      %jit3A_917 = arith.constant 1.000000e+00 : f32
      %jit3A_918 = arith.constant 0.000000e+00 : f32
      %broadcast_in_dim3A_919 = vector.broadcast %jit3A_917 : f32 to vector<1x256xf32>
      %broadcast_in_dim3A_920 = vector.broadcast %jit3A_918 : f32 to vector<1x256xf32>
      %select_n3A_921 = arith.select %or3A, %broadcast_in_dim3A_919, %broadcast_in_dim3A_920 : vector<1x256xi1>, vector<1x256xf32>
      %mul3A_922 = arith.mulf %get3A_916, %select_n3A_921 : vector<1x256xf32>
      %swap3A_923 = arith.constant 0 : index
      %swap3A_924 = arith.constant 4864 : index
      %swap3A_925 = vector.load %arg1[%swap3A_923, %swap3A_924] : memref<1x5120xf32, #tpu.memory_space<vmem>>, vector<1x256xf32>
      tpu.vector_store %arg1[%swap3A_923, %swap3A_924], %mul3A_922 {strides = array<i32>} : memref<1x5120xf32, #tpu.memory_space<vmem>>, vector<1x256xf32>,
      %swap3A_926 = arith.constant 0 : index
      %swap3A_927 = arith.index_cast %multiple_of3A : i32 to index
      %swap3A_928 = vector.load %arg1[%swap3A_926, %swap3A_927] : memref<1x5120xf32, #tpu.memory_space<vmem>>, vector<1x128xf32>
      tpu.vector_store %arg1[%swap3A_926, %swap3A_927], %while3A_901#0 {strides = array<i32>} : memref<1x5120xf32, #tpu.memory_space<vmem>>, vector<1x128xf32>,
    }
    %scan3A_812 = arith.constant 2 : i32
    return
  }
}

</mosaic_0001>

<sc_bundles>
// kernel: kernel.5.cloned.1.call-start
scs
__scs_entry_jumppad:
0x0: {  	(pc) =	sbr.rel $0x88, $3  }
0x1: {  	(tag) =	ssettag $0x0;
	lr =	simm.s32 $0x1  }
0x2: {  	[smem:$0x3F9E] =	sst lr;
	_ =	strace $0xD0000000  }
0x3: {  	_ = 	snop  }
0x4: {  	_ = 	snop  }
0x5: {  	_ = 	snop  }
0x6: {  	_ = 	snop  }
0x7: {  	_ = 	snop  }
__scs_overlays_trampoline_lowered:
0x8: {  	[smem:$0x3FAD] =	sst s0  }
0x9: {  	[smem:$0x3FAE] =	sst s1  }
0xa: {  	[smem:$0x3FAF] =	sst s2  }
0xb: {  	[smem:$0x3FB0] =	sst s3  }
0xc: {  	[smem:$0x3FB1] =	sst s4  }
0xd: {  	[smem:$0x3FB2] =	sst s5  }
0xe: {  	[smem:$0x3FB3] =	sst s6  }
0xf: {  	[smem:$0x3FB4] =	sst s7  }
0x10: {  	[smem:$0x3FB5] =	sst s8  }
0x11: {  	[smem:$0x3FB6] =	sst s9;
	s0 =	simm.s32 @!p0 $0x0  }
0x12: {  	s1 =	sld [smem:$0x3F9C];
	s0 =	simm.s32 @p0 $0x1  }
0x13: {  	[smem:$0x3FB7] =	sst s0;
	s0 =	simm.s32 @!p1 $0x0  }
0x14: {  	s2 =	sld [smem:$0x3F9B];
	s0 =	simm.s32 @p1 $0x1  }
0x15: {  	[smem:$0x3FB8] =	sst s0;
	s0 =	simm.s32 @!p2 $0x0  }
0x16: {  	s3 =	sld [smem:$0x3FDB];
	s0 =	simm.s32 @p2 $0x1  }
0x17: {  	s4 =	simm.s32 $0x1BF5;
	[smem:$0x3FBA] =	sst s0  }
0x18: {  	s0 =	sld [smem:$0x3F9D];
	_ =	swait.ge [sflag:s4], $0x0  }
0x19: {  	s7 =	sld [smem:$0x3F9E]  }
0x1a: {  	s8 =	sadd.s32 $0xFFFFE003, lr  }
0x1b: {  	s9 =	sadd.s32 $0xFFFFFEF7, lr;
	s5 =	simm.s32 $0xFFFFFFFF;
	p2 =	slt.u32 s8, $0xFFFFF086  }
0x1c: {  	p1 =	slt.u32 s9, $0xF7A;
	s5 =	simm.s32 @!p2 $0x0  }
0x1d: {  	s5 =	simm.s32 @p1 $0x1;
	p0 =	seq.s32 s7, s2  }
0x1e: {  	s7 =	smul.u32 @!p0 $0xF7A, s2;
	p2 =	seq.s32 @!p0 s5, $0x0  }
0x1f: {  	s9 =	smul.u32 $0xF7A, s1;
	s8 =	simm.s32 @!p0 $0x1BF5;
	p2 =	por !p2, p0  }
0x20: {  	[sflag:s8] =	ssyncset.s32 @!p0 $0xFFFFF086;
	s6 =	sadd.s32 @!p0 s3, s7;
	s7 =	simm.s32 @!p0 $0x108  }
0x21: {  	s3 =	sadd.s32 s3, s9;
	s6 =	sadd.s32 @!p0 $0x88, s6;
	s7 =	simm.s32 @p2 $0x1082  }
0x22: {  	[simem:s7], [sflag:s8] =	dma.local @!p0 [hbm:s6], $0xF7A  }
0x23: {  	s9 =	sor.u32 $0xD0000000, s2;
	s6 =	simm.s32 $0x108;
	_ =	swait.ge @!p0 [sflag:s8], $0x0  }
0x24: {  	s3 =	sadd.s32 $0x88, s3;
	s6 =	simm.s32 @!p1 $0x1082;
	[sflag:s4] =	ssyncset.s32 $0xFFFFF086  }
0x25: {  	[simem:s6], [sflag:s4] =	dma.local [hbm:s3], $0xF7A  }
0x26: {  	[smem:$0x3F9E] =	sst s1;
	(tag) =	ssettag s2;
	_ =	strace s9  }
0x27: {  	s1 =	sld [smem:$0x3FAE]  }
0x28: {  	s2 =	sld [smem:$0x3FAF]  }
0x29: {  	s4 =	sld [smem:$0x3FB1]  }
0x2a: {  	p0 =	seq.s32 s5, $0x0;
	s5 =	sld [smem:$0x3FB2]  }
0x2b: {  	s6 =	sld [smem:$0x3FB3]  }
0x2c: {  	s7 =	sld [smem:$0x3FB4]  }
0x2d: {  	s3 =	simm.s32 $0x108;
	s8 =	sld [smem:$0x3FB5]  }
0x2e: {  	s3 =	simm.s32 @!p0 $0x1082;
	s9 =	sld [smem:$0x3FB6]  }
0x2f: {  	lr =	sadd.s32 s0, s3;
	s0 =	sld [smem:$0x3FAD]  }
0x30: {  	s3 =	sld [smem:$0x3FB0]  }
0x31: {  	[smem:$0x3FB9] =	sst s10  }
0x32: {  	s10 =	sld [smem:$0x3FB7];
	_ =	sdelay $0x3  }
0x33: {  	p0 =	seq.s32 s10, $0x1;
	s10 =	sld [smem:$0x3FB9];
	_ =	sdelay $0x3  }
0x34: {  	[smem:$0x3FB9] =	sst s10  }
0x35: {  	s10 =	sld [smem:$0x3FB8];
	_ =	sdelay $0x3  }
0x36: {  	p1 =	seq.s32 s10, $0x1;
	s10 =	sld [smem:$0x3FB9];
	_ =	sdelay $0x3  }
0x37: {  	[smem:$0x3FB9] =	sst s10  }
0x38: {  	s10 =	sld [smem:$0x3FBA]  }
0x39: {  	_ = 	snop;
	(pc) =	sbr.ind lr, $3  }
0x3a: {  	_ = 	snop  }
0x3b: {  	_ = 	snop  }
0x3c: {  	p2 =	seq.s32 s10, $0x1;
	s10 =	sld [smem:$0x3FB9]  }
0x3d: {  	_ =	shalt  }
0x3e: {  	_ =	shalt  }
0x3f: {  	_ =	shalt  }
0x40: {  	_ =	shalt  }
0x41: {  	_ =	shalt  }
0x42: {  	_ =	shalt  }
0x43: {  	_ =	shalt  }
0x44: {  	_ =	shalt  }
0x45: {  	_ =	shalt  }
0x46: {  	_ =	shalt  }
0x47: {  	_ =	shalt  }
0x48: {  	_ =	shalt  }
0x49: {  	_ =	shalt  }
0x4a: {  	_ =	shalt  }
0x4b: {  	_ =	shalt  }
0x4c: {  	_ =	shalt  }
0x4d: {  	_ =	shalt  }
0x4e: {  	_ =	shalt  }
0x4f: {  	_ =	shalt  }
0x50: {  	_ =	shalt  }
0x51: {  	_ =	shalt  }
0x52: {  	_ =	shalt  }
0x53: {  	_ =	shalt  }
0x54: {  	_ =	shalt  }
0x55: {  	_ =	shalt  }
0x56: {  	_ =	shalt  }
0x57: {  	_ =	shalt  }
0x58: {  	_ =	shalt  }
0x59: {  	_ =	shalt  }
0x5a: {  	_ =	shalt  }
0x5b: {  	_ =	shalt  }
0x5c: {  	_ =	shalt  }
0x5d: {  	_ =	shalt  }
0x5e: {  	_ =	shalt  }
0x5f: {  	_ =	shalt  }
0x60: {  	_ =	shalt  }
0x61: {  	_ =	shalt  }
0x62: {  	_ =	shalt  }
0x63: {  	_ =	shalt  }
0x64: {  	_ =	shalt  }
0x65: {  	_ =	shalt  }
0x66: {  	_ =	shalt  }
0x67: {  	_ =	shalt  }
0x68: {  	_ =	shalt  }
0x69: {  	_ =	shalt  }
0x6a: {  	_ =	shalt  }
0x6b: {  	_ =	shalt  }
0x6c: {  	_ =	shalt  }
0x6d: {  	_ =	shalt  }
0x6e: {  	_ =	shalt  }
0x6f: {  	_ =	shalt  }
0x70: {  	_ =	shalt  }
0x71: {  	_ =	shalt  }
0x72: {  	_ =	shalt  }
0x73: {  	_ =	shalt  }
0x74: {  	_ =	shalt  }
0x75: {  	_ =	shalt  }
0x76: {  	_ =	shalt  }
0x77: {  	_ =	shalt  }
0x78: {  	_ =	shalt  }
0x79: {  	_ =	shalt  }
0x7a: {  	_ =	shalt  }
0x7b: {  	_ =	shalt  }
0x7c: {  	_ =	shalt  }
0x7d: {  	_ =	shalt  }
0x7e: {  	_ =	shalt  }
0x7f: {  	_ =	shalt  }
0x80: {  	_ =	shalt  }
0x81: {  	_ =	shalt  }
0x82: {  	_ =	shalt  }
0x83: {  	_ =	shalt  }
0x84: {  	_ =	shalt  }
0x85: {  	_ =	shalt  }
0x86: {  	_ =	shalt  }
0x87: {  	_ =	shalt  }
.Lfunc_end0:
.L_simem_size_0:
called_computation_lowered:
.L_overlay_start_0:
0x88: {  	s2 =	sld [smem:$0x3FD9]  }
0x89: {  	s3 =	sld [smem:$0x3FFE];
	_ =	sdelay $0x1  }
0x8a: {  	s1 =	srdreg.scid  }
0x8b: {  	s0 =	sand.u32 $0x1, s1  }
0x8c: {  	s16 =	sshll.u32 s0, $0xA;
	s2 =	sadd.s32 s3, s2  }
0x8d: {  	s2 =	sadd.s32 s2, s16  }
0x8e: {  	[smem:$0x3FC5] =	sst s2  }
0x8f: {  	_ = 	snop  }
0x90: {  	(tm) =	ssettm $0x1  }
0x91: {  	s17 =	sld [smem:$0x3FFB];
	_ =	sdelay $0x3  }
0x92: {  	_ =	strace s17  }
0x93: {  	s2 =	sld [smem:$0x3FFC];
	_ =	sdelay $0x3  }
0x94: {  	_ =	strace s2  }
0x95: {  	s2 =	sld [smem:$0x3FFD];
	_ =	sdelay $0x3  }
0x96: {  	_ =	strace s2  }
0x97: {  	_ =	strace $0x8FFFFFFF  }
0x98: {  	s18 =	sld [smem:$0x3FDB];
	_ =	sdelay $0x1  }
0x99: {  	s19 =	simm.s32 $_scs_section_size  }
0x9a: {  	s4 =	simm.s32 $_size__tile_overlayer_lowered;
	s5 =	simm.s32 $_tile_overlayer_lowered  }
0x9b: {  	s22 =	simm.s32 $0x1BFF;
	s21 =	sshll.u32 s5, $0x1;
	s2 =	sadd.s32 s19, s18  }
0x9c: {  	s6 =	simm.s32 $0x0;
	s20 =	sshll.u32 s4, $0x1;
	s4 =	sadd.s32 s21, s2  }
0x9d: {  	[timem:s6], [sflag:s22] =	dma.local [hbm:s4], s20  }
0x9e: {  	_ =	swait.ge [sflag:s22], s20  }
0x9f: {  	s3 =	ssub.s32 $0x0, s20;
	[sflag:s22] =	ssyncset.done $0x0  }
0xa0: {  	[sflag:s22] =	ssyncadd.s32 s3;
	_ =	sdelay $0x1  }
0xa1: {  	s23 =	simm.s32 $0x1B8B  }
0xa2: {  	_ =	swait.ge [sflag:s23], $0x1  }
0xa3: {  	[sflag:s23] =	ssyncset.done $0x0  }
0xa4: {  	s25 =	simm.s32 $0x1B8E;
	s24 =	sld [smem:$0x3FFE];
	[sflag:s23] =	ssyncadd.s32 $0xFFFFFFFF  }
0xa5: {  	s26 =	simm.s32 $execute0_lowered;
	[smem:$0x3FD2] =	sst s25  }
0xa6: {  	s4 =	sshll.u32 s26, $0x1;
	_ =	strace $0x80000046;
	[dreg:$0x1] =	wrdreg $0xFFFFFFFF  }
0xa7: {  	s28 =	simm.s32 $_size_execute0_lowered;
	s2 =	sadd.s32 s2, s4;
	[dreg:$0x0] =	wrdreg $0x0  }
0xa8: {  	s4 =	sshll.u32 s28, $0x1;
	[dreg:$0x2] =	wrdreg s2  }
0xa9: {  	[dreg:$0x3] =	wrdreg s4  }
0xaa: {  	[dreg:$0x4] =	wrdreg $0xC0  }
0xab: {  	_ =	task [dreg:s6], $0x5FFFF  }
0xac: {  	[dreg:$0x1] =	wrdreg $0xFFFFFFFF  }
0xad: {  	[dreg:$0x0] =	wrdreg $0x60  }
0xae: {  	[dreg:$0x2] =	wrdreg s24  }
0xaf: {  	[dreg:$0x3] =	wrdreg $0x9  }
0xb0: {  	_ =	task.clear_ibuf [dreg:s6], $0x4FFFF;
	_ =	strace $0x90000046  }
0xb1: {  	s29 =	simm.s32 $0x9;
	_ =	strace $0x80000048  }
0xb2: {  	_ =	swait.ge [sflag:s29], $0x1  }
0xb3: {  	[sflag:s29] =	ssyncadd.s32 $0xFFFFFFFF  }
0xb4: {  	_ =	strace $0x90000048  }
0xb5: {  	_ =	sfence  }
0xb6: {  	s30 =	sld [smem:$0x0];
	_ =	sdelay $0x2  }
0xb7: {  	s31 =	sshll.u32 s1, $0xD;
	s1 =	sshrl.u32 s1, $0x2  }
0xb8: {  	s3 =	sand.u32 $0x4000, s31;
	s1 =	sadd.s32 s1, s30  }
0xb9: {  	s0 =	sor.u32 s3, s0;
	s1 =	sshll.u32 s1, $0x11  }
0xba: {  	s0 =	sor.u32 s1, s0  }
0xbb: {  	s0 =	sadd.s32 $0x8F2B, s0  }
0xbc: {  	[sflag:s0] =	ssyncadd.remote.s32 $0x1  }
0xbd: {  	_ =	sfence.sel $0xFFFF  }
0xbe: {  	[dreg:$0x0] =	wrdreg $0xFFFFFFFF;
	(pc) =	sbr.abs _section_cstart, $3  }
0xbf: {  	[dreg:$0x1] =	wrdreg $0xFFFFFFFF  }
0xc0: {  	_ =	task.clear_ibuf [dreg:s6], $0x2FFFF;
	_ =	strace $0x9FFFFFFF  }
0xc1: {  	(tm) =	ssettm $0x7FFFFFFF  }
tec
execute0_lowered:
.L_overlay_start_1:
0x0: {  	(tag) =	ssettag $0x1  }
0x1: {  	s1 =	srdreg.scid;
	s0 =	stileid.u32  }
0x2: {  	s9 =	sand.u32 $0x1, s1;
	s31 =	sshll.u32 s0, $0x1  }
0x3: {  	s10 =	sor.u32 s9, s31  }
0x4: {  	s2 =	rddreg [dreg:$0x0];
	s4 =	smul.u32 $0x14, s10  }
0x5: {  	s3 =	simm.s32 $0x0;
	s1 =	rddreg [dreg:$0x1]  }
0x6: {  	[smem:$0x7FF] =	sst s3;
	s4 =	sadd.s32 s4, s2  }
0x7: {  	_ =	strace $0x80000047;
	s5 =	sadd.s32 $0x2800, s4;
	s4 =	simm.s32 $0x2  }
0x8: {  	[tilespmem:s3], [sflag:$0x2] =	stream.linear.gather [hbm4b:s5+s3], $0xA0, $0x38;
	[tilespmem:$0xAA0] =	vst v63  }
0x9: {  	_ =	swait.ge [sflag:s4], $0xA0  }
0xa: {  	s6 =	simm.s32 $0x50;
	s7 =	simm.s32 $0xA0;
	[sflag:s4] =	ssyncset.done $0x0  }
0xb: {  	s8 =	simm.s32 $0x1;
	s11 =	ssub.s32 $0x2, s9;
	[sflag:s4] =	ssyncadd.s32 $0xFFFFFF60  }
0xc: {  	[tilespmem:s7], [sflag:$0x1] =	stream.indirect.gather [hbm4b:s2+s6], $0x10, s3, s6, $0xb8;
	[tilespmem:$0xAA0] =	vst v63  }
0xd: {  	s12 =	sshrl.u32 s11, $0x1;
	_ =	swait.ge [sflag:s8], $0x500  }
0xe: {  	s9 =	simm.s32 $0x5A0;
	s11 =	ssub.s32 s11, s12;
	[sflag:s8] =	ssyncset.done $0x0  }
0xf: {  	s10 =	smul.u32 $0x140, s10;
	s11 =	smax.u32 s11, $0x1;
	[sflag:s8] =	ssyncadd.s32 $0xFFFFFB00  }
0x10: {  	[tilespmem:s9], [sflag:$0x1] =	stream.indirect.gather [hbm4b:s2+s6], $0x10, s6, s6, $0xb8;
	[tilespmem:$0xAA0] =	vst v63  }
0x11: {  	p0 =	sne.s32 s11, $0x1;
	_ =	swait.ge [sflag:s8], $0x500  }
.Ltmp0:
0x12: {  	s10 =	sadd.s32 s10, s2;
	[sflag:s8] =	ssyncset.done $0x0;
	(pc) =	sbr.rel @!p0 .LBB2_2-.Ltmp0, $4  }
0x13: {  	s10 =	sadd.s32 $0x2C00, s10;
	[sflag:s8] =	ssyncadd.s32 $0xFFFFFB00  }
0x14: {  	[hbm4b:s10+s3] =	stream.linear.scatter [tilespmem:s7], [sflag:$0x2], $0xA00, $0x38;
	[tilespmem:$0xAA0] =	vst v63  }
0x15: {  	_ =	swait.ge [sflag:s4], $0xA00  }
0x16: {  	s11 =	sadd.s32 $0xFFFFFFFF, s11;
	[sflag:s4] =	ssyncset.done $0x0  }
.LBB2_1:
0x17: {  	p0 =	sne.s32 s11, $0x1;
	s11 =	sadd.s32 $0xFFFFFFFF, s11;
	[sflag:s4] =	ssyncadd.s32 $0xFFFFF600  }
0x18: {  	[tilespmem:s3], [sflag:$0x2] =	stream.linear.gather [hbm4b:s5+s3], $0xA0, $0x38;
	[tilespmem:$0xAA0] =	vst v63  }
0x19: {  	_ =	swait.ge [sflag:s4], $0xA0  }
0x1a: {  	[sflag:s4] =	ssyncset.done $0x0  }
0x1b: {  	[sflag:s4] =	ssyncadd.s32 $0xFFFFFF60  }
0x1c: {  	[tilespmem:s7], [sflag:$0x1] =	stream.indirect.gather [hbm4b:s2+s6], $0x10, s3, s6, $0xb8;
	[tilespmem:$0xAA0] =	vst v63  }
0x1d: {  	_ =	swait.ge [sflag:s8], $0x500  }
0x1e: {  	[sflag:s8] =	ssyncset.done $0x0  }
0x1f: {  	[sflag:s8] =	ssyncadd.s32 $0xFFFFFB00  }
0x20: {  	[tilespmem:s9], [sflag:$0x1] =	stream.indirect.gather [hbm4b:s2+s6], $0x10, s6, s6, $0xb8;
	[tilespmem:$0xAA0] =	vst v63  }
0x21: {  	_ =	swait.ge [sflag:s8], $0x500  }
.Ltmp1:
0x22: {  	[sflag:s8] =	ssyncset.done $0x0;
	(pc) =	sbr.rel @p0 .LBB2_1-.Ltmp1, $4  }
0x23: {  	[sflag:s8] =	ssyncadd.s32 $0xFFFFFB00  }
0x24: {  	[hbm4b:s10+s3] =	stream.linear.scatter [tilespmem:s7], [sflag:$0x2], $0xA00, $0x38;
	[tilespmem:$0xAA0] =	vst v63  }
0x25: {  	_ =	swait.ge [sflag:s4], $0xA00  }
0x26: {  	[sflag:s4] =	ssyncset.done $0x0  }
.LBB2_2:
0x27: {  	[sflag:s4] =	ssyncadd.s32 $0xFFFFF600  }
0x28: {  	_ =	sfence.sel $0x180000  }
0x29: {  	[bflag:$0x0] =	sbarrier.arrive $0xFFFF  }
0x2a: {  	p0 =	sne.s32 s0, $0x0;
	_ =	strace $0x90000047  }
0x2b: {  	s0 =	sadd.s32 @!p0 $0x100000, s1;
	[bflag:$0x2] =	sbarrier.arrive $0xFFFF  }
0x2c: {  	[sflag:s0] =	ssyncadd.tile.s32 @!p0 $0x1;
	_ =	shalt  }
.Lfunc_end2:
_tile_overlayer_lowered:
.L_overlay_start_2:
0x2d: {  	(tag) =	ssettag $0x2  }
0x2e: {  	s0 =	rddreg [dreg:$0x0];
	s2 =	stileid.u32  }
0x2f: {  	s1 =	rddreg [dreg:$0x1];
	p0 =	sne.s32 s2, $0x0  }
0x30: {  	s3 =	rddreg [dreg:$0x2];
	[bflag:$0x3] =	sbarrier.arrive $0xFFFF;
	s2 =	simm.s32 @!p0 $0x1C02  }
0x31: {  	[timem:s3], [sflag:s2] =	dma.local @!p0 [hbm:s0], s1  }
0x32: {  	s0 =	simm.s32 @!p0 $0x2  }
0x33: {  	_ =	swait.ge @!p0 [sflag:s0], s1  }
0x34: {  	s1 =	ssub.s32 @!p0 $0x0, s1;
	[sflag:s0] =	ssyncset.done @!p0 $0x0  }
0x35: {  	[sflag:s0] =	ssyncadd.s32 @!p0 s1  }
0x36: {  	[bflag:$0x3] =	sbarrier.arrive $0xFFFF  }
0x37: {  	_ =	shalt  }

// kernel: kernel.8.cloned.1.call-start
scs
__scs_entry_jumppad:
0x0: {  	(pc) =	sbr.rel $0x88, $3  }
0x1: {  	(tag) =	ssettag $0x0;
	lr =	simm.s32 $0x1  }
0x2: {  	[smem:$0x3F9E] =	sst lr;
	_ =	strace $0xD0000000  }
0x3: {  	_ = 	snop  }
0x4: {  	_ = 	snop  }
0x5: {  	_ = 	snop  }
0x6: {  	_ = 	snop  }
0x7: {  	_ = 	snop  }
__scs_overlays_trampoline_lowered:
0x8: {  	[smem:$0x3FAD] =	sst s0  }
0x9: {  	[smem:$0x3FAE] =	sst s1  }
0xa: {  	[smem:$0x3FAF] =	sst s2  }
0xb: {  	[smem:$0x3FB0] =	sst s3  }
0xc: {  	[smem:$0x3FB1] =	sst s4  }
0xd: {  	[smem:$0x3FB2] =	sst s5  }
0xe: {  	[smem:$0x3FB3] =	sst s6  }
0xf: {  	[smem:$0x3FB4] =	sst s7  }
0x10: {  	[smem:$0x3FB5] =	sst s8  }
0x11: {  	[smem:$0x3FB6] =	sst s9;
	s0 =	simm.s32 @!p0 $0x0  }
0x12: {  	s1 =	sld [smem:$0x3F9C];
	s0 =	simm.s32 @p0 $0x1  }
0x13: {  	[smem:$0x3FB7] =	sst s0;
	s0 =	simm.s32 @!p1 $0x0  }
0x14: {  	s2 =	sld [smem:$0x3F9B];
	s0 =	simm.s32 @p1 $0x1  }
0x15: {  	[smem:$0x3FB8] =	sst s0;
	s0 =	simm.s32 @!p2 $0x0  }
0x16: {  	s3 =	sld [smem:$0x3FDB];
	s0 =	simm.s32 @p2 $0x1  }
0x17: {  	s4 =	simm.s32 $0x1BF5;
	[smem:$0x3FBA] =	sst s0  }
0x18: {  	s0 =	sld [smem:$0x3F9D];
	_ =	swait.ge [sflag:s4], $0x0  }
0x19: {  	s7 =	sld [smem:$0x3F9E]  }
0x1a: {  	s8 =	sadd.s32 $0xFFFFE003, lr  }
0x1b: {  	s9 =	sadd.s32 $0xFFFFFEF7, lr;
	s5 =	simm.s32 $0xFFFFFFFF;
	p2 =	slt.u32 s8, $0xFFFFF086  }
0x1c: {  	p1 =	slt.u32 s9, $0xF7A;
	s5 =	simm.s32 @!p2 $0x0  }
0x1d: {  	s5 =	simm.s32 @p1 $0x1;
	p0 =	seq.s32 s7, s2  }
0x1e: {  	s7 =	smul.u32 @!p0 $0xF7A, s2;
	p2 =	seq.s32 @!p0 s5, $0x0  }
0x1f: {  	s9 =	smul.u32 $0xF7A, s1;
	s8 =	simm.s32 @!p0 $0x1BF5;
	p2 =	por !p2, p0  }
0x20: {  	[sflag:s8] =	ssyncset.s32 @!p0 $0xFFFFF086;
	s6 =	sadd.s32 @!p0 s3, s7;
	s7 =	simm.s32 @!p0 $0x108  }
0x21: {  	s3 =	sadd.s32 s3, s9;
	s6 =	sadd.s32 @!p0 $0x88, s6;
	s7 =	simm.s32 @p2 $0x1082  }
0x22: {  	[simem:s7], [sflag:s8] =	dma.local @!p0 [hbm:s6], $0xF7A  }
0x23: {  	s9 =	sor.u32 $0xD0000000, s2;
	s6 =	simm.s32 $0x108;
	_ =	swait.ge @!p0 [sflag:s8], $0x0  }
0x24: {  	s3 =	sadd.s32 $0x88, s3;
	s6 =	simm.s32 @!p1 $0x1082;
	[sflag:s4] =	ssyncset.s32 $0xFFFFF086  }
0x25: {  	[simem:s6], [sflag:s4] =	dma.local [hbm:s3], $0xF7A  }
0x26: {  	[smem:$0x3F9E] =	sst s1;
	(tag) =	ssettag s2;
	_ =	strace s9  }
0x27: {  	s1 =	sld [smem:$0x3FAE]  }
0x28: {  	s2 =	sld [smem:$0x3FAF]  }
0x29: {  	s4 =	sld [smem:$0x3FB1]  }
0x2a: {  	p0 =	seq.s32 s5, $0x0;
	s5 =	sld [smem:$0x3FB2]  }
0x2b: {  	s6 =	sld [smem:$0x3FB3]  }
0x2c: {  	s7 =	sld [smem:$0x3FB4]  }
0x2d: {  	s3 =	simm.s32 $0x108;
	s8 =	sld [smem:$0x3FB5]  }
0x2e: {  	s3 =	simm.s32 @!p0 $0x1082;
	s9 =	sld [smem:$0x3FB6]  }
0x2f: {  	lr =	sadd.s32 s0, s3;
	s0 =	sld [smem:$0x3FAD]  }
0x30: {  	s3 =	sld [smem:$0x3FB0]  }
0x31: {  	[smem:$0x3FB9] =	sst s10  }
0x32: {  	s10 =	sld [smem:$0x3FB7];
	_ =	sdelay $0x3  }
0x33: {  	p0 =	seq.s32 s10, $0x1;
	s10 =	sld [smem:$0x3FB9];
	_ =	sdelay $0x3  }
0x34: {  	[smem:$0x3FB9] =	sst s10  }
0x35: {  	s10 =	sld [smem:$0x3FB8];
	_ =	sdelay $0x3  }
0x36: {  	p1 =	seq.s32 s10, $0x1;
	s10 =	sld [smem:$0x3FB9];
	_ =	sdelay $0x3  }
0x37: {  	[smem:$0x3FB9] =	sst s10  }
0x38: {  	s10 =	sld [smem:$0x3FBA]  }
0x39: {  	_ = 	snop;
	(pc) =	sbr.ind lr, $3  }
0x3a: {  	_ = 	snop  }
0x3b: {  	_ = 	snop  }
0x3c: {  	p2 =	seq.s32 s10, $0x1;
	s10 =	sld [smem:$0x3FB9]  }
0x3d: {  	_ =	shalt  }
0x3e: {  	_ =	shalt  }
0x3f: {  	_ =	shalt  }
0x40: {  	_ =	shalt  }
0x41: {  	_ =	shalt  }
0x42: {  	_ =	shalt  }
0x43: {  	_ =	shalt  }
0x44: {  	_ =	shalt  }
0x45: {  	_ =	shalt  }
0x46: {  	_ =	shalt  }
0x47: {  	_ =	shalt  }
0x48: {  	_ =	shalt  }
0x49: {  	_ =	shalt  }
0x4a: {  	_ =	shalt  }
0x4b: {  	_ =	shalt  }
0x4c: {  	_ =	shalt  }
0x4d: {  	_ =	shalt  }
0x4e: {  	_ =	shalt  }
0x4f: {  	_ =	shalt  }
0x50: {  	_ =	shalt  }
0x51: {  	_ =	shalt  }
0x52: {  	_ =	shalt  }
0x53: {  	_ =	shalt  }
0x54: {  	_ =	shalt  }
0x55: {  	_ =	shalt  }
0x56: {  	_ =	shalt  }
0x57: {  	_ =	shalt  }
0x58: {  	_ =	shalt  }
0x59: {  	_ =	shalt  }
0x5a: {  	_ =	shalt  }
0x5b: {  	_ =	shalt  }
0x5c: {  	_ =	shalt  }
0x5d: {  	_ =	shalt  }
0x5e: {  	_ =	shalt  }
0x5f: {  	_ =	shalt  }
0x60: {  	_ =	shalt  }
0x61: {  	_ =	shalt  }
0x62: {  	_ =	shalt  }
0x63: {  	_ =	shalt  }
0x64: {  	_ =	shalt  }
0x65: {  	_ =	shalt  }
0x66: {  	_ =	shalt  }
0x67: {  	_ =	shalt  }
0x68: {  	_ =	shalt  }
0x69: {  	_ =	shalt  }
0x6a: {  	_ =	shalt  }
0x6b: {  	_ =	shalt  }
0x6c: {  	_ =	shalt  }
0x6d: {  	_ =	shalt  }
0x6e: {  	_ =	shalt  }
0x6f: {  	_ =	shalt  }
0x70: {  	_ =	shalt  }
0x71: {  	_ =	shalt  }
0x72: {  	_ =	shalt  }
0x73: {  	_ =	shalt  }
0x74: {  	_ =	shalt  }
0x75: {  	_ =	shalt  }
0x76: {  	_ =	shalt  }
0x77: {  	_ =	shalt  }
0x78: {  	_ =	shalt  }
0x79: {  	_ =	shalt  }
0x7a: {  	_ =	shalt  }
0x7b: {  	_ =	shalt  }
0x7c: {  	_ =	shalt  }
0x7d: {  	_ =	shalt  }
0x7e: {  	_ =	shalt  }
0x7f: {  	_ =	shalt  }
0x80: {  	_ =	shalt  }
0x81: {  	_ =	shalt  }
0x82: {  	_ =	shalt  }
0x83: {  	_ =	shalt  }
0x84: {  	_ =	shalt  }
0x85: {  	_ =	shalt  }
0x86: {  	_ =	shalt  }
0x87: {  	_ =	shalt  }
.Lfunc_end0:
.L_simem_size_0:
called_computation.1_lowered:
.L_overlay_start_0:
0x88: {  	s2 =	sld [smem:$0x3FD9]  }
0x89: {  	s3 =	sld [smem:$0x3FFE];
	_ =	sdelay $0x1  }
0x8a: {  	s1 =	srdreg.scid  }
0x8b: {  	s0 =	sand.u32 $0x1, s1  }
0x8c: {  	s17 =	sshll.u32 s0, $0xA;
	s2 =	sadd.s32 s3, s2  }
0x8d: {  	s2 =	sadd.s32 s2, s17  }
0x8e: {  	[smem:$0x3FC5] =	sst s2  }
0x8f: {  	_ = 	snop  }
0x90: {  	s2 =	sld [smem:$0x3FD0];
	(tm) =	ssettm $0x1  }
0x91: {  	s18 =	sld [smem:$0x3FFB];
	_ =	sdelay $0x3  }
0x92: {  	_ =	strace s18  }
0x93: {  	s3 =	sld [smem:$0x3FFC];
	_ =	sdelay $0x3  }
0x94: {  	_ =	strace s3  }
0x95: {  	s3 =	sld [smem:$0x3FFD];
	_ =	sdelay $0x3  }
0x96: {  	_ =	strace s3  }
0x97: {  	_ =	strace $0x8FFFFFFF  }
0x98: {  	s19 =	sld [smem:$0x3FDB];
	_ =	sdelay $0x1  }
0x99: {  	s4 =	simm.s32 $_scs_section_size  }
0x9a: {  	s5 =	simm.s32 $_size__tile_overlayer_lowered;
	s6 =	simm.s32 $_tile_overlayer_lowered  }
0x9b: {  	s22 =	simm.s32 $0x1BFF;
	s21 =	sshll.u32 s6, $0x1;
	s3 =	sadd.s32 s4, s19  }
0x9c: {  	s7 =	simm.s32 $0x0;
	s20 =	sshll.u32 s5, $0x1;
	s5 =	sadd.s32 s21, s3  }
0x9d: {  	[timem:s7], [sflag:s22] =	dma.local [hbm:s5], s20  }
0x9e: {  	_ =	swait.ge [sflag:s22], s20  }
0x9f: {  	s4 =	ssub.s32 $0x0, s20;
	[sflag:s22] =	ssyncset.done $0x0  }
0xa0: {  	[sflag:s22] =	ssyncadd.s32 s4;
	_ =	sdelay $0x1  }
0xa1: {  	s23 =	simm.s32 $0x1B8B  }
0xa2: {  	_ =	swait.ge [sflag:s23], $0x1  }
0xa3: {  	[sflag:s23] =	ssyncset.done $0x0  }
0xa4: {  	s25 =	simm.s32 $0x1B8E;
	s24 =	sld [smem:$0x3FFE];
	[sflag:s23] =	ssyncadd.s32 $0xFFFFFFFF  }
0xa5: {  	s26 =	simm.s32 $execute0_lowered;
	[smem:$0x3FD2] =	sst s25  }
0xa6: {  	s5 =	sshll.u32 s26, $0x1;
	_ =	strace $0x80000049;
	[dreg:$0x1] =	wrdreg $0xFFFFFFFF  }
0xa7: {  	s28 =	simm.s32 $_size_execute0_lowered;
	s3 =	sadd.s32 s3, s5;
	[dreg:$0x0] =	wrdreg $0x0  }
0xa8: {  	s5 =	sshll.u32 s28, $0x1;
	[dreg:$0x2] =	wrdreg s3  }
0xa9: {  	[dreg:$0x3] =	wrdreg s5  }
0xaa: {  	[dreg:$0x4] =	wrdreg $0xC0  }
0xab: {  	_ =	task [dreg:s7], $0x5FFFF  }
0xac: {  	[dreg:$0x1] =	wrdreg $0xFFFFFFFF  }
0xad: {  	[dreg:$0x0] =	wrdreg $0x60  }
0xae: {  	[dreg:$0x2] =	wrdreg s24  }
0xaf: {  	[dreg:$0x3] =	wrdreg s2  }
0xb0: {  	[dreg:$0x4] =	wrdreg $0x9  }
0xb1: {  	_ =	task.clear_ibuf [dreg:s7], $0x5FFFF;
	_ =	strace $0x90000049  }
0xb2: {  	s29 =	simm.s32 $0x9;
	_ =	strace $0x8000004B  }
0xb3: {  	_ =	swait.ge [sflag:s29], $0x1  }
0xb4: {  	[sflag:s29] =	ssyncadd.s32 $0xFFFFFFFF  }
0xb5: {  	_ =	strace $0x9000004B  }
0xb6: {  	_ =	sfence  }
0xb7: {  	s30 =	sld [smem:$0x0];
	_ =	sdelay $0x2  }
0xb8: {  	s31 =	sshll.u32 s1, $0xD;
	s1 =	sshrl.u32 s1, $0x2  }
0xb9: {  	s3 =	sand.u32 $0x4000, s31;
	s1 =	sadd.s32 s1, s30  }
0xba: {  	s0 =	sor.u32 s3, s0;
	s1 =	sshll.u32 s1, $0x11  }
0xbb: {  	s0 =	sor.u32 s1, s0  }
0xbc: {  	s0 =	sadd.s32 $0x8F2B, s0  }
0xbd: {  	[sflag:s0] =	ssyncadd.remote.s32 $0x1  }
0xbe: {  	_ =	sfence.sel $0xFFFF  }
0xbf: {  	[dreg:$0x0] =	wrdreg $0xFFFFFFFF;
	(pc) =	sbr.abs _section_cstart, $3  }
0xc0: {  	[dreg:$0x1] =	wrdreg $0xFFFFFFFF  }
0xc1: {  	_ =	task.clear_ibuf [dreg:s7], $0x2FFFF;
	_ =	strace $0x9FFFFFFF  }
0xc2: {  	(tm) =	ssettm $0x7FFFFFFF  }
0xc3: {  	_ =	shalt  }
tec
execute0_lowered:
.L_overlay_start_1:
0x0: {  	(tag) =	ssettag $0x1  }
0x1: {  	s1 =	srdreg.scid;
	s0 =	stileid.u32  }
0x2: {  	s7 =	rddreg [dreg:$0x0];
	s8 =	sand.u32 $0x1, s1;
	s31 =	sshll.u32 s0, $0x1  }
0x3: {  	s3 =	rddreg [dreg:$0x1];
	s5 =	sor.u32 s8, s31  }
0x4: {  	s2 =	simm.s32 $0x0;
	s1 =	rddreg [dreg:$0x2];
	s4 =	smul.u32 $0x14, s5  }
0x5: {  	[smem:$0x7FF] =	sst s2  }
0x6: {  	_ =	strace $0x8000004A;
	s3 =	sadd.s32 s3, s4;
	s4 =	simm.s32 $0x2  }
0x7: {  	[tilespmem:s2], [sflag:$0x2] =	stream.linear.gather [hbm4b:s3+s2], $0xA0, $0x38;
	[tilespmem:$0xAA0] =	vst v63  }
0x8: {  	s5 =	smul.u32 $0x140, s5;
	_ =	swait.ge [sflag:s4], $0xA0  }
0x9: {  	s6 =	simm.s32 $0xA0;
	[sflag:s4] =	ssyncset.done $0x0  }
0xa: {  	s10 =	ssub.s32 $0x2, s8;
	s5 =	sadd.s32 s7, s5;
	[sflag:s4] =	ssyncadd.s32 $0xFFFFFF60  }
0xb: {  	[tilespmem:s6], [sflag:$0x2] =	stream.linear.gather [hbm4b:s5+s2], $0xA00, $0x38;
	[tilespmem:$0xAA0] =	vst v63  }
0xc: {  	s9 =	simm.s32 $0x50;
	s11 =	sshrl.u32 s10, $0x1;
	_ =	swait.ge [sflag:s4], $0xA00  }
0xd: {  	s8 =	simm.s32 $0x1;
	s10 =	ssub.s32 s10, s11;
	[sflag:s4] =	ssyncset.done $0x0  }
0xe: {  	s7 =	sadd.s32 $0x2800, s7;
	s11 =	smax.u32 s10, $0x1;
	[sflag:s4] =	ssyncadd.s32 $0xFFFFF600  }
0xf: {  	[hbm4b:s7+s9] =	stream.indirect.scatter [tilespmem:s6], [sflag:$0x1], $0x10, s2, s9, $0xb8;
	[tilespmem:$0xAA0] =	vst v63  }
0x10: {  	p0 =	sne.s32 s11, $0x1;
	_ =	swait.ge [sflag:s8], $0x500  }
.Ltmp0:
0x11: {  	[sflag:s8] =	ssyncset.done $0x0;
	(pc) =	sbr.rel @!p0 .LBB2_2-.Ltmp0, $4  }
0x12: {  	s10 =	simm.s32 $0x5A0;
	[sflag:s8] =	ssyncadd.s32 $0xFFFFFB00  }
0x13: {  	[hbm4b:s7+s9] =	stream.indirect.scatter [tilespmem:s10], [sflag:$0x1], $0x10, s9, s9, $0xb8;
	[tilespmem:$0xAA0] =	vst v63  }
0x14: {  	_ =	swait.ge [sflag:s8], $0x500  }
0x15: {  	s11 =	sadd.s32 $0xFFFFFFFF, s11;
	[sflag:s8] =	ssyncset.done $0x0  }
.LBB2_1:
0x16: {  	p0 =	sne.s32 s11, $0x1;
	s11 =	sadd.s32 $0xFFFFFFFF, s11;
	[sflag:s8] =	ssyncadd.s32 $0xFFFFFB00  }
0x17: {  	[tilespmem:s2], [sflag:$0x2] =	stream.linear.gather [hbm4b:s3+s2], $0xA0, $0x38;
	[tilespmem:$0xAA0] =	vst v63  }
0x18: {  	_ =	swait.ge [sflag:s4], $0xA0  }
0x19: {  	[sflag:s4] =	ssyncset.done $0x0  }
0x1a: {  	[sflag:s4] =	ssyncadd.s32 $0xFFFFFF60  }
0x1b: {  	[tilespmem:s6], [sflag:$0x2] =	stream.linear.gather [hbm4b:s5+s2], $0xA00, $0x38;
	[tilespmem:$0xAA0] =	vst v63  }
0x1c: {  	_ =	swait.ge [sflag:s4], $0xA00  }
0x1d: {  	[sflag:s4] =	ssyncset.done $0x0  }
0x1e: {  	[sflag:s4] =	ssyncadd.s32 $0xFFFFF600  }
0x1f: {  	[hbm4b:s7+s9] =	stream.indirect.scatter [tilespmem:s6], [sflag:$0x1], $0x10, s2, s9, $0xb8;
	[tilespmem:$0xAA0] =	vst v63  }
0x20: {  	_ =	swait.ge [sflag:s8], $0x500  }
.Ltmp1:
0x21: {  	[sflag:s8] =	ssyncset.done $0x0;
	(pc) =	sbr.rel @p0 .LBB2_1-.Ltmp1, $4  }
0x22: {  	[sflag:s8] =	ssyncadd.s32 $0xFFFFFB00  }
0x23: {  	[hbm4b:s7+s9] =	stream.indirect.scatter [tilespmem:s10], [sflag:$0x1], $0x10, s9, s9, $0xb8;
	[tilespmem:$0xAA0] =	vst v63  }
0x24: {  	_ =	swait.ge [sflag:s8], $0x500  }
0x25: {  	[sflag:s8] =	ssyncset.done $0x0  }
.LBB2_2:
0x26: {  	[sflag:s8] =	ssyncadd.s32 $0xFFFFFB00  }
0x27: {  	_ =	sfence.sel $0x180000  }
0x28: {  	[bflag:$0x0] =	sbarrier.arrive $0xFFFF  }
0x29: {  	p0 =	sne.s32 s0, $0x0;
	_ =	strace $0x9000004A  }
0x2a: {  	s0 =	sadd.s32 @!p0 $0x100000, s1;
	[bflag:$0x2] =	sbarrier.arrive $0xFFFF  }
0x2b: {  	[sflag:s0] =	ssyncadd.tile.s32 @!p0 $0x1;
	_ =	shalt  }
.Lfunc_end2:
_tile_overlayer_lowered:
.L_overlay_start_2:
0x2c: {  	(tag) =	ssettag $0x2  }
0x2d: {  	s0 =	rddreg [dreg:$0x0];
	s2 =	stileid.u32  }
0x2e: {  	s1 =	rddreg [dreg:$0x1];
	p0 =	sne.s32 s2, $0x0  }
0x2f: {  	s3 =	rddreg [dreg:$0x2];
	[bflag:$0x3] =	sbarrier.arrive $0xFFFF;
	s2 =	simm.s32 @!p0 $0x1C02  }
0x30: {  	[timem:s3], [sflag:s2] =	dma.local @!p0 [hbm:s0], s1  }
0x31: {  	s0 =	simm.s32 @!p0 $0x2  }
0x32: {  	_ =	swait.ge @!p0 [sflag:s0], s1  }
0x33: {  	s1 =	ssub.s32 @!p0 $0x0, s1;
	[sflag:s0] =	ssyncset.done @!p0 $0x0  }
0x34: {  	[sflag:s0] =	ssyncadd.s32 @!p0 s1  }
0x35: {  	[bflag:$0x3] =	sbarrier.arrive $0xFFFF  }
0x36: {  	_ =	shalt  }

</sc_bundles>
